<compile_context>
chip_gen: v7x
topology: tpu7x:2x2x1
jax: 0.10.2.dev20260603
libtpu: 0.0.44.dev20260713+nightly
codegen_flags: <defaults>
</compile_context>

<pallas_src>
import functools

import jax
import jax.numpy as jnp
from jax import lax
from jax.experimental import pallas as pl
from jax.experimental.pallas import tpu as pltpu
from jax.experimental.pallas import tpu_sc as plsc

N = 10000
NPP = 10240
E = 320000
D = 128
CHUNK = 128
NTILES = 32
RPT = 79
NCHP = NTILES * RPT
E_PAD = NCHP * CHUNK
ROWS_PER_TILE = NPP // 16
DEGR = NPP // 16


def _make_sc_agg(with_deg):
    mesh = plsc.VectorSubcoreMesh(core_axis_name="c", subcore_axis_name="s",
                                  num_cores=2, num_subcores=16)

    out_type = [jax.ShapeDtypeStruct((2 * NPP, D), jnp.float32)]
    scratch = [
        pltpu.VMEM((4, CHUNK), jnp.int32),
        pltpu.VMEM((4, CHUNK), jnp.int32),
        pltpu.VMEM((CHUNK, D), jnp.float32),
        pltpu.VMEM((CHUNK, D), jnp.float32),
        pltpu.VMEM_SHARED((NPP, D), jnp.float32),
        pltpu.SemaphoreType.DMA,
        pltpu.SemaphoreType.DMA,
        pltpu.SemaphoreType.DMA,
        pltpu.SemaphoreType.DMA,
        pltpu.SemaphoreType.DMA,
        pltpu.SemaphoreType.DMA,
    ]
    if with_deg:
        out_type.append(jax.ShapeDtypeStruct((2 * DEGR, 16), jnp.float32))
        scratch.append(pltpu.VMEM((DEGR, 16), jnp.float32))
        scratch.append(pltpu.VMEM((DEGR,), jnp.int32))
        scratch.append(pltpu.VMEM_SHARED((DEGR, 16), jnp.float32))

    @functools.partial(pl.kernel, out_type=out_type, mesh=mesh,
                       scratch_types=scratch,
                       compiler_params=pltpu.CompilerParams(
                           use_tc_tiling_on_sc=False,
                           needs_layout_passes=False))
    def sc_agg(x_hbm, srcm_hbm, dstm_hbm, zeros_hbm, zdeg_hbm, iota_hbm, *rest):
        if with_deg:
            (out_hbm, deg_hbm, sbuf, dbuf, rows0, rows1, acc_sh,
             gsem0, gsem1, ssem0, ssem1, isem0, isem1,
             degl, iota_v, deg_sh) = rest
        else:
            (out_hbm, sbuf, dbuf, rows0, rows1, acc_sh,
             gsem0, gsem1, ssem0, ssem1, isem0, isem1) = rest
        c = lax.axis_index("c")
        s = lax.axis_index("s")
        wid = c * 16 + s

        pltpu.sync_copy(zeros_hbm, acc_sh.at[pl.ds(s * ROWS_PER_TILE, ROWS_PER_TILE)])
        if with_deg:
            pltpu.sync_copy(zdeg_hbm, degl)
            pltpu.sync_copy(iota_hbm, iota_v)
            pltpu.sync_copy(zdeg_hbm.at[pl.ds(s * (DEGR // 16), DEGR // 16)],
                            deg_sh.at[pl.ds(s * (DEGR // 16), DEGR // 16)])
        plsc.subcore_barrier()

        rows = (rows0, rows1)
        gsem = (gsem0, gsem1)
        ssem = (ssem0, ssem1)
        isem = (isem0, isem1)
        ones16 = jnp.full((16,), 1.0, jnp.float32)

        def i_start(j, slot, sem):
            ci = wid + j * NTILES
            pltpu.async_copy(srcm_hbm.at[ci], sbuf.at[slot], sem)
            pltpu.async_copy(dstm_hbm.at[ci], dbuf.at[slot], sem)

        def i_wait(sem):
            pltpu.make_async_copy(srcm_hbm.at[0], sbuf.at[0], sem).wait()
            pltpu.make_async_copy(dstm_hbm.at[0], dbuf.at[0], sem).wait()

        def g_start(slot, b):
            pltpu.async_copy(x_hbm.at[sbuf.at[slot]], rows[b], gsem[b])

        def g_wait(b):
            pltpu.make_async_copy(x_hbm.at[sbuf.at[0]], rows[b], gsem[b]).wait()

        def s_start(slot, b):
            pltpu.async_copy(rows[b], acc_sh.at[dbuf.at[slot]], ssem[b], add=True)

        def s_wait(b):
            pltpu.make_async_copy(rows[b], acc_sh.at[dbuf.at[0]], ssem[b]).wait()

        def deg_update(slot):
            if not with_deg:
                return
            for k in range(CHUNK // 16):
                v = dbuf[slot, pl.ds(16 * k, 16)]
                plsc.addupdate_scatter(degl, [v >> 4, v & 15], ones16)

        def emit_body(j, ph, do_ws, do_i, do_g):
            b = ph & 1
            nb = 1 - b
            g_wait(b)
            if do_g:
                i_wait(isem[nb])
                g_start((ph + 1) % 4, nb)
            if do_i:
                i_start(j + 2, (ph + 2) % 4, isem[b])
            deg_update(ph % 4)
            if do_ws:
                s_wait(nb)
            s_start(ph % 4, b)

        i_start(0, 0, isem0)
        i_start(1, 1, isem1)
        i_wait(isem0)
        g_start(0, 0)
        emit_body(0, 0, False, True, True)
        emit_body(1, 1, True, True, True)
        emit_body(2, 2, True, True, True)

        def body(g, carry):
            jb = 3 + 4 * g
            for k in range(4):
                emit_body(jb + k, 3 + k, True, True, True)
            return carry

        lax.fori_loop(0, (RPT - 3 - 4) // 4, body, 0)

        emit_body(RPT - 4, 3, True, True, True)
        emit_body(RPT - 3, 0, True, True, True)
        emit_body(RPT - 2, 1, True, False, True)
        emit_body(RPT - 1, 2, True, False, False)
        s_wait((RPT - 1) & 1)

        if with_deg:
            pltpu.sync_copy(degl, deg_sh.at[iota_v], add=True)
        plsc.subcore_barrier()

        pltpu.sync_copy(acc_sh.at[pl.ds(s * ROWS_PER_TILE, ROWS_PER_TILE)],
                        out_hbm.at[pl.ds(c * NPP + s * ROWS_PER_TILE, ROWS_PER_TILE)])
        if with_deg:
            pltpu.sync_copy(deg_sh.at[pl.ds(s * (DEGR // 16), DEGR // 16)],
                            deg_hbm.at[pl.ds(c * DEGR + s * (DEGR // 16), DEGR // 16)])

    return sc_agg


_sc_agg_deg = _make_sc_agg(True)
_sc_agg_plain = _make_sc_agg(False)

_BLK = 1000


def _tc_layer1(x, p, d0, d1, w_self, w_neigh, b):

    def body(x_ref, p0_ref, p1_ref, d0_ref, d1_ref, ws_ref, wn_ref, b_ref,
             h_ref, inv_ref):
        agg = p0_ref[0] + p1_ref[0]
        deg = d0_ref[...] + d1_ref[...]
        inv = 1.0 / jnp.maximum(deg, 1.0)
        hn = agg * inv
        h = (jnp.dot(x_ref[...], ws_ref[...], preferred_element_type=jnp.float32)
             + jnp.dot(hn, wn_ref[...], preferred_element_type=jnp.float32)
             + b_ref[...])
        h_ref[...] = jnp.maximum(h, 0.0)
        inv_ref[...] = jnp.broadcast_to(inv, (_BLK, 8))

    return pl.pallas_call(
        body,
        grid=(N // _BLK,),
        in_specs=[
            pl.BlockSpec((_BLK, D), lambda i: (i, 0)),
            pl.BlockSpec((1, _BLK, D), lambda i: (0, i, 0)),
            pl.BlockSpec((1, _BLK, D), lambda i: (1, i, 0)),
            pl.BlockSpec((_BLK, 1), lambda i: (i, 0)),
            pl.BlockSpec((_BLK, 1), lambda i: (i, 0)),
            pl.BlockSpec((D, D), lambda i: (0, 0)),
            pl.BlockSpec((D, D), lambda i: (0, 0)),
            pl.BlockSpec((1, D), lambda i: (0, 0)),
        ],
        out_specs=[
            pl.BlockSpec((_BLK, D), lambda i: (i, 0)),
            pl.BlockSpec((_BLK, 8), lambda i: (i, 0)),
        ],
        out_shape=[
            jax.ShapeDtypeStruct((N, D), jnp.float32),
            jax.ShapeDtypeStruct((N, 8), jnp.float32),
        ],
    )(x, p, p, d0, d1, w_self, w_neigh, b)


def _tc_layer2(h, q, inv, w_self, w_neigh, b):

    def body(h_ref, q0_ref, q1_ref, inv_ref, ws_ref, wn_ref, b_ref, o_ref):
        agg = q0_ref[0] + q1_ref[0]
        hn = agg * inv_ref[:, 0:1]
        o_ref[...] = (jnp.dot(h_ref[...], ws_ref[...], preferred_element_type=jnp.float32)
                      + jnp.dot(hn, wn_ref[...], preferred_element_type=jnp.float32)
                      + b_ref[...])

    return pl.pallas_call(
        body,
        grid=(N // _BLK,),
        in_specs=[
            pl.BlockSpec((_BLK, D), lambda i: (i, 0)),
            pl.BlockSpec((1, _BLK, D), lambda i: (0, i, 0)),
            pl.BlockSpec((1, _BLK, D), lambda i: (1, i, 0)),
            pl.BlockSpec((_BLK, 8), lambda i: (i, 0)),
            pl.BlockSpec((D, D), lambda i: (0, 0)),
            pl.BlockSpec((D, D), lambda i: (0, 0)),
            pl.BlockSpec((1, D), lambda i: (0, 0)),
        ],
        out_specs=pl.BlockSpec((_BLK, D), lambda i: (i, 0)),
        out_shape=jax.ShapeDtypeStruct((N, D), jnp.float32),
    )(h, q, q, inv, w_self, w_neigh, b)


def kernel(x, edge_index, W_self1, W_neigh1, b1, W_self2, W_neigh2, b2):
    src = edge_index[0].astype(jnp.int32)
    dst = edge_index[1].astype(jnp.int32)

    pad = E_PAD - E
    pad_dst = N + (jnp.arange(pad, dtype=jnp.int32) % (NPP - N))
    srcm = jnp.concatenate([src, jnp.zeros((pad,), jnp.int32)]).reshape(NCHP, CHUNK)
    dstm = jnp.concatenate([dst, pad_dst]).reshape(NCHP, CHUNK)

    zeros = jnp.zeros((ROWS_PER_TILE, D), jnp.float32)
    zdeg = jnp.zeros((DEGR, 16), jnp.float32)
    iota = jnp.arange(DEGR, dtype=jnp.int32)

    p, od = _sc_agg_deg(x, srcm, dstm, zeros, zdeg, iota)
    p = p.reshape(2, NPP, D)
    od = od.reshape(2, NPP, 1)
    h, inv = _tc_layer1(x, p, od[0], od[1], W_self1, W_neigh1, b1.reshape(1, D))

    q = _sc_agg_plain(h, srcm, dstm, zeros, zdeg, iota)[0].reshape(2, NPP, D)
    out = _tc_layer2(h, q, inv, W_self2, W_neigh2, b2.reshape(1, D))
    return out

# --- scband reference (transcript-rebuilt; emitter-appended) ---
"""Pipeline reference for scband-sagefull-32392643347016 (READ-ONLY COPY).

The authoritative reference and input builder live on the scoring server;
editing this copy changes nothing except your own understanding.
"""

import jax, jax.numpy as jnp
import numpy as np

N_NODES = 10000
N_EDGES = 320000
D_IN = 128
D_HID = 128
D_OUT = 128


def setup_inputs(seed: int = 0) -> dict:
    key = jax.random.key(seed)
    ks = jax.random.split(key, 8)
    x = jax.random.normal(ks[0], (N_NODES, D_IN), dtype=jnp.float32)
    edge_index = jax.random.randint(ks[1], (2, N_EDGES), 0, N_NODES, dtype=jnp.int64)
    s1 = 1.0 / np.sqrt(D_IN)
    s2 = 1.0 / np.sqrt(D_HID)
    W_self1 = jax.random.uniform(ks[2], (D_IN, D_HID), jnp.float32, -s1, s1)
    W_neigh1 = jax.random.uniform(ks[3], (D_IN, D_HID), jnp.float32, -s1, s1)
    b1 = jnp.zeros((D_HID,), jnp.float32)
    W_self2 = jax.random.uniform(ks[4], (D_HID, D_OUT), jnp.float32, -s2, s2)
    W_neigh2 = jax.random.uniform(ks[5], (D_HID, D_OUT), jnp.float32, -s2, s2)
    b2 = jnp.zeros((D_OUT,), jnp.float32)
    return {"x": x, "edge_index": edge_index,
            "W_self1": W_self1, "W_neigh1": W_neigh1, "b1": b1,
            "W_self2": W_self2, "W_neigh2": W_neigh2, "b2": b2}


def _sage_conv(h, edge_index, W_self, W_neigh, b):
    # DGL SAGEConv with 'mean' aggregator:
    #   h_neigh = mean_{u in N(v)} h_u  (messages flow src -> dst)
    #   out = fc_self(h_self) + fc_neigh(h_neigh) + bias
    src = edge_index[0]
    dst = edge_index[1]
    msgs = jnp.take(h, src, axis=0)                                   # gather  [E, d]
    agg = jax.ops.segment_sum(msgs, dst, num_segments=h.shape[0])      # scatter-add [N, d]
    deg = jax.ops.segment_sum(jnp.ones((edge_index.shape[1],), h.dtype), dst,
                              num_segments=h.shape[0])
    h_neigh = agg / jnp.maximum(deg, 1.0)[:, None]
    return h @ W_self + h_neigh @ W_neigh + b


def reference(x, edge_index, W_self1, W_neigh1, b1, W_self2, W_neigh2, b2):
    h = jax.nn.relu(_sage_conv(x, edge_index, W_self1, W_neigh1, b1))
    out = _sage_conv(h, edge_index, W_self2, W_neigh2, b2)
    return out

if __name__ == "__main__":
    import jax
    _d = setup_inputs()
    print(jax.jit(kernel)(*tuple(_d.values())))

</pallas_src>

<mosaic_0001>
#map = affine_map<(d0, d1) -> (0, 0)>
#map1 = affine_map<(d0, d1) -> (0)>
module attributes {stable_mosaic.version = 14 : i64} {
  func.func @sc_agg(%arg0: i32, %arg1: i32, %arg2: memref<10000x128xf32, #tpu.memory_space<hbm>>, %arg3: memref<2528x128xi32, #tpu.memory_space<hbm>>, %arg4: memref<2528x128xi32, #tpu.memory_space<hbm>>, %arg5: memref<640x128xf32, #tpu.memory_space<hbm>>, %arg6: memref<640x16xf32, #tpu.memory_space<hbm>>, %arg7: memref<640xi32, #tpu.memory_space<hbm>>, %arg8: memref<20480x128xf32, #tpu.memory_space<hbm>>, %arg9: memref<1280x16xf32, #tpu.memory_space<hbm>>, %arg10: memref<4x128xi32, #tpu.memory_space<vmem>>, %arg11: memref<4x128xi32, #tpu.memory_space<vmem>>, %arg12: memref<128x128xf32, #tpu.memory_space<vmem>>, %arg13: memref<128x128xf32, #tpu.memory_space<vmem>>, %arg14: memref<10240x128xf32, #tpu.memory_space<vmem_shared>>, %arg15: memref<!tpu.dma_semaphore, #tpu.memory_space<semaphore_mem>>, %arg16: memref<!tpu.dma_semaphore, #tpu.memory_space<semaphore_mem>>, %arg17: memref<!tpu.dma_semaphore, #tpu.memory_space<semaphore_mem>>, %arg18: memref<!tpu.dma_semaphore, #tpu.memory_space<semaphore_mem>>, %arg19: memref<!tpu.dma_semaphore, #tpu.memory_space<semaphore_mem>>, %arg20: memref<!tpu.dma_semaphore, #tpu.memory_space<semaphore_mem>>, %arg21: memref<640x16xf32, #tpu.memory_space<vmem>>, %arg22: memref<640xi32, #tpu.memory_space<vmem>>, %arg23: memref<640x16xf32, #tpu.memory_space<vmem_shared>>) attributes {dimension_semantics = [#tpu.dimension_semantics<core_parallel>, #tpu.dimension_semantics<subcore_parallel>], iteration_bounds = array<i64: 2, 16>, scalar_prefetch = 0 : i64, scratch_operands = 14 : i64, tpu.core_type = #tpu.core_type<sc_vector_subcore>, window_params = [{transform_indices = #map}, {transform_indices = #map}, {transform_indices = #map}, {transform_indices = #map}, {transform_indices = #map}, {transform_indices = #map1}, {transform_indices = #map}, {transform_indices = #map}]} {
    %mul3A = arith.constant 16 : i32
    %mul3A_0 = arith.muli %arg0, %mul3A : i32
    %add3A = arith.addi %mul3A_0, %arg1 : i32
    %mul3A_1 = arith.constant 640 : i32
    %mul3A_2 = arith.muli %arg1, %mul3A_1 : i32
    "tpu.region"() ({
      %run_scoped3A = tpu.sem_alloc : memref<!tpu.dma_semaphore, #tpu.memory_space<semaphore_mem>>
      %dma_start3A_1171 = arith.constant 0 : i32
      %dma_start3A_1172 = tpu.memref_slice %arg14[%mul3A_2, %dma_start3A_1171] : memref<10240x128xf32, #tpu.memory_space<vmem_shared>> -> memref<640x128xf32, #tpu.memory_space<vmem_shared>>
      tpu.enqueue_dma source(%arg5 : memref<640x128xf32, #tpu.memory_space<hbm>>) target(%dma_start3A_1172 : memref<640x128xf32, #tpu.memory_space<vmem_shared>>) target_semaphore(%run_scoped3A : memref<!tpu.dma_semaphore, #tpu.memory_space<semaphore_mem>>)
      %dma_wait3A_1173 = arith.constant 0 : i32
      %dma_wait3A_1174 = tpu.memref_slice %arg14[%mul3A_2, %dma_wait3A_1173] : memref<10240x128xf32, #tpu.memory_space<vmem_shared>> -> memref<640x128xf32, #tpu.memory_space<vmem_shared>>
      tpu.wait_dma2 semaphore(%run_scoped3A : memref<!tpu.dma_semaphore, #tpu.memory_space<semaphore_mem>>) src(%arg5 : memref<640x128xf32, #tpu.memory_space<hbm>>) dst(%dma_wait3A_1174 : memref<640x128xf32, #tpu.memory_space<vmem_shared>>)
      tpu.yield
    }) : () -> ()
    "tpu.region"() ({
      %run_scoped3A = tpu.sem_alloc : memref<!tpu.dma_semaphore, #tpu.memory_space<semaphore_mem>>
      tpu.enqueue_dma source(%arg6 : memref<640x16xf32, #tpu.memory_space<hbm>>) target(%arg21 : memref<640x16xf32, #tpu.memory_space<vmem>>) target_semaphore(%run_scoped3A : memref<!tpu.dma_semaphore, #tpu.memory_space<semaphore_mem>>)
      tpu.wait_dma2 semaphore(%run_scoped3A : memref<!tpu.dma_semaphore, #tpu.memory_space<semaphore_mem>>) src(%arg6 : memref<640x16xf32, #tpu.memory_space<hbm>>) dst(%arg21 : memref<640x16xf32, #tpu.memory_space<vmem>>)
      tpu.yield
    }) : () -> ()
    "tpu.region"() ({
      %run_scoped3A = tpu.sem_alloc : memref<!tpu.dma_semaphore, #tpu.memory_space<semaphore_mem>>
      tpu.enqueue_dma source(%arg7 : memref<640xi32, #tpu.memory_space<hbm>>) target(%arg22 : memref<640xi32, #tpu.memory_space<vmem>>) target_semaphore(%run_scoped3A : memref<!tpu.dma_semaphore, #tpu.memory_space<semaphore_mem>>)
      tpu.wait_dma2 semaphore(%run_scoped3A : memref<!tpu.dma_semaphore, #tpu.memory_space<semaphore_mem>>) src(%arg7 : memref<640xi32, #tpu.memory_space<hbm>>) dst(%arg22 : memref<640xi32, #tpu.memory_space<vmem>>)
      tpu.yield
    }) : () -> ()
    %mul3A_3 = arith.constant 40 : i32
    %mul3A_4 = arith.muli %arg1, %mul3A_3 : i32
    %mul3A_5 = arith.constant 40 : i32
    %mul3A_6 = arith.muli %arg1, %mul3A_5 : i32
    "tpu.region"() ({
      %run_scoped3A = tpu.sem_alloc : memref<!tpu.dma_semaphore, #tpu.memory_space<semaphore_mem>>
      %dma_start3A_1171 = arith.constant 0 : i32
      %dma_start3A_1172 = tpu.memref_slice %arg23[%mul3A_6, %dma_start3A_1171] : memref<640x16xf32, #tpu.memory_space<vmem_shared>> -> memref<40x16xf32, #tpu.memory_space<vmem_shared>>
      %dma_start3A_1173 = arith.constant 0 : i32
      %dma_start3A_1174 = tpu.memref_slice %arg6[%mul3A_4, %dma_start3A_1173] : memref<640x16xf32, #tpu.memory_space<hbm>> -> memref<40x16xf32, #tpu.memory_space<hbm>>
      tpu.enqueue_dma source(%dma_start3A_1174 : memref<40x16xf32, #tpu.memory_space<hbm>>) target(%dma_start3A_1172 : memref<40x16xf32, #tpu.memory_space<vmem_shared>>) target_semaphore(%run_scoped3A : memref<!tpu.dma_semaphore, #tpu.memory_space<semaphore_mem>>)
      %dma_wait3A_1175 = arith.constant 0 : i32
      %dma_wait3A_1176 = tpu.memref_slice %arg23[%mul3A_6, %dma_wait3A_1175] : memref<640x16xf32, #tpu.memory_space<vmem_shared>> -> memref<40x16xf32, #tpu.memory_space<vmem_shared>>
      %dma_wait3A_1177 = arith.constant 0 : i32
      %dma_wait3A_1178 = tpu.memref_slice %arg6[%mul3A_4, %dma_wait3A_1177] : memref<640x16xf32, #tpu.memory_space<hbm>> -> memref<40x16xf32, #tpu.memory_space<hbm>>
      tpu.wait_dma2 semaphore(%run_scoped3A : memref<!tpu.dma_semaphore, #tpu.memory_space<semaphore_mem>>) src(%dma_wait3A_1178 : memref<40x16xf32, #tpu.memory_space<hbm>>) dst(%dma_wait3A_1176 : memref<40x16xf32, #tpu.memory_space<vmem_shared>>)
      tpu.yield
    }) : () -> ()
    %barrier3A = arith.constant 0 : index
    tpu.barrier barrier_id(%barrier3A)
    %broadcast_in_dim3A = arith.constant 1.000000e+00 : f32
    %broadcast_in_dim3A_7 = vector.broadcast %broadcast_in_dim3A : f32 to vector<16xf32>
    %add3A_8 = arith.constant 0 : i32
    %add3A_9 = arith.addi %add3A, %add3A_8 : i32
    %dma_start3A = arith.constant 0 : i32
    %dma_start3A_10 = arith.constant 0 : i32
    %dma_start3A_11 = tpu.memref_slice %arg10[%dma_start3A, %dma_start3A_10] : memref<4x128xi32, #tpu.memory_space<vmem>> -> memref<1x128xi32, #tpu.memory_space<vmem>>
    %dma_start3A_12 = tpu.memref_squeeze %dma_start3A_11 : memref<1x128xi32, #tpu.memory_space<vmem>> -> memref<128xi32, #tpu.memory_space<vmem>>
    %dma_start3A_13 = arith.constant 0 : i32
    %dma_start3A_14 = tpu.memref_slice %arg3[%add3A_9, %dma_start3A_13] : memref<2528x128xi32, #tpu.memory_space<hbm>> -> memref<1x128xi32, #tpu.memory_space<hbm>>
    %dma_start3A_15 = tpu.memref_squeeze %dma_start3A_14 : memref<1x128xi32, #tpu.memory_space<hbm>> -> memref<128xi32, #tpu.memory_space<hbm>>
    %dma_start3A_16 = arith.constant 0 : i32
    %dma_start3A_17 = tpu.memref_slice %arg10[%dma_start3A, %dma_start3A_16] : memref<4x128xi32, #tpu.memory_space<vmem>> -> memref<1x128xi32, #tpu.memory_space<vmem>>
    %dma_start3A_18 = tpu.memref_squeeze %dma_start3A_17 : memref<1x128xi32, #tpu.memory_space<vmem>> -> memref<128xi32, #tpu.memory_space<vmem>>
    %dma_start3A_19 = arith.constant 0 : i32
    %dma_start3A_20 = tpu.memref_slice %arg3[%add3A_9, %dma_start3A_19] : memref<2528x128xi32, #tpu.memory_space<hbm>> -> memref<1x128xi32, #tpu.memory_space<hbm>>
    %dma_start3A_21 = tpu.memref_squeeze %dma_start3A_20 : memref<1x128xi32, #tpu.memory_space<hbm>> -> memref<128xi32, #tpu.memory_space<hbm>>
    tpu.enqueue_dma source(%dma_start3A_21 : memref<128xi32, #tpu.memory_space<hbm>>) target(%dma_start3A_18 : memref<128xi32, #tpu.memory_space<vmem>>) target_semaphore(%arg19 : memref<!tpu.dma_semaphore, #tpu.memory_space<semaphore_mem>>)
    %dma_start3A_22 = arith.constant 0 : i32
    %dma_start3A_23 = arith.constant 0 : i32
    %dma_start3A_24 = tpu.memref_slice %arg11[%dma_start3A_22, %dma_start3A_23] : memref<4x128xi32, #tpu.memory_space<vmem>> -> memref<1x128xi32, #tpu.memory_space<vmem>>
    %dma_start3A_25 = tpu.memref_squeeze %dma_start3A_24 : memref<1x128xi32, #tpu.memory_space<vmem>> -> memref<128xi32, #tpu.memory_space<vmem>>
    %dma_start3A_26 = arith.constant 0 : i32
    %dma_start3A_27 = tpu.memref_slice %arg4[%add3A_9, %dma_start3A_26] : memref<2528x128xi32, #tpu.memory_space<hbm>> -> memref<1x128xi32, #tpu.memory_space<hbm>>
    %dma_start3A_28 = tpu.memref_squeeze %dma_start3A_27 : memref<1x128xi32, #tpu.memory_space<hbm>> -> memref<128xi32, #tpu.memory_space<hbm>>
    %dma_start3A_29 = arith.constant 0 : i32
    %dma_start3A_30 = tpu.memref_slice %arg11[%dma_start3A_22, %dma_start3A_29] : memref<4x128xi32, #tpu.memory_space<vmem>> -> memref<1x128xi32, #tpu.memory_space<vmem>>
    %dma_start3A_31 = tpu.memref_squeeze %dma_start3A_30 : memref<1x128xi32, #tpu.memory_space<vmem>> -> memref<128xi32, #tpu.memory_space<vmem>>
    %dma_start3A_32 = arith.constant 0 : i32
    %dma_start3A_33 = tpu.memref_slice %arg4[%add3A_9, %dma_start3A_32] : memref<2528x128xi32, #tpu.memory_space<hbm>> -> memref<1x128xi32, #tpu.memory_space<hbm>>
    %dma_start3A_34 = tpu.memref_squeeze %dma_start3A_33 : memref<1x128xi32, #tpu.memory_space<hbm>> -> memref<128xi32, #tpu.memory_space<hbm>>
    tpu.enqueue_dma source(%dma_start3A_34 : memref<128xi32, #tpu.memory_space<hbm>>) target(%dma_start3A_31 : memref<128xi32, #tpu.memory_space<vmem>>) target_semaphore(%arg19 : memref<!tpu.dma_semaphore, #tpu.memory_space<semaphore_mem>>)
    %add3A_35 = arith.constant 32 : i32
    %add3A_36 = arith.addi %add3A, %add3A_35 : i32
    %dma_start3A_37 = arith.constant 1 : i32
    %dma_start3A_38 = arith.constant 0 : i32
    %dma_start3A_39 = tpu.memref_slice %arg10[%dma_start3A_37, %dma_start3A_38] : memref<4x128xi32, #tpu.memory_space<vmem>> -> memref<1x128xi32, #tpu.memory_space<vmem>>
    %dma_start3A_40 = tpu.memref_squeeze %dma_start3A_39 : memref<1x128xi32, #tpu.memory_space<vmem>> -> memref<128xi32, #tpu.memory_space<vmem>>
    %dma_start3A_41 = arith.constant 0 : i32
    %dma_start3A_42 = tpu.memref_slice %arg3[%add3A_36, %dma_start3A_41] : memref<2528x128xi32, #tpu.memory_space<hbm>> -> memref<1x128xi32, #tpu.memory_space<hbm>>
    %dma_start3A_43 = tpu.memref_squeeze %dma_start3A_42 : memref<1x128xi32, #tpu.memory_space<hbm>> -> memref<128xi32, #tpu.memory_space<hbm>>
    %dma_start3A_44 = arith.constant 0 : i32
    %dma_start3A_45 = tpu.memref_slice %arg10[%dma_start3A_37, %dma_start3A_44] : memref<4x128xi32, #tpu.memory_space<vmem>> -> memref<1x128xi32, #tpu.memory_space<vmem>>
    %dma_start3A_46 = tpu.memref_squeeze %dma_start3A_45 : memref<1x128xi32, #tpu.memory_space<vmem>> -> memref<128xi32, #tpu.memory_space<vmem>>
    %dma_start3A_47 = arith.constant 0 : i32
    %dma_start3A_48 = tpu.memref_slice %arg3[%add3A_36, %dma_start3A_47] : memref<2528x128xi32, #tpu.memory_space<hbm>> -> memref<1x128xi32, #tpu.memory_space<hbm>>
    %dma_start3A_49 = tpu.memref_squeeze %dma_start3A_48 : memref<1x128xi32, #tpu.memory_space<hbm>> -> memref<128xi32, #tpu.memory_space<hbm>>
    tpu.enqueue_dma source(%dma_start3A_49 : memref<128xi32, #tpu.memory_space<hbm>>) target(%dma_start3A_46 : memref<128xi32, #tpu.memory_space<vmem>>) target_semaphore(%arg20 : memref<!tpu.dma_semaphore, #tpu.memory_space<semaphore_mem>>)
    %dma_start3A_50 = arith.constant 1 : i32
    %dma_start3A_51 = arith.constant 0 : i32
    %dma_start3A_52 = tpu.memref_slice %arg11[%dma_start3A_50, %dma_start3A_51] : memref<4x128xi32, #tpu.memory_space<vmem>> -> memref<1x128xi32, #tpu.memory_space<vmem>>
    %dma_start3A_53 = tpu.memref_squeeze %dma_start3A_52 : memref<1x128xi32, #tpu.memory_space<vmem>> -> memref<128xi32, #tpu.memory_space<vmem>>
    %dma_start3A_54 = arith.constant 0 : i32
    %dma_start3A_55 = tpu.memref_slice %arg4[%add3A_36, %dma_start3A_54] : memref<2528x128xi32, #tpu.memory_space<hbm>> -> memref<1x128xi32, #tpu.memory_space<hbm>>
    %dma_start3A_56 = tpu.memref_squeeze %dma_start3A_55 : memref<1x128xi32, #tpu.memory_space<hbm>> -> memref<128xi32, #tpu.memory_space<hbm>>
    %dma_start3A_57 = arith.constant 0 : i32
    %dma_start3A_58 = tpu.memref_slice %arg11[%dma_start3A_50, %dma_start3A_57] : memref<4x128xi32, #tpu.memory_space<vmem>> -> memref<1x128xi32, #tpu.memory_space<vmem>>
    %dma_start3A_59 = tpu.memref_squeeze %dma_start3A_58 : memref<1x128xi32, #tpu.memory_space<vmem>> -> memref<128xi32, #tpu.memory_space<vmem>>
    %dma_start3A_60 = arith.constant 0 : i32
    %dma_start3A_61 = tpu.memref_slice %arg4[%add3A_36, %dma_start3A_60] : memref<2528x128xi32, #tpu.memory_space<hbm>> -> memref<1x128xi32, #tpu.memory_space<hbm>>
    %dma_start3A_62 = tpu.memref_squeeze %dma_start3A_61 : memref<1x128xi32, #tpu.memory_space<hbm>> -> memref<128xi32, #tpu.memory_space<hbm>>
    tpu.enqueue_dma source(%dma_start3A_62 : memref<128xi32, #tpu.memory_space<hbm>>) target(%dma_start3A_59 : memref<128xi32, #tpu.memory_space<vmem>>) target_semaphore(%arg20 : memref<!tpu.dma_semaphore, #tpu.memory_space<semaphore_mem>>)
    %dma_wait3A = arith.constant 0 : i32
    %dma_wait3A_63 = arith.constant 0 : i32
    %dma_wait3A_64 = arith.constant 0 : i32
    %dma_wait3A_65 = tpu.memref_slice %arg10[%dma_wait3A_63, %dma_wait3A_64] : memref<4x128xi32, #tpu.memory_space<vmem>> -> memref<1x128xi32, #tpu.memory_space<vmem>>
    %dma_wait3A_66 = tpu.memref_squeeze %dma_wait3A_65 : memref<1x128xi32, #tpu.memory_space<vmem>> -> memref<128xi32, #tpu.memory_space<vmem>>
    %dma_wait3A_67 = arith.constant 0 : i32
    %dma_wait3A_68 = tpu.memref_slice %arg3[%dma_wait3A, %dma_wait3A_67] : memref<2528x128xi32, #tpu.memory_space<hbm>> -> memref<1x128xi32, #tpu.memory_space<hbm>>
    %dma_wait3A_69 = tpu.memref_squeeze %dma_wait3A_68 : memref<1x128xi32, #tpu.memory_space<hbm>> -> memref<128xi32, #tpu.memory_space<hbm>>
    %dma_wait3A_70 = arith.constant 0 : i32
    %dma_wait3A_71 = tpu.memref_slice %arg10[%dma_wait3A_63, %dma_wait3A_70] : memref<4x128xi32, #tpu.memory_space<vmem>> -> memref<1x128xi32, #tpu.memory_space<vmem>>
    %dma_wait3A_72 = tpu.memref_squeeze %dma_wait3A_71 : memref<1x128xi32, #tpu.memory_space<vmem>> -> memref<128xi32, #tpu.memory_space<vmem>>
    %dma_wait3A_73 = arith.constant 0 : i32
    %dma_wait3A_74 = tpu.memref_slice %arg3[%dma_wait3A, %dma_wait3A_73] : memref<2528x128xi32, #tpu.memory_space<hbm>> -> memref<1x128xi32, #tpu.memory_space<hbm>>
    %dma_wait3A_75 = tpu.memref_squeeze %dma_wait3A_74 : memref<1x128xi32, #tpu.memory_space<hbm>> -> memref<128xi32, #tpu.memory_space<hbm>>
    tpu.wait_dma2 semaphore(%arg19 : memref<!tpu.dma_semaphore, #tpu.memory_space<semaphore_mem>>) src(%dma_wait3A_75 : memref<128xi32, #tpu.memory_space<hbm>>) dst(%dma_wait3A_72 : memref<128xi32, #tpu.memory_space<vmem>>)
    %dma_wait3A_76 = arith.constant 0 : i32
    %dma_wait3A_77 = arith.constant 0 : i32
    %dma_wait3A_78 = arith.constant 0 : i32
    %dma_wait3A_79 = tpu.memref_slice %arg11[%dma_wait3A_77, %dma_wait3A_78] : memref<4x128xi32, #tpu.memory_space<vmem>> -> memref<1x128xi32, #tpu.memory_space<vmem>>
    %dma_wait3A_80 = tpu.memref_squeeze %dma_wait3A_79 : memref<1x128xi32, #tpu.memory_space<vmem>> -> memref<128xi32, #tpu.memory_space<vmem>>
    %dma_wait3A_81 = arith.constant 0 : i32
    %dma_wait3A_82 = tpu.memref_slice %arg4[%dma_wait3A_76, %dma_wait3A_81] : memref<2528x128xi32, #tpu.memory_space<hbm>> -> memref<1x128xi32, #tpu.memory_space<hbm>>
    %dma_wait3A_83 = tpu.memref_squeeze %dma_wait3A_82 : memref<1x128xi32, #tpu.memory_space<hbm>> -> memref<128xi32, #tpu.memory_space<hbm>>
    %dma_wait3A_84 = arith.constant 0 : i32
    %dma_wait3A_85 = tpu.memref_slice %arg11[%dma_wait3A_77, %dma_wait3A_84] : memref<4x128xi32, #tpu.memory_space<vmem>> -> memref<1x128xi32, #tpu.memory_space<vmem>>
    %dma_wait3A_86 = tpu.memref_squeeze %dma_wait3A_85 : memref<1x128xi32, #tpu.memory_space<vmem>> -> memref<128xi32, #tpu.memory_space<vmem>>
    %dma_wait3A_87 = arith.constant 0 : i32
    %dma_wait3A_88 = tpu.memref_slice %arg4[%dma_wait3A_76, %dma_wait3A_87] : memref<2528x128xi32, #tpu.memory_space<hbm>> -> memref<1x128xi32, #tpu.memory_space<hbm>>
    %dma_wait3A_89 = tpu.memref_squeeze %dma_wait3A_88 : memref<1x128xi32, #tpu.memory_space<hbm>> -> memref<128xi32, #tpu.memory_space<hbm>>
    tpu.wait_dma2 semaphore(%arg19 : memref<!tpu.dma_semaphore, #tpu.memory_space<semaphore_mem>>) src(%dma_wait3A_89 : memref<128xi32, #tpu.memory_space<hbm>>) dst(%dma_wait3A_86 : memref<128xi32, #tpu.memory_space<vmem>>)
    %dma_start3A_90 = arith.constant 0 : i32
    %dma_start3A_91 = arith.constant 0 : i32
    %dma_start3A_92 = tpu.memref_slice %arg10[%dma_start3A_90, %dma_start3A_91] : memref<4x128xi32, #tpu.memory_space<vmem>> -> memref<1x128xi32, #tpu.memory_space<vmem>>
    %dma_start3A_93 = tpu.memref_squeeze %dma_start3A_92 : memref<1x128xi32, #tpu.memory_space<vmem>> -> memref<128xi32, #tpu.memory_space<vmem>>
    %dma_start3A_94 = arith.constant 0 : i32
    %dma_start3A_95 = arith.constant 0 : i32
    %dma_start3A_96 = tpu.memref_slice %arg2[%dma_start3A_94, %dma_start3A_95] : memref<10000x128xf32, #tpu.memory_space<hbm>> -> memref<10000x128xf32, #tpu.memory_space<hbm>>
    tpu.enqueue_indirect_dma source(%dma_start3A_96 : memref<10000x128xf32, #tpu.memory_space<hbm>>) target(%arg12 : memref<128x128xf32, #tpu.memory_space<vmem>>) offsets(%dma_start3A_93 : memref<128xi32, #tpu.memory_space<vmem>>) semaphore(%arg15 : memref<!tpu.dma_semaphore, #tpu.memory_space<semaphore_mem>>)
    %dma_wait3A_97 = arith.constant 0 : i32
    %dma_wait3A_98 = arith.constant 0 : i32
    %dma_wait3A_99 = tpu.memref_slice %arg10[%dma_wait3A_97, %dma_wait3A_98] : memref<4x128xi32, #tpu.memory_space<vmem>> -> memref<1x128xi32, #tpu.memory_space<vmem>>
    %dma_wait3A_100 = tpu.memref_squeeze %dma_wait3A_99 : memref<1x128xi32, #tpu.memory_space<vmem>> -> memref<128xi32, #tpu.memory_space<vmem>>
    %dma_wait3A_101 = arith.constant 0 : i32
    %dma_wait3A_102 = arith.constant 0 : i32
    %dma_wait3A_103 = tpu.memref_slice %arg2[%dma_wait3A_101, %dma_wait3A_102] : memref<10000x128xf32, #tpu.memory_space<hbm>> -> memref<10000x128xf32, #tpu.memory_space<hbm>>
    tpu.wait_indirect_dma semaphore(%arg15 : memref<!tpu.dma_semaphore, #tpu.memory_space<semaphore_mem>>) src(%dma_wait3A_103 : memref<10000x128xf32, #tpu.memory_space<hbm>>) dst(%arg12 : memref<128x128xf32, #tpu.memory_space<vmem>>)
    %dma_wait3A_104 = arith.constant 0 : i32
    %dma_wait3A_105 = arith.constant 0 : i32
    %dma_wait3A_106 = arith.constant 0 : i32
    %dma_wait3A_107 = tpu.memref_slice %arg10[%dma_wait3A_105, %dma_wait3A_106] : memref<4x128xi32, #tpu.memory_space<vmem>> -> memref<1x128xi32, #tpu.memory_space<vmem>>
    %dma_wait3A_108 = tpu.memref_squeeze %dma_wait3A_107 : memref<1x128xi32, #tpu.memory_space<vmem>> -> memref<128xi32, #tpu.memory_space<vmem>>
    %dma_wait3A_109 = arith.constant 0 : i32
    %dma_wait3A_110 = tpu.memref_slice %arg3[%dma_wait3A_104, %dma_wait3A_109] : memref<2528x128xi32, #tpu.memory_space<hbm>> -> memref<1x128xi32, #tpu.memory_space<hbm>>
    %dma_wait3A_111 = tpu.memref_squeeze %dma_wait3A_110 : memref<1x128xi32, #tpu.memory_space<hbm>> -> memref<128xi32, #tpu.memory_space<hbm>>
    %dma_wait3A_112 = arith.constant 0 : i32
    %dma_wait3A_113 = tpu.memref_slice %arg10[%dma_wait3A_105, %dma_wait3A_112] : memref<4x128xi32, #tpu.memory_space<vmem>> -> memref<1x128xi32, #tpu.memory_space<vmem>>
    %dma_wait3A_114 = tpu.memref_squeeze %dma_wait3A_113 : memref<1x128xi32, #tpu.memory_space<vmem>> -> memref<128xi32, #tpu.memory_space<vmem>>
    %dma_wait3A_115 = arith.constant 0 : i32
    %dma_wait3A_116 = tpu.memref_slice %arg3[%dma_wait3A_104, %dma_wait3A_115] : memref<2528x128xi32, #tpu.memory_space<hbm>> -> memref<1x128xi32, #tpu.memory_space<hbm>>
    %dma_wait3A_117 = tpu.memref_squeeze %dma_wait3A_116 : memref<1x128xi32, #tpu.memory_space<hbm>> -> memref<128xi32, #tpu.memory_space<hbm>>
    tpu.wait_dma2 semaphore(%arg20 : memref<!tpu.dma_semaphore, #tpu.memory_space<semaphore_mem>>) src(%dma_wait3A_117 : memref<128xi32, #tpu.memory_space<hbm>>) dst(%dma_wait3A_114 : memref<128xi32, #tpu.memory_space<vmem>>)
    %dma_wait3A_118 = arith.constant 0 : i32
    %dma_wait3A_119 = arith.constant 0 : i32
    %dma_wait3A_120 = arith.constant 0 : i32
    %dma_wait3A_121 = tpu.memref_slice %arg11[%dma_wait3A_119, %dma_wait3A_120] : memref<4x128xi32, #tpu.memory_space<vmem>> -> memref<1x128xi32, #tpu.memory_space<vmem>>
    %dma_wait3A_122 = tpu.memref_squeeze %dma_wait3A_121 : memref<1x128xi32, #tpu.memory_space<vmem>> -> memref<128xi32, #tpu.memory_space<vmem>>
    %dma_wait3A_123 = arith.constant 0 : i32
    %dma_wait3A_124 = tpu.memref_slice %arg4[%dma_wait3A_118, %dma_wait3A_123] : memref<2528x128xi32, #tpu.memory_space<hbm>> -> memref<1x128xi32, #tpu.memory_space<hbm>>
    %dma_wait3A_125 = tpu.memref_squeeze %dma_wait3A_124 : memref<1x128xi32, #tpu.memory_space<hbm>> -> memref<128xi32, #tpu.memory_space<hbm>>
    %dma_wait3A_126 = arith.constant 0 : i32
    %dma_wait3A_127 = tpu.memref_slice %arg11[%dma_wait3A_119, %dma_wait3A_126] : memref<4x128xi32, #tpu.memory_space<vmem>> -> memref<1x128xi32, #tpu.memory_space<vmem>>
    %dma_wait3A_128 = tpu.memref_squeeze %dma_wait3A_127 : memref<1x128xi32, #tpu.memory_space<vmem>> -> memref<128xi32, #tpu.memory_space<vmem>>
    %dma_wait3A_129 = arith.constant 0 : i32
    %dma_wait3A_130 = tpu.memref_slice %arg4[%dma_wait3A_118, %dma_wait3A_129] : memref<2528x128xi32, #tpu.memory_space<hbm>> -> memref<1x128xi32, #tpu.memory_space<hbm>>
    %dma_wait3A_131 = tpu.memref_squeeze %dma_wait3A_130 : memref<1x128xi32, #tpu.memory_space<hbm>> -> memref<128xi32, #tpu.memory_space<hbm>>
    tpu.wait_dma2 semaphore(%arg20 : memref<!tpu.dma_semaphore, #tpu.memory_space<semaphore_mem>>) src(%dma_wait3A_131 : memref<128xi32, #tpu.memory_space<hbm>>) dst(%dma_wait3A_128 : memref<128xi32, #tpu.memory_space<vmem>>)
    %dma_start3A_132 = arith.constant 1 : i32
    %dma_start3A_133 = arith.constant 0 : i32
    %dma_start3A_134 = tpu.memref_slice %arg10[%dma_start3A_132, %dma_start3A_133] : memref<4x128xi32, #tpu.memory_space<vmem>> -> memref<1x128xi32, #tpu.memory_space<vmem>>
    %dma_start3A_135 = tpu.memref_squeeze %dma_start3A_134 : memref<1x128xi32, #tpu.memory_space<vmem>> -> memref<128xi32, #tpu.memory_space<vmem>>
    %dma_start3A_136 = arith.constant 0 : i32
    %dma_start3A_137 = arith.constant 0 : i32
    %dma_start3A_138 = tpu.memref_slice %arg2[%dma_start3A_136, %dma_start3A_137] : memref<10000x128xf32, #tpu.memory_space<hbm>> -> memref<10000x128xf32, #tpu.memory_space<hbm>>
    tpu.enqueue_indirect_dma source(%dma_start3A_138 : memref<10000x128xf32, #tpu.memory_space<hbm>>) target(%arg13 : memref<128x128xf32, #tpu.memory_space<vmem>>) offsets(%dma_start3A_135 : memref<128xi32, #tpu.memory_space<vmem>>) semaphore(%arg16 : memref<!tpu.dma_semaphore, #tpu.memory_space<semaphore_mem>>)
    %add3A_139 = arith.constant 64 : i32
    %add3A_140 = arith.addi %add3A, %add3A_139 : i32
    %dma_start3A_141 = arith.constant 2 : i32
    %dma_start3A_142 = arith.constant 0 : i32
    %dma_start3A_143 = tpu.memref_slice %arg10[%dma_start3A_141, %dma_start3A_142] : memref<4x128xi32, #tpu.memory_space<vmem>> -> memref<1x128xi32, #tpu.memory_space<vmem>>
    %dma_start3A_144 = tpu.memref_squeeze %dma_start3A_143 : memref<1x128xi32, #tpu.memory_space<vmem>> -> memref<128xi32, #tpu.memory_space<vmem>>
    %dma_start3A_145 = arith.constant 0 : i32
    %dma_start3A_146 = tpu.memref_slice %arg3[%add3A_140, %dma_start3A_145] : memref<2528x128xi32, #tpu.memory_space<hbm>> -> memref<1x128xi32, #tpu.memory_space<hbm>>
    %dma_start3A_147 = tpu.memref_squeeze %dma_start3A_146 : memref<1x128xi32, #tpu.memory_space<hbm>> -> memref<128xi32, #tpu.memory_space<hbm>>
    %dma_start3A_148 = arith.constant 0 : i32
    %dma_start3A_149 = tpu.memref_slice %arg10[%dma_start3A_141, %dma_start3A_148] : memref<4x128xi32, #tpu.memory_space<vmem>> -> memref<1x128xi32, #tpu.memory_space<vmem>>
    %dma_start3A_150 = tpu.memref_squeeze %dma_start3A_149 : memref<1x128xi32, #tpu.memory_space<vmem>> -> memref<128xi32, #tpu.memory_space<vmem>>
    %dma_start3A_151 = arith.constant 0 : i32
    %dma_start3A_152 = tpu.memref_slice %arg3[%add3A_140, %dma_start3A_151] : memref<2528x128xi32, #tpu.memory_space<hbm>> -> memref<1x128xi32, #tpu.memory_space<hbm>>
    %dma_start3A_153 = tpu.memref_squeeze %dma_start3A_152 : memref<1x128xi32, #tpu.memory_space<hbm>> -> memref<128xi32, #tpu.memory_space<hbm>>
    tpu.enqueue_dma source(%dma_start3A_153 : memref<128xi32, #tpu.memory_space<hbm>>) target(%dma_start3A_150 : memref<128xi32, #tpu.memory_space<vmem>>) target_semaphore(%arg19 : memref<!tpu.dma_semaphore, #tpu.memory_space<semaphore_mem>>)
    %dma_start3A_154 = arith.constant 2 : i32
    %dma_start3A_155 = arith.constant 0 : i32
    %dma_start3A_156 = tpu.memref_slice %arg11[%dma_start3A_154, %dma_start3A_155] : memref<4x128xi32, #tpu.memory_space<vmem>> -> memref<1x128xi32, #tpu.memory_space<vmem>>
    %dma_start3A_157 = tpu.memref_squeeze %dma_start3A_156 : memref<1x128xi32, #tpu.memory_space<vmem>> -> memref<128xi32, #tpu.memory_space<vmem>>
    %dma_start3A_158 = arith.constant 0 : i32
    %dma_start3A_159 = tpu.memref_slice %arg4[%add3A_140, %dma_start3A_158] : memref<2528x128xi32, #tpu.memory_space<hbm>> -> memref<1x128xi32, #tpu.memory_space<hbm>>
    %dma_start3A_160 = tpu.memref_squeeze %dma_start3A_159 : memref<1x128xi32, #tpu.memory_space<hbm>> -> memref<128xi32, #tpu.memory_space<hbm>>
    %dma_start3A_161 = arith.constant 0 : i32
    %dma_start3A_162 = tpu.memref_slice %arg11[%dma_start3A_154, %dma_start3A_161] : memref<4x128xi32, #tpu.memory_space<vmem>> -> memref<1x128xi32, #tpu.memory_space<vmem>>
    %dma_start3A_163 = tpu.memref_squeeze %dma_start3A_162 : memref<1x128xi32, #tpu.memory_space<vmem>> -> memref<128xi32, #tpu.memory_space<vmem>>
    %dma_start3A_164 = arith.constant 0 : i32
    %dma_start3A_165 = tpu.memref_slice %arg4[%add3A_140, %dma_start3A_164] : memref<2528x128xi32, #tpu.memory_space<hbm>> -> memref<1x128xi32, #tpu.memory_space<hbm>>
    %dma_start3A_166 = tpu.memref_squeeze %dma_start3A_165 : memref<1x128xi32, #tpu.memory_space<hbm>> -> memref<128xi32, #tpu.memory_space<hbm>>
    tpu.enqueue_dma source(%dma_start3A_166 : memref<128xi32, #tpu.memory_space<hbm>>) target(%dma_start3A_163 : memref<128xi32, #tpu.memory_space<vmem>>) target_semaphore(%arg19 : memref<!tpu.dma_semaphore, #tpu.memory_space<semaphore_mem>>)
    %get3A = arith.constant 0 : i32
    %get3A_167 = arith.index_cast %get3A : i32 to index
    %get3A_168 = arith.constant 0 : index
    %get3A_169 = tpu.vector_load %arg11[%get3A_167, %get3A_168] {strides = array<i32>} : memref<4x128xi32, #tpu.memory_space<vmem>>, vector<16xi32>,
    %shift_right_arithmetic3A = arith.constant 4 : i32
    %shift_right_arithmetic3A_170 = vector.broadcast %shift_right_arithmetic3A : i32 to vector<16xi32>
    %shift_right_arithmetic3A_171 = arith.shrsi %get3A_169, %shift_right_arithmetic3A_170 : vector<16xi32>
    %and3A = arith.constant 15 : i32
    %and3A_172 = vector.broadcast %and3A : i32 to vector<16xi32>
    %and3A_173 = arith.andi %get3A_169, %and3A_172 : vector<16xi32>
    tpu.vector_store_idx %arg21[%shift_right_arithmetic3A_171, %and3A_173], %broadcast_in_dim3A_7 {add = true} : memref<640x16xf32, #tpu.memory_space<vmem>>[vector<16xi32>, vector<16xi32>], vector<16xf32>,
    %get3A_174 = arith.constant 0 : i32
    %get3A_175 = arith.index_cast %get3A_174 : i32 to index
    %get3A_176 = arith.constant 16 : index
    %get3A_177 = tpu.vector_load %arg11[%get3A_175, %get3A_176] {strides = array<i32>} : memref<4x128xi32, #tpu.memory_space<vmem>>, vector<16xi32>,
    %shift_right_arithmetic3A_178 = arith.constant 4 : i32
    %shift_right_arithmetic3A_179 = vector.broadcast %shift_right_arithmetic3A_178 : i32 to vector<16xi32>
    %shift_right_arithmetic3A_180 = arith.shrsi %get3A_177, %shift_right_arithmetic3A_179 : vector<16xi32>
    %and3A_181 = arith.constant 15 : i32
    %and3A_182 = vector.broadcast %and3A_181 : i32 to vector<16xi32>
    %and3A_183 = arith.andi %get3A_177, %and3A_182 : vector<16xi32>
    tpu.vector_store_idx %arg21[%shift_right_arithmetic3A_180, %and3A_183], %broadcast_in_dim3A_7 {add = true} : memref<640x16xf32, #tpu.memory_space<vmem>>[vector<16xi32>, vector<16xi32>], vector<16xf32>,
    %get3A_184 = arith.constant 0 : i32
    %get3A_185 = arith.index_cast %get3A_184 : i32 to index
    %get3A_186 = arith.constant 32 : index
    %get3A_187 = tpu.vector_load %arg11[%get3A_185, %get3A_186] {strides = array<i32>} : memref<4x128xi32, #tpu.memory_space<vmem>>, vector<16xi32>,
    %shift_right_arithmetic3A_188 = arith.constant 4 : i32
    %shift_right_arithmetic3A_189 = vector.broadcast %shift_right_arithmetic3A_188 : i32 to vector<16xi32>
    %shift_right_arithmetic3A_190 = arith.shrsi %get3A_187, %shift_right_arithmetic3A_189 : vector<16xi32>
    %and3A_191 = arith.constant 15 : i32
    %and3A_192 = vector.broadcast %and3A_191 : i32 to vector<16xi32>
    %and3A_193 = arith.andi %get3A_187, %and3A_192 : vector<16xi32>
    tpu.vector_store_idx %arg21[%shift_right_arithmetic3A_190, %and3A_193], %broadcast_in_dim3A_7 {add = true} : memref<640x16xf32, #tpu.memory_space<vmem>>[vector<16xi32>, vector<16xi32>], vector<16xf32>,
    %get3A_194 = arith.constant 0 : i32
    %get3A_195 = arith.index_cast %get3A_194 : i32 to index
    %get3A_196 = arith.constant 48 : index
    %get3A_197 = tpu.vector_load %arg11[%get3A_195, %get3A_196] {strides = array<i32>} : memref<4x128xi32, #tpu.memory_space<vmem>>, vector<16xi32>,
    %shift_right_arithmetic3A_198 = arith.constant 4 : i32
    %shift_right_arithmetic3A_199 = vector.broadcast %shift_right_arithmetic3A_198 : i32 to vector<16xi32>
    %shift_right_arithmetic3A_200 = arith.shrsi %get3A_197, %shift_right_arithmetic3A_199 : vector<16xi32>
    %and3A_201 = arith.constant 15 : i32
    %and3A_202 = vector.broadcast %and3A_201 : i32 to vector<16xi32>
    %and3A_203 = arith.andi %get3A_197, %and3A_202 : vector<16xi32>
    tpu.vector_store_idx %arg21[%shift_right_arithmetic3A_200, %and3A_203], %broadcast_in_dim3A_7 {add = true} : memref<640x16xf32, #tpu.memory_space<vmem>>[vector<16xi32>, vector<16xi32>], vector<16xf32>,
    %get3A_204 = arith.constant 0 : i32
    %get3A_205 = arith.index_cast %get3A_204 : i32 to index
    %get3A_206 = arith.constant 64 : index
    %get3A_207 = tpu.vector_load %arg11[%get3A_205, %get3A_206] {strides = array<i32>} : memref<4x128xi32, #tpu.memory_space<vmem>>, vector<16xi32>,
    %shift_right_arithmetic3A_208 = arith.constant 4 : i32
    %shift_right_arithmetic3A_209 = vector.broadcast %shift_right_arithmetic3A_208 : i32 to vector<16xi32>
    %shift_right_arithmetic3A_210 = arith.shrsi %get3A_207, %shift_right_arithmetic3A_209 : vector<16xi32>
    %and3A_211 = arith.constant 15 : i32
    %and3A_212 = vector.broadcast %and3A_211 : i32 to vector<16xi32>
    %and3A_213 = arith.andi %get3A_207, %and3A_212 : vector<16xi32>
    tpu.vector_store_idx %arg21[%shift_right_arithmetic3A_210, %and3A_213], %broadcast_in_dim3A_7 {add = true} : memref<640x16xf32, #tpu.memory_space<vmem>>[vector<16xi32>, vector<16xi32>], vector<16xf32>,
    %get3A_214 = arith.constant 0 : i32
    %get3A_215 = arith.index_cast %get3A_214 : i32 to index
    %get3A_216 = arith.constant 80 : index
    %get3A_217 = tpu.vector_load %arg11[%get3A_215, %get3A_216] {strides = array<i32>} : memref<4x128xi32, #tpu.memory_space<vmem>>, vector<16xi32>,
    %shift_right_arithmetic3A_218 = arith.constant 4 : i32
    %shift_right_arithmetic3A_219 = vector.broadcast %shift_right_arithmetic3A_218 : i32 to vector<16xi32>
    %shift_right_arithmetic3A_220 = arith.shrsi %get3A_217, %shift_right_arithmetic3A_219 : vector<16xi32>
    %and3A_221 = arith.constant 15 : i32
    %and3A_222 = vector.broadcast %and3A_221 : i32 to vector<16xi32>
    %and3A_223 = arith.andi %get3A_217, %and3A_222 : vector<16xi32>
    tpu.vector_store_idx %arg21[%shift_right_arithmetic3A_220, %and3A_223], %broadcast_in_dim3A_7 {add = true} : memref<640x16xf32, #tpu.memory_space<vmem>>[vector<16xi32>, vector<16xi32>], vector<16xf32>,
    %get3A_224 = arith.constant 0 : i32
    %get3A_225 = arith.index_cast %get3A_224 : i32 to index
    %get3A_226 = arith.constant 96 : index
    %get3A_227 = tpu.vector_load %arg11[%get3A_225, %get3A_226] {strides = array<i32>} : memref<4x128xi32, #tpu.memory_space<vmem>>, vector<16xi32>,
    %shift_right_arithmetic3A_228 = arith.constant 4 : i32
    %shift_right_arithmetic3A_229 = vector.broadcast %shift_right_arithmetic3A_228 : i32 to vector<16xi32>
    %shift_right_arithmetic3A_230 = arith.shrsi %get3A_227, %shift_right_arithmetic3A_229 : vector<16xi32>
    %and3A_231 = arith.constant 15 : i32
    %and3A_232 = vector.broadcast %and3A_231 : i32 to vector<16xi32>
    %and3A_233 = arith.andi %get3A_227, %and3A_232 : vector<16xi32>
    tpu.vector_store_idx %arg21[%shift_right_arithmetic3A_230, %and3A_233], %broadcast_in_dim3A_7 {add = true} : memref<640x16xf32, #tpu.memory_space<vmem>>[vector<16xi32>, vector<16xi32>], vector<16xf32>,
    %get3A_234 = arith.constant 0 : i32
    %get3A_235 = arith.index_cast %get3A_234 : i32 to index
    %get3A_236 = arith.constant 112 : index
    %get3A_237 = tpu.vector_load %arg11[%get3A_235, %get3A_236] {strides = array<i32>} : memref<4x128xi32, #tpu.memory_space<vmem>>, vector<16xi32>,
    %shift_right_arithmetic3A_238 = arith.constant 4 : i32
    %shift_right_arithmetic3A_239 = vector.broadcast %shift_right_arithmetic3A_238 : i32 to vector<16xi32>
    %shift_right_arithmetic3A_240 = arith.shrsi %get3A_237, %shift_right_arithmetic3A_239 : vector<16xi32>
    %and3A_241 = arith.constant 15 : i32
    %and3A_242 = vector.broadcast %and3A_241 : i32 to vector<16xi32>
    %and3A_243 = arith.andi %get3A_237, %and3A_242 : vector<16xi32>
    tpu.vector_store_idx %arg21[%shift_right_arithmetic3A_240, %and3A_243], %broadcast_in_dim3A_7 {add = true} : memref<640x16xf32, #tpu.memory_space<vmem>>[vector<16xi32>, vector<16xi32>], vector<16xf32>,
    %dma_start3A_244 = arith.constant 0 : i32
    %dma_start3A_245 = arith.constant 0 : i32
    %dma_start3A_246 = tpu.memref_slice %arg11[%dma_start3A_244, %dma_start3A_245] : memref<4x128xi32, #tpu.memory_space<vmem>> -> memref<1x128xi32, #tpu.memory_space<vmem>>
    %dma_start3A_247 = tpu.memref_squeeze %dma_start3A_246 : memref<1x128xi32, #tpu.memory_space<vmem>> -> memref<128xi32, #tpu.memory_space<vmem>>
    %dma_start3A_248 = arith.constant 0 : i32
    %dma_start3A_249 = arith.constant 0 : i32
    %dma_start3A_250 = tpu.memref_slice %arg14[%dma_start3A_248, %dma_start3A_249] : memref<10240x128xf32, #tpu.memory_space<vmem_shared>> -> memref<10240x128xf32, #tpu.memory_space<vmem_shared>>
    tpu.enqueue_indirect_dma source(%arg12 : memref<128x128xf32, #tpu.memory_space<vmem>>) target(%dma_start3A_250 : memref<10240x128xf32, #tpu.memory_space<vmem_shared>>) offsets(%dma_start3A_247 : memref<128xi32, #tpu.memory_space<vmem>>) semaphore(%arg17 : memref<!tpu.dma_semaphore, #tpu.memory_space<semaphore_mem>>) {add = true}
    %dma_wait3A_251 = arith.constant 0 : i32
    %dma_wait3A_252 = arith.constant 0 : i32
    %dma_wait3A_253 = tpu.memref_slice %arg10[%dma_wait3A_251, %dma_wait3A_252] : memref<4x128xi32, #tpu.memory_space<vmem>> -> memref<1x128xi32, #tpu.memory_space<vmem>>
    %dma_wait3A_254 = tpu.memref_squeeze %dma_wait3A_253 : memref<1x128xi32, #tpu.memory_space<vmem>> -> memref<128xi32, #tpu.memory_space<vmem>>
    %dma_wait3A_255 = arith.constant 0 : i32
    %dma_wait3A_256 = arith.constant 0 : i32
    %dma_wait3A_257 = tpu.memref_slice %arg2[%dma_wait3A_255, %dma_wait3A_256] : memref<10000x128xf32, #tpu.memory_space<hbm>> -> memref<10000x128xf32, #tpu.memory_space<hbm>>
    tpu.wait_indirect_dma semaphore(%arg16 : memref<!tpu.dma_semaphore, #tpu.memory_space<semaphore_mem>>) src(%dma_wait3A_257 : memref<10000x128xf32, #tpu.memory_space<hbm>>) dst(%arg13 : memref<128x128xf32, #tpu.memory_space<vmem>>)
    %dma_wait3A_258 = arith.constant 0 : i32
    %dma_wait3A_259 = arith.constant 0 : i32
    %dma_wait3A_260 = arith.constant 0 : i32
    %dma_wait3A_261 = tpu.memref_slice %arg10[%dma_wait3A_259, %dma_wait3A_260] : memref<4x128xi32, #tpu.memory_space<vmem>> -> memref<1x128xi32, #tpu.memory_space<vmem>>
    %dma_wait3A_262 = tpu.memref_squeeze %dma_wait3A_261 : memref<1x128xi32, #tpu.memory_space<vmem>> -> memref<128xi32, #tpu.memory_space<vmem>>
    %dma_wait3A_263 = arith.constant 0 : i32
    %dma_wait3A_264 = tpu.memref_slice %arg3[%dma_wait3A_258, %dma_wait3A_263] : memref<2528x128xi32, #tpu.memory_space<hbm>> -> memref<1x128xi32, #tpu.memory_space<hbm>>
    %dma_wait3A_265 = tpu.memref_squeeze %dma_wait3A_264 : memref<1x128xi32, #tpu.memory_space<hbm>> -> memref<128xi32, #tpu.memory_space<hbm>>
    %dma_wait3A_266 = arith.constant 0 : i32
    %dma_wait3A_267 = tpu.memref_slice %arg10[%dma_wait3A_259, %dma_wait3A_266] : memref<4x128xi32, #tpu.memory_space<vmem>> -> memref<1x128xi32, #tpu.memory_space<vmem>>
    %dma_wait3A_268 = tpu.memref_squeeze %dma_wait3A_267 : memref<1x128xi32, #tpu.memory_space<vmem>> -> memref<128xi32, #tpu.memory_space<vmem>>
    %dma_wait3A_269 = arith.constant 0 : i32
    %dma_wait3A_270 = tpu.memref_slice %arg3[%dma_wait3A_258, %dma_wait3A_269] : memref<2528x128xi32, #tpu.memory_space<hbm>> -> memref<1x128xi32, #tpu.memory_space<hbm>>
    %dma_wait3A_271 = tpu.memref_squeeze %dma_wait3A_270 : memref<1x128xi32, #tpu.memory_space<hbm>> -> memref<128xi32, #tpu.memory_space<hbm>>
    tpu.wait_dma2 semaphore(%arg19 : memref<!tpu.dma_semaphore, #tpu.memory_space<semaphore_mem>>) src(%dma_wait3A_271 : memref<128xi32, #tpu.memory_space<hbm>>) dst(%dma_wait3A_268 : memref<128xi32, #tpu.memory_space<vmem>>)
    %dma_wait3A_272 = arith.constant 0 : i32
    %dma_wait3A_273 = arith.constant 0 : i32
    %dma_wait3A_274 = arith.constant 0 : i32
    %dma_wait3A_275 = tpu.memref_slice %arg11[%dma_wait3A_273, %dma_wait3A_274] : memref<4x128xi32, #tpu.memory_space<vmem>> -> memref<1x128xi32, #tpu.memory_space<vmem>>
    %dma_wait3A_276 = tpu.memref_squeeze %dma_wait3A_275 : memref<1x128xi32, #tpu.memory_space<vmem>> -> memref<128xi32, #tpu.memory_space<vmem>>
    %dma_wait3A_277 = arith.constant 0 : i32
    %dma_wait3A_278 = tpu.memref_slice %arg4[%dma_wait3A_272, %dma_wait3A_277] : memref<2528x128xi32, #tpu.memory_space<hbm>> -> memref<1x128xi32, #tpu.memory_space<hbm>>
    %dma_wait3A_279 = tpu.memref_squeeze %dma_wait3A_278 : memref<1x128xi32, #tpu.memory_space<hbm>> -> memref<128xi32, #tpu.memory_space<hbm>>
    %dma_wait3A_280 = arith.constant 0 : i32
    %dma_wait3A_281 = tpu.memref_slice %arg11[%dma_wait3A_273, %dma_wait3A_280] : memref<4x128xi32, #tpu.memory_space<vmem>> -> memref<1x128xi32, #tpu.memory_space<vmem>>
    %dma_wait3A_282 = tpu.memref_squeeze %dma_wait3A_281 : memref<1x128xi32, #tpu.memory_space<vmem>> -> memref<128xi32, #tpu.memory_space<vmem>>
    %dma_wait3A_283 = arith.constant 0 : i32
    %dma_wait3A_284 = tpu.memref_slice %arg4[%dma_wait3A_272, %dma_wait3A_283] : memref<2528x128xi32, #tpu.memory_space<hbm>> -> memref<1x128xi32, #tpu.memory_space<hbm>>
    %dma_wait3A_285 = tpu.memref_squeeze %dma_wait3A_284 : memref<1x128xi32, #tpu.memory_space<hbm>> -> memref<128xi32, #tpu.memory_space<hbm>>
    tpu.wait_dma2 semaphore(%arg19 : memref<!tpu.dma_semaphore, #tpu.memory_space<semaphore_mem>>) src(%dma_wait3A_285 : memref<128xi32, #tpu.memory_space<hbm>>) dst(%dma_wait3A_282 : memref<128xi32, #tpu.memory_space<vmem>>)
    %dma_start3A_286 = arith.constant 2 : i32
    %dma_start3A_287 = arith.constant 0 : i32
    %dma_start3A_288 = tpu.memref_slice %arg10[%dma_start3A_286, %dma_start3A_287] : memref<4x128xi32, #tpu.memory_space<vmem>> -> memref<1x128xi32, #tpu.memory_space<vmem>>
    %dma_start3A_289 = tpu.memref_squeeze %dma_start3A_288 : memref<1x128xi32, #tpu.memory_space<vmem>> -> memref<128xi32, #tpu.memory_space<vmem>>
    %dma_start3A_290 = arith.constant 0 : i32
    %dma_start3A_291 = arith.constant 0 : i32
    %dma_start3A_292 = tpu.memref_slice %arg2[%dma_start3A_290, %dma_start3A_291] : memref<10000x128xf32, #tpu.memory_space<hbm>> -> memref<10000x128xf32, #tpu.memory_space<hbm>>
    tpu.enqueue_indirect_dma source(%dma_start3A_292 : memref<10000x128xf32, #tpu.memory_space<hbm>>) target(%arg12 : memref<128x128xf32, #tpu.memory_space<vmem>>) offsets(%dma_start3A_289 : memref<128xi32, #tpu.memory_space<vmem>>) semaphore(%arg15 : memref<!tpu.dma_semaphore, #tpu.memory_space<semaphore_mem>>)
    %add3A_293 = arith.constant 96 : i32
    %add3A_294 = arith.addi %add3A, %add3A_293 : i32
    %dma_start3A_295 = arith.constant 3 : i32
    %dma_start3A_296 = arith.constant 0 : i32
    %dma_start3A_297 = tpu.memref_slice %arg10[%dma_start3A_295, %dma_start3A_296] : memref<4x128xi32, #tpu.memory_space<vmem>> -> memref<1x128xi32, #tpu.memory_space<vmem>>
    %dma_start3A_298 = tpu.memref_squeeze %dma_start3A_297 : memref<1x128xi32, #tpu.memory_space<vmem>> -> memref<128xi32, #tpu.memory_space<vmem>>
    %dma_start3A_299 = arith.constant 0 : i32
    %dma_start3A_300 = tpu.memref_slice %arg3[%add3A_294, %dma_start3A_299] : memref<2528x128xi32, #tpu.memory_space<hbm>> -> memref<1x128xi32, #tpu.memory_space<hbm>>
    %dma_start3A_301 = tpu.memref_squeeze %dma_start3A_300 : memref<1x128xi32, #tpu.memory_space<hbm>> -> memref<128xi32, #tpu.memory_space<hbm>>
    %dma_start3A_302 = arith.constant 0 : i32
    %dma_start3A_303 = tpu.memref_slice %arg10[%dma_start3A_295, %dma_start3A_302] : memref<4x128xi32, #tpu.memory_space<vmem>> -> memref<1x128xi32, #tpu.memory_space<vmem>>
    %dma_start3A_304 = tpu.memref_squeeze %dma_start3A_303 : memref<1x128xi32, #tpu.memory_space<vmem>> -> memref<128xi32, #tpu.memory_space<vmem>>
    %dma_start3A_305 = arith.constant 0 : i32
    %dma_start3A_306 = tpu.memref_slice %arg3[%add3A_294, %dma_start3A_305] : memref<2528x128xi32, #tpu.memory_space<hbm>> -> memref<1x128xi32, #tpu.memory_space<hbm>>
    %dma_start3A_307 = tpu.memref_squeeze %dma_start3A_306 : memref<1x128xi32, #tpu.memory_space<hbm>> -> memref<128xi32, #tpu.memory_space<hbm>>
    tpu.enqueue_dma source(%dma_start3A_307 : memref<128xi32, #tpu.memory_space<hbm>>) target(%dma_start3A_304 : memref<128xi32, #tpu.memory_space<vmem>>) target_semaphore(%arg20 : memref<!tpu.dma_semaphore, #tpu.memory_space<semaphore_mem>>)
    %dma_start3A_308 = arith.constant 3 : i32
    %dma_start3A_309 = arith.constant 0 : i32
    %dma_start3A_310 = tpu.memref_slice %arg11[%dma_start3A_308, %dma_start3A_309] : memref<4x128xi32, #tpu.memory_space<vmem>> -> memref<1x128xi32, #tpu.memory_space<vmem>>
    %dma_start3A_311 = tpu.memref_squeeze %dma_start3A_310 : memref<1x128xi32, #tpu.memory_space<vmem>> -> memref<128xi32, #tpu.memory_space<vmem>>
    %dma_start3A_312 = arith.constant 0 : i32
    %dma_start3A_313 = tpu.memref_slice %arg4[%add3A_294, %dma_start3A_312] : memref<2528x128xi32, #tpu.memory_space<hbm>> -> memref<1x128xi32, #tpu.memory_space<hbm>>
    %dma_start3A_314 = tpu.memref_squeeze %dma_start3A_313 : memref<1x128xi32, #tpu.memory_space<hbm>> -> memref<128xi32, #tpu.memory_space<hbm>>
    %dma_start3A_315 = arith.constant 0 : i32
    %dma_start3A_316 = tpu.memref_slice %arg11[%dma_start3A_308, %dma_start3A_315] : memref<4x128xi32, #tpu.memory_space<vmem>> -> memref<1x128xi32, #tpu.memory_space<vmem>>
    %dma_start3A_317 = tpu.memref_squeeze %dma_start3A_316 : memref<1x128xi32, #tpu.memory_space<vmem>> -> memref<128xi32, #tpu.memory_space<vmem>>
    %dma_start3A_318 = arith.constant 0 : i32
    %dma_start3A_319 = tpu.memref_slice %arg4[%add3A_294, %dma_start3A_318] : memref<2528x128xi32, #tpu.memory_space<hbm>> -> memref<1x128xi32, #tpu.memory_space<hbm>>
    %dma_start3A_320 = tpu.memref_squeeze %dma_start3A_319 : memref<1x128xi32, #tpu.memory_space<hbm>> -> memref<128xi32, #tpu.memory_space<hbm>>
    tpu.enqueue_dma source(%dma_start3A_320 : memref<128xi32, #tpu.memory_space<hbm>>) target(%dma_start3A_317 : memref<128xi32, #tpu.memory_space<vmem>>) target_semaphore(%arg20 : memref<!tpu.dma_semaphore, #tpu.memory_space<semaphore_mem>>)
    %get3A_321 = arith.constant 1 : i32
    %get3A_322 = arith.index_cast %get3A_321 : i32 to index
    %get3A_323 = arith.constant 0 : index
    %get3A_324 = tpu.vector_load %arg11[%get3A_322, %get3A_323] {strides = array<i32>} : memref<4x128xi32, #tpu.memory_space<vmem>>, vector<16xi32>,
    %shift_right_arithmetic3A_325 = arith.constant 4 : i32
    %shift_right_arithmetic3A_326 = vector.broadcast %shift_right_arithmetic3A_325 : i32 to vector<16xi32>
    %shift_right_arithmetic3A_327 = arith.shrsi %get3A_324, %shift_right_arithmetic3A_326 : vector<16xi32>
    %and3A_328 = arith.constant 15 : i32
    %and3A_329 = vector.broadcast %and3A_328 : i32 to vector<16xi32>
    %and3A_330 = arith.andi %get3A_324, %and3A_329 : vector<16xi32>
    tpu.vector_store_idx %arg21[%shift_right_arithmetic3A_327, %and3A_330], %broadcast_in_dim3A_7 {add = true} : memref<640x16xf32, #tpu.memory_space<vmem>>[vector<16xi32>, vector<16xi32>], vector<16xf32>,
    %get3A_331 = arith.constant 1 : i32
    %get3A_332 = arith.index_cast %get3A_331 : i32 to index
    %get3A_333 = arith.constant 16 : index
    %get3A_334 = tpu.vector_load %arg11[%get3A_332, %get3A_333] {strides = array<i32>} : memref<4x128xi32, #tpu.memory_space<vmem>>, vector<16xi32>,
    %shift_right_arithmetic3A_335 = arith.constant 4 : i32
    %shift_right_arithmetic3A_336 = vector.broadcast %shift_right_arithmetic3A_335 : i32 to vector<16xi32>
    %shift_right_arithmetic3A_337 = arith.shrsi %get3A_334, %shift_right_arithmetic3A_336 : vector<16xi32>
    %and3A_338 = arith.constant 15 : i32
    %and3A_339 = vector.broadcast %and3A_338 : i32 to vector<16xi32>
    %and3A_340 = arith.andi %get3A_334, %and3A_339 : vector<16xi32>
    tpu.vector_store_idx %arg21[%shift_right_arithmetic3A_337, %and3A_340], %broadcast_in_dim3A_7 {add = true} : memref<640x16xf32, #tpu.memory_space<vmem>>[vector<16xi32>, vector<16xi32>], vector<16xf32>,
    %get3A_341 = arith.constant 1 : i32
    %get3A_342 = arith.index_cast %get3A_341 : i32 to index
    %get3A_343 = arith.constant 32 : index
    %get3A_344 = tpu.vector_load %arg11[%get3A_342, %get3A_343] {strides = array<i32>} : memref<4x128xi32, #tpu.memory_space<vmem>>, vector<16xi32>,
    %shift_right_arithmetic3A_345 = arith.constant 4 : i32
    %shift_right_arithmetic3A_346 = vector.broadcast %shift_right_arithmetic3A_345 : i32 to vector<16xi32>
    %shift_right_arithmetic3A_347 = arith.shrsi %get3A_344, %shift_right_arithmetic3A_346 : vector<16xi32>
    %and3A_348 = arith.constant 15 : i32
    %and3A_349 = vector.broadcast %and3A_348 : i32 to vector<16xi32>
    %and3A_350 = arith.andi %get3A_344, %and3A_349 : vector<16xi32>
    tpu.vector_store_idx %arg21[%shift_right_arithmetic3A_347, %and3A_350], %broadcast_in_dim3A_7 {add = true} : memref<640x16xf32, #tpu.memory_space<vmem>>[vector<16xi32>, vector<16xi32>], vector<16xf32>,
    %get3A_351 = arith.constant 1 : i32
    %get3A_352 = arith.index_cast %get3A_351 : i32 to index
    %get3A_353 = arith.constant 48 : index
    %get3A_354 = tpu.vector_load %arg11[%get3A_352, %get3A_353] {strides = array<i32>} : memref<4x128xi32, #tpu.memory_space<vmem>>, vector<16xi32>,
    %shift_right_arithmetic3A_355 = arith.constant 4 : i32
    %shift_right_arithmetic3A_356 = vector.broadcast %shift_right_arithmetic3A_355 : i32 to vector<16xi32>
    %shift_right_arithmetic3A_357 = arith.shrsi %get3A_354, %shift_right_arithmetic3A_356 : vector<16xi32>
    %and3A_358 = arith.constant 15 : i32
    %and3A_359 = vector.broadcast %and3A_358 : i32 to vector<16xi32>
    %and3A_360 = arith.andi %get3A_354, %and3A_359 : vector<16xi32>
    tpu.vector_store_idx %arg21[%shift_right_arithmetic3A_357, %and3A_360], %broadcast_in_dim3A_7 {add = true} : memref<640x16xf32, #tpu.memory_space<vmem>>[vector<16xi32>, vector<16xi32>], vector<16xf32>,
    %get3A_361 = arith.constant 1 : i32
    %get3A_362 = arith.index_cast %get3A_361 : i32 to index
    %get3A_363 = arith.constant 64 : index
    %get3A_364 = tpu.vector_load %arg11[%get3A_362, %get3A_363] {strides = array<i32>} : memref<4x128xi32, #tpu.memory_space<vmem>>, vector<16xi32>,
    %shift_right_arithmetic3A_365 = arith.constant 4 : i32
    %shift_right_arithmetic3A_366 = vector.broadcast %shift_right_arithmetic3A_365 : i32 to vector<16xi32>
    %shift_right_arithmetic3A_367 = arith.shrsi %get3A_364, %shift_right_arithmetic3A_366 : vector<16xi32>
    %and3A_368 = arith.constant 15 : i32
    %and3A_369 = vector.broadcast %and3A_368 : i32 to vector<16xi32>
    %and3A_370 = arith.andi %get3A_364, %and3A_369 : vector<16xi32>
    tpu.vector_store_idx %arg21[%shift_right_arithmetic3A_367, %and3A_370], %broadcast_in_dim3A_7 {add = true} : memref<640x16xf32, #tpu.memory_space<vmem>>[vector<16xi32>, vector<16xi32>], vector<16xf32>,
    %get3A_371 = arith.constant 1 : i32
    %get3A_372 = arith.index_cast %get3A_371 : i32 to index
    %get3A_373 = arith.constant 80 : index
    %get3A_374 = tpu.vector_load %arg11[%get3A_372, %get3A_373] {strides = array<i32>} : memref<4x128xi32, #tpu.memory_space<vmem>>, vector<16xi32>,
    %shift_right_arithmetic3A_375 = arith.constant 4 : i32
    %shift_right_arithmetic3A_376 = vector.broadcast %shift_right_arithmetic3A_375 : i32 to vector<16xi32>
    %shift_right_arithmetic3A_377 = arith.shrsi %get3A_374, %shift_right_arithmetic3A_376 : vector<16xi32>
    %and3A_378 = arith.constant 15 : i32
    %and3A_379 = vector.broadcast %and3A_378 : i32 to vector<16xi32>
    %and3A_380 = arith.andi %get3A_374, %and3A_379 : vector<16xi32>
    tpu.vector_store_idx %arg21[%shift_right_arithmetic3A_377, %and3A_380], %broadcast_in_dim3A_7 {add = true} : memref<640x16xf32, #tpu.memory_space<vmem>>[vector<16xi32>, vector<16xi32>], vector<16xf32>,
    %get3A_381 = arith.constant 1 : i32
    %get3A_382 = arith.index_cast %get3A_381 : i32 to index
    %get3A_383 = arith.constant 96 : index
    %get3A_384 = tpu.vector_load %arg11[%get3A_382, %get3A_383] {strides = array<i32>} : memref<4x128xi32, #tpu.memory_space<vmem>>, vector<16xi32>,
    %shift_right_arithmetic3A_385 = arith.constant 4 : i32
    %shift_right_arithmetic3A_386 = vector.broadcast %shift_right_arithmetic3A_385 : i32 to vector<16xi32>
    %shift_right_arithmetic3A_387 = arith.shrsi %get3A_384, %shift_right_arithmetic3A_386 : vector<16xi32>
    %and3A_388 = arith.constant 15 : i32
    %and3A_389 = vector.broadcast %and3A_388 : i32 to vector<16xi32>
    %and3A_390 = arith.andi %get3A_384, %and3A_389 : vector<16xi32>
    tpu.vector_store_idx %arg21[%shift_right_arithmetic3A_387, %and3A_390], %broadcast_in_dim3A_7 {add = true} : memref<640x16xf32, #tpu.memory_space<vmem>>[vector<16xi32>, vector<16xi32>], vector<16xf32>,
    %get3A_391 = arith.constant 1 : i32
    %get3A_392 = arith.index_cast %get3A_391 : i32 to index
    %get3A_393 = arith.constant 112 : index
    %get3A_394 = tpu.vector_load %arg11[%get3A_392, %get3A_393] {strides = array<i32>} : memref<4x128xi32, #tpu.memory_space<vmem>>, vector<16xi32>,
    %shift_right_arithmetic3A_395 = arith.constant 4 : i32
    %shift_right_arithmetic3A_396 = vector.broadcast %shift_right_arithmetic3A_395 : i32 to vector<16xi32>
    %shift_right_arithmetic3A_397 = arith.shrsi %get3A_394, %shift_right_arithmetic3A_396 : vector<16xi32>
    %and3A_398 = arith.constant 15 : i32
    %and3A_399 = vector.broadcast %and3A_398 : i32 to vector<16xi32>
    %and3A_400 = arith.andi %get3A_394, %and3A_399 : vector<16xi32>
    tpu.vector_store_idx %arg21[%shift_right_arithmetic3A_397, %and3A_400], %broadcast_in_dim3A_7 {add = true} : memref<640x16xf32, #tpu.memory_space<vmem>>[vector<16xi32>, vector<16xi32>], vector<16xf32>,
    %dma_wait3A_401 = arith.constant 0 : i32
    %dma_wait3A_402 = arith.constant 0 : i32
    %dma_wait3A_403 = tpu.memref_slice %arg11[%dma_wait3A_401, %dma_wait3A_402] : memref<4x128xi32, #tpu.memory_space<vmem>> -> memref<1x128xi32, #tpu.memory_space<vmem>>
    %dma_wait3A_404 = tpu.memref_squeeze %dma_wait3A_403 : memref<1x128xi32, #tpu.memory_space<vmem>> -> memref<128xi32, #tpu.memory_space<vmem>>
    %dma_wait3A_405 = arith.constant 0 : i32
    %dma_wait3A_406 = arith.constant 0 : i32
    %dma_wait3A_407 = tpu.memref_slice %arg14[%dma_wait3A_405, %dma_wait3A_406] : memref<10240x128xf32, #tpu.memory_space<vmem_shared>> -> memref<10240x128xf32, #tpu.memory_space<vmem_shared>>
    tpu.wait_indirect_dma semaphore(%arg17 : memref<!tpu.dma_semaphore, #tpu.memory_space<semaphore_mem>>) src(%arg12 : memref<128x128xf32, #tpu.memory_space<vmem>>) dst(%dma_wait3A_407 : memref<10240x128xf32, #tpu.memory_space<vmem_shared>>)
    %dma_start3A_408 = arith.constant 1 : i32
    %dma_start3A_409 = arith.constant 0 : i32
    %dma_start3A_410 = tpu.memref_slice %arg11[%dma_start3A_408, %dma_start3A_409] : memref<4x128xi32, #tpu.memory_space<vmem>> -> memref<1x128xi32, #tpu.memory_space<vmem>>
    %dma_start3A_411 = tpu.memref_squeeze %dma_start3A_410 : memref<1x128xi32, #tpu.memory_space<vmem>> -> memref<128xi32, #tpu.memory_space<vmem>>
    %dma_start3A_412 = arith.constant 0 : i32
    %dma_start3A_413 = arith.constant 0 : i32
    %dma_start3A_414 = tpu.memref_slice %arg14[%dma_start3A_412, %dma_start3A_413] : memref<10240x128xf32, #tpu.memory_space<vmem_shared>> -> memref<10240x128xf32, #tpu.memory_space<vmem_shared>>
    tpu.enqueue_indirect_dma source(%arg13 : memref<128x128xf32, #tpu.memory_space<vmem>>) target(%dma_start3A_414 : memref<10240x128xf32, #tpu.memory_space<vmem_shared>>) offsets(%dma_start3A_411 : memref<128xi32, #tpu.memory_space<vmem>>) semaphore(%arg18 : memref<!tpu.dma_semaphore, #tpu.memory_space<semaphore_mem>>) {add = true}
    %dma_wait3A_415 = arith.constant 0 : i32
    %dma_wait3A_416 = arith.constant 0 : i32
    %dma_wait3A_417 = tpu.memref_slice %arg10[%dma_wait3A_415, %dma_wait3A_416] : memref<4x128xi32, #tpu.memory_space<vmem>> -> memref<1x128xi32, #tpu.memory_space<vmem>>
    %dma_wait3A_418 = tpu.memref_squeeze %dma_wait3A_417 : memref<1x128xi32, #tpu.memory_space<vmem>> -> memref<128xi32, #tpu.memory_space<vmem>>
    %dma_wait3A_419 = arith.constant 0 : i32
    %dma_wait3A_420 = arith.constant 0 : i32
    %dma_wait3A_421 = tpu.memref_slice %arg2[%dma_wait3A_419, %dma_wait3A_420] : memref<10000x128xf32, #tpu.memory_space<hbm>> -> memref<10000x128xf32, #tpu.memory_space<hbm>>
    tpu.wait_indirect_dma semaphore(%arg15 : memref<!tpu.dma_semaphore, #tpu.memory_space<semaphore_mem>>) src(%dma_wait3A_421 : memref<10000x128xf32, #tpu.memory_space<hbm>>) dst(%arg12 : memref<128x128xf32, #tpu.memory_space<vmem>>)
    %dma_wait3A_422 = arith.constant 0 : i32
    %dma_wait3A_423 = arith.constant 0 : i32
    %dma_wait3A_424 = arith.constant 0 : i32
    %dma_wait3A_425 = tpu.memref_slice %arg10[%dma_wait3A_423, %dma_wait3A_424] : memref<4x128xi32, #tpu.memory_space<vmem>> -> memref<1x128xi32, #tpu.memory_space<vmem>>
    %dma_wait3A_426 = tpu.memref_squeeze %dma_wait3A_425 : memref<1x128xi32, #tpu.memory_space<vmem>> -> memref<128xi32, #tpu.memory_space<vmem>>
    %dma_wait3A_427 = arith.constant 0 : i32
    %dma_wait3A_428 = tpu.memref_slice %arg3[%dma_wait3A_422, %dma_wait3A_427] : memref<2528x128xi32, #tpu.memory_space<hbm>> -> memref<1x128xi32, #tpu.memory_space<hbm>>
    %dma_wait3A_429 = tpu.memref_squeeze %dma_wait3A_428 : memref<1x128xi32, #tpu.memory_space<hbm>> -> memref<128xi32, #tpu.memory_space<hbm>>
    %dma_wait3A_430 = arith.constant 0 : i32
    %dma_wait3A_431 = tpu.memref_slice %arg10[%dma_wait3A_423, %dma_wait3A_430] : memref<4x128xi32, #tpu.memory_space<vmem>> -> memref<1x128xi32, #tpu.memory_space<vmem>>
    %dma_wait3A_432 = tpu.memref_squeeze %dma_wait3A_431 : memref<1x128xi32, #tpu.memory_space<vmem>> -> memref<128xi32, #tpu.memory_space<vmem>>
    %dma_wait3A_433 = arith.constant 0 : i32
    %dma_wait3A_434 = tpu.memref_slice %arg3[%dma_wait3A_422, %dma_wait3A_433] : memref<2528x128xi32, #tpu.memory_space<hbm>> -> memref<1x128xi32, #tpu.memory_space<hbm>>
    %dma_wait3A_435 = tpu.memref_squeeze %dma_wait3A_434 : memref<1x128xi32, #tpu.memory_space<hbm>> -> memref<128xi32, #tpu.memory_space<hbm>>
    tpu.wait_dma2 semaphore(%arg20 : memref<!tpu.dma_semaphore, #tpu.memory_space<semaphore_mem>>) src(%dma_wait3A_435 : memref<128xi32, #tpu.memory_space<hbm>>) dst(%dma_wait3A_432 : memref<128xi32, #tpu.memory_space<vmem>>)
    %dma_wait3A_436 = arith.constant 0 : i32
    %dma_wait3A_437 = arith.constant 0 : i32
    %dma_wait3A_438 = arith.constant 0 : i32
    %dma_wait3A_439 = tpu.memref_slice %arg11[%dma_wait3A_437, %dma_wait3A_438] : memref<4x128xi32, #tpu.memory_space<vmem>> -> memref<1x128xi32, #tpu.memory_space<vmem>>
    %dma_wait3A_440 = tpu.memref_squeeze %dma_wait3A_439 : memref<1x128xi32, #tpu.memory_space<vmem>> -> memref<128xi32, #tpu.memory_space<vmem>>
    %dma_wait3A_441 = arith.constant 0 : i32
    %dma_wait3A_442 = tpu.memref_slice %arg4[%dma_wait3A_436, %dma_wait3A_441] : memref<2528x128xi32, #tpu.memory_space<hbm>> -> memref<1x128xi32, #tpu.memory_space<hbm>>
    %dma_wait3A_443 = tpu.memref_squeeze %dma_wait3A_442 : memref<1x128xi32, #tpu.memory_space<hbm>> -> memref<128xi32, #tpu.memory_space<hbm>>
    %dma_wait3A_444 = arith.constant 0 : i32
    %dma_wait3A_445 = tpu.memref_slice %arg11[%dma_wait3A_437, %dma_wait3A_444] : memref<4x128xi32, #tpu.memory_space<vmem>> -> memref<1x128xi32, #tpu.memory_space<vmem>>
    %dma_wait3A_446 = tpu.memref_squeeze %dma_wait3A_445 : memref<1x128xi32, #tpu.memory_space<vmem>> -> memref<128xi32, #tpu.memory_space<vmem>>
    %dma_wait3A_447 = arith.constant 0 : i32
    %dma_wait3A_448 = tpu.memref_slice %arg4[%dma_wait3A_436, %dma_wait3A_447] : memref<2528x128xi32, #tpu.memory_space<hbm>> -> memref<1x128xi32, #tpu.memory_space<hbm>>
    %dma_wait3A_449 = tpu.memref_squeeze %dma_wait3A_448 : memref<1x128xi32, #tpu.memory_space<hbm>> -> memref<128xi32, #tpu.memory_space<hbm>>
    tpu.wait_dma2 semaphore(%arg20 : memref<!tpu.dma_semaphore, #tpu.memory_space<semaphore_mem>>) src(%dma_wait3A_449 : memref<128xi32, #tpu.memory_space<hbm>>) dst(%dma_wait3A_446 : memref<128xi32, #tpu.memory_space<vmem>>)
    %dma_start3A_450 = arith.constant 3 : i32
    %dma_start3A_451 = arith.constant 0 : i32
    %dma_start3A_452 = tpu.memref_slice %arg10[%dma_start3A_450, %dma_start3A_451] : memref<4x128xi32, #tpu.memory_space<vmem>> -> memref<1x128xi32, #tpu.memory_space<vmem>>
    %dma_start3A_453 = tpu.memref_squeeze %dma_start3A_452 : memref<1x128xi32, #tpu.memory_space<vmem>> -> memref<128xi32, #tpu.memory_space<vmem>>
    %dma_start3A_454 = arith.constant 0 : i32
    %dma_start3A_455 = arith.constant 0 : i32
    %dma_start3A_456 = tpu.memref_slice %arg2[%dma_start3A_454, %dma_start3A_455] : memref<10000x128xf32, #tpu.memory_space<hbm>> -> memref<10000x128xf32, #tpu.memory_space<hbm>>
    tpu.enqueue_indirect_dma source(%dma_start3A_456 : memref<10000x128xf32, #tpu.memory_space<hbm>>) target(%arg13 : memref<128x128xf32, #tpu.memory_space<vmem>>) offsets(%dma_start3A_453 : memref<128xi32, #tpu.memory_space<vmem>>) semaphore(%arg16 : memref<!tpu.dma_semaphore, #tpu.memory_space<semaphore_mem>>)
    %add3A_457 = arith.constant 128 : i32
    %add3A_458 = arith.addi %add3A, %add3A_457 : i32
    %dma_start3A_459 = arith.constant 0 : i32
    %dma_start3A_460 = arith.constant 0 : i32
    %dma_start3A_461 = tpu.memref_slice %arg10[%dma_start3A_459, %dma_start3A_460] : memref<4x128xi32, #tpu.memory_space<vmem>> -> memref<1x128xi32, #tpu.memory_space<vmem>>
    %dma_start3A_462 = tpu.memref_squeeze %dma_start3A_461 : memref<1x128xi32, #tpu.memory_space<vmem>> -> memref<128xi32, #tpu.memory_space<vmem>>
    %dma_start3A_463 = arith.constant 0 : i32
    %dma_start3A_464 = tpu.memref_slice %arg3[%add3A_458, %dma_start3A_463] : memref<2528x128xi32, #tpu.memory_space<hbm>> -> memref<1x128xi32, #tpu.memory_space<hbm>>
    %dma_start3A_465 = tpu.memref_squeeze %dma_start3A_464 : memref<1x128xi32, #tpu.memory_space<hbm>> -> memref<128xi32, #tpu.memory_space<hbm>>
    %dma_start3A_466 = arith.constant 0 : i32
    %dma_start3A_467 = tpu.memref_slice %arg10[%dma_start3A_459, %dma_start3A_466] : memref<4x128xi32, #tpu.memory_space<vmem>> -> memref<1x128xi32, #tpu.memory_space<vmem>>
    %dma_start3A_468 = tpu.memref_squeeze %dma_start3A_467 : memref<1x128xi32, #tpu.memory_space<vmem>> -> memref<128xi32, #tpu.memory_space<vmem>>
    %dma_start3A_469 = arith.constant 0 : i32
    %dma_start3A_470 = tpu.memref_slice %arg3[%add3A_458, %dma_start3A_469] : memref<2528x128xi32, #tpu.memory_space<hbm>> -> memref<1x128xi32, #tpu.memory_space<hbm>>
    %dma_start3A_471 = tpu.memref_squeeze %dma_start3A_470 : memref<1x128xi32, #tpu.memory_space<hbm>> -> memref<128xi32, #tpu.memory_space<hbm>>
    tpu.enqueue_dma source(%dma_start3A_471 : memref<128xi32, #tpu.memory_space<hbm>>) target(%dma_start3A_468 : memref<128xi32, #tpu.memory_space<vmem>>) target_semaphore(%arg19 : memref<!tpu.dma_semaphore, #tpu.memory_space<semaphore_mem>>)
    %dma_start3A_472 = arith.constant 0 : i32
    %dma_start3A_473 = arith.constant 0 : i32
    %dma_start3A_474 = tpu.memref_slice %arg11[%dma_start3A_472, %dma_start3A_473] : memref<4x128xi32, #tpu.memory_space<vmem>> -> memref<1x128xi32, #tpu.memory_space<vmem>>
    %dma_start3A_475 = tpu.memref_squeeze %dma_start3A_474 : memref<1x128xi32, #tpu.memory_space<vmem>> -> memref<128xi32, #tpu.memory_space<vmem>>
    %dma_start3A_476 = arith.constant 0 : i32
    %dma_start3A_477 = tpu.memref_slice %arg4[%add3A_458, %dma_start3A_476] : memref<2528x128xi32, #tpu.memory_space<hbm>> -> memref<1x128xi32, #tpu.memory_space<hbm>>
    %dma_start3A_478 = tpu.memref_squeeze %dma_start3A_477 : memref<1x128xi32, #tpu.memory_space<hbm>> -> memref<128xi32, #tpu.memory_space<hbm>>
    %dma_start3A_479 = arith.constant 0 : i32
    %dma_start3A_480 = tpu.memref_slice %arg11[%dma_start3A_472, %dma_start3A_479] : memref<4x128xi32, #tpu.memory_space<vmem>> -> memref<1x128xi32, #tpu.memory_space<vmem>>
    %dma_start3A_481 = tpu.memref_squeeze %dma_start3A_480 : memref<1x128xi32, #tpu.memory_space<vmem>> -> memref<128xi32, #tpu.memory_space<vmem>>
    %dma_start3A_482 = arith.constant 0 : i32
    %dma_start3A_483 = tpu.memref_slice %arg4[%add3A_458, %dma_start3A_482] : memref<2528x128xi32, #tpu.memory_space<hbm>> -> memref<1x128xi32, #tpu.memory_space<hbm>>
    %dma_start3A_484 = tpu.memref_squeeze %dma_start3A_483 : memref<1x128xi32, #tpu.memory_space<hbm>> -> memref<128xi32, #tpu.memory_space<hbm>>
    tpu.enqueue_dma source(%dma_start3A_484 : memref<128xi32, #tpu.memory_space<hbm>>) target(%dma_start3A_481 : memref<128xi32, #tpu.memory_space<vmem>>) target_semaphore(%arg19 : memref<!tpu.dma_semaphore, #tpu.memory_space<semaphore_mem>>)
    %get3A_485 = arith.constant 2 : i32
    %get3A_486 = arith.index_cast %get3A_485 : i32 to index
    %get3A_487 = arith.constant 0 : index
    %get3A_488 = tpu.vector_load %arg11[%get3A_486, %get3A_487] {strides = array<i32>} : memref<4x128xi32, #tpu.memory_space<vmem>>, vector<16xi32>,
    %shift_right_arithmetic3A_489 = arith.constant 4 : i32
    %shift_right_arithmetic3A_490 = vector.broadcast %shift_right_arithmetic3A_489 : i32 to vector<16xi32>
    %shift_right_arithmetic3A_491 = arith.shrsi %get3A_488, %shift_right_arithmetic3A_490 : vector<16xi32>
    %and3A_492 = arith.constant 15 : i32
    %and3A_493 = vector.broadcast %and3A_492 : i32 to vector<16xi32>
    %and3A_494 = arith.andi %get3A_488, %and3A_493 : vector<16xi32>
    tpu.vector_store_idx %arg21[%shift_right_arithmetic3A_491, %and3A_494], %broadcast_in_dim3A_7 {add = true} : memref<640x16xf32, #tpu.memory_space<vmem>>[vector<16xi32>, vector<16xi32>], vector<16xf32>,
    %get3A_495 = arith.constant 2 : i32
    %get3A_496 = arith.index_cast %get3A_495 : i32 to index
    %get3A_497 = arith.constant 16 : index
    %get3A_498 = tpu.vector_load %arg11[%get3A_496, %get3A_497] {strides = array<i32>} : memref<4x128xi32, #tpu.memory_space<vmem>>, vector<16xi32>,
    %shift_right_arithmetic3A_499 = arith.constant 4 : i32
    %shift_right_arithmetic3A_500 = vector.broadcast %shift_right_arithmetic3A_499 : i32 to vector<16xi32>
    %shift_right_arithmetic3A_501 = arith.shrsi %get3A_498, %shift_right_arithmetic3A_500 : vector<16xi32>
    %and3A_502 = arith.constant 15 : i32
    %and3A_503 = vector.broadcast %and3A_502 : i32 to vector<16xi32>
    %and3A_504 = arith.andi %get3A_498, %and3A_503 : vector<16xi32>
    tpu.vector_store_idx %arg21[%shift_right_arithmetic3A_501, %and3A_504], %broadcast_in_dim3A_7 {add = true} : memref<640x16xf32, #tpu.memory_space<vmem>>[vector<16xi32>, vector<16xi32>], vector<16xf32>,
    %get3A_505 = arith.constant 2 : i32
    %get3A_506 = arith.index_cast %get3A_505 : i32 to index
    %get3A_507 = arith.constant 32 : index
    %get3A_508 = tpu.vector_load %arg11[%get3A_506, %get3A_507] {strides = array<i32>} : memref<4x128xi32, #tpu.memory_space<vmem>>, vector<16xi32>,
    %shift_right_arithmetic3A_509 = arith.constant 4 : i32
    %shift_right_arithmetic3A_510 = vector.broadcast %shift_right_arithmetic3A_509 : i32 to vector<16xi32>
    %shift_right_arithmetic3A_511 = arith.shrsi %get3A_508, %shift_right_arithmetic3A_510 : vector<16xi32>
    %and3A_512 = arith.constant 15 : i32
    %and3A_513 = vector.broadcast %and3A_512 : i32 to vector<16xi32>
    %and3A_514 = arith.andi %get3A_508, %and3A_513 : vector<16xi32>
    tpu.vector_store_idx %arg21[%shift_right_arithmetic3A_511, %and3A_514], %broadcast_in_dim3A_7 {add = true} : memref<640x16xf32, #tpu.memory_space<vmem>>[vector<16xi32>, vector<16xi32>], vector<16xf32>,
    %get3A_515 = arith.constant 2 : i32
    %get3A_516 = arith.index_cast %get3A_515 : i32 to index
    %get3A_517 = arith.constant 48 : index
    %get3A_518 = tpu.vector_load %arg11[%get3A_516, %get3A_517] {strides = array<i32>} : memref<4x128xi32, #tpu.memory_space<vmem>>, vector<16xi32>,
    %shift_right_arithmetic3A_519 = arith.constant 4 : i32
    %shift_right_arithmetic3A_520 = vector.broadcast %shift_right_arithmetic3A_519 : i32 to vector<16xi32>
    %shift_right_arithmetic3A_521 = arith.shrsi %get3A_518, %shift_right_arithmetic3A_520 : vector<16xi32>
    %and3A_522 = arith.constant 15 : i32
    %and3A_523 = vector.broadcast %and3A_522 : i32 to vector<16xi32>
    %and3A_524 = arith.andi %get3A_518, %and3A_523 : vector<16xi32>
    tpu.vector_store_idx %arg21[%shift_right_arithmetic3A_521, %and3A_524], %broadcast_in_dim3A_7 {add = true} : memref<640x16xf32, #tpu.memory_space<vmem>>[vector<16xi32>, vector<16xi32>], vector<16xf32>,
    %get3A_525 = arith.constant 2 : i32
    %get3A_526 = arith.index_cast %get3A_525 : i32 to index
    %get3A_527 = arith.constant 64 : index
    %get3A_528 = tpu.vector_load %arg11[%get3A_526, %get3A_527] {strides = array<i32>} : memref<4x128xi32, #tpu.memory_space<vmem>>, vector<16xi32>,
    %shift_right_arithmetic3A_529 = arith.constant 4 : i32
    %shift_right_arithmetic3A_530 = vector.broadcast %shift_right_arithmetic3A_529 : i32 to vector<16xi32>
    %shift_right_arithmetic3A_531 = arith.shrsi %get3A_528, %shift_right_arithmetic3A_530 : vector<16xi32>
    %and3A_532 = arith.constant 15 : i32
    %and3A_533 = vector.broadcast %and3A_532 : i32 to vector<16xi32>
    %and3A_534 = arith.andi %get3A_528, %and3A_533 : vector<16xi32>
    tpu.vector_store_idx %arg21[%shift_right_arithmetic3A_531, %and3A_534], %broadcast_in_dim3A_7 {add = true} : memref<640x16xf32, #tpu.memory_space<vmem>>[vector<16xi32>, vector<16xi32>], vector<16xf32>,
    %get3A_535 = arith.constant 2 : i32
    %get3A_536 = arith.index_cast %get3A_535 : i32 to index
    %get3A_537 = arith.constant 80 : index
    %get3A_538 = tpu.vector_load %arg11[%get3A_536, %get3A_537] {strides = array<i32>} : memref<4x128xi32, #tpu.memory_space<vmem>>, vector<16xi32>,
    %shift_right_arithmetic3A_539 = arith.constant 4 : i32
    %shift_right_arithmetic3A_540 = vector.broadcast %shift_right_arithmetic3A_539 : i32 to vector<16xi32>
    %shift_right_arithmetic3A_541 = arith.shrsi %get3A_538, %shift_right_arithmetic3A_540 : vector<16xi32>
    %and3A_542 = arith.constant 15 : i32
    %and3A_543 = vector.broadcast %and3A_542 : i32 to vector<16xi32>
    %and3A_544 = arith.andi %get3A_538, %and3A_543 : vector<16xi32>
    tpu.vector_store_idx %arg21[%shift_right_arithmetic3A_541, %and3A_544], %broadcast_in_dim3A_7 {add = true} : memref<640x16xf32, #tpu.memory_space<vmem>>[vector<16xi32>, vector<16xi32>], vector<16xf32>,
    %get3A_545 = arith.constant 2 : i32
    %get3A_546 = arith.index_cast %get3A_545 : i32 to index
    %get3A_547 = arith.constant 96 : index
    %get3A_548 = tpu.vector_load %arg11[%get3A_546, %get3A_547] {strides = array<i32>} : memref<4x128xi32, #tpu.memory_space<vmem>>, vector<16xi32>,
    %shift_right_arithmetic3A_549 = arith.constant 4 : i32
    %shift_right_arithmetic3A_550 = vector.broadcast %shift_right_arithmetic3A_549 : i32 to vector<16xi32>
    %shift_right_arithmetic3A_551 = arith.shrsi %get3A_548, %shift_right_arithmetic3A_550 : vector<16xi32>
    %and3A_552 = arith.constant 15 : i32
    %and3A_553 = vector.broadcast %and3A_552 : i32 to vector<16xi32>
    %and3A_554 = arith.andi %get3A_548, %and3A_553 : vector<16xi32>
    tpu.vector_store_idx %arg21[%shift_right_arithmetic3A_551, %and3A_554], %broadcast_in_dim3A_7 {add = true} : memref<640x16xf32, #tpu.memory_space<vmem>>[vector<16xi32>, vector<16xi32>], vector<16xf32>,
    %get3A_555 = arith.constant 2 : i32
    %get3A_556 = arith.index_cast %get3A_555 : i32 to index
    %get3A_557 = arith.constant 112 : index
    %get3A_558 = tpu.vector_load %arg11[%get3A_556, %get3A_557] {strides = array<i32>} : memref<4x128xi32, #tpu.memory_space<vmem>>, vector<16xi32>,
    %shift_right_arithmetic3A_559 = arith.constant 4 : i32
    %shift_right_arithmetic3A_560 = vector.broadcast %shift_right_arithmetic3A_559 : i32 to vector<16xi32>
    %shift_right_arithmetic3A_561 = arith.shrsi %get3A_558, %shift_right_arithmetic3A_560 : vector<16xi32>
    %and3A_562 = arith.constant 15 : i32
    %and3A_563 = vector.broadcast %and3A_562 : i32 to vector<16xi32>
    %and3A_564 = arith.andi %get3A_558, %and3A_563 : vector<16xi32>
    tpu.vector_store_idx %arg21[%shift_right_arithmetic3A_561, %and3A_564], %broadcast_in_dim3A_7 {add = true} : memref<640x16xf32, #tpu.memory_space<vmem>>[vector<16xi32>, vector<16xi32>], vector<16xf32>,
    %dma_wait3A_565 = arith.constant 0 : i32
    %dma_wait3A_566 = arith.constant 0 : i32
    %dma_wait3A_567 = tpu.memref_slice %arg11[%dma_wait3A_565, %dma_wait3A_566] : memref<4x128xi32, #tpu.memory_space<vmem>> -> memref<1x128xi32, #tpu.memory_space<vmem>>
    %dma_wait3A_568 = tpu.memref_squeeze %dma_wait3A_567 : memref<1x128xi32, #tpu.memory_space<vmem>> -> memref<128xi32, #tpu.memory_space<vmem>>
    %dma_wait3A_569 = arith.constant 0 : i32
    %dma_wait3A_570 = arith.constant 0 : i32
    %dma_wait3A_571 = tpu.memref_slice %arg14[%dma_wait3A_569, %dma_wait3A_570] : memref<10240x128xf32, #tpu.memory_space<vmem_shared>> -> memref<10240x128xf32, #tpu.memory_space<vmem_shared>>
    tpu.wait_indirect_dma semaphore(%arg18 : memref<!tpu.dma_semaphore, #tpu.memory_space<semaphore_mem>>) src(%arg13 : memref<128x128xf32, #tpu.memory_space<vmem>>) dst(%dma_wait3A_571 : memref<10240x128xf32, #tpu.memory_space<vmem_shared>>)
    %dma_start3A_572 = arith.constant 2 : i32
    %dma_start3A_573 = arith.constant 0 : i32
    %dma_start3A_574 = tpu.memref_slice %arg11[%dma_start3A_572, %dma_start3A_573] : memref<4x128xi32, #tpu.memory_space<vmem>> -> memref<1x128xi32, #tpu.memory_space<vmem>>
    %dma_start3A_575 = tpu.memref_squeeze %dma_start3A_574 : memref<1x128xi32, #tpu.memory_space<vmem>> -> memref<128xi32, #tpu.memory_space<vmem>>
    %dma_start3A_576 = arith.constant 0 : i32
    %dma_start3A_577 = arith.constant 0 : i32
    %dma_start3A_578 = tpu.memref_slice %arg14[%dma_start3A_576, %dma_start3A_577] : memref<10240x128xf32, #tpu.memory_space<vmem_shared>> -> memref<10240x128xf32, #tpu.memory_space<vmem_shared>>
    tpu.enqueue_indirect_dma source(%arg12 : memref<128x128xf32, #tpu.memory_space<vmem>>) target(%dma_start3A_578 : memref<10240x128xf32, #tpu.memory_space<vmem_shared>>) offsets(%dma_start3A_575 : memref<128xi32, #tpu.memory_space<vmem>>) semaphore(%arg17 : memref<!tpu.dma_semaphore, #tpu.memory_space<semaphore_mem>>) {add = true}
    %scan3A = arith.constant 0 : i32
    %scan3A_579 = arith.constant 0 : i32
    %scan3A_580 = arith.constant 18 : i32
    %scan3A_581 = arith.addi %scan3A_579, %scan3A_580 : i32
    %scan3A_582 = arith.constant 1 : i32
    scf.for %scan3A_1171 = %scan3A_579 to %scan3A_581 step %scan3A_582  : i32 {
      %mul3A_1172 = arith.constant 4 : i32
      %mul3A_1173 = arith.muli %mul3A_1172, %scan3A_1171 : i32
      %add3A_1174 = arith.constant 3 : i32
      %add3A_1175 = arith.addi %add3A_1174, %mul3A_1173 : i32
      %add3A_1176 = arith.constant 0 : i32
      %add3A_1177 = arith.addi %add3A_1175, %add3A_1176 : i32
      %dma_wait3A_1178 = arith.constant 0 : i32
      %dma_wait3A_1179 = arith.constant 0 : i32
      %dma_wait3A_1180 = tpu.memref_slice %arg10[%dma_wait3A_1178, %dma_wait3A_1179] : memref<4x128xi32, #tpu.memory_space<vmem>> -> memref<1x128xi32, #tpu.memory_space<vmem>>
      %dma_wait3A_1181 = tpu.memref_squeeze %dma_wait3A_1180 : memref<1x128xi32, #tpu.memory_space<vmem>> -> memref<128xi32, #tpu.memory_space<vmem>>
      %dma_wait3A_1182 = arith.constant 0 : i32
      %dma_wait3A_1183 = arith.constant 0 : i32
      %dma_wait3A_1184 = tpu.memref_slice %arg2[%dma_wait3A_1182, %dma_wait3A_1183] : memref<10000x128xf32, #tpu.memory_space<hbm>> -> memref<10000x128xf32, #tpu.memory_space<hbm>>
      tpu.wait_indirect_dma semaphore(%arg16 : memref<!tpu.dma_semaphore, #tpu.memory_space<semaphore_mem>>) src(%dma_wait3A_1184 : memref<10000x128xf32, #tpu.memory_space<hbm>>) dst(%arg13 : memref<128x128xf32, #tpu.memory_space<vmem>>)
      %dma_wait3A_1185 = arith.constant 0 : i32
      %dma_wait3A_1186 = arith.constant 0 : i32
      %dma_wait3A_1187 = arith.constant 0 : i32
      %dma_wait3A_1188 = tpu.memref_slice %arg10[%dma_wait3A_1186, %dma_wait3A_1187] : memref<4x128xi32, #tpu.memory_space<vmem>> -> memref<1x128xi32, #tpu.memory_space<vmem>>
      %dma_wait3A_1189 = tpu.memref_squeeze %dma_wait3A_1188 : memref<1x128xi32, #tpu.memory_space<vmem>> -> memref<128xi32, #tpu.memory_space<vmem>>
      %dma_wait3A_1190 = arith.constant 0 : i32
      %dma_wait3A_1191 = tpu.memref_slice %arg3[%dma_wait3A_1185, %dma_wait3A_1190] : memref<2528x128xi32, #tpu.memory_space<hbm>> -> memref<1x128xi32, #tpu.memory_space<hbm>>
      %dma_wait3A_1192 = tpu.memref_squeeze %dma_wait3A_1191 : memref<1x128xi32, #tpu.memory_space<hbm>> -> memref<128xi32, #tpu.memory_space<hbm>>
      %dma_wait3A_1193 = arith.constant 0 : i32
      %dma_wait3A_1194 = tpu.memref_slice %arg10[%dma_wait3A_1186, %dma_wait3A_1193] : memref<4x128xi32, #tpu.memory_space<vmem>> -> memref<1x128xi32, #tpu.memory_space<vmem>>
      %dma_wait3A_1195 = tpu.memref_squeeze %dma_wait3A_1194 : memref<1x128xi32, #tpu.memory_space<vmem>> -> memref<128xi32, #tpu.memory_space<vmem>>
      %dma_wait3A_1196 = arith.constant 0 : i32
      %dma_wait3A_1197 = tpu.memref_slice %arg3[%dma_wait3A_1185, %dma_wait3A_1196] : memref<2528x128xi32, #tpu.memory_space<hbm>> -> memref<1x128xi32, #tpu.memory_space<hbm>>
      %dma_wait3A_1198 = tpu.memref_squeeze %dma_wait3A_1197 : memref<1x128xi32, #tpu.memory_space<hbm>> -> memref<128xi32, #tpu.memory_space<hbm>>
      tpu.wait_dma2 semaphore(%arg19 : memref<!tpu.dma_semaphore, #tpu.memory_space<semaphore_mem>>) src(%dma_wait3A_1198 : memref<128xi32, #tpu.memory_space<hbm>>) dst(%dma_wait3A_1195 : memref<128xi32, #tpu.memory_space<vmem>>)
      %dma_wait3A_1199 = arith.constant 0 : i32
      %dma_wait3A_1200 = arith.constant 0 : i32
      %dma_wait3A_1201 = arith.constant 0 : i32
      %dma_wait3A_1202 = tpu.memref_slice %arg11[%dma_wait3A_1200, %dma_wait3A_1201] : memref<4x128xi32, #tpu.memory_space<vmem>> -> memref<1x128xi32, #tpu.memory_space<vmem>>
      %dma_wait3A_1203 = tpu.memref_squeeze %dma_wait3A_1202 : memref<1x128xi32, #tpu.memory_space<vmem>> -> memref<128xi32, #tpu.memory_space<vmem>>
      %dma_wait3A_1204 = arith.constant 0 : i32
      %dma_wait3A_1205 = tpu.memref_slice %arg4[%dma_wait3A_1199, %dma_wait3A_1204] : memref<2528x128xi32, #tpu.memory_space<hbm>> -> memref<1x128xi32, #tpu.memory_space<hbm>>
      %dma_wait3A_1206 = tpu.memref_squeeze %dma_wait3A_1205 : memref<1x128xi32, #tpu.memory_space<hbm>> -> memref<128xi32, #tpu.memory_space<hbm>>
      %dma_wait3A_1207 = arith.constant 0 : i32
      %dma_wait3A_1208 = tpu.memref_slice %arg11[%dma_wait3A_1200, %dma_wait3A_1207] : memref<4x128xi32, #tpu.memory_space<vmem>> -> memref<1x128xi32, #tpu.memory_space<vmem>>
      %dma_wait3A_1209 = tpu.memref_squeeze %dma_wait3A_1208 : memref<1x128xi32, #tpu.memory_space<vmem>> -> memref<128xi32, #tpu.memory_space<vmem>>
      %dma_wait3A_1210 = arith.constant 0 : i32
      %dma_wait3A_1211 = tpu.memref_slice %arg4[%dma_wait3A_1199, %dma_wait3A_1210] : memref<2528x128xi32, #tpu.memory_space<hbm>> -> memref<1x128xi32, #tpu.memory_space<hbm>>
      %dma_wait3A_1212 = tpu.memref_squeeze %dma_wait3A_1211 : memref<1x128xi32, #tpu.memory_space<hbm>> -> memref<128xi32, #tpu.memory_space<hbm>>
      tpu.wait_dma2 semaphore(%arg19 : memref<!tpu.dma_semaphore, #tpu.memory_space<semaphore_mem>>) src(%dma_wait3A_1212 : memref<128xi32, #tpu.memory_space<hbm>>) dst(%dma_wait3A_1209 : memref<128xi32, #tpu.memory_space<vmem>>)
      %dma_start3A_1213 = arith.constant 0 : i32
      %dma_start3A_1214 = arith.constant 0 : i32
      %dma_start3A_1215 = tpu.memref_slice %arg10[%dma_start3A_1213, %dma_start3A_1214] : memref<4x128xi32, #tpu.memory_space<vmem>> -> memref<1x128xi32, #tpu.memory_space<vmem>>
      %dma_start3A_1216 = tpu.memref_squeeze %dma_start3A_1215 : memref<1x128xi32, #tpu.memory_space<vmem>> -> memref<128xi32, #tpu.memory_space<vmem>>
      %dma_start3A_1217 = arith.constant 0 : i32
      %dma_start3A_1218 = arith.constant 0 : i32
      %dma_start3A_1219 = tpu.memref_slice %arg2[%dma_start3A_1217, %dma_start3A_1218] : memref<10000x128xf32, #tpu.memory_space<hbm>> -> memref<10000x128xf32, #tpu.memory_space<hbm>>
      tpu.enqueue_indirect_dma source(%dma_start3A_1219 : memref<10000x128xf32, #tpu.memory_space<hbm>>) target(%arg12 : memref<128x128xf32, #tpu.memory_space<vmem>>) offsets(%dma_start3A_1216 : memref<128xi32, #tpu.memory_space<vmem>>) semaphore(%arg15 : memref<!tpu.dma_semaphore, #tpu.memory_space<semaphore_mem>>)
      %add3A_1220 = arith.constant 2 : i32
      %add3A_1221 = arith.addi %add3A_1177, %add3A_1220 : i32
      %mul3A_1222 = arith.constant 32 : i32
      %mul3A_1223 = arith.muli %add3A_1221, %mul3A_1222 : i32
      %add3A_1224 = arith.addi %add3A, %mul3A_1223 : i32
      %dma_start3A_1225 = arith.constant 1 : i32
      %dma_start3A_1226 = arith.constant 0 : i32
      %dma_start3A_1227 = tpu.memref_slice %arg10[%dma_start3A_1225, %dma_start3A_1226] : memref<4x128xi32, #tpu.memory_space<vmem>> -> memref<1x128xi32, #tpu.memory_space<vmem>>
      %dma_start3A_1228 = tpu.memref_squeeze %dma_start3A_1227 : memref<1x128xi32, #tpu.memory_space<vmem>> -> memref<128xi32, #tpu.memory_space<vmem>>
      %dma_start3A_1229 = arith.constant 0 : i32
      %dma_start3A_1230 = tpu.memref_slice %arg3[%add3A_1224, %dma_start3A_1229] : memref<2528x128xi32, #tpu.memory_space<hbm>> -> memref<1x128xi32, #tpu.memory_space<hbm>>
      %dma_start3A_1231 = tpu.memref_squeeze %dma_start3A_1230 : memref<1x128xi32, #tpu.memory_space<hbm>> -> memref<128xi32, #tpu.memory_space<hbm>>
      %dma_start3A_1232 = arith.constant 0 : i32
      %dma_start3A_1233 = tpu.memref_slice %arg10[%dma_start3A_1225, %dma_start3A_1232] : memref<4x128xi32, #tpu.memory_space<vmem>> -> memref<1x128xi32, #tpu.memory_space<vmem>>
      %dma_start3A_1234 = tpu.memref_squeeze %dma_start3A_1233 : memref<1x128xi32, #tpu.memory_space<vmem>> -> memref<128xi32, #tpu.memory_space<vmem>>
      %dma_start3A_1235 = arith.constant 0 : i32
      %dma_start3A_1236 = tpu.memref_slice %arg3[%add3A_1224, %dma_start3A_1235] : memref<2528x128xi32, #tpu.memory_space<hbm>> -> memref<1x128xi32, #tpu.memory_space<hbm>>
      %dma_start3A_1237 = tpu.memref_squeeze %dma_start3A_1236 : memref<1x128xi32, #tpu.memory_space<hbm>> -> memref<128xi32, #tpu.memory_space<hbm>>
      tpu.enqueue_dma source(%dma_start3A_1237 : memref<128xi32, #tpu.memory_space<hbm>>) target(%dma_start3A_1234 : memref<128xi32, #tpu.memory_space<vmem>>) target_semaphore(%arg20 : memref<!tpu.dma_semaphore, #tpu.memory_space<semaphore_mem>>)
      %dma_start3A_1238 = arith.constant 1 : i32
      %dma_start3A_1239 = arith.constant 0 : i32
      %dma_start3A_1240 = tpu.memref_slice %arg11[%dma_start3A_1238, %dma_start3A_1239] : memref<4x128xi32, #tpu.memory_space<vmem>> -> memref<1x128xi32, #tpu.memory_space<vmem>>
      %dma_start3A_1241 = tpu.memref_squeeze %dma_start3A_1240 : memref<1x128xi32, #tpu.memory_space<vmem>> -> memref<128xi32, #tpu.memory_space<vmem>>
      %dma_start3A_1242 = arith.constant 0 : i32
      %dma_start3A_1243 = tpu.memref_slice %arg4[%add3A_1224, %dma_start3A_1242] : memref<2528x128xi32, #tpu.memory_space<hbm>> -> memref<1x128xi32, #tpu.memory_space<hbm>>
      %dma_start3A_1244 = tpu.memref_squeeze %dma_start3A_1243 : memref<1x128xi32, #tpu.memory_space<hbm>> -> memref<128xi32, #tpu.memory_space<hbm>>
      %dma_start3A_1245 = arith.constant 0 : i32
      %dma_start3A_1246 = tpu.memref_slice %arg11[%dma_start3A_1238, %dma_start3A_1245] : memref<4x128xi32, #tpu.memory_space<vmem>> -> memref<1x128xi32, #tpu.memory_space<vmem>>
      %dma_start3A_1247 = tpu.memref_squeeze %dma_start3A_1246 : memref<1x128xi32, #tpu.memory_space<vmem>> -> memref<128xi32, #tpu.memory_space<vmem>>
      %dma_start3A_1248 = arith.constant 0 : i32
      %dma_start3A_1249 = tpu.memref_slice %arg4[%add3A_1224, %dma_start3A_1248] : memref<2528x128xi32, #tpu.memory_space<hbm>> -> memref<1x128xi32, #tpu.memory_space<hbm>>
      %dma_start3A_1250 = tpu.memref_squeeze %dma_start3A_1249 : memref<1x128xi32, #tpu.memory_space<hbm>> -> memref<128xi32, #tpu.memory_space<hbm>>
      tpu.enqueue_dma source(%dma_start3A_1250 : memref<128xi32, #tpu.memory_space<hbm>>) target(%dma_start3A_1247 : memref<128xi32, #tpu.memory_space<vmem>>) target_semaphore(%arg20 : memref<!tpu.dma_semaphore, #tpu.memory_space<semaphore_mem>>)
      %get3A_1251 = arith.constant 3 : i32
      %get3A_1252 = arith.index_cast %get3A_1251 : i32 to index
      %get3A_1253 = arith.constant 0 : index
      %get3A_1254 = tpu.vector_load %arg11[%get3A_1252, %get3A_1253] {strides = array<i32>} : memref<4x128xi32, #tpu.memory_space<vmem>>, vector<16xi32>,
      %shift_right_arithmetic3A_1255 = arith.constant 4 : i32
      %shift_right_arithmetic3A_1256 = vector.broadcast %shift_right_arithmetic3A_1255 : i32 to vector<16xi32>
      %shift_right_arithmetic3A_1257 = arith.shrsi %get3A_1254, %shift_right_arithmetic3A_1256 : vector<16xi32>
      %and3A_1258 = arith.constant 15 : i32
      %and3A_1259 = vector.broadcast %and3A_1258 : i32 to vector<16xi32>
      %and3A_1260 = arith.andi %get3A_1254, %and3A_1259 : vector<16xi32>
      tpu.vector_store_idx %arg21[%shift_right_arithmetic3A_1257, %and3A_1260], %broadcast_in_dim3A_7 {add = true} : memref<640x16xf32, #tpu.memory_space<vmem>>[vector<16xi32>, vector<16xi32>], vector<16xf32>,
      %get3A_1261 = arith.constant 3 : i32
      %get3A_1262 = arith.index_cast %get3A_1261 : i32 to index
      %get3A_1263 = arith.constant 16 : index
      %get3A_1264 = tpu.vector_load %arg11[%get3A_1262, %get3A_1263] {strides = array<i32>} : memref<4x128xi32, #tpu.memory_space<vmem>>, vector<16xi32>,
      %shift_right_arithmetic3A_1265 = arith.constant 4 : i32
      %shift_right_arithmetic3A_1266 = vector.broadcast %shift_right_arithmetic3A_1265 : i32 to vector<16xi32>
      %shift_right_arithmetic3A_1267 = arith.shrsi %get3A_1264, %shift_right_arithmetic3A_1266 : vector<16xi32>
      %and3A_1268 = arith.constant 15 : i32
      %and3A_1269 = vector.broadcast %and3A_1268 : i32 to vector<16xi32>
      %and3A_1270 = arith.andi %get3A_1264, %and3A_1269 : vector<16xi32>
      tpu.vector_store_idx %arg21[%shift_right_arithmetic3A_1267, %and3A_1270], %broadcast_in_dim3A_7 {add = true} : memref<640x16xf32, #tpu.memory_space<vmem>>[vector<16xi32>, vector<16xi32>], vector<16xf32>,
      %get3A_1271 = arith.constant 3 : i32
      %get3A_1272 = arith.index_cast %get3A_1271 : i32 to index
      %get3A_1273 = arith.constant 32 : index
      %get3A_1274 = tpu.vector_load %arg11[%get3A_1272, %get3A_1273] {strides = array<i32>} : memref<4x128xi32, #tpu.memory_space<vmem>>, vector<16xi32>,
      %shift_right_arithmetic3A_1275 = arith.constant 4 : i32
      %shift_right_arithmetic3A_1276 = vector.broadcast %shift_right_arithmetic3A_1275 : i32 to vector<16xi32>
      %shift_right_arithmetic3A_1277 = arith.shrsi %get3A_1274, %shift_right_arithmetic3A_1276 : vector<16xi32>
      %and3A_1278 = arith.constant 15 : i32
      %and3A_1279 = vector.broadcast %and3A_1278 : i32 to vector<16xi32>
      %and3A_1280 = arith.andi %get3A_1274, %and3A_1279 : vector<16xi32>
      tpu.vector_store_idx %arg21[%shift_right_arithmetic3A_1277, %and3A_1280], %broadcast_in_dim3A_7 {add = true} : memref<640x16xf32, #tpu.memory_space<vmem>>[vector<16xi32>, vector<16xi32>], vector<16xf32>,
      %get3A_1281 = arith.constant 3 : i32
      %get3A_1282 = arith.index_cast %get3A_1281 : i32 to index
      %get3A_1283 = arith.constant 48 : index
      %get3A_1284 = tpu.vector_load %arg11[%get3A_1282, %get3A_1283] {strides = array<i32>} : memref<4x128xi32, #tpu.memory_space<vmem>>, vector<16xi32>,
      %shift_right_arithmetic3A_1285 = arith.constant 4 : i32
      %shift_right_arithmetic3A_1286 = vector.broadcast %shift_right_arithmetic3A_1285 : i32 to vector<16xi32>
      %shift_right_arithmetic3A_1287 = arith.shrsi %get3A_1284, %shift_right_arithmetic3A_1286 : vector<16xi32>
      %and3A_1288 = arith.constant 15 : i32
      %and3A_1289 = vector.broadcast %and3A_1288 : i32 to vector<16xi32>
      %and3A_1290 = arith.andi %get3A_1284, %and3A_1289 : vector<16xi32>
      tpu.vector_store_idx %arg21[%shift_right_arithmetic3A_1287, %and3A_1290], %broadcast_in_dim3A_7 {add = true} : memref<640x16xf32, #tpu.memory_space<vmem>>[vector<16xi32>, vector<16xi32>], vector<16xf32>,
      %get3A_1291 = arith.constant 3 : i32
      %get3A_1292 = arith.index_cast %get3A_1291 : i32 to index
      %get3A_1293 = arith.constant 64 : index
      %get3A_1294 = tpu.vector_load %arg11[%get3A_1292, %get3A_1293] {strides = array<i32>} : memref<4x128xi32, #tpu.memory_space<vmem>>, vector<16xi32>,
      %shift_right_arithmetic3A_1295 = arith.constant 4 : i32
      %shift_right_arithmetic3A_1296 = vector.broadcast %shift_right_arithmetic3A_1295 : i32 to vector<16xi32>
      %shift_right_arithmetic3A_1297 = arith.shrsi %get3A_1294, %shift_right_arithmetic3A_1296 : vector<16xi32>
      %and3A_1298 = arith.constant 15 : i32
      %and3A_1299 = vector.broadcast %and3A_1298 : i32 to vector<16xi32>
      %and3A_1300 = arith.andi %get3A_1294, %and3A_1299 : vector<16xi32>
      tpu.vector_store_idx %arg21[%shift_right_arithmetic3A_1297, %and3A_1300], %broadcast_in_dim3A_7 {add = true} : memref<640x16xf32, #tpu.memory_space<vmem>>[vector<16xi32>, vector<16xi32>], vector<16xf32>,
      %get3A_1301 = arith.constant 3 : i32
      %get3A_1302 = arith.index_cast %get3A_1301 : i32 to index
      %get3A_1303 = arith.constant 80 : index
      %get3A_1304 = tpu.vector_load %arg11[%get3A_1302, %get3A_1303] {strides = array<i32>} : memref<4x128xi32, #tpu.memory_space<vmem>>, vector<16xi32>,
      %shift_right_arithmetic3A_1305 = arith.constant 4 : i32
      %shift_right_arithmetic3A_1306 = vector.broadcast %shift_right_arithmetic3A_1305 : i32 to vector<16xi32>
      %shift_right_arithmetic3A_1307 = arith.shrsi %get3A_1304, %shift_right_arithmetic3A_1306 : vector<16xi32>
      %and3A_1308 = arith.constant 15 : i32
      %and3A_1309 = vector.broadcast %and3A_1308 : i32 to vector<16xi32>
      %and3A_1310 = arith.andi %get3A_1304, %and3A_1309 : vector<16xi32>
      tpu.vector_store_idx %arg21[%shift_right_arithmetic3A_1307, %and3A_1310], %broadcast_in_dim3A_7 {add = true} : memref<640x16xf32, #tpu.memory_space<vmem>>[vector<16xi32>, vector<16xi32>], vector<16xf32>,
      %get3A_1311 = arith.constant 3 : i32
      %get3A_1312 = arith.index_cast %get3A_1311 : i32 to index
      %get3A_1313 = arith.constant 96 : index
      %get3A_1314 = tpu.vector_load %arg11[%get3A_1312, %get3A_1313] {strides = array<i32>} : memref<4x128xi32, #tpu.memory_space<vmem>>, vector<16xi32>,
      %shift_right_arithmetic3A_1315 = arith.constant 4 : i32
      %shift_right_arithmetic3A_1316 = vector.broadcast %shift_right_arithmetic3A_1315 : i32 to vector<16xi32>
      %shift_right_arithmetic3A_1317 = arith.shrsi %get3A_1314, %shift_right_arithmetic3A_1316 : vector<16xi32>
      %and3A_1318 = arith.constant 15 : i32
      %and3A_1319 = vector.broadcast %and3A_1318 : i32 to vector<16xi32>
      %and3A_1320 = arith.andi %get3A_1314, %and3A_1319 : vector<16xi32>
      tpu.vector_store_idx %arg21[%shift_right_arithmetic3A_1317, %and3A_1320], %broadcast_in_dim3A_7 {add = true} : memref<640x16xf32, #tpu.memory_space<vmem>>[vector<16xi32>, vector<16xi32>], vector<16xf32>,
      %get3A_1321 = arith.constant 3 : i32
      %get3A_1322 = arith.index_cast %get3A_1321 : i32 to index
      %get3A_1323 = arith.constant 112 : index
      %get3A_1324 = tpu.vector_load %arg11[%get3A_1322, %get3A_1323] {strides = array<i32>} : memref<4x128xi32, #tpu.memory_space<vmem>>, vector<16xi32>,
      %shift_right_arithmetic3A_1325 = arith.constant 4 : i32
      %shift_right_arithmetic3A_1326 = vector.broadcast %shift_right_arithmetic3A_1325 : i32 to vector<16xi32>
      %shift_right_arithmetic3A_1327 = arith.shrsi %get3A_1324, %shift_right_arithmetic3A_1326 : vector<16xi32>
      %and3A_1328 = arith.constant 15 : i32
      %and3A_1329 = vector.broadcast %and3A_1328 : i32 to vector<16xi32>
      %and3A_1330 = arith.andi %get3A_1324, %and3A_1329 : vector<16xi32>
      tpu.vector_store_idx %arg21[%shift_right_arithmetic3A_1327, %and3A_1330], %broadcast_in_dim3A_7 {add = true} : memref<640x16xf32, #tpu.memory_space<vmem>>[vector<16xi32>, vector<16xi32>], vector<16xf32>,
      %dma_wait3A_1331 = arith.constant 0 : i32
      %dma_wait3A_1332 = arith.constant 0 : i32
      %dma_wait3A_1333 = tpu.memref_slice %arg11[%dma_wait3A_1331, %dma_wait3A_1332] : memref<4x128xi32, #tpu.memory_space<vmem>> -> memref<1x128xi32, #tpu.memory_space<vmem>>
      %dma_wait3A_1334 = tpu.memref_squeeze %dma_wait3A_1333 : memref<1x128xi32, #tpu.memory_space<vmem>> -> memref<128xi32, #tpu.memory_space<vmem>>
      %dma_wait3A_1335 = arith.constant 0 : i32
      %dma_wait3A_1336 = arith.constant 0 : i32
      %dma_wait3A_1337 = tpu.memref_slice %arg14[%dma_wait3A_1335, %dma_wait3A_1336] : memref<10240x128xf32, #tpu.memory_space<vmem_shared>> -> memref<10240x128xf32, #tpu.memory_space<vmem_shared>>
      tpu.wait_indirect_dma semaphore(%arg17 : memref<!tpu.dma_semaphore, #tpu.memory_space<semaphore_mem>>) src(%arg12 : memref<128x128xf32, #tpu.memory_space<vmem>>) dst(%dma_wait3A_1337 : memref<10240x128xf32, #tpu.memory_space<vmem_shared>>)
      %dma_start3A_1338 = arith.constant 3 : i32
      %dma_start3A_1339 = arith.constant 0 : i32
      %dma_start3A_1340 = tpu.memref_slice %arg11[%dma_start3A_1338, %dma_start3A_1339] : memref<4x128xi32, #tpu.memory_space<vmem>> -> memref<1x128xi32, #tpu.memory_space<vmem>>
      %dma_start3A_1341 = tpu.memref_squeeze %dma_start3A_1340 : memref<1x128xi32, #tpu.memory_space<vmem>> -> memref<128xi32, #tpu.memory_space<vmem>>
      %dma_start3A_1342 = arith.constant 0 : i32
      %dma_start3A_1343 = arith.constant 0 : i32
      %dma_start3A_1344 = tpu.memref_slice %arg14[%dma_start3A_1342, %dma_start3A_1343] : memref<10240x128xf32, #tpu.memory_space<vmem_shared>> -> memref<10240x128xf32, #tpu.memory_space<vmem_shared>>
      tpu.enqueue_indirect_dma source(%arg13 : memref<128x128xf32, #tpu.memory_space<vmem>>) target(%dma_start3A_1344 : memref<10240x128xf32, #tpu.memory_space<vmem_shared>>) offsets(%dma_start3A_1341 : memref<128xi32, #tpu.memory_space<vmem>>) semaphore(%arg18 : memref<!tpu.dma_semaphore, #tpu.memory_space<semaphore_mem>>) {add = true}
      %add3A_1345 = arith.constant 1 : i32
      %add3A_1346 = arith.addi %add3A_1175, %add3A_1345 : i32
      %dma_wait3A_1347 = arith.constant 0 : i32
      %dma_wait3A_1348 = arith.constant 0 : i32
      %dma_wait3A_1349 = tpu.memref_slice %arg10[%dma_wait3A_1347, %dma_wait3A_1348] : memref<4x128xi32, #tpu.memory_space<vmem>> -> memref<1x128xi32, #tpu.memory_space<vmem>>
      %dma_wait3A_1350 = tpu.memref_squeeze %dma_wait3A_1349 : memref<1x128xi32, #tpu.memory_space<vmem>> -> memref<128xi32, #tpu.memory_space<vmem>>
      %dma_wait3A_1351 = arith.constant 0 : i32
      %dma_wait3A_1352 = arith.constant 0 : i32
      %dma_wait3A_1353 = tpu.memref_slice %arg2[%dma_wait3A_1351, %dma_wait3A_1352] : memref<10000x128xf32, #tpu.memory_space<hbm>> -> memref<10000x128xf32, #tpu.memory_space<hbm>>
      tpu.wait_indirect_dma semaphore(%arg15 : memref<!tpu.dma_semaphore, #tpu.memory_space<semaphore_mem>>) src(%dma_wait3A_1353 : memref<10000x128xf32, #tpu.memory_space<hbm>>) dst(%arg12 : memref<128x128xf32, #tpu.memory_space<vmem>>)
      %dma_wait3A_1354 = arith.constant 0 : i32
      %dma_wait3A_1355 = arith.constant 0 : i32
      %dma_wait3A_1356 = arith.constant 0 : i32
      %dma_wait3A_1357 = tpu.memref_slice %arg10[%dma_wait3A_1355, %dma_wait3A_1356] : memref<4x128xi32, #tpu.memory_space<vmem>> -> memref<1x128xi32, #tpu.memory_space<vmem>>
      %dma_wait3A_1358 = tpu.memref_squeeze %dma_wait3A_1357 : memref<1x128xi32, #tpu.memory_space<vmem>> -> memref<128xi32, #tpu.memory_space<vmem>>
      %dma_wait3A_1359 = arith.constant 0 : i32
      %dma_wait3A_1360 = tpu.memref_slice %arg3[%dma_wait3A_1354, %dma_wait3A_1359] : memref<2528x128xi32, #tpu.memory_space<hbm>> -> memref<1x128xi32, #tpu.memory_space<hbm>>
      %dma_wait3A_1361 = tpu.memref_squeeze %dma_wait3A_1360 : memref<1x128xi32, #tpu.memory_space<hbm>> -> memref<128xi32, #tpu.memory_space<hbm>>
      %dma_wait3A_1362 = arith.constant 0 : i32
      %dma_wait3A_1363 = tpu.memref_slice %arg10[%dma_wait3A_1355, %dma_wait3A_1362] : memref<4x128xi32, #tpu.memory_space<vmem>> -> memref<1x128xi32, #tpu.memory_space<vmem>>
      %dma_wait3A_1364 = tpu.memref_squeeze %dma_wait3A_1363 : memref<1x128xi32, #tpu.memory_space<vmem>> -> memref<128xi32, #tpu.memory_space<vmem>>
      %dma_wait3A_1365 = arith.constant 0 : i32
      %dma_wait3A_1366 = tpu.memref_slice %arg3[%dma_wait3A_1354, %dma_wait3A_1365] : memref<2528x128xi32, #tpu.memory_space<hbm>> -> memref<1x128xi32, #tpu.memory_space<hbm>>
      %dma_wait3A_1367 = tpu.memref_squeeze %dma_wait3A_1366 : memref<1x128xi32, #tpu.memory_space<hbm>> -> memref<128xi32, #tpu.memory_space<hbm>>
      tpu.wait_dma2 semaphore(%arg20 : memref<!tpu.dma_semaphore, #tpu.memory_space<semaphore_mem>>) src(%dma_wait3A_1367 : memref<128xi32, #tpu.memory_space<hbm>>) dst(%dma_wait3A_1364 : memref<128xi32, #tpu.memory_space<vmem>>)
      %dma_wait3A_1368 = arith.constant 0 : i32
      %dma_wait3A_1369 = arith.constant 0 : i32
      %dma_wait3A_1370 = arith.constant 0 : i32
      %dma_wait3A_1371 = tpu.memref_slice %arg11[%dma_wait3A_1369, %dma_wait3A_1370] : memref<4x128xi32, #tpu.memory_space<vmem>> -> memref<1x128xi32, #tpu.memory_space<vmem>>
      %dma_wait3A_1372 = tpu.memref_squeeze %dma_wait3A_1371 : memref<1x128xi32, #tpu.memory_space<vmem>> -> memref<128xi32, #tpu.memory_space<vmem>>
      %dma_wait3A_1373 = arith.constant 0 : i32
      %dma_wait3A_1374 = tpu.memref_slice %arg4[%dma_wait3A_1368, %dma_wait3A_1373] : memref<2528x128xi32, #tpu.memory_space<hbm>> -> memref<1x128xi32, #tpu.memory_space<hbm>>
      %dma_wait3A_1375 = tpu.memref_squeeze %dma_wait3A_1374 : memref<1x128xi32, #tpu.memory_space<hbm>> -> memref<128xi32, #tpu.memory_space<hbm>>
      %dma_wait3A_1376 = arith.constant 0 : i32
      %dma_wait3A_1377 = tpu.memref_slice %arg11[%dma_wait3A_1369, %dma_wait3A_1376] : memref<4x128xi32, #tpu.memory_space<vmem>> -> memref<1x128xi32, #tpu.memory_space<vmem>>
      %dma_wait3A_1378 = tpu.memref_squeeze %dma_wait3A_1377 : memref<1x128xi32, #tpu.memory_space<vmem>> -> memref<128xi32, #tpu.memory_space<vmem>>
      %dma_wait3A_1379 = arith.constant 0 : i32
      %dma_wait3A_1380 = tpu.memref_slice %arg4[%dma_wait3A_1368, %dma_wait3A_1379] : memref<2528x128xi32, #tpu.memory_space<hbm>> -> memref<1x128xi32, #tpu.memory_space<hbm>>
      %dma_wait3A_1381 = tpu.memref_squeeze %dma_wait3A_1380 : memref<1x128xi32, #tpu.memory_space<hbm>> -> memref<128xi32, #tpu.memory_space<hbm>>
      tpu.wait_dma2 semaphore(%arg20 : memref<!tpu.dma_semaphore, #tpu.memory_space<semaphore_mem>>) src(%dma_wait3A_1381 : memref<128xi32, #tpu.memory_space<hbm>>) dst(%dma_wait3A_1378 : memref<128xi32, #tpu.memory_space<vmem>>)
      %dma_start3A_1382 = arith.constant 1 : i32
      %dma_start3A_1383 = arith.constant 0 : i32
      %dma_start3A_1384 = tpu.memref_slice %arg10[%dma_start3A_1382, %dma_start3A_1383] : memref<4x128xi32, #tpu.memory_space<vmem>> -> memref<1x128xi32, #tpu.memory_space<vmem>>
      %dma_start3A_1385 = tpu.memref_squeeze %dma_start3A_1384 : memref<1x128xi32, #tpu.memory_space<vmem>> -> memref<128xi32, #tpu.memory_space<vmem>>
      %dma_start3A_1386 = arith.constant 0 : i32
      %dma_start3A_1387 = arith.constant 0 : i32
      %dma_start3A_1388 = tpu.memref_slice %arg2[%dma_start3A_1386, %dma_start3A_1387] : memref<10000x128xf32, #tpu.memory_space<hbm>> -> memref<10000x128xf32, #tpu.memory_space<hbm>>
      tpu.enqueue_indirect_dma source(%dma_start3A_1388 : memref<10000x128xf32, #tpu.memory_space<hbm>>) target(%arg13 : memref<128x128xf32, #tpu.memory_space<vmem>>) offsets(%dma_start3A_1385 : memref<128xi32, #tpu.memory_space<vmem>>) semaphore(%arg16 : memref<!tpu.dma_semaphore, #tpu.memory_space<semaphore_mem>>)
      %add3A_1389 = arith.constant 2 : i32
      %add3A_1390 = arith.addi %add3A_1346, %add3A_1389 : i32
      %mul3A_1391 = arith.constant 32 : i32
      %mul3A_1392 = arith.muli %add3A_1390, %mul3A_1391 : i32
      %add3A_1393 = arith.addi %add3A, %mul3A_1392 : i32
      %dma_start3A_1394 = arith.constant 2 : i32
      %dma_start3A_1395 = arith.constant 0 : i32
      %dma_start3A_1396 = tpu.memref_slice %arg10[%dma_start3A_1394, %dma_start3A_1395] : memref<4x128xi32, #tpu.memory_space<vmem>> -> memref<1x128xi32, #tpu.memory_space<vmem>>
      %dma_start3A_1397 = tpu.memref_squeeze %dma_start3A_1396 : memref<1x128xi32, #tpu.memory_space<vmem>> -> memref<128xi32, #tpu.memory_space<vmem>>
      %dma_start3A_1398 = arith.constant 0 : i32
      %dma_start3A_1399 = tpu.memref_slice %arg3[%add3A_1393, %dma_start3A_1398] : memref<2528x128xi32, #tpu.memory_space<hbm>> -> memref<1x128xi32, #tpu.memory_space<hbm>>
      %dma_start3A_1400 = tpu.memref_squeeze %dma_start3A_1399 : memref<1x128xi32, #tpu.memory_space<hbm>> -> memref<128xi32, #tpu.memory_space<hbm>>
      %dma_start3A_1401 = arith.constant 0 : i32
      %dma_start3A_1402 = tpu.memref_slice %arg10[%dma_start3A_1394, %dma_start3A_1401] : memref<4x128xi32, #tpu.memory_space<vmem>> -> memref<1x128xi32, #tpu.memory_space<vmem>>
      %dma_start3A_1403 = tpu.memref_squeeze %dma_start3A_1402 : memref<1x128xi32, #tpu.memory_space<vmem>> -> memref<128xi32, #tpu.memory_space<vmem>>
      %dma_start3A_1404 = arith.constant 0 : i32
      %dma_start3A_1405 = tpu.memref_slice %arg3[%add3A_1393, %dma_start3A_1404] : memref<2528x128xi32, #tpu.memory_space<hbm>> -> memref<1x128xi32, #tpu.memory_space<hbm>>
      %dma_start3A_1406 = tpu.memref_squeeze %dma_start3A_1405 : memref<1x128xi32, #tpu.memory_space<hbm>> -> memref<128xi32, #tpu.memory_space<hbm>>
      tpu.enqueue_dma source(%dma_start3A_1406 : memref<128xi32, #tpu.memory_space<hbm>>) target(%dma_start3A_1403 : memref<128xi32, #tpu.memory_space<vmem>>) target_semaphore(%arg19 : memref<!tpu.dma_semaphore, #tpu.memory_space<semaphore_mem>>)
      %dma_start3A_1407 = arith.constant 2 : i32
      %dma_start3A_1408 = arith.constant 0 : i32
      %dma_start3A_1409 = tpu.memref_slice %arg11[%dma_start3A_1407, %dma_start3A_1408] : memref<4x128xi32, #tpu.memory_space<vmem>> -> memref<1x128xi32, #tpu.memory_space<vmem>>
      %dma_start3A_1410 = tpu.memref_squeeze %dma_start3A_1409 : memref<1x128xi32, #tpu.memory_space<vmem>> -> memref<128xi32, #tpu.memory_space<vmem>>
      %dma_start3A_1411 = arith.constant 0 : i32
      %dma_start3A_1412 = tpu.memref_slice %arg4[%add3A_1393, %dma_start3A_1411] : memref<2528x128xi32, #tpu.memory_space<hbm>> -> memref<1x128xi32, #tpu.memory_space<hbm>>
      %dma_start3A_1413 = tpu.memref_squeeze %dma_start3A_1412 : memref<1x128xi32, #tpu.memory_space<hbm>> -> memref<128xi32, #tpu.memory_space<hbm>>
      %dma_start3A_1414 = arith.constant 0 : i32
      %dma_start3A_1415 = tpu.memref_slice %arg11[%dma_start3A_1407, %dma_start3A_1414] : memref<4x128xi32, #tpu.memory_space<vmem>> -> memref<1x128xi32, #tpu.memory_space<vmem>>
      %dma_start3A_1416 = tpu.memref_squeeze %dma_start3A_1415 : memref<1x128xi32, #tpu.memory_space<vmem>> -> memref<128xi32, #tpu.memory_space<vmem>>
      %dma_start3A_1417 = arith.constant 0 : i32
      %dma_start3A_1418 = tpu.memref_slice %arg4[%add3A_1393, %dma_start3A_1417] : memref<2528x128xi32, #tpu.memory_space<hbm>> -> memref<1x128xi32, #tpu.memory_space<hbm>>
      %dma_start3A_1419 = tpu.memref_squeeze %dma_start3A_1418 : memref<1x128xi32, #tpu.memory_space<hbm>> -> memref<128xi32, #tpu.memory_space<hbm>>
      tpu.enqueue_dma source(%dma_start3A_1419 : memref<128xi32, #tpu.memory_space<hbm>>) target(%dma_start3A_1416 : memref<128xi32, #tpu.memory_space<vmem>>) target_semaphore(%arg19 : memref<!tpu.dma_semaphore, #tpu.memory_space<semaphore_mem>>)
      %get3A_1420 = arith.constant 0 : i32
      %get3A_1421 = arith.index_cast %get3A_1420 : i32 to index
      %get3A_1422 = arith.constant 0 : index
      %get3A_1423 = tpu.vector_load %arg11[%get3A_1421, %get3A_1422] {strides = array<i32>} : memref<4x128xi32, #tpu.memory_space<vmem>>, vector<16xi32>,
      %shift_right_arithmetic3A_1424 = arith.constant 4 : i32
      %shift_right_arithmetic3A_1425 = vector.broadcast %shift_right_arithmetic3A_1424 : i32 to vector<16xi32>
      %shift_right_arithmetic3A_1426 = arith.shrsi %get3A_1423, %shift_right_arithmetic3A_1425 : vector<16xi32>
      %and3A_1427 = arith.constant 15 : i32
      %and3A_1428 = vector.broadcast %and3A_1427 : i32 to vector<16xi32>
      %and3A_1429 = arith.andi %get3A_1423, %and3A_1428 : vector<16xi32>
      tpu.vector_store_idx %arg21[%shift_right_arithmetic3A_1426, %and3A_1429], %broadcast_in_dim3A_7 {add = true} : memref<640x16xf32, #tpu.memory_space<vmem>>[vector<16xi32>, vector<16xi32>], vector<16xf32>,
      %get3A_1430 = arith.constant 0 : i32
      %get3A_1431 = arith.index_cast %get3A_1430 : i32 to index
      %get3A_1432 = arith.constant 16 : index
      %get3A_1433 = tpu.vector_load %arg11[%get3A_1431, %get3A_1432] {strides = array<i32>} : memref<4x128xi32, #tpu.memory_space<vmem>>, vector<16xi32>,
      %shift_right_arithmetic3A_1434 = arith.constant 4 : i32
      %shift_right_arithmetic3A_1435 = vector.broadcast %shift_right_arithmetic3A_1434 : i32 to vector<16xi32>
      %shift_right_arithmetic3A_1436 = arith.shrsi %get3A_1433, %shift_right_arithmetic3A_1435 : vector<16xi32>
      %and3A_1437 = arith.constant 15 : i32
      %and3A_1438 = vector.broadcast %and3A_1437 : i32 to vector<16xi32>
      %and3A_1439 = arith.andi %get3A_1433, %and3A_1438 : vector<16xi32>
      tpu.vector_store_idx %arg21[%shift_right_arithmetic3A_1436, %and3A_1439], %broadcast_in_dim3A_7 {add = true} : memref<640x16xf32, #tpu.memory_space<vmem>>[vector<16xi32>, vector<16xi32>], vector<16xf32>,
      %get3A_1440 = arith.constant 0 : i32
      %get3A_1441 = arith.index_cast %get3A_1440 : i32 to index
      %get3A_1442 = arith.constant 32 : index
      %get3A_1443 = tpu.vector_load %arg11[%get3A_1441, %get3A_1442] {strides = array<i32>} : memref<4x128xi32, #tpu.memory_space<vmem>>, vector<16xi32>,
      %shift_right_arithmetic3A_1444 = arith.constant 4 : i32
      %shift_right_arithmetic3A_1445 = vector.broadcast %shift_right_arithmetic3A_1444 : i32 to vector<16xi32>
      %shift_right_arithmetic3A_1446 = arith.shrsi %get3A_1443, %shift_right_arithmetic3A_1445 : vector<16xi32>
      %and3A_1447 = arith.constant 15 : i32
      %and3A_1448 = vector.broadcast %and3A_1447 : i32 to vector<16xi32>
      %and3A_1449 = arith.andi %get3A_1443, %and3A_1448 : vector<16xi32>
      tpu.vector_store_idx %arg21[%shift_right_arithmetic3A_1446, %and3A_1449], %broadcast_in_dim3A_7 {add = true} : memref<640x16xf32, #tpu.memory_space<vmem>>[vector<16xi32>, vector<16xi32>], vector<16xf32>,
      %get3A_1450 = arith.constant 0 : i32
      %get3A_1451 = arith.index_cast %get3A_1450 : i32 to index
      %get3A_1452 = arith.constant 48 : index
      %get3A_1453 = tpu.vector_load %arg11[%get3A_1451, %get3A_1452] {strides = array<i32>} : memref<4x128xi32, #tpu.memory_space<vmem>>, vector<16xi32>,
      %shift_right_arithmetic3A_1454 = arith.constant 4 : i32
      %shift_right_arithmetic3A_1455 = vector.broadcast %shift_right_arithmetic3A_1454 : i32 to vector<16xi32>
      %shift_right_arithmetic3A_1456 = arith.shrsi %get3A_1453, %shift_right_arithmetic3A_1455 : vector<16xi32>
      %and3A_1457 = arith.constant 15 : i32
      %and3A_1458 = vector.broadcast %and3A_1457 : i32 to vector<16xi32>
      %and3A_1459 = arith.andi %get3A_1453, %and3A_1458 : vector<16xi32>
      tpu.vector_store_idx %arg21[%shift_right_arithmetic3A_1456, %and3A_1459], %broadcast_in_dim3A_7 {add = true} : memref<640x16xf32, #tpu.memory_space<vmem>>[vector<16xi32>, vector<16xi32>], vector<16xf32>,
      %get3A_1460 = arith.constant 0 : i32
      %get3A_1461 = arith.index_cast %get3A_1460 : i32 to index
      %get3A_1462 = arith.constant 64 : index
      %get3A_1463 = tpu.vector_load %arg11[%get3A_1461, %get3A_1462] {strides = array<i32>} : memref<4x128xi32, #tpu.memory_space<vmem>>, vector<16xi32>,
      %shift_right_arithmetic3A_1464 = arith.constant 4 : i32
      %shift_right_arithmetic3A_1465 = vector.broadcast %shift_right_arithmetic3A_1464 : i32 to vector<16xi32>
      %shift_right_arithmetic3A_1466 = arith.shrsi %get3A_1463, %shift_right_arithmetic3A_1465 : vector<16xi32>
      %and3A_1467 = arith.constant 15 : i32
      %and3A_1468 = vector.broadcast %and3A_1467 : i32 to vector<16xi32>
      %and3A_1469 = arith.andi %get3A_1463, %and3A_1468 : vector<16xi32>
      tpu.vector_store_idx %arg21[%shift_right_arithmetic3A_1466, %and3A_1469], %broadcast_in_dim3A_7 {add = true} : memref<640x16xf32, #tpu.memory_space<vmem>>[vector<16xi32>, vector<16xi32>], vector<16xf32>,
      %get3A_1470 = arith.constant 0 : i32
      %get3A_1471 = arith.index_cast %get3A_1470 : i32 to index
      %get3A_1472 = arith.constant 80 : index
      %get3A_1473 = tpu.vector_load %arg11[%get3A_1471, %get3A_1472] {strides = array<i32>} : memref<4x128xi32, #tpu.memory_space<vmem>>, vector<16xi32>,
      %shift_right_arithmetic3A_1474 = arith.constant 4 : i32
      %shift_right_arithmetic3A_1475 = vector.broadcast %shift_right_arithmetic3A_1474 : i32 to vector<16xi32>
      %shift_right_arithmetic3A_1476 = arith.shrsi %get3A_1473, %shift_right_arithmetic3A_1475 : vector<16xi32>
      %and3A_1477 = arith.constant 15 : i32
      %and3A_1478 = vector.broadcast %and3A_1477 : i32 to vector<16xi32>
      %and3A_1479 = arith.andi %get3A_1473, %and3A_1478 : vector<16xi32>
      tpu.vector_store_idx %arg21[%shift_right_arithmetic3A_1476, %and3A_1479], %broadcast_in_dim3A_7 {add = true} : memref<640x16xf32, #tpu.memory_space<vmem>>[vector<16xi32>, vector<16xi32>], vector<16xf32>,
      %get3A_1480 = arith.constant 0 : i32
      %get3A_1481 = arith.index_cast %get3A_1480 : i32 to index
      %get3A_1482 = arith.constant 96 : index
      %get3A_1483 = tpu.vector_load %arg11[%get3A_1481, %get3A_1482] {strides = array<i32>} : memref<4x128xi32, #tpu.memory_space<vmem>>, vector<16xi32>,
      %shift_right_arithmetic3A_1484 = arith.constant 4 : i32
      %shift_right_arithmetic3A_1485 = vector.broadcast %shift_right_arithmetic3A_1484 : i32 to vector<16xi32>
      %shift_right_arithmetic3A_1486 = arith.shrsi %get3A_1483, %shift_right_arithmetic3A_1485 : vector<16xi32>
      %and3A_1487 = arith.constant 15 : i32
      %and3A_1488 = vector.broadcast %and3A_1487 : i32 to vector<16xi32>
      %and3A_1489 = arith.andi %get3A_1483, %and3A_1488 : vector<16xi32>
      tpu.vector_store_idx %arg21[%shift_right_arithmetic3A_1486, %and3A_1489], %broadcast_in_dim3A_7 {add = true} : memref<640x16xf32, #tpu.memory_space<vmem>>[vector<16xi32>, vector<16xi32>], vector<16xf32>,
      %get3A_1490 = arith.constant 0 : i32
      %get3A_1491 = arith.index_cast %get3A_1490 : i32 to index
      %get3A_1492 = arith.constant 112 : index
      %get3A_1493 = tpu.vector_load %arg11[%get3A_1491, %get3A_1492] {strides = array<i32>} : memref<4x128xi32, #tpu.memory_space<vmem>>, vector<16xi32>,
      %shift_right_arithmetic3A_1494 = arith.constant 4 : i32
      %shift_right_arithmetic3A_1495 = vector.broadcast %shift_right_arithmetic3A_1494 : i32 to vector<16xi32>
      %shift_right_arithmetic3A_1496 = arith.shrsi %get3A_1493, %shift_right_arithmetic3A_1495 : vector<16xi32>
      %and3A_1497 = arith.constant 15 : i32
      %and3A_1498 = vector.broadcast %and3A_1497 : i32 to vector<16xi32>
      %and3A_1499 = arith.andi %get3A_1493, %and3A_1498 : vector<16xi32>
      tpu.vector_store_idx %arg21[%shift_right_arithmetic3A_1496, %and3A_1499], %broadcast_in_dim3A_7 {add = true} : memref<640x16xf32, #tpu.memory_space<vmem>>[vector<16xi32>, vector<16xi32>], vector<16xf32>,
      %dma_wait3A_1500 = arith.constant 0 : i32
      %dma_wait3A_1501 = arith.constant 0 : i32
      %dma_wait3A_1502 = tpu.memref_slice %arg11[%dma_wait3A_1500, %dma_wait3A_1501] : memref<4x128xi32, #tpu.memory_space<vmem>> -> memref<1x128xi32, #tpu.memory_space<vmem>>
      %dma_wait3A_1503 = tpu.memref_squeeze %dma_wait3A_1502 : memref<1x128xi32, #tpu.memory_space<vmem>> -> memref<128xi32, #tpu.memory_space<vmem>>
      %dma_wait3A_1504 = arith.constant 0 : i32
      %dma_wait3A_1505 = arith.constant 0 : i32
      %dma_wait3A_1506 = tpu.memref_slice %arg14[%dma_wait3A_1504, %dma_wait3A_1505] : memref<10240x128xf32, #tpu.memory_space<vmem_shared>> -> memref<10240x128xf32, #tpu.memory_space<vmem_shared>>
      tpu.wait_indirect_dma semaphore(%arg18 : memref<!tpu.dma_semaphore, #tpu.memory_space<semaphore_mem>>) src(%arg13 : memref<128x128xf32, #tpu.memory_space<vmem>>) dst(%dma_wait3A_1506 : memref<10240x128xf32, #tpu.memory_space<vmem_shared>>)
      %dma_start3A_1507 = arith.constant 0 : i32
      %dma_start3A_1508 = arith.constant 0 : i32
      %dma_start3A_1509 = tpu.memref_slice %arg11[%dma_start3A_1507, %dma_start3A_1508] : memref<4x128xi32, #tpu.memory_space<vmem>> -> memref<1x128xi32, #tpu.memory_space<vmem>>
      %dma_start3A_1510 = tpu.memref_squeeze %dma_start3A_1509 : memref<1x128xi32, #tpu.memory_space<vmem>> -> memref<128xi32, #tpu.memory_space<vmem>>
      %dma_start3A_1511 = arith.constant 0 : i32
      %dma_start3A_1512 = arith.constant 0 : i32
      %dma_start3A_1513 = tpu.memref_slice %arg14[%dma_start3A_1511, %dma_start3A_1512] : memref<10240x128xf32, #tpu.memory_space<vmem_shared>> -> memref<10240x128xf32, #tpu.memory_space<vmem_shared>>
      tpu.enqueue_indirect_dma source(%arg12 : memref<128x128xf32, #tpu.memory_space<vmem>>) target(%dma_start3A_1513 : memref<10240x128xf32, #tpu.memory_space<vmem_shared>>) offsets(%dma_start3A_1510 : memref<128xi32, #tpu.memory_space<vmem>>) semaphore(%arg17 : memref<!tpu.dma_semaphore, #tpu.memory_space<semaphore_mem>>) {add = true}
      %add3A_1514 = arith.constant 2 : i32
      %add3A_1515 = arith.addi %add3A_1175, %add3A_1514 : i32
      %dma_wait3A_1516 = arith.constant 0 : i32
      %dma_wait3A_1517 = arith.constant 0 : i32
      %dma_wait3A_1518 = tpu.memref_slice %arg10[%dma_wait3A_1516, %dma_wait3A_1517] : memref<4x128xi32, #tpu.memory_space<vmem>> -> memref<1x128xi32, #tpu.memory_space<vmem>>
      %dma_wait3A_1519 = tpu.memref_squeeze %dma_wait3A_1518 : memref<1x128xi32, #tpu.memory_space<vmem>> -> memref<128xi32, #tpu.memory_space<vmem>>
      %dma_wait3A_1520 = arith.constant 0 : i32
      %dma_wait3A_1521 = arith.constant 0 : i32
      %dma_wait3A_1522 = tpu.memref_slice %arg2[%dma_wait3A_1520, %dma_wait3A_1521] : memref<10000x128xf32, #tpu.memory_space<hbm>> -> memref<10000x128xf32, #tpu.memory_space<hbm>>
      tpu.wait_indirect_dma semaphore(%arg16 : memref<!tpu.dma_semaphore, #tpu.memory_space<semaphore_mem>>) src(%dma_wait3A_1522 : memref<10000x128xf32, #tpu.memory_space<hbm>>) dst(%arg13 : memref<128x128xf32, #tpu.memory_space<vmem>>)
      %dma_wait3A_1523 = arith.constant 0 : i32
      %dma_wait3A_1524 = arith.constant 0 : i32
      %dma_wait3A_1525 = arith.constant 0 : i32
      %dma_wait3A_1526 = tpu.memref_slice %arg10[%dma_wait3A_1524, %dma_wait3A_1525] : memref<4x128xi32, #tpu.memory_space<vmem>> -> memref<1x128xi32, #tpu.memory_space<vmem>>
      %dma_wait3A_1527 = tpu.memref_squeeze %dma_wait3A_1526 : memref<1x128xi32, #tpu.memory_space<vmem>> -> memref<128xi32, #tpu.memory_space<vmem>>
      %dma_wait3A_1528 = arith.constant 0 : i32
      %dma_wait3A_1529 = tpu.memref_slice %arg3[%dma_wait3A_1523, %dma_wait3A_1528] : memref<2528x128xi32, #tpu.memory_space<hbm>> -> memref<1x128xi32, #tpu.memory_space<hbm>>
      %dma_wait3A_1530 = tpu.memref_squeeze %dma_wait3A_1529 : memref<1x128xi32, #tpu.memory_space<hbm>> -> memref<128xi32, #tpu.memory_space<hbm>>
      %dma_wait3A_1531 = arith.constant 0 : i32
      %dma_wait3A_1532 = tpu.memref_slice %arg10[%dma_wait3A_1524, %dma_wait3A_1531] : memref<4x128xi32, #tpu.memory_space<vmem>> -> memref<1x128xi32, #tpu.memory_space<vmem>>
      %dma_wait3A_1533 = tpu.memref_squeeze %dma_wait3A_1532 : memref<1x128xi32, #tpu.memory_space<vmem>> -> memref<128xi32, #tpu.memory_space<vmem>>
      %dma_wait3A_1534 = arith.constant 0 : i32
      %dma_wait3A_1535 = tpu.memref_slice %arg3[%dma_wait3A_1523, %dma_wait3A_1534] : memref<2528x128xi32, #tpu.memory_space<hbm>> -> memref<1x128xi32, #tpu.memory_space<hbm>>
      %dma_wait3A_1536 = tpu.memref_squeeze %dma_wait3A_1535 : memref<1x128xi32, #tpu.memory_space<hbm>> -> memref<128xi32, #tpu.memory_space<hbm>>
      tpu.wait_dma2 semaphore(%arg19 : memref<!tpu.dma_semaphore, #tpu.memory_space<semaphore_mem>>) src(%dma_wait3A_1536 : memref<128xi32, #tpu.memory_space<hbm>>) dst(%dma_wait3A_1533 : memref<128xi32, #tpu.memory_space<vmem>>)
      %dma_wait3A_1537 = arith.constant 0 : i32
      %dma_wait3A_1538 = arith.constant 0 : i32
      %dma_wait3A_1539 = arith.constant 0 : i32
      %dma_wait3A_1540 = tpu.memref_slice %arg11[%dma_wait3A_1538, %dma_wait3A_1539] : memref<4x128xi32, #tpu.memory_space<vmem>> -> memref<1x128xi32, #tpu.memory_space<vmem>>
      %dma_wait3A_1541 = tpu.memref_squeeze %dma_wait3A_1540 : memref<1x128xi32, #tpu.memory_space<vmem>> -> memref<128xi32, #tpu.memory_space<vmem>>
      %dma_wait3A_1542 = arith.constant 0 : i32
      %dma_wait3A_1543 = tpu.memref_slice %arg4[%dma_wait3A_1537, %dma_wait3A_1542] : memref<2528x128xi32, #tpu.memory_space<hbm>> -> memref<1x128xi32, #tpu.memory_space<hbm>>
      %dma_wait3A_1544 = tpu.memref_squeeze %dma_wait3A_1543 : memref<1x128xi32, #tpu.memory_space<hbm>> -> memref<128xi32, #tpu.memory_space<hbm>>
      %dma_wait3A_1545 = arith.constant 0 : i32
      %dma_wait3A_1546 = tpu.memref_slice %arg11[%dma_wait3A_1538, %dma_wait3A_1545] : memref<4x128xi32, #tpu.memory_space<vmem>> -> memref<1x128xi32, #tpu.memory_space<vmem>>
      %dma_wait3A_1547 = tpu.memref_squeeze %dma_wait3A_1546 : memref<1x128xi32, #tpu.memory_space<vmem>> -> memref<128xi32, #tpu.memory_space<vmem>>
      %dma_wait3A_1548 = arith.constant 0 : i32
      %dma_wait3A_1549 = tpu.memref_slice %arg4[%dma_wait3A_1537, %dma_wait3A_1548] : memref<2528x128xi32, #tpu.memory_space<hbm>> -> memref<1x128xi32, #tpu.memory_space<hbm>>
      %dma_wait3A_1550 = tpu.memref_squeeze %dma_wait3A_1549 : memref<1x128xi32, #tpu.memory_space<hbm>> -> memref<128xi32, #tpu.memory_space<hbm>>
      tpu.wait_dma2 semaphore(%arg19 : memref<!tpu.dma_semaphore, #tpu.memory_space<semaphore_mem>>) src(%dma_wait3A_1550 : memref<128xi32, #tpu.memory_space<hbm>>) dst(%dma_wait3A_1547 : memref<128xi32, #tpu.memory_space<vmem>>)
      %dma_start3A_1551 = arith.constant 2 : i32
      %dma_start3A_1552 = arith.constant 0 : i32
      %dma_start3A_1553 = tpu.memref_slice %arg10[%dma_start3A_1551, %dma_start3A_1552] : memref<4x128xi32, #tpu.memory_space<vmem>> -> memref<1x128xi32, #tpu.memory_space<vmem>>
      %dma_start3A_1554 = tpu.memref_squeeze %dma_start3A_1553 : memref<1x128xi32, #tpu.memory_space<vmem>> -> memref<128xi32, #tpu.memory_space<vmem>>
      %dma_start3A_1555 = arith.constant 0 : i32
      %dma_start3A_1556 = arith.constant 0 : i32
      %dma_start3A_1557 = tpu.memref_slice %arg2[%dma_start3A_1555, %dma_start3A_1556] : memref<10000x128xf32, #tpu.memory_space<hbm>> -> memref<10000x128xf32, #tpu.memory_space<hbm>>
      tpu.enqueue_indirect_dma source(%dma_start3A_1557 : memref<10000x128xf32, #tpu.memory_space<hbm>>) target(%arg12 : memref<128x128xf32, #tpu.memory_space<vmem>>) offsets(%dma_start3A_1554 : memref<128xi32, #tpu.memory_space<vmem>>) semaphore(%arg15 : memref<!tpu.dma_semaphore, #tpu.memory_space<semaphore_mem>>)
      %add3A_1558 = arith.constant 2 : i32
      %add3A_1559 = arith.addi %add3A_1515, %add3A_1558 : i32
      %mul3A_1560 = arith.constant 32 : i32
      %mul3A_1561 = arith.muli %add3A_1559, %mul3A_1560 : i32
      %add3A_1562 = arith.addi %add3A, %mul3A_1561 : i32
      %dma_start3A_1563 = arith.constant 3 : i32
      %dma_start3A_1564 = arith.constant 0 : i32
      %dma_start3A_1565 = tpu.memref_slice %arg10[%dma_start3A_1563, %dma_start3A_1564] : memref<4x128xi32, #tpu.memory_space<vmem>> -> memref<1x128xi32, #tpu.memory_space<vmem>>
      %dma_start3A_1566 = tpu.memref_squeeze %dma_start3A_1565 : memref<1x128xi32, #tpu.memory_space<vmem>> -> memref<128xi32, #tpu.memory_space<vmem>>
      %dma_start3A_1567 = arith.constant 0 : i32
      %dma_start3A_1568 = tpu.memref_slice %arg3[%add3A_1562, %dma_start3A_1567] : memref<2528x128xi32, #tpu.memory_space<hbm>> -> memref<1x128xi32, #tpu.memory_space<hbm>>
      %dma_start3A_1569 = tpu.memref_squeeze %dma_start3A_1568 : memref<1x128xi32, #tpu.memory_space<hbm>> -> memref<128xi32, #tpu.memory_space<hbm>>
      %dma_start3A_1570 = arith.constant 0 : i32
      %dma_start3A_1571 = tpu.memref_slice %arg10[%dma_start3A_1563, %dma_start3A_1570] : memref<4x128xi32, #tpu.memory_space<vmem>> -> memref<1x128xi32, #tpu.memory_space<vmem>>
      %dma_start3A_1572 = tpu.memref_squeeze %dma_start3A_1571 : memref<1x128xi32, #tpu.memory_space<vmem>> -> memref<128xi32, #tpu.memory_space<vmem>>
      %dma_start3A_1573 = arith.constant 0 : i32
      %dma_start3A_1574 = tpu.memref_slice %arg3[%add3A_1562, %dma_start3A_1573] : memref<2528x128xi32, #tpu.memory_space<hbm>> -> memref<1x128xi32, #tpu.memory_space<hbm>>
      %dma_start3A_1575 = tpu.memref_squeeze %dma_start3A_1574 : memref<1x128xi32, #tpu.memory_space<hbm>> -> memref<128xi32, #tpu.memory_space<hbm>>
      tpu.enqueue_dma source(%dma_start3A_1575 : memref<128xi32, #tpu.memory_space<hbm>>) target(%dma_start3A_1572 : memref<128xi32, #tpu.memory_space<vmem>>) target_semaphore(%arg20 : memref<!tpu.dma_semaphore, #tpu.memory_space<semaphore_mem>>)
      %dma_start3A_1576 = arith.constant 3 : i32
      %dma_start3A_1577 = arith.constant 0 : i32
      %dma_start3A_1578 = tpu.memref_slice %arg11[%dma_start3A_1576, %dma_start3A_1577] : memref<4x128xi32, #tpu.memory_space<vmem>> -> memref<1x128xi32, #tpu.memory_space<vmem>>
      %dma_start3A_1579 = tpu.memref_squeeze %dma_start3A_1578 : memref<1x128xi32, #tpu.memory_space<vmem>> -> memref<128xi32, #tpu.memory_space<vmem>>
      %dma_start3A_1580 = arith.constant 0 : i32
      %dma_start3A_1581 = tpu.memref_slice %arg4[%add3A_1562, %dma_start3A_1580] : memref<2528x128xi32, #tpu.memory_space<hbm>> -> memref<1x128xi32, #tpu.memory_space<hbm>>
      %dma_start3A_1582 = tpu.memref_squeeze %dma_start3A_1581 : memref<1x128xi32, #tpu.memory_space<hbm>> -> memref<128xi32, #tpu.memory_space<hbm>>
      %dma_start3A_1583 = arith.constant 0 : i32
      %dma_start3A_1584 = tpu.memref_slice %arg11[%dma_start3A_1576, %dma_start3A_1583] : memref<4x128xi32, #tpu.memory_space<vmem>> -> memref<1x128xi32, #tpu.memory_space<vmem>>
      %dma_start3A_1585 = tpu.memref_squeeze %dma_start3A_1584 : memref<1x128xi32, #tpu.memory_space<vmem>> -> memref<128xi32, #tpu.memory_space<vmem>>
      %dma_start3A_1586 = arith.constant 0 : i32
      %dma_start3A_1587 = tpu.memref_slice %arg4[%add3A_1562, %dma_start3A_1586] : memref<2528x128xi32, #tpu.memory_space<hbm>> -> memref<1x128xi32, #tpu.memory_space<hbm>>
      %dma_start3A_1588 = tpu.memref_squeeze %dma_start3A_1587 : memref<1x128xi32, #tpu.memory_space<hbm>> -> memref<128xi32, #tpu.memory_space<hbm>>
      tpu.enqueue_dma source(%dma_start3A_1588 : memref<128xi32, #tpu.memory_space<hbm>>) target(%dma_start3A_1585 : memref<128xi32, #tpu.memory_space<vmem>>) target_semaphore(%arg20 : memref<!tpu.dma_semaphore, #tpu.memory_space<semaphore_mem>>)
      %get3A_1589 = arith.constant 1 : i32
      %get3A_1590 = arith.index_cast %get3A_1589 : i32 to index
      %get3A_1591 = arith.constant 0 : index
      %get3A_1592 = tpu.vector_load %arg11[%get3A_1590, %get3A_1591] {strides = array<i32>} : memref<4x128xi32, #tpu.memory_space<vmem>>, vector<16xi32>,
      %shift_right_arithmetic3A_1593 = arith.constant 4 : i32
      %shift_right_arithmetic3A_1594 = vector.broadcast %shift_right_arithmetic3A_1593 : i32 to vector<16xi32>
      %shift_right_arithmetic3A_1595 = arith.shrsi %get3A_1592, %shift_right_arithmetic3A_1594 : vector<16xi32>
      %and3A_1596 = arith.constant 15 : i32
      %and3A_1597 = vector.broadcast %and3A_1596 : i32 to vector<16xi32>
      %and3A_1598 = arith.andi %get3A_1592, %and3A_1597 : vector<16xi32>
      tpu.vector_store_idx %arg21[%shift_right_arithmetic3A_1595, %and3A_1598], %broadcast_in_dim3A_7 {add = true} : memref<640x16xf32, #tpu.memory_space<vmem>>[vector<16xi32>, vector<16xi32>], vector<16xf32>,
      %get3A_1599 = arith.constant 1 : i32
      %get3A_1600 = arith.index_cast %get3A_1599 : i32 to index
      %get3A_1601 = arith.constant 16 : index
      %get3A_1602 = tpu.vector_load %arg11[%get3A_1600, %get3A_1601] {strides = array<i32>} : memref<4x128xi32, #tpu.memory_space<vmem>>, vector<16xi32>,
      %shift_right_arithmetic3A_1603 = arith.constant 4 : i32
      %shift_right_arithmetic3A_1604 = vector.broadcast %shift_right_arithmetic3A_1603 : i32 to vector<16xi32>
      %shift_right_arithmetic3A_1605 = arith.shrsi %get3A_1602, %shift_right_arithmetic3A_1604 : vector<16xi32>
      %and3A_1606 = arith.constant 15 : i32
      %and3A_1607 = vector.broadcast %and3A_1606 : i32 to vector<16xi32>
      %and3A_1608 = arith.andi %get3A_1602, %and3A_1607 : vector<16xi32>
      tpu.vector_store_idx %arg21[%shift_right_arithmetic3A_1605, %and3A_1608], %broadcast_in_dim3A_7 {add = true} : memref<640x16xf32, #tpu.memory_space<vmem>>[vector<16xi32>, vector<16xi32>], vector<16xf32>,
      %get3A_1609 = arith.constant 1 : i32
      %get3A_1610 = arith.index_cast %get3A_1609 : i32 to index
      %get3A_1611 = arith.constant 32 : index
      %get3A_1612 = tpu.vector_load %arg11[%get3A_1610, %get3A_1611] {strides = array<i32>} : memref<4x128xi32, #tpu.memory_space<vmem>>, vector<16xi32>,
      %shift_right_arithmetic3A_1613 = arith.constant 4 : i32
      %shift_right_arithmetic3A_1614 = vector.broadcast %shift_right_arithmetic3A_1613 : i32 to vector<16xi32>
      %shift_right_arithmetic3A_1615 = arith.shrsi %get3A_1612, %shift_right_arithmetic3A_1614 : vector<16xi32>
      %and3A_1616 = arith.constant 15 : i32
      %and3A_1617 = vector.broadcast %and3A_1616 : i32 to vector<16xi32>
      %and3A_1618 = arith.andi %get3A_1612, %and3A_1617 : vector<16xi32>
      tpu.vector_store_idx %arg21[%shift_right_arithmetic3A_1615, %and3A_1618], %broadcast_in_dim3A_7 {add = true} : memref<640x16xf32, #tpu.memory_space<vmem>>[vector<16xi32>, vector<16xi32>], vector<16xf32>,
      %get3A_1619 = arith.constant 1 : i32
      %get3A_1620 = arith.index_cast %get3A_1619 : i32 to index
      %get3A_1621 = arith.constant 48 : index
      %get3A_1622 = tpu.vector_load %arg11[%get3A_1620, %get3A_1621] {strides = array<i32>} : memref<4x128xi32, #tpu.memory_space<vmem>>, vector<16xi32>,
      %shift_right_arithmetic3A_1623 = arith.constant 4 : i32
      %shift_right_arithmetic3A_1624 = vector.broadcast %shift_right_arithmetic3A_1623 : i32 to vector<16xi32>
      %shift_right_arithmetic3A_1625 = arith.shrsi %get3A_1622, %shift_right_arithmetic3A_1624 : vector<16xi32>
      %and3A_1626 = arith.constant 15 : i32
      %and3A_1627 = vector.broadcast %and3A_1626 : i32 to vector<16xi32>
      %and3A_1628 = arith.andi %get3A_1622, %and3A_1627 : vector<16xi32>
      tpu.vector_store_idx %arg21[%shift_right_arithmetic3A_1625, %and3A_1628], %broadcast_in_dim3A_7 {add = true} : memref<640x16xf32, #tpu.memory_space<vmem>>[vector<16xi32>, vector<16xi32>], vector<16xf32>,
      %get3A_1629 = arith.constant 1 : i32
      %get3A_1630 = arith.index_cast %get3A_1629 : i32 to index
      %get3A_1631 = arith.constant 64 : index
      %get3A_1632 = tpu.vector_load %arg11[%get3A_1630, %get3A_1631] {strides = array<i32>} : memref<4x128xi32, #tpu.memory_space<vmem>>, vector<16xi32>,
      %shift_right_arithmetic3A_1633 = arith.constant 4 : i32
      %shift_right_arithmetic3A_1634 = vector.broadcast %shift_right_arithmetic3A_1633 : i32 to vector<16xi32>
      %shift_right_arithmetic3A_1635 = arith.shrsi %get3A_1632, %shift_right_arithmetic3A_1634 : vector<16xi32>
      %and3A_1636 = arith.constant 15 : i32
      %and3A_1637 = vector.broadcast %and3A_1636 : i32 to vector<16xi32>
      %and3A_1638 = arith.andi %get3A_1632, %and3A_1637 : vector<16xi32>
      tpu.vector_store_idx %arg21[%shift_right_arithmetic3A_1635, %and3A_1638], %broadcast_in_dim3A_7 {add = true} : memref<640x16xf32, #tpu.memory_space<vmem>>[vector<16xi32>, vector<16xi32>], vector<16xf32>,
      %get3A_1639 = arith.constant 1 : i32
      %get3A_1640 = arith.index_cast %get3A_1639 : i32 to index
      %get3A_1641 = arith.constant 80 : index
      %get3A_1642 = tpu.vector_load %arg11[%get3A_1640, %get3A_1641] {strides = array<i32>} : memref<4x128xi32, #tpu.memory_space<vmem>>, vector<16xi32>,
      %shift_right_arithmetic3A_1643 = arith.constant 4 : i32
      %shift_right_arithmetic3A_1644 = vector.broadcast %shift_right_arithmetic3A_1643 : i32 to vector<16xi32>
      %shift_right_arithmetic3A_1645 = arith.shrsi %get3A_1642, %shift_right_arithmetic3A_1644 : vector<16xi32>
      %and3A_1646 = arith.constant 15 : i32
      %and3A_1647 = vector.broadcast %and3A_1646 : i32 to vector<16xi32>
      %and3A_1648 = arith.andi %get3A_1642, %and3A_1647 : vector<16xi32>
      tpu.vector_store_idx %arg21[%shift_right_arithmetic3A_1645, %and3A_1648], %broadcast_in_dim3A_7 {add = true} : memref<640x16xf32, #tpu.memory_space<vmem>>[vector<16xi32>, vector<16xi32>], vector<16xf32>,
      %get3A_1649 = arith.constant 1 : i32
      %get3A_1650 = arith.index_cast %get3A_1649 : i32 to index
      %get3A_1651 = arith.constant 96 : index
      %get3A_1652 = tpu.vector_load %arg11[%get3A_1650, %get3A_1651] {strides = array<i32>} : memref<4x128xi32, #tpu.memory_space<vmem>>, vector<16xi32>,
      %shift_right_arithmetic3A_1653 = arith.constant 4 : i32
      %shift_right_arithmetic3A_1654 = vector.broadcast %shift_right_arithmetic3A_1653 : i32 to vector<16xi32>
      %shift_right_arithmetic3A_1655 = arith.shrsi %get3A_1652, %shift_right_arithmetic3A_1654 : vector<16xi32>
      %and3A_1656 = arith.constant 15 : i32
      %and3A_1657 = vector.broadcast %and3A_1656 : i32 to vector<16xi32>
      %and3A_1658 = arith.andi %get3A_1652, %and3A_1657 : vector<16xi32>
      tpu.vector_store_idx %arg21[%shift_right_arithmetic3A_1655, %and3A_1658], %broadcast_in_dim3A_7 {add = true} : memref<640x16xf32, #tpu.memory_space<vmem>>[vector<16xi32>, vector<16xi32>], vector<16xf32>,
      %get3A_1659 = arith.constant 1 : i32
      %get3A_1660 = arith.index_cast %get3A_1659 : i32 to index
      %get3A_1661 = arith.constant 112 : index
      %get3A_1662 = tpu.vector_load %arg11[%get3A_1660, %get3A_1661] {strides = array<i32>} : memref<4x128xi32, #tpu.memory_space<vmem>>, vector<16xi32>,
      %shift_right_arithmetic3A_1663 = arith.constant 4 : i32
      %shift_right_arithmetic3A_1664 = vector.broadcast %shift_right_arithmetic3A_1663 : i32 to vector<16xi32>
      %shift_right_arithmetic3A_1665 = arith.shrsi %get3A_1662, %shift_right_arithmetic3A_1664 : vector<16xi32>
      %and3A_1666 = arith.constant 15 : i32
      %and3A_1667 = vector.broadcast %and3A_1666 : i32 to vector<16xi32>
      %and3A_1668 = arith.andi %get3A_1662, %and3A_1667 : vector<16xi32>
      tpu.vector_store_idx %arg21[%shift_right_arithmetic3A_1665, %and3A_1668], %broadcast_in_dim3A_7 {add = true} : memref<640x16xf32, #tpu.memory_space<vmem>>[vector<16xi32>, vector<16xi32>], vector<16xf32>,
      %dma_wait3A_1669 = arith.constant 0 : i32
      %dma_wait3A_1670 = arith.constant 0 : i32
      %dma_wait3A_1671 = tpu.memref_slice %arg11[%dma_wait3A_1669, %dma_wait3A_1670] : memref<4x128xi32, #tpu.memory_space<vmem>> -> memref<1x128xi32, #tpu.memory_space<vmem>>
      %dma_wait3A_1672 = tpu.memref_squeeze %dma_wait3A_1671 : memref<1x128xi32, #tpu.memory_space<vmem>> -> memref<128xi32, #tpu.memory_space<vmem>>
      %dma_wait3A_1673 = arith.constant 0 : i32
      %dma_wait3A_1674 = arith.constant 0 : i32
      %dma_wait3A_1675 = tpu.memref_slice %arg14[%dma_wait3A_1673, %dma_wait3A_1674] : memref<10240x128xf32, #tpu.memory_space<vmem_shared>> -> memref<10240x128xf32, #tpu.memory_space<vmem_shared>>
      tpu.wait_indirect_dma semaphore(%arg17 : memref<!tpu.dma_semaphore, #tpu.memory_space<semaphore_mem>>) src(%arg12 : memref<128x128xf32, #tpu.memory_space<vmem>>) dst(%dma_wait3A_1675 : memref<10240x128xf32, #tpu.memory_space<vmem_shared>>)
      %dma_start3A_1676 = arith.constant 1 : i32
      %dma_start3A_1677 = arith.constant 0 : i32
      %dma_start3A_1678 = tpu.memref_slice %arg11[%dma_start3A_1676, %dma_start3A_1677] : memref<4x128xi32, #tpu.memory_space<vmem>> -> memref<1x128xi32, #tpu.memory_space<vmem>>
      %dma_start3A_1679 = tpu.memref_squeeze %dma_start3A_1678 : memref<1x128xi32, #tpu.memory_space<vmem>> -> memref<128xi32, #tpu.memory_space<vmem>>
      %dma_start3A_1680 = arith.constant 0 : i32
      %dma_start3A_1681 = arith.constant 0 : i32
      %dma_start3A_1682 = tpu.memref_slice %arg14[%dma_start3A_1680, %dma_start3A_1681] : memref<10240x128xf32, #tpu.memory_space<vmem_shared>> -> memref<10240x128xf32, #tpu.memory_space<vmem_shared>>
      tpu.enqueue_indirect_dma source(%arg13 : memref<128x128xf32, #tpu.memory_space<vmem>>) target(%dma_start3A_1682 : memref<10240x128xf32, #tpu.memory_space<vmem_shared>>) offsets(%dma_start3A_1679 : memref<128xi32, #tpu.memory_space<vmem>>) semaphore(%arg18 : memref<!tpu.dma_semaphore, #tpu.memory_space<semaphore_mem>>) {add = true}
      %add3A_1683 = arith.constant 3 : i32
      %add3A_1684 = arith.addi %add3A_1175, %add3A_1683 : i32
      %dma_wait3A_1685 = arith.constant 0 : i32
      %dma_wait3A_1686 = arith.constant 0 : i32
      %dma_wait3A_1687 = tpu.memref_slice %arg10[%dma_wait3A_1685, %dma_wait3A_1686] : memref<4x128xi32, #tpu.memory_space<vmem>> -> memref<1x128xi32, #tpu.memory_space<vmem>>
      %dma_wait3A_1688 = tpu.memref_squeeze %dma_wait3A_1687 : memref<1x128xi32, #tpu.memory_space<vmem>> -> memref<128xi32, #tpu.memory_space<vmem>>
      %dma_wait3A_1689 = arith.constant 0 : i32
      %dma_wait3A_1690 = arith.constant 0 : i32
      %dma_wait3A_1691 = tpu.memref_slice %arg2[%dma_wait3A_1689, %dma_wait3A_1690] : memref<10000x128xf32, #tpu.memory_space<hbm>> -> memref<10000x128xf32, #tpu.memory_space<hbm>>
      tpu.wait_indirect_dma semaphore(%arg15 : memref<!tpu.dma_semaphore, #tpu.memory_space<semaphore_mem>>) src(%dma_wait3A_1691 : memref<10000x128xf32, #tpu.memory_space<hbm>>) dst(%arg12 : memref<128x128xf32, #tpu.memory_space<vmem>>)
      %dma_wait3A_1692 = arith.constant 0 : i32
      %dma_wait3A_1693 = arith.constant 0 : i32
      %dma_wait3A_1694 = arith.constant 0 : i32
      %dma_wait3A_1695 = tpu.memref_slice %arg10[%dma_wait3A_1693, %dma_wait3A_1694] : memref<4x128xi32, #tpu.memory_space<vmem>> -> memref<1x128xi32, #tpu.memory_space<vmem>>
      %dma_wait3A_1696 = tpu.memref_squeeze %dma_wait3A_1695 : memref<1x128xi32, #tpu.memory_space<vmem>> -> memref<128xi32, #tpu.memory_space<vmem>>
      %dma_wait3A_1697 = arith.constant 0 : i32
      %dma_wait3A_1698 = tpu.memref_slice %arg3[%dma_wait3A_1692, %dma_wait3A_1697] : memref<2528x128xi32, #tpu.memory_space<hbm>> -> memref<1x128xi32, #tpu.memory_space<hbm>>
      %dma_wait3A_1699 = tpu.memref_squeeze %dma_wait3A_1698 : memref<1x128xi32, #tpu.memory_space<hbm>> -> memref<128xi32, #tpu.memory_space<hbm>>
      %dma_wait3A_1700 = arith.constant 0 : i32
      %dma_wait3A_1701 = tpu.memref_slice %arg10[%dma_wait3A_1693, %dma_wait3A_1700] : memref<4x128xi32, #tpu.memory_space<vmem>> -> memref<1x128xi32, #tpu.memory_space<vmem>>
      %dma_wait3A_1702 = tpu.memref_squeeze %dma_wait3A_1701 : memref<1x128xi32, #tpu.memory_space<vmem>> -> memref<128xi32, #tpu.memory_space<vmem>>
      %dma_wait3A_1703 = arith.constant 0 : i32
      %dma_wait3A_1704 = tpu.memref_slice %arg3[%dma_wait3A_1692, %dma_wait3A_1703] : memref<2528x128xi32, #tpu.memory_space<hbm>> -> memref<1x128xi32, #tpu.memory_space<hbm>>
      %dma_wait3A_1705 = tpu.memref_squeeze %dma_wait3A_1704 : memref<1x128xi32, #tpu.memory_space<hbm>> -> memref<128xi32, #tpu.memory_space<hbm>>
      tpu.wait_dma2 semaphore(%arg20 : memref<!tpu.dma_semaphore, #tpu.memory_space<semaphore_mem>>) src(%dma_wait3A_1705 : memref<128xi32, #tpu.memory_space<hbm>>) dst(%dma_wait3A_1702 : memref<128xi32, #tpu.memory_space<vmem>>)
      %dma_wait3A_1706 = arith.constant 0 : i32
      %dma_wait3A_1707 = arith.constant 0 : i32
      %dma_wait3A_1708 = arith.constant 0 : i32
      %dma_wait3A_1709 = tpu.memref_slice %arg11[%dma_wait3A_1707, %dma_wait3A_1708] : memref<4x128xi32, #tpu.memory_space<vmem>> -> memref<1x128xi32, #tpu.memory_space<vmem>>
      %dma_wait3A_1710 = tpu.memref_squeeze %dma_wait3A_1709 : memref<1x128xi32, #tpu.memory_space<vmem>> -> memref<128xi32, #tpu.memory_space<vmem>>
      %dma_wait3A_1711 = arith.constant 0 : i32
      %dma_wait3A_1712 = tpu.memref_slice %arg4[%dma_wait3A_1706, %dma_wait3A_1711] : memref<2528x128xi32, #tpu.memory_space<hbm>> -> memref<1x128xi32, #tpu.memory_space<hbm>>
      %dma_wait3A_1713 = tpu.memref_squeeze %dma_wait3A_1712 : memref<1x128xi32, #tpu.memory_space<hbm>> -> memref<128xi32, #tpu.memory_space<hbm>>
      %dma_wait3A_1714 = arith.constant 0 : i32
      %dma_wait3A_1715 = tpu.memref_slice %arg11[%dma_wait3A_1707, %dma_wait3A_1714] : memref<4x128xi32, #tpu.memory_space<vmem>> -> memref<1x128xi32, #tpu.memory_space<vmem>>
      %dma_wait3A_1716 = tpu.memref_squeeze %dma_wait3A_1715 : memref<1x128xi32, #tpu.memory_space<vmem>> -> memref<128xi32, #tpu.memory_space<vmem>>
      %dma_wait3A_1717 = arith.constant 0 : i32
      %dma_wait3A_1718 = tpu.memref_slice %arg4[%dma_wait3A_1706, %dma_wait3A_1717] : memref<2528x128xi32, #tpu.memory_space<hbm>> -> memref<1x128xi32, #tpu.memory_space<hbm>>
      %dma_wait3A_1719 = tpu.memref_squeeze %dma_wait3A_1718 : memref<1x128xi32, #tpu.memory_space<hbm>> -> memref<128xi32, #tpu.memory_space<hbm>>
      tpu.wait_dma2 semaphore(%arg20 : memref<!tpu.dma_semaphore, #tpu.memory_space<semaphore_mem>>) src(%dma_wait3A_1719 : memref<128xi32, #tpu.memory_space<hbm>>) dst(%dma_wait3A_1716 : memref<128xi32, #tpu.memory_space<vmem>>)
      %dma_start3A_1720 = arith.constant 3 : i32
      %dma_start3A_1721 = arith.constant 0 : i32
      %dma_start3A_1722 = tpu.memref_slice %arg10[%dma_start3A_1720, %dma_start3A_1721] : memref<4x128xi32, #tpu.memory_space<vmem>> -> memref<1x128xi32, #tpu.memory_space<vmem>>
      %dma_start3A_1723 = tpu.memref_squeeze %dma_start3A_1722 : memref<1x128xi32, #tpu.memory_space<vmem>> -> memref<128xi32, #tpu.memory_space<vmem>>
      %dma_start3A_1724 = arith.constant 0 : i32
      %dma_start3A_1725 = arith.constant 0 : i32
      %dma_start3A_1726 = tpu.memref_slice %arg2[%dma_start3A_1724, %dma_start3A_1725] : memref<10000x128xf32, #tpu.memory_space<hbm>> -> memref<10000x128xf32, #tpu.memory_space<hbm>>
      tpu.enqueue_indirect_dma source(%dma_start3A_1726 : memref<10000x128xf32, #tpu.memory_space<hbm>>) target(%arg13 : memref<128x128xf32, #tpu.memory_space<vmem>>) offsets(%dma_start3A_1723 : memref<128xi32, #tpu.memory_space<vmem>>) semaphore(%arg16 : memref<!tpu.dma_semaphore, #tpu.memory_space<semaphore_mem>>)
      %add3A_1727 = arith.constant 2 : i32
      %add3A_1728 = arith.addi %add3A_1684, %add3A_1727 : i32
      %mul3A_1729 = arith.constant 32 : i32
      %mul3A_1730 = arith.muli %add3A_1728, %mul3A_1729 : i32
      %add3A_1731 = arith.addi %add3A, %mul3A_1730 : i32
      %dma_start3A_1732 = arith.constant 0 : i32
      %dma_start3A_1733 = arith.constant 0 : i32
      %dma_start3A_1734 = tpu.memref_slice %arg10[%dma_start3A_1732, %dma_start3A_1733] : memref<4x128xi32, #tpu.memory_space<vmem>> -> memref<1x128xi32, #tpu.memory_space<vmem>>
      %dma_start3A_1735 = tpu.memref_squeeze %dma_start3A_1734 : memref<1x128xi32, #tpu.memory_space<vmem>> -> memref<128xi32, #tpu.memory_space<vmem>>
      %dma_start3A_1736 = arith.constant 0 : i32
      %dma_start3A_1737 = tpu.memref_slice %arg3[%add3A_1731, %dma_start3A_1736] : memref<2528x128xi32, #tpu.memory_space<hbm>> -> memref<1x128xi32, #tpu.memory_space<hbm>>
      %dma_start3A_1738 = tpu.memref_squeeze %dma_start3A_1737 : memref<1x128xi32, #tpu.memory_space<hbm>> -> memref<128xi32, #tpu.memory_space<hbm>>
      %dma_start3A_1739 = arith.constant 0 : i32
      %dma_start3A_1740 = tpu.memref_slice %arg10[%dma_start3A_1732, %dma_start3A_1739] : memref<4x128xi32, #tpu.memory_space<vmem>> -> memref<1x128xi32, #tpu.memory_space<vmem>>
      %dma_start3A_1741 = tpu.memref_squeeze %dma_start3A_1740 : memref<1x128xi32, #tpu.memory_space<vmem>> -> memref<128xi32, #tpu.memory_space<vmem>>
      %dma_start3A_1742 = arith.constant 0 : i32
      %dma_start3A_1743 = tpu.memref_slice %arg3[%add3A_1731, %dma_start3A_1742] : memref<2528x128xi32, #tpu.memory_space<hbm>> -> memref<1x128xi32, #tpu.memory_space<hbm>>
      %dma_start3A_1744 = tpu.memref_squeeze %dma_start3A_1743 : memref<1x128xi32, #tpu.memory_space<hbm>> -> memref<128xi32, #tpu.memory_space<hbm>>
      tpu.enqueue_dma source(%dma_start3A_1744 : memref<128xi32, #tpu.memory_space<hbm>>) target(%dma_start3A_1741 : memref<128xi32, #tpu.memory_space<vmem>>) target_semaphore(%arg19 : memref<!tpu.dma_semaphore, #tpu.memory_space<semaphore_mem>>)
      %dma_start3A_1745 = arith.constant 0 : i32
      %dma_start3A_1746 = arith.constant 0 : i32
      %dma_start3A_1747 = tpu.memref_slice %arg11[%dma_start3A_1745, %dma_start3A_1746] : memref<4x128xi32, #tpu.memory_space<vmem>> -> memref<1x128xi32, #tpu.memory_space<vmem>>
      %dma_start3A_1748 = tpu.memref_squeeze %dma_start3A_1747 : memref<1x128xi32, #tpu.memory_space<vmem>> -> memref<128xi32, #tpu.memory_space<vmem>>
      %dma_start3A_1749 = arith.constant 0 : i32
      %dma_start3A_1750 = tpu.memref_slice %arg4[%add3A_1731, %dma_start3A_1749] : memref<2528x128xi32, #tpu.memory_space<hbm>> -> memref<1x128xi32, #tpu.memory_space<hbm>>
      %dma_start3A_1751 = tpu.memref_squeeze %dma_start3A_1750 : memref<1x128xi32, #tpu.memory_space<hbm>> -> memref<128xi32, #tpu.memory_space<hbm>>
      %dma_start3A_1752 = arith.constant 0 : i32
      %dma_start3A_1753 = tpu.memref_slice %arg11[%dma_start3A_1745, %dma_start3A_1752] : memref<4x128xi32, #tpu.memory_space<vmem>> -> memref<1x128xi32, #tpu.memory_space<vmem>>
      %dma_start3A_1754 = tpu.memref_squeeze %dma_start3A_1753 : memref<1x128xi32, #tpu.memory_space<vmem>> -> memref<128xi32, #tpu.memory_space<vmem>>
      %dma_start3A_1755 = arith.constant 0 : i32
      %dma_start3A_1756 = tpu.memref_slice %arg4[%add3A_1731, %dma_start3A_1755] : memref<2528x128xi32, #tpu.memory_space<hbm>> -> memref<1x128xi32, #tpu.memory_space<hbm>>
      %dma_start3A_1757 = tpu.memref_squeeze %dma_start3A_1756 : memref<1x128xi32, #tpu.memory_space<hbm>> -> memref<128xi32, #tpu.memory_space<hbm>>
      tpu.enqueue_dma source(%dma_start3A_1757 : memref<128xi32, #tpu.memory_space<hbm>>) target(%dma_start3A_1754 : memref<128xi32, #tpu.memory_space<vmem>>) target_semaphore(%arg19 : memref<!tpu.dma_semaphore, #tpu.memory_space<semaphore_mem>>)
      %get3A_1758 = arith.constant 2 : i32
      %get3A_1759 = arith.index_cast %get3A_1758 : i32 to index
      %get3A_1760 = arith.constant 0 : index
      %get3A_1761 = tpu.vector_load %arg11[%get3A_1759, %get3A_1760] {strides = array<i32>} : memref<4x128xi32, #tpu.memory_space<vmem>>, vector<16xi32>,
      %shift_right_arithmetic3A_1762 = arith.constant 4 : i32
      %shift_right_arithmetic3A_1763 = vector.broadcast %shift_right_arithmetic3A_1762 : i32 to vector<16xi32>
      %shift_right_arithmetic3A_1764 = arith.shrsi %get3A_1761, %shift_right_arithmetic3A_1763 : vector<16xi32>
      %and3A_1765 = arith.constant 15 : i32
      %and3A_1766 = vector.broadcast %and3A_1765 : i32 to vector<16xi32>
      %and3A_1767 = arith.andi %get3A_1761, %and3A_1766 : vector<16xi32>
      tpu.vector_store_idx %arg21[%shift_right_arithmetic3A_1764, %and3A_1767], %broadcast_in_dim3A_7 {add = true} : memref<640x16xf32, #tpu.memory_space<vmem>>[vector<16xi32>, vector<16xi32>], vector<16xf32>,
      %get3A_1768 = arith.constant 2 : i32
      %get3A_1769 = arith.index_cast %get3A_1768 : i32 to index
      %get3A_1770 = arith.constant 16 : index
      %get3A_1771 = tpu.vector_load %arg11[%get3A_1769, %get3A_1770] {strides = array<i32>} : memref<4x128xi32, #tpu.memory_space<vmem>>, vector<16xi32>,
      %shift_right_arithmetic3A_1772 = arith.constant 4 : i32
      %shift_right_arithmetic3A_1773 = vector.broadcast %shift_right_arithmetic3A_1772 : i32 to vector<16xi32>
      %shift_right_arithmetic3A_1774 = arith.shrsi %get3A_1771, %shift_right_arithmetic3A_1773 : vector<16xi32>
      %and3A_1775 = arith.constant 15 : i32
      %and3A_1776 = vector.broadcast %and3A_1775 : i32 to vector<16xi32>
      %and3A_1777 = arith.andi %get3A_1771, %and3A_1776 : vector<16xi32>
      tpu.vector_store_idx %arg21[%shift_right_arithmetic3A_1774, %and3A_1777], %broadcast_in_dim3A_7 {add = true} : memref<640x16xf32, #tpu.memory_space<vmem>>[vector<16xi32>, vector<16xi32>], vector<16xf32>,
      %get3A_1778 = arith.constant 2 : i32
      %get3A_1779 = arith.index_cast %get3A_1778 : i32 to index
      %get3A_1780 = arith.constant 32 : index
      %get3A_1781 = tpu.vector_load %arg11[%get3A_1779, %get3A_1780] {strides = array<i32>} : memref<4x128xi32, #tpu.memory_space<vmem>>, vector<16xi32>,
      %shift_right_arithmetic3A_1782 = arith.constant 4 : i32
      %shift_right_arithmetic3A_1783 = vector.broadcast %shift_right_arithmetic3A_1782 : i32 to vector<16xi32>
      %shift_right_arithmetic3A_1784 = arith.shrsi %get3A_1781, %shift_right_arithmetic3A_1783 : vector<16xi32>
      %and3A_1785 = arith.constant 15 : i32
      %and3A_1786 = vector.broadcast %and3A_1785 : i32 to vector<16xi32>
      %and3A_1787 = arith.andi %get3A_1781, %and3A_1786 : vector<16xi32>
      tpu.vector_store_idx %arg21[%shift_right_arithmetic3A_1784, %and3A_1787], %broadcast_in_dim3A_7 {add = true} : memref<640x16xf32, #tpu.memory_space<vmem>>[vector<16xi32>, vector<16xi32>], vector<16xf32>,
      %get3A_1788 = arith.constant 2 : i32
      %get3A_1789 = arith.index_cast %get3A_1788 : i32 to index
      %get3A_1790 = arith.constant 48 : index
      %get3A_1791 = tpu.vector_load %arg11[%get3A_1789, %get3A_1790] {strides = array<i32>} : memref<4x128xi32, #tpu.memory_space<vmem>>, vector<16xi32>,
      %shift_right_arithmetic3A_1792 = arith.constant 4 : i32
      %shift_right_arithmetic3A_1793 = vector.broadcast %shift_right_arithmetic3A_1792 : i32 to vector<16xi32>
      %shift_right_arithmetic3A_1794 = arith.shrsi %get3A_1791, %shift_right_arithmetic3A_1793 : vector<16xi32>
      %and3A_1795 = arith.constant 15 : i32
      %and3A_1796 = vector.broadcast %and3A_1795 : i32 to vector<16xi32>
      %and3A_1797 = arith.andi %get3A_1791, %and3A_1796 : vector<16xi32>
      tpu.vector_store_idx %arg21[%shift_right_arithmetic3A_1794, %and3A_1797], %broadcast_in_dim3A_7 {add = true} : memref<640x16xf32, #tpu.memory_space<vmem>>[vector<16xi32>, vector<16xi32>], vector<16xf32>,
      %get3A_1798 = arith.constant 2 : i32
      %get3A_1799 = arith.index_cast %get3A_1798 : i32 to index
      %get3A_1800 = arith.constant 64 : index
      %get3A_1801 = tpu.vector_load %arg11[%get3A_1799, %get3A_1800] {strides = array<i32>} : memref<4x128xi32, #tpu.memory_space<vmem>>, vector<16xi32>,
      %shift_right_arithmetic3A_1802 = arith.constant 4 : i32
      %shift_right_arithmetic3A_1803 = vector.broadcast %shift_right_arithmetic3A_1802 : i32 to vector<16xi32>
      %shift_right_arithmetic3A_1804 = arith.shrsi %get3A_1801, %shift_right_arithmetic3A_1803 : vector<16xi32>
      %and3A_1805 = arith.constant 15 : i32
      %and3A_1806 = vector.broadcast %and3A_1805 : i32 to vector<16xi32>
      %and3A_1807 = arith.andi %get3A_1801, %and3A_1806 : vector<16xi32>
      tpu.vector_store_idx %arg21[%shift_right_arithmetic3A_1804, %and3A_1807], %broadcast_in_dim3A_7 {add = true} : memref<640x16xf32, #tpu.memory_space<vmem>>[vector<16xi32>, vector<16xi32>], vector<16xf32>,
      %get3A_1808 = arith.constant 2 : i32
      %get3A_1809 = arith.index_cast %get3A_1808 : i32 to index
      %get3A_1810 = arith.constant 80 : index
      %get3A_1811 = tpu.vector_load %arg11[%get3A_1809, %get3A_1810] {strides = array<i32>} : memref<4x128xi32, #tpu.memory_space<vmem>>, vector<16xi32>,
      %shift_right_arithmetic3A_1812 = arith.constant 4 : i32
      %shift_right_arithmetic3A_1813 = vector.broadcast %shift_right_arithmetic3A_1812 : i32 to vector<16xi32>
      %shift_right_arithmetic3A_1814 = arith.shrsi %get3A_1811, %shift_right_arithmetic3A_1813 : vector<16xi32>
      %and3A_1815 = arith.constant 15 : i32
      %and3A_1816 = vector.broadcast %and3A_1815 : i32 to vector<16xi32>
      %and3A_1817 = arith.andi %get3A_1811, %and3A_1816 : vector<16xi32>
      tpu.vector_store_idx %arg21[%shift_right_arithmetic3A_1814, %and3A_1817], %broadcast_in_dim3A_7 {add = true} : memref<640x16xf32, #tpu.memory_space<vmem>>[vector<16xi32>, vector<16xi32>], vector<16xf32>,
      %get3A_1818 = arith.constant 2 : i32
      %get3A_1819 = arith.index_cast %get3A_1818 : i32 to index
      %get3A_1820 = arith.constant 96 : index
      %get3A_1821 = tpu.vector_load %arg11[%get3A_1819, %get3A_1820] {strides = array<i32>} : memref<4x128xi32, #tpu.memory_space<vmem>>, vector<16xi32>,
      %shift_right_arithmetic3A_1822 = arith.constant 4 : i32
      %shift_right_arithmetic3A_1823 = vector.broadcast %shift_right_arithmetic3A_1822 : i32 to vector<16xi32>
      %shift_right_arithmetic3A_1824 = arith.shrsi %get3A_1821, %shift_right_arithmetic3A_1823 : vector<16xi32>
      %and3A_1825 = arith.constant 15 : i32
      %and3A_1826 = vector.broadcast %and3A_1825 : i32 to vector<16xi32>
      %and3A_1827 = arith.andi %get3A_1821, %and3A_1826 : vector<16xi32>
      tpu.vector_store_idx %arg21[%shift_right_arithmetic3A_1824, %and3A_1827], %broadcast_in_dim3A_7 {add = true} : memref<640x16xf32, #tpu.memory_space<vmem>>[vector<16xi32>, vector<16xi32>], vector<16xf32>,
      %get3A_1828 = arith.constant 2 : i32
      %get3A_1829 = arith.index_cast %get3A_1828 : i32 to index
      %get3A_1830 = arith.constant 112 : index
      %get3A_1831 = tpu.vector_load %arg11[%get3A_1829, %get3A_1830] {strides = array<i32>} : memref<4x128xi32, #tpu.memory_space<vmem>>, vector<16xi32>,
      %shift_right_arithmetic3A_1832 = arith.constant 4 : i32
      %shift_right_arithmetic3A_1833 = vector.broadcast %shift_right_arithmetic3A_1832 : i32 to vector<16xi32>
      %shift_right_arithmetic3A_1834 = arith.shrsi %get3A_1831, %shift_right_arithmetic3A_1833 : vector<16xi32>
      %and3A_1835 = arith.constant 15 : i32
      %and3A_1836 = vector.broadcast %and3A_1835 : i32 to vector<16xi32>
      %and3A_1837 = arith.andi %get3A_1831, %and3A_1836 : vector<16xi32>
      tpu.vector_store_idx %arg21[%shift_right_arithmetic3A_1834, %and3A_1837], %broadcast_in_dim3A_7 {add = true} : memref<640x16xf32, #tpu.memory_space<vmem>>[vector<16xi32>, vector<16xi32>], vector<16xf32>,
      %dma_wait3A_1838 = arith.constant 0 : i32
      %dma_wait3A_1839 = arith.constant 0 : i32
      %dma_wait3A_1840 = tpu.memref_slice %arg11[%dma_wait3A_1838, %dma_wait3A_1839] : memref<4x128xi32, #tpu.memory_space<vmem>> -> memref<1x128xi32, #tpu.memory_space<vmem>>
      %dma_wait3A_1841 = tpu.memref_squeeze %dma_wait3A_1840 : memref<1x128xi32, #tpu.memory_space<vmem>> -> memref<128xi32, #tpu.memory_space<vmem>>
      %dma_wait3A_1842 = arith.constant 0 : i32
      %dma_wait3A_1843 = arith.constant 0 : i32
      %dma_wait3A_1844 = tpu.memref_slice %arg14[%dma_wait3A_1842, %dma_wait3A_1843] : memref<10240x128xf32, #tpu.memory_space<vmem_shared>> -> memref<10240x128xf32, #tpu.memory_space<vmem_shared>>
      tpu.wait_indirect_dma semaphore(%arg18 : memref<!tpu.dma_semaphore, #tpu.memory_space<semaphore_mem>>) src(%arg13 : memref<128x128xf32, #tpu.memory_space<vmem>>) dst(%dma_wait3A_1844 : memref<10240x128xf32, #tpu.memory_space<vmem_shared>>)
      %dma_start3A_1845 = arith.constant 2 : i32
      %dma_start3A_1846 = arith.constant 0 : i32
      %dma_start3A_1847 = tpu.memref_slice %arg11[%dma_start3A_1845, %dma_start3A_1846] : memref<4x128xi32, #tpu.memory_space<vmem>> -> memref<1x128xi32, #tpu.memory_space<vmem>>
      %dma_start3A_1848 = tpu.memref_squeeze %dma_start3A_1847 : memref<1x128xi32, #tpu.memory_space<vmem>> -> memref<128xi32, #tpu.memory_space<vmem>>
      %dma_start3A_1849 = arith.constant 0 : i32
      %dma_start3A_1850 = arith.constant 0 : i32
      %dma_start3A_1851 = tpu.memref_slice %arg14[%dma_start3A_1849, %dma_start3A_1850] : memref<10240x128xf32, #tpu.memory_space<vmem_shared>> -> memref<10240x128xf32, #tpu.memory_space<vmem_shared>>
      tpu.enqueue_indirect_dma source(%arg12 : memref<128x128xf32, #tpu.memory_space<vmem>>) target(%dma_start3A_1851 : memref<10240x128xf32, #tpu.memory_space<vmem_shared>>) offsets(%dma_start3A_1848 : memref<128xi32, #tpu.memory_space<vmem>>) semaphore(%arg17 : memref<!tpu.dma_semaphore, #tpu.memory_space<semaphore_mem>>) {add = true}
    }
    %scan3A_583 = arith.constant 18 : i32
    %dma_wait3A_584 = arith.constant 0 : i32
    %dma_wait3A_585 = arith.constant 0 : i32
    %dma_wait3A_586 = tpu.memref_slice %arg10[%dma_wait3A_584, %dma_wait3A_585] : memref<4x128xi32, #tpu.memory_space<vmem>> -> memref<1x128xi32, #tpu.memory_space<vmem>>
    %dma_wait3A_587 = tpu.memref_squeeze %dma_wait3A_586 : memref<1x128xi32, #tpu.memory_space<vmem>> -> memref<128xi32, #tpu.memory_space<vmem>>
    %dma_wait3A_588 = arith.constant 0 : i32
    %dma_wait3A_589 = arith.constant 0 : i32
    %dma_wait3A_590 = tpu.memref_slice %arg2[%dma_wait3A_588, %dma_wait3A_589] : memref<10000x128xf32, #tpu.memory_space<hbm>> -> memref<10000x128xf32, #tpu.memory_space<hbm>>
    tpu.wait_indirect_dma semaphore(%arg16 : memref<!tpu.dma_semaphore, #tpu.memory_space<semaphore_mem>>) src(%dma_wait3A_590 : memref<10000x128xf32, #tpu.memory_space<hbm>>) dst(%arg13 : memref<128x128xf32, #tpu.memory_space<vmem>>)
    %dma_wait3A_591 = arith.constant 0 : i32
    %dma_wait3A_592 = arith.constant 0 : i32
    %dma_wait3A_593 = arith.constant 0 : i32
    %dma_wait3A_594 = tpu.memref_slice %arg10[%dma_wait3A_592, %dma_wait3A_593] : memref<4x128xi32, #tpu.memory_space<vmem>> -> memref<1x128xi32, #tpu.memory_space<vmem>>
    %dma_wait3A_595 = tpu.memref_squeeze %dma_wait3A_594 : memref<1x128xi32, #tpu.memory_space<vmem>> -> memref<128xi32, #tpu.memory_space<vmem>>
    %dma_wait3A_596 = arith.constant 0 : i32
    %dma_wait3A_597 = tpu.memref_slice %arg3[%dma_wait3A_591, %dma_wait3A_596] : memref<2528x128xi32, #tpu.memory_space<hbm>> -> memref<1x128xi32, #tpu.memory_space<hbm>>
    %dma_wait3A_598 = tpu.memref_squeeze %dma_wait3A_597 : memref<1x128xi32, #tpu.memory_space<hbm>> -> memref<128xi32, #tpu.memory_space<hbm>>
    %dma_wait3A_599 = arith.constant 0 : i32
    %dma_wait3A_600 = tpu.memref_slice %arg10[%dma_wait3A_592, %dma_wait3A_599] : memref<4x128xi32, #tpu.memory_space<vmem>> -> memref<1x128xi32, #tpu.memory_space<vmem>>
    %dma_wait3A_601 = tpu.memref_squeeze %dma_wait3A_600 : memref<1x128xi32, #tpu.memory_space<vmem>> -> memref<128xi32, #tpu.memory_space<vmem>>
    %dma_wait3A_602 = arith.constant 0 : i32
    %dma_wait3A_603 = tpu.memref_slice %arg3[%dma_wait3A_591, %dma_wait3A_602] : memref<2528x128xi32, #tpu.memory_space<hbm>> -> memref<1x128xi32, #tpu.memory_space<hbm>>
    %dma_wait3A_604 = tpu.memref_squeeze %dma_wait3A_603 : memref<1x128xi32, #tpu.memory_space<hbm>> -> memref<128xi32, #tpu.memory_space<hbm>>
    tpu.wait_dma2 semaphore(%arg19 : memref<!tpu.dma_semaphore, #tpu.memory_space<semaphore_mem>>) src(%dma_wait3A_604 : memref<128xi32, #tpu.memory_space<hbm>>) dst(%dma_wait3A_601 : memref<128xi32, #tpu.memory_space<vmem>>)
    %dma_wait3A_605 = arith.constant 0 : i32
    %dma_wait3A_606 = arith.constant 0 : i32
    %dma_wait3A_607 = arith.constant 0 : i32
    %dma_wait3A_608 = tpu.memref_slice %arg11[%dma_wait3A_606, %dma_wait3A_607] : memref<4x128xi32, #tpu.memory_space<vmem>> -> memref<1x128xi32, #tpu.memory_space<vmem>>
    %dma_wait3A_609 = tpu.memref_squeeze %dma_wait3A_608 : memref<1x128xi32, #tpu.memory_space<vmem>> -> memref<128xi32, #tpu.memory_space<vmem>>
    %dma_wait3A_610 = arith.constant 0 : i32
    %dma_wait3A_611 = tpu.memref_slice %arg4[%dma_wait3A_605, %dma_wait3A_610] : memref<2528x128xi32, #tpu.memory_space<hbm>> -> memref<1x128xi32, #tpu.memory_space<hbm>>
    %dma_wait3A_612 = tpu.memref_squeeze %dma_wait3A_611 : memref<1x128xi32, #tpu.memory_space<hbm>> -> memref<128xi32, #tpu.memory_space<hbm>>
    %dma_wait3A_613 = arith.constant 0 : i32
    %dma_wait3A_614 = tpu.memref_slice %arg11[%dma_wait3A_606, %dma_wait3A_613] : memref<4x128xi32, #tpu.memory_space<vmem>> -> memref<1x128xi32, #tpu.memory_space<vmem>>
    %dma_wait3A_615 = tpu.memref_squeeze %dma_wait3A_614 : memref<1x128xi32, #tpu.memory_space<vmem>> -> memref<128xi32, #tpu.memory_space<vmem>>
    %dma_wait3A_616 = arith.constant 0 : i32
    %dma_wait3A_617 = tpu.memref_slice %arg4[%dma_wait3A_605, %dma_wait3A_616] : memref<2528x128xi32, #tpu.memory_space<hbm>> -> memref<1x128xi32, #tpu.memory_space<hbm>>
    %dma_wait3A_618 = tpu.memref_squeeze %dma_wait3A_617 : memref<1x128xi32, #tpu.memory_space<hbm>> -> memref<128xi32, #tpu.memory_space<hbm>>
    tpu.wait_dma2 semaphore(%arg19 : memref<!tpu.dma_semaphore, #tpu.memory_space<semaphore_mem>>) src(%dma_wait3A_618 : memref<128xi32, #tpu.memory_space<hbm>>) dst(%dma_wait3A_615 : memref<128xi32, #tpu.memory_space<vmem>>)
    %dma_start3A_619 = arith.constant 0 : i32
    %dma_start3A_620 = arith.constant 0 : i32
    %dma_start3A_621 = tpu.memref_slice %arg10[%dma_start3A_619, %dma_start3A_620] : memref<4x128xi32, #tpu.memory_space<vmem>> -> memref<1x128xi32, #tpu.memory_space<vmem>>
    %dma_start3A_622 = tpu.memref_squeeze %dma_start3A_621 : memref<1x128xi32, #tpu.memory_space<vmem>> -> memref<128xi32, #tpu.memory_space<vmem>>
    %dma_start3A_623 = arith.constant 0 : i32
    %dma_start3A_624 = arith.constant 0 : i32
    %dma_start3A_625 = tpu.memref_slice %arg2[%dma_start3A_623, %dma_start3A_624] : memref<10000x128xf32, #tpu.memory_space<hbm>> -> memref<10000x128xf32, #tpu.memory_space<hbm>>
    tpu.enqueue_indirect_dma source(%dma_start3A_625 : memref<10000x128xf32, #tpu.memory_space<hbm>>) target(%arg12 : memref<128x128xf32, #tpu.memory_space<vmem>>) offsets(%dma_start3A_622 : memref<128xi32, #tpu.memory_space<vmem>>) semaphore(%arg15 : memref<!tpu.dma_semaphore, #tpu.memory_space<semaphore_mem>>)
    %add3A_626 = arith.constant 2464 : i32
    %add3A_627 = arith.addi %add3A, %add3A_626 : i32
    %dma_start3A_628 = arith.constant 1 : i32
    %dma_start3A_629 = arith.constant 0 : i32
    %dma_start3A_630 = tpu.memref_slice %arg10[%dma_start3A_628, %dma_start3A_629] : memref<4x128xi32, #tpu.memory_space<vmem>> -> memref<1x128xi32, #tpu.memory_space<vmem>>
    %dma_start3A_631 = tpu.memref_squeeze %dma_start3A_630 : memref<1x128xi32, #tpu.memory_space<vmem>> -> memref<128xi32, #tpu.memory_space<vmem>>
    %dma_start3A_632 = arith.constant 0 : i32
    %dma_start3A_633 = tpu.memref_slice %arg3[%add3A_627, %dma_start3A_632] : memref<2528x128xi32, #tpu.memory_space<hbm>> -> memref<1x128xi32, #tpu.memory_space<hbm>>
    %dma_start3A_634 = tpu.memref_squeeze %dma_start3A_633 : memref<1x128xi32, #tpu.memory_space<hbm>> -> memref<128xi32, #tpu.memory_space<hbm>>
    %dma_start3A_635 = arith.constant 0 : i32
    %dma_start3A_636 = tpu.memref_slice %arg10[%dma_start3A_628, %dma_start3A_635] : memref<4x128xi32, #tpu.memory_space<vmem>> -> memref<1x128xi32, #tpu.memory_space<vmem>>
    %dma_start3A_637 = tpu.memref_squeeze %dma_start3A_636 : memref<1x128xi32, #tpu.memory_space<vmem>> -> memref<128xi32, #tpu.memory_space<vmem>>
    %dma_start3A_638 = arith.constant 0 : i32
    %dma_start3A_639 = tpu.memref_slice %arg3[%add3A_627, %dma_start3A_638] : memref<2528x128xi32, #tpu.memory_space<hbm>> -> memref<1x128xi32, #tpu.memory_space<hbm>>
    %dma_start3A_640 = tpu.memref_squeeze %dma_start3A_639 : memref<1x128xi32, #tpu.memory_space<hbm>> -> memref<128xi32, #tpu.memory_space<hbm>>
    tpu.enqueue_dma source(%dma_start3A_640 : memref<128xi32, #tpu.memory_space<hbm>>) target(%dma_start3A_637 : memref<128xi32, #tpu.memory_space<vmem>>) target_semaphore(%arg20 : memref<!tpu.dma_semaphore, #tpu.memory_space<semaphore_mem>>)
    %dma_start3A_641 = arith.constant 1 : i32
    %dma_start3A_642 = arith.constant 0 : i32
    %dma_start3A_643 = tpu.memref_slice %arg11[%dma_start3A_641, %dma_start3A_642] : memref<4x128xi32, #tpu.memory_space<vmem>> -> memref<1x128xi32, #tpu.memory_space<vmem>>
    %dma_start3A_644 = tpu.memref_squeeze %dma_start3A_643 : memref<1x128xi32, #tpu.memory_space<vmem>> -> memref<128xi32, #tpu.memory_space<vmem>>
    %dma_start3A_645 = arith.constant 0 : i32
    %dma_start3A_646 = tpu.memref_slice %arg4[%add3A_627, %dma_start3A_645] : memref<2528x128xi32, #tpu.memory_space<hbm>> -> memref<1x128xi32, #tpu.memory_space<hbm>>
    %dma_start3A_647 = tpu.memref_squeeze %dma_start3A_646 : memref<1x128xi32, #tpu.memory_space<hbm>> -> memref<128xi32, #tpu.memory_space<hbm>>
    %dma_start3A_648 = arith.constant 0 : i32
    %dma_start3A_649 = tpu.memref_slice %arg11[%dma_start3A_641, %dma_start3A_648] : memref<4x128xi32, #tpu.memory_space<vmem>> -> memref<1x128xi32, #tpu.memory_space<vmem>>
    %dma_start3A_650 = tpu.memref_squeeze %dma_start3A_649 : memref<1x128xi32, #tpu.memory_space<vmem>> -> memref<128xi32, #tpu.memory_space<vmem>>
    %dma_start3A_651 = arith.constant 0 : i32
    %dma_start3A_652 = tpu.memref_slice %arg4[%add3A_627, %dma_start3A_651] : memref<2528x128xi32, #tpu.memory_space<hbm>> -> memref<1x128xi32, #tpu.memory_space<hbm>>
    %dma_start3A_653 = tpu.memref_squeeze %dma_start3A_652 : memref<1x128xi32, #tpu.memory_space<hbm>> -> memref<128xi32, #tpu.memory_space<hbm>>
    tpu.enqueue_dma source(%dma_start3A_653 : memref<128xi32, #tpu.memory_space<hbm>>) target(%dma_start3A_650 : memref<128xi32, #tpu.memory_space<vmem>>) target_semaphore(%arg20 : memref<!tpu.dma_semaphore, #tpu.memory_space<semaphore_mem>>)
    %get3A_654 = arith.constant 3 : i32
    %get3A_655 = arith.index_cast %get3A_654 : i32 to index
    %get3A_656 = arith.constant 0 : index
    %get3A_657 = tpu.vector_load %arg11[%get3A_655, %get3A_656] {strides = array<i32>} : memref<4x128xi32, #tpu.memory_space<vmem>>, vector<16xi32>,
    %shift_right_arithmetic3A_658 = arith.constant 4 : i32
    %shift_right_arithmetic3A_659 = vector.broadcast %shift_right_arithmetic3A_658 : i32 to vector<16xi32>
    %shift_right_arithmetic3A_660 = arith.shrsi %get3A_657, %shift_right_arithmetic3A_659 : vector<16xi32>
    %and3A_661 = arith.constant 15 : i32
    %and3A_662 = vector.broadcast %and3A_661 : i32 to vector<16xi32>
    %and3A_663 = arith.andi %get3A_657, %and3A_662 : vector<16xi32>
    tpu.vector_store_idx %arg21[%shift_right_arithmetic3A_660, %and3A_663], %broadcast_in_dim3A_7 {add = true} : memref<640x16xf32, #tpu.memory_space<vmem>>[vector<16xi32>, vector<16xi32>], vector<16xf32>,
    %get3A_664 = arith.constant 3 : i32
    %get3A_665 = arith.index_cast %get3A_664 : i32 to index
    %get3A_666 = arith.constant 16 : index
    %get3A_667 = tpu.vector_load %arg11[%get3A_665, %get3A_666] {strides = array<i32>} : memref<4x128xi32, #tpu.memory_space<vmem>>, vector<16xi32>,
    %shift_right_arithmetic3A_668 = arith.constant 4 : i32
    %shift_right_arithmetic3A_669 = vector.broadcast %shift_right_arithmetic3A_668 : i32 to vector<16xi32>
    %shift_right_arithmetic3A_670 = arith.shrsi %get3A_667, %shift_right_arithmetic3A_669 : vector<16xi32>
    %and3A_671 = arith.constant 15 : i32
    %and3A_672 = vector.broadcast %and3A_671 : i32 to vector<16xi32>
    %and3A_673 = arith.andi %get3A_667, %and3A_672 : vector<16xi32>
    tpu.vector_store_idx %arg21[%shift_right_arithmetic3A_670, %and3A_673], %broadcast_in_dim3A_7 {add = true} : memref<640x16xf32, #tpu.memory_space<vmem>>[vector<16xi32>, vector<16xi32>], vector<16xf32>,
    %get3A_674 = arith.constant 3 : i32
    %get3A_675 = arith.index_cast %get3A_674 : i32 to index
    %get3A_676 = arith.constant 32 : index
    %get3A_677 = tpu.vector_load %arg11[%get3A_675, %get3A_676] {strides = array<i32>} : memref<4x128xi32, #tpu.memory_space<vmem>>, vector<16xi32>,
    %shift_right_arithmetic3A_678 = arith.constant 4 : i32
    %shift_right_arithmetic3A_679 = vector.broadcast %shift_right_arithmetic3A_678 : i32 to vector<16xi32>
    %shift_right_arithmetic3A_680 = arith.shrsi %get3A_677, %shift_right_arithmetic3A_679 : vector<16xi32>
    %and3A_681 = arith.constant 15 : i32
    %and3A_682 = vector.broadcast %and3A_681 : i32 to vector<16xi32>
    %and3A_683 = arith.andi %get3A_677, %and3A_682 : vector<16xi32>
    tpu.vector_store_idx %arg21[%shift_right_arithmetic3A_680, %and3A_683], %broadcast_in_dim3A_7 {add = true} : memref<640x16xf32, #tpu.memory_space<vmem>>[vector<16xi32>, vector<16xi32>], vector<16xf32>,
    %get3A_684 = arith.constant 3 : i32
    %get3A_685 = arith.index_cast %get3A_684 : i32 to index
    %get3A_686 = arith.constant 48 : index
    %get3A_687 = tpu.vector_load %arg11[%get3A_685, %get3A_686] {strides = array<i32>} : memref<4x128xi32, #tpu.memory_space<vmem>>, vector<16xi32>,
    %shift_right_arithmetic3A_688 = arith.constant 4 : i32
    %shift_right_arithmetic3A_689 = vector.broadcast %shift_right_arithmetic3A_688 : i32 to vector<16xi32>
    %shift_right_arithmetic3A_690 = arith.shrsi %get3A_687, %shift_right_arithmetic3A_689 : vector<16xi32>
    %and3A_691 = arith.constant 15 : i32
    %and3A_692 = vector.broadcast %and3A_691 : i32 to vector<16xi32>
    %and3A_693 = arith.andi %get3A_687, %and3A_692 : vector<16xi32>
    tpu.vector_store_idx %arg21[%shift_right_arithmetic3A_690, %and3A_693], %broadcast_in_dim3A_7 {add = true} : memref<640x16xf32, #tpu.memory_space<vmem>>[vector<16xi32>, vector<16xi32>], vector<16xf32>,
    %get3A_694 = arith.constant 3 : i32
    %get3A_695 = arith.index_cast %get3A_694 : i32 to index
    %get3A_696 = arith.constant 64 : index
    %get3A_697 = tpu.vector_load %arg11[%get3A_695, %get3A_696] {strides = array<i32>} : memref<4x128xi32, #tpu.memory_space<vmem>>, vector<16xi32>,
    %shift_right_arithmetic3A_698 = arith.constant 4 : i32
    %shift_right_arithmetic3A_699 = vector.broadcast %shift_right_arithmetic3A_698 : i32 to vector<16xi32>
    %shift_right_arithmetic3A_700 = arith.shrsi %get3A_697, %shift_right_arithmetic3A_699 : vector<16xi32>
    %and3A_701 = arith.constant 15 : i32
    %and3A_702 = vector.broadcast %and3A_701 : i32 to vector<16xi32>
    %and3A_703 = arith.andi %get3A_697, %and3A_702 : vector<16xi32>
    tpu.vector_store_idx %arg21[%shift_right_arithmetic3A_700, %and3A_703], %broadcast_in_dim3A_7 {add = true} : memref<640x16xf32, #tpu.memory_space<vmem>>[vector<16xi32>, vector<16xi32>], vector<16xf32>,
    %get3A_704 = arith.constant 3 : i32
    %get3A_705 = arith.index_cast %get3A_704 : i32 to index
    %get3A_706 = arith.constant 80 : index
    %get3A_707 = tpu.vector_load %arg11[%get3A_705, %get3A_706] {strides = array<i32>} : memref<4x128xi32, #tpu.memory_space<vmem>>, vector<16xi32>,
    %shift_right_arithmetic3A_708 = arith.constant 4 : i32
    %shift_right_arithmetic3A_709 = vector.broadcast %shift_right_arithmetic3A_708 : i32 to vector<16xi32>
    %shift_right_arithmetic3A_710 = arith.shrsi %get3A_707, %shift_right_arithmetic3A_709 : vector<16xi32>
    %and3A_711 = arith.constant 15 : i32
    %and3A_712 = vector.broadcast %and3A_711 : i32 to vector<16xi32>
    %and3A_713 = arith.andi %get3A_707, %and3A_712 : vector<16xi32>
    tpu.vector_store_idx %arg21[%shift_right_arithmetic3A_710, %and3A_713], %broadcast_in_dim3A_7 {add = true} : memref<640x16xf32, #tpu.memory_space<vmem>>[vector<16xi32>, vector<16xi32>], vector<16xf32>,
    %get3A_714 = arith.constant 3 : i32
    %get3A_715 = arith.index_cast %get3A_714 : i32 to index
    %get3A_716 = arith.constant 96 : index
    %get3A_717 = tpu.vector_load %arg11[%get3A_715, %get3A_716] {strides = array<i32>} : memref<4x128xi32, #tpu.memory_space<vmem>>, vector<16xi32>,
    %shift_right_arithmetic3A_718 = arith.constant 4 : i32
    %shift_right_arithmetic3A_719 = vector.broadcast %shift_right_arithmetic3A_718 : i32 to vector<16xi32>
    %shift_right_arithmetic3A_720 = arith.shrsi %get3A_717, %shift_right_arithmetic3A_719 : vector<16xi32>
    %and3A_721 = arith.constant 15 : i32
    %and3A_722 = vector.broadcast %and3A_721 : i32 to vector<16xi32>
    %and3A_723 = arith.andi %get3A_717, %and3A_722 : vector<16xi32>
    tpu.vector_store_idx %arg21[%shift_right_arithmetic3A_720, %and3A_723], %broadcast_in_dim3A_7 {add = true} : memref<640x16xf32, #tpu.memory_space<vmem>>[vector<16xi32>, vector<16xi32>], vector<16xf32>,
    %get3A_724 = arith.constant 3 : i32
    %get3A_725 = arith.index_cast %get3A_724 : i32 to index
    %get3A_726 = arith.constant 112 : index
    %get3A_727 = tpu.vector_load %arg11[%get3A_725, %get3A_726] {strides = array<i32>} : memref<4x128xi32, #tpu.memory_space<vmem>>, vector<16xi32>,
    %shift_right_arithmetic3A_728 = arith.constant 4 : i32
    %shift_right_arithmetic3A_729 = vector.broadcast %shift_right_arithmetic3A_728 : i32 to vector<16xi32>
    %shift_right_arithmetic3A_730 = arith.shrsi %get3A_727, %shift_right_arithmetic3A_729 : vector<16xi32>
    %and3A_731 = arith.constant 15 : i32
    %and3A_732 = vector.broadcast %and3A_731 : i32 to vector<16xi32>
    %and3A_733 = arith.andi %get3A_727, %and3A_732 : vector<16xi32>
    tpu.vector_store_idx %arg21[%shift_right_arithmetic3A_730, %and3A_733], %broadcast_in_dim3A_7 {add = true} : memref<640x16xf32, #tpu.memory_space<vmem>>[vector<16xi32>, vector<16xi32>], vector<16xf32>,
    %dma_wait3A_734 = arith.constant 0 : i32
    %dma_wait3A_735 = arith.constant 0 : i32
    %dma_wait3A_736 = tpu.memref_slice %arg11[%dma_wait3A_734, %dma_wait3A_735] : memref<4x128xi32, #tpu.memory_space<vmem>> -> memref<1x128xi32, #tpu.memory_space<vmem>>
    %dma_wait3A_737 = tpu.memref_squeeze %dma_wait3A_736 : memref<1x128xi32, #tpu.memory_space<vmem>> -> memref<128xi32, #tpu.memory_space<vmem>>
    %dma_wait3A_738 = arith.constant 0 : i32
    %dma_wait3A_739 = arith.constant 0 : i32
    %dma_wait3A_740 = tpu.memref_slice %arg14[%dma_wait3A_738, %dma_wait3A_739] : memref<10240x128xf32, #tpu.memory_space<vmem_shared>> -> memref<10240x128xf32, #tpu.memory_space<vmem_shared>>
    tpu.wait_indirect_dma semaphore(%arg17 : memref<!tpu.dma_semaphore, #tpu.memory_space<semaphore_mem>>) src(%arg12 : memref<128x128xf32, #tpu.memory_space<vmem>>) dst(%dma_wait3A_740 : memref<10240x128xf32, #tpu.memory_space<vmem_shared>>)
    %dma_start3A_741 = arith.constant 3 : i32
    %dma_start3A_742 = arith.constant 0 : i32
    %dma_start3A_743 = tpu.memref_slice %arg11[%dma_start3A_741, %dma_start3A_742] : memref<4x128xi32, #tpu.memory_space<vmem>> -> memref<1x128xi32, #tpu.memory_space<vmem>>
    %dma_start3A_744 = tpu.memref_squeeze %dma_start3A_743 : memref<1x128xi32, #tpu.memory_space<vmem>> -> memref<128xi32, #tpu.memory_space<vmem>>
    %dma_start3A_745 = arith.constant 0 : i32
    %dma_start3A_746 = arith.constant 0 : i32
    %dma_start3A_747 = tpu.memref_slice %arg14[%dma_start3A_745, %dma_start3A_746] : memref<10240x128xf32, #tpu.memory_space<vmem_shared>> -> memref<10240x128xf32, #tpu.memory_space<vmem_shared>>
    tpu.enqueue_indirect_dma source(%arg13 : memref<128x128xf32, #tpu.memory_space<vmem>>) target(%dma_start3A_747 : memref<10240x128xf32, #tpu.memory_space<vmem_shared>>) offsets(%dma_start3A_744 : memref<128xi32, #tpu.memory_space<vmem>>) semaphore(%arg18 : memref<!tpu.dma_semaphore, #tpu.memory_space<semaphore_mem>>) {add = true}
    %dma_wait3A_748 = arith.constant 0 : i32
    %dma_wait3A_749 = arith.constant 0 : i32
    %dma_wait3A_750 = tpu.memref_slice %arg10[%dma_wait3A_748, %dma_wait3A_749] : memref<4x128xi32, #tpu.memory_space<vmem>> -> memref<1x128xi32, #tpu.memory_space<vmem>>
    %dma_wait3A_751 = tpu.memref_squeeze %dma_wait3A_750 : memref<1x128xi32, #tpu.memory_space<vmem>> -> memref<128xi32, #tpu.memory_space<vmem>>
    %dma_wait3A_752 = arith.constant 0 : i32
    %dma_wait3A_753 = arith.constant 0 : i32
    %dma_wait3A_754 = tpu.memref_slice %arg2[%dma_wait3A_752, %dma_wait3A_753] : memref<10000x128xf32, #tpu.memory_space<hbm>> -> memref<10000x128xf32, #tpu.memory_space<hbm>>
    tpu.wait_indirect_dma semaphore(%arg15 : memref<!tpu.dma_semaphore, #tpu.memory_space<semaphore_mem>>) src(%dma_wait3A_754 : memref<10000x128xf32, #tpu.memory_space<hbm>>) dst(%arg12 : memref<128x128xf32, #tpu.memory_space<vmem>>)
    %dma_wait3A_755 = arith.constant 0 : i32
    %dma_wait3A_756 = arith.constant 0 : i32
    %dma_wait3A_757 = arith.constant 0 : i32
    %dma_wait3A_758 = tpu.memref_slice %arg10[%dma_wait3A_756, %dma_wait3A_757] : memref<4x128xi32, #tpu.memory_space<vmem>> -> memref<1x128xi32, #tpu.memory_space<vmem>>
    %dma_wait3A_759 = tpu.memref_squeeze %dma_wait3A_758 : memref<1x128xi32, #tpu.memory_space<vmem>> -> memref<128xi32, #tpu.memory_space<vmem>>
    %dma_wait3A_760 = arith.constant 0 : i32
    %dma_wait3A_761 = tpu.memref_slice %arg3[%dma_wait3A_755, %dma_wait3A_760] : memref<2528x128xi32, #tpu.memory_space<hbm>> -> memref<1x128xi32, #tpu.memory_space<hbm>>
    %dma_wait3A_762 = tpu.memref_squeeze %dma_wait3A_761 : memref<1x128xi32, #tpu.memory_space<hbm>> -> memref<128xi32, #tpu.memory_space<hbm>>
    %dma_wait3A_763 = arith.constant 0 : i32
    %dma_wait3A_764 = tpu.memref_slice %arg10[%dma_wait3A_756, %dma_wait3A_763] : memref<4x128xi32, #tpu.memory_space<vmem>> -> memref<1x128xi32, #tpu.memory_space<vmem>>
    %dma_wait3A_765 = tpu.memref_squeeze %dma_wait3A_764 : memref<1x128xi32, #tpu.memory_space<vmem>> -> memref<128xi32, #tpu.memory_space<vmem>>
    %dma_wait3A_766 = arith.constant 0 : i32
    %dma_wait3A_767 = tpu.memref_slice %arg3[%dma_wait3A_755, %dma_wait3A_766] : memref<2528x128xi32, #tpu.memory_space<hbm>> -> memref<1x128xi32, #tpu.memory_space<hbm>>
    %dma_wait3A_768 = tpu.memref_squeeze %dma_wait3A_767 : memref<1x128xi32, #tpu.memory_space<hbm>> -> memref<128xi32, #tpu.memory_space<hbm>>
    tpu.wait_dma2 semaphore(%arg20 : memref<!tpu.dma_semaphore, #tpu.memory_space<semaphore_mem>>) src(%dma_wait3A_768 : memref<128xi32, #tpu.memory_space<hbm>>) dst(%dma_wait3A_765 : memref<128xi32, #tpu.memory_space<vmem>>)
    %dma_wait3A_769 = arith.constant 0 : i32
    %dma_wait3A_770 = arith.constant 0 : i32
    %dma_wait3A_771 = arith.constant 0 : i32
    %dma_wait3A_772 = tpu.memref_slice %arg11[%dma_wait3A_770, %dma_wait3A_771] : memref<4x128xi32, #tpu.memory_space<vmem>> -> memref<1x128xi32, #tpu.memory_space<vmem>>
    %dma_wait3A_773 = tpu.memref_squeeze %dma_wait3A_772 : memref<1x128xi32, #tpu.memory_space<vmem>> -> memref<128xi32, #tpu.memory_space<vmem>>
    %dma_wait3A_774 = arith.constant 0 : i32
    %dma_wait3A_775 = tpu.memref_slice %arg4[%dma_wait3A_769, %dma_wait3A_774] : memref<2528x128xi32, #tpu.memory_space<hbm>> -> memref<1x128xi32, #tpu.memory_space<hbm>>
    %dma_wait3A_776 = tpu.memref_squeeze %dma_wait3A_775 : memref<1x128xi32, #tpu.memory_space<hbm>> -> memref<128xi32, #tpu.memory_space<hbm>>
    %dma_wait3A_777 = arith.constant 0 : i32
    %dma_wait3A_778 = tpu.memref_slice %arg11[%dma_wait3A_770, %dma_wait3A_777] : memref<4x128xi32, #tpu.memory_space<vmem>> -> memref<1x128xi32, #tpu.memory_space<vmem>>
    %dma_wait3A_779 = tpu.memref_squeeze %dma_wait3A_778 : memref<1x128xi32, #tpu.memory_space<vmem>> -> memref<128xi32, #tpu.memory_space<vmem>>
    %dma_wait3A_780 = arith.constant 0 : i32
    %dma_wait3A_781 = tpu.memref_slice %arg4[%dma_wait3A_769, %dma_wait3A_780] : memref<2528x128xi32, #tpu.memory_space<hbm>> -> memref<1x128xi32, #tpu.memory_space<hbm>>
    %dma_wait3A_782 = tpu.memref_squeeze %dma_wait3A_781 : memref<1x128xi32, #tpu.memory_space<hbm>> -> memref<128xi32, #tpu.memory_space<hbm>>
    tpu.wait_dma2 semaphore(%arg20 : memref<!tpu.dma_semaphore, #tpu.memory_space<semaphore_mem>>) src(%dma_wait3A_782 : memref<128xi32, #tpu.memory_space<hbm>>) dst(%dma_wait3A_779 : memref<128xi32, #tpu.memory_space<vmem>>)
    %dma_start3A_783 = arith.constant 1 : i32
    %dma_start3A_784 = arith.constant 0 : i32
    %dma_start3A_785 = tpu.memref_slice %arg10[%dma_start3A_783, %dma_start3A_784] : memref<4x128xi32, #tpu.memory_space<vmem>> -> memref<1x128xi32, #tpu.memory_space<vmem>>
    %dma_start3A_786 = tpu.memref_squeeze %dma_start3A_785 : memref<1x128xi32, #tpu.memory_space<vmem>> -> memref<128xi32, #tpu.memory_space<vmem>>
    %dma_start3A_787 = arith.constant 0 : i32
    %dma_start3A_788 = arith.constant 0 : i32
    %dma_start3A_789 = tpu.memref_slice %arg2[%dma_start3A_787, %dma_start3A_788] : memref<10000x128xf32, #tpu.memory_space<hbm>> -> memref<10000x128xf32, #tpu.memory_space<hbm>>
    tpu.enqueue_indirect_dma source(%dma_start3A_789 : memref<10000x128xf32, #tpu.memory_space<hbm>>) target(%arg13 : memref<128x128xf32, #tpu.memory_space<vmem>>) offsets(%dma_start3A_786 : memref<128xi32, #tpu.memory_space<vmem>>) semaphore(%arg16 : memref<!tpu.dma_semaphore, #tpu.memory_space<semaphore_mem>>)
    %add3A_790 = arith.constant 2496 : i32
    %add3A_791 = arith.addi %add3A, %add3A_790 : i32
    %dma_start3A_792 = arith.constant 2 : i32
    %dma_start3A_793 = arith.constant 0 : i32
    %dma_start3A_794 = tpu.memref_slice %arg10[%dma_start3A_792, %dma_start3A_793] : memref<4x128xi32, #tpu.memory_space<vmem>> -> memref<1x128xi32, #tpu.memory_space<vmem>>
    %dma_start3A_795 = tpu.memref_squeeze %dma_start3A_794 : memref<1x128xi32, #tpu.memory_space<vmem>> -> memref<128xi32, #tpu.memory_space<vmem>>
    %dma_start3A_796 = arith.constant 0 : i32
    %dma_start3A_797 = tpu.memref_slice %arg3[%add3A_791, %dma_start3A_796] : memref<2528x128xi32, #tpu.memory_space<hbm>> -> memref<1x128xi32, #tpu.memory_space<hbm>>
    %dma_start3A_798 = tpu.memref_squeeze %dma_start3A_797 : memref<1x128xi32, #tpu.memory_space<hbm>> -> memref<128xi32, #tpu.memory_space<hbm>>
    %dma_start3A_799 = arith.constant 0 : i32
    %dma_start3A_800 = tpu.memref_slice %arg10[%dma_start3A_792, %dma_start3A_799] : memref<4x128xi32, #tpu.memory_space<vmem>> -> memref<1x128xi32, #tpu.memory_space<vmem>>
    %dma_start3A_801 = tpu.memref_squeeze %dma_start3A_800 : memref<1x128xi32, #tpu.memory_space<vmem>> -> memref<128xi32, #tpu.memory_space<vmem>>
    %dma_start3A_802 = arith.constant 0 : i32
    %dma_start3A_803 = tpu.memref_slice %arg3[%add3A_791, %dma_start3A_802] : memref<2528x128xi32, #tpu.memory_space<hbm>> -> memref<1x128xi32, #tpu.memory_space<hbm>>
    %dma_start3A_804 = tpu.memref_squeeze %dma_start3A_803 : memref<1x128xi32, #tpu.memory_space<hbm>> -> memref<128xi32, #tpu.memory_space<hbm>>
    tpu.enqueue_dma source(%dma_start3A_804 : memref<128xi32, #tpu.memory_space<hbm>>) target(%dma_start3A_801 : memref<128xi32, #tpu.memory_space<vmem>>) target_semaphore(%arg19 : memref<!tpu.dma_semaphore, #tpu.memory_space<semaphore_mem>>)
    %dma_start3A_805 = arith.constant 2 : i32
    %dma_start3A_806 = arith.constant 0 : i32
    %dma_start3A_807 = tpu.memref_slice %arg11[%dma_start3A_805, %dma_start3A_806] : memref<4x128xi32, #tpu.memory_space<vmem>> -> memref<1x128xi32, #tpu.memory_space<vmem>>
    %dma_start3A_808 = tpu.memref_squeeze %dma_start3A_807 : memref<1x128xi32, #tpu.memory_space<vmem>> -> memref<128xi32, #tpu.memory_space<vmem>>
    %dma_start3A_809 = arith.constant 0 : i32
    %dma_start3A_810 = tpu.memref_slice %arg4[%add3A_791, %dma_start3A_809] : memref<2528x128xi32, #tpu.memory_space<hbm>> -> memref<1x128xi32, #tpu.memory_space<hbm>>
    %dma_start3A_811 = tpu.memref_squeeze %dma_start3A_810 : memref<1x128xi32, #tpu.memory_space<hbm>> -> memref<128xi32, #tpu.memory_space<hbm>>
    %dma_start3A_812 = arith.constant 0 : i32
    %dma_start3A_813 = tpu.memref_slice %arg11[%dma_start3A_805, %dma_start3A_812] : memref<4x128xi32, #tpu.memory_space<vmem>> -> memref<1x128xi32, #tpu.memory_space<vmem>>
    %dma_start3A_814 = tpu.memref_squeeze %dma_start3A_813 : memref<1x128xi32, #tpu.memory_space<vmem>> -> memref<128xi32, #tpu.memory_space<vmem>>
    %dma_start3A_815 = arith.constant 0 : i32
    %dma_start3A_816 = tpu.memref_slice %arg4[%add3A_791, %dma_start3A_815] : memref<2528x128xi32, #tpu.memory_space<hbm>> -> memref<1x128xi32, #tpu.memory_space<hbm>>
    %dma_start3A_817 = tpu.memref_squeeze %dma_start3A_816 : memref<1x128xi32, #tpu.memory_space<hbm>> -> memref<128xi32, #tpu.memory_space<hbm>>
    tpu.enqueue_dma source(%dma_start3A_817 : memref<128xi32, #tpu.memory_space<hbm>>) target(%dma_start3A_814 : memref<128xi32, #tpu.memory_space<vmem>>) target_semaphore(%arg19 : memref<!tpu.dma_semaphore, #tpu.memory_space<semaphore_mem>>)
    %get3A_818 = arith.constant 0 : i32
    %get3A_819 = arith.index_cast %get3A_818 : i32 to index
    %get3A_820 = arith.constant 0 : index
    %get3A_821 = tpu.vector_load %arg11[%get3A_819, %get3A_820] {strides = array<i32>} : memref<4x128xi32, #tpu.memory_space<vmem>>, vector<16xi32>,
    %shift_right_arithmetic3A_822 = arith.constant 4 : i32
    %shift_right_arithmetic3A_823 = vector.broadcast %shift_right_arithmetic3A_822 : i32 to vector<16xi32>
    %shift_right_arithmetic3A_824 = arith.shrsi %get3A_821, %shift_right_arithmetic3A_823 : vector<16xi32>
    %and3A_825 = arith.constant 15 : i32
    %and3A_826 = vector.broadcast %and3A_825 : i32 to vector<16xi32>
    %and3A_827 = arith.andi %get3A_821, %and3A_826 : vector<16xi32>
    tpu.vector_store_idx %arg21[%shift_right_arithmetic3A_824, %and3A_827], %broadcast_in_dim3A_7 {add = true} : memref<640x16xf32, #tpu.memory_space<vmem>>[vector<16xi32>, vector<16xi32>], vector<16xf32>,
    %get3A_828 = arith.constant 0 : i32
    %get3A_829 = arith.index_cast %get3A_828 : i32 to index
    %get3A_830 = arith.constant 16 : index
    %get3A_831 = tpu.vector_load %arg11[%get3A_829, %get3A_830] {strides = array<i32>} : memref<4x128xi32, #tpu.memory_space<vmem>>, vector<16xi32>,
    %shift_right_arithmetic3A_832 = arith.constant 4 : i32
    %shift_right_arithmetic3A_833 = vector.broadcast %shift_right_arithmetic3A_832 : i32 to vector<16xi32>
    %shift_right_arithmetic3A_834 = arith.shrsi %get3A_831, %shift_right_arithmetic3A_833 : vector<16xi32>
    %and3A_835 = arith.constant 15 : i32
    %and3A_836 = vector.broadcast %and3A_835 : i32 to vector<16xi32>
    %and3A_837 = arith.andi %get3A_831, %and3A_836 : vector<16xi32>
    tpu.vector_store_idx %arg21[%shift_right_arithmetic3A_834, %and3A_837], %broadcast_in_dim3A_7 {add = true} : memref<640x16xf32, #tpu.memory_space<vmem>>[vector<16xi32>, vector<16xi32>], vector<16xf32>,
    %get3A_838 = arith.constant 0 : i32
    %get3A_839 = arith.index_cast %get3A_838 : i32 to index
    %get3A_840 = arith.constant 32 : index
    %get3A_841 = tpu.vector_load %arg11[%get3A_839, %get3A_840] {strides = array<i32>} : memref<4x128xi32, #tpu.memory_space<vmem>>, vector<16xi32>,
    %shift_right_arithmetic3A_842 = arith.constant 4 : i32
    %shift_right_arithmetic3A_843 = vector.broadcast %shift_right_arithmetic3A_842 : i32 to vector<16xi32>
    %shift_right_arithmetic3A_844 = arith.shrsi %get3A_841, %shift_right_arithmetic3A_843 : vector<16xi32>
    %and3A_845 = arith.constant 15 : i32
    %and3A_846 = vector.broadcast %and3A_845 : i32 to vector<16xi32>
    %and3A_847 = arith.andi %get3A_841, %and3A_846 : vector<16xi32>
    tpu.vector_store_idx %arg21[%shift_right_arithmetic3A_844, %and3A_847], %broadcast_in_dim3A_7 {add = true} : memref<640x16xf32, #tpu.memory_space<vmem>>[vector<16xi32>, vector<16xi32>], vector<16xf32>,
    %get3A_848 = arith.constant 0 : i32
    %get3A_849 = arith.index_cast %get3A_848 : i32 to index
    %get3A_850 = arith.constant 48 : index
    %get3A_851 = tpu.vector_load %arg11[%get3A_849, %get3A_850] {strides = array<i32>} : memref<4x128xi32, #tpu.memory_space<vmem>>, vector<16xi32>,
    %shift_right_arithmetic3A_852 = arith.constant 4 : i32
    %shift_right_arithmetic3A_853 = vector.broadcast %shift_right_arithmetic3A_852 : i32 to vector<16xi32>
    %shift_right_arithmetic3A_854 = arith.shrsi %get3A_851, %shift_right_arithmetic3A_853 : vector<16xi32>
    %and3A_855 = arith.constant 15 : i32
    %and3A_856 = vector.broadcast %and3A_855 : i32 to vector<16xi32>
    %and3A_857 = arith.andi %get3A_851, %and3A_856 : vector<16xi32>
    tpu.vector_store_idx %arg21[%shift_right_arithmetic3A_854, %and3A_857], %broadcast_in_dim3A_7 {add = true} : memref<640x16xf32, #tpu.memory_space<vmem>>[vector<16xi32>, vector<16xi32>], vector<16xf32>,
    %get3A_858 = arith.constant 0 : i32
    %get3A_859 = arith.index_cast %get3A_858 : i32 to index
    %get3A_860 = arith.constant 64 : index
    %get3A_861 = tpu.vector_load %arg11[%get3A_859, %get3A_860] {strides = array<i32>} : memref<4x128xi32, #tpu.memory_space<vmem>>, vector<16xi32>,
    %shift_right_arithmetic3A_862 = arith.constant 4 : i32
    %shift_right_arithmetic3A_863 = vector.broadcast %shift_right_arithmetic3A_862 : i32 to vector<16xi32>
    %shift_right_arithmetic3A_864 = arith.shrsi %get3A_861, %shift_right_arithmetic3A_863 : vector<16xi32>
    %and3A_865 = arith.constant 15 : i32
    %and3A_866 = vector.broadcast %and3A_865 : i32 to vector<16xi32>
    %and3A_867 = arith.andi %get3A_861, %and3A_866 : vector<16xi32>
    tpu.vector_store_idx %arg21[%shift_right_arithmetic3A_864, %and3A_867], %broadcast_in_dim3A_7 {add = true} : memref<640x16xf32, #tpu.memory_space<vmem>>[vector<16xi32>, vector<16xi32>], vector<16xf32>,
    %get3A_868 = arith.constant 0 : i32
    %get3A_869 = arith.index_cast %get3A_868 : i32 to index
    %get3A_870 = arith.constant 80 : index
    %get3A_871 = tpu.vector_load %arg11[%get3A_869, %get3A_870] {strides = array<i32>} : memref<4x128xi32, #tpu.memory_space<vmem>>, vector<16xi32>,
    %shift_right_arithmetic3A_872 = arith.constant 4 : i32
    %shift_right_arithmetic3A_873 = vector.broadcast %shift_right_arithmetic3A_872 : i32 to vector<16xi32>
    %shift_right_arithmetic3A_874 = arith.shrsi %get3A_871, %shift_right_arithmetic3A_873 : vector<16xi32>
    %and3A_875 = arith.constant 15 : i32
    %and3A_876 = vector.broadcast %and3A_875 : i32 to vector<16xi32>
    %and3A_877 = arith.andi %get3A_871, %and3A_876 : vector<16xi32>
    tpu.vector_store_idx %arg21[%shift_right_arithmetic3A_874, %and3A_877], %broadcast_in_dim3A_7 {add = true} : memref<640x16xf32, #tpu.memory_space<vmem>>[vector<16xi32>, vector<16xi32>], vector<16xf32>,
    %get3A_878 = arith.constant 0 : i32
    %get3A_879 = arith.index_cast %get3A_878 : i32 to index
    %get3A_880 = arith.constant 96 : index
    %get3A_881 = tpu.vector_load %arg11[%get3A_879, %get3A_880] {strides = array<i32>} : memref<4x128xi32, #tpu.memory_space<vmem>>, vector<16xi32>,
    %shift_right_arithmetic3A_882 = arith.constant 4 : i32
    %shift_right_arithmetic3A_883 = vector.broadcast %shift_right_arithmetic3A_882 : i32 to vector<16xi32>
    %shift_right_arithmetic3A_884 = arith.shrsi %get3A_881, %shift_right_arithmetic3A_883 : vector<16xi32>
    %and3A_885 = arith.constant 15 : i32
    %and3A_886 = vector.broadcast %and3A_885 : i32 to vector<16xi32>
    %and3A_887 = arith.andi %get3A_881, %and3A_886 : vector<16xi32>
    tpu.vector_store_idx %arg21[%shift_right_arithmetic3A_884, %and3A_887], %broadcast_in_dim3A_7 {add = true} : memref<640x16xf32, #tpu.memory_space<vmem>>[vector<16xi32>, vector<16xi32>], vector<16xf32>,
    %get3A_888 = arith.constant 0 : i32
    %get3A_889 = arith.index_cast %get3A_888 : i32 to index
    %get3A_890 = arith.constant 112 : index
    %get3A_891 = tpu.vector_load %arg11[%get3A_889, %get3A_890] {strides = array<i32>} : memref<4x128xi32, #tpu.memory_space<vmem>>, vector<16xi32>,
    %shift_right_arithmetic3A_892 = arith.constant 4 : i32
    %shift_right_arithmetic3A_893 = vector.broadcast %shift_right_arithmetic3A_892 : i32 to vector<16xi32>
    %shift_right_arithmetic3A_894 = arith.shrsi %get3A_891, %shift_right_arithmetic3A_893 : vector<16xi32>
    %and3A_895 = arith.constant 15 : i32
    %and3A_896 = vector.broadcast %and3A_895 : i32 to vector<16xi32>
    %and3A_897 = arith.andi %get3A_891, %and3A_896 : vector<16xi32>
    tpu.vector_store_idx %arg21[%shift_right_arithmetic3A_894, %and3A_897], %broadcast_in_dim3A_7 {add = true} : memref<640x16xf32, #tpu.memory_space<vmem>>[vector<16xi32>, vector<16xi32>], vector<16xf32>,
    %dma_wait3A_898 = arith.constant 0 : i32
    %dma_wait3A_899 = arith.constant 0 : i32
    %dma_wait3A_900 = tpu.memref_slice %arg11[%dma_wait3A_898, %dma_wait3A_899] : memref<4x128xi32, #tpu.memory_space<vmem>> -> memref<1x128xi32, #tpu.memory_space<vmem>>
    %dma_wait3A_901 = tpu.memref_squeeze %dma_wait3A_900 : memref<1x128xi32, #tpu.memory_space<vmem>> -> memref<128xi32, #tpu.memory_space<vmem>>
    %dma_wait3A_902 = arith.constant 0 : i32
    %dma_wait3A_903 = arith.constant 0 : i32
    %dma_wait3A_904 = tpu.memref_slice %arg14[%dma_wait3A_902, %dma_wait3A_903] : memref<10240x128xf32, #tpu.memory_space<vmem_shared>> -> memref<10240x128xf32, #tpu.memory_space<vmem_shared>>
    tpu.wait_indirect_dma semaphore(%arg18 : memref<!tpu.dma_semaphore, #tpu.memory_space<semaphore_mem>>) src(%arg13 : memref<128x128xf32, #tpu.memory_space<vmem>>) dst(%dma_wait3A_904 : memref<10240x128xf32, #tpu.memory_space<vmem_shared>>)
    %dma_start3A_905 = arith.constant 0 : i32
    %dma_start3A_906 = arith.constant 0 : i32
    %dma_start3A_907 = tpu.memref_slice %arg11[%dma_start3A_905, %dma_start3A_906] : memref<4x128xi32, #tpu.memory_space<vmem>> -> memref<1x128xi32, #tpu.memory_space<vmem>>
    %dma_start3A_908 = tpu.memref_squeeze %dma_start3A_907 : memref<1x128xi32, #tpu.memory_space<vmem>> -> memref<128xi32, #tpu.memory_space<vmem>>
    %dma_start3A_909 = arith.constant 0 : i32
    %dma_start3A_910 = arith.constant 0 : i32
    %dma_start3A_911 = tpu.memref_slice %arg14[%dma_start3A_909, %dma_start3A_910] : memref<10240x128xf32, #tpu.memory_space<vmem_shared>> -> memref<10240x128xf32, #tpu.memory_space<vmem_shared>>
    tpu.enqueue_indirect_dma source(%arg12 : memref<128x128xf32, #tpu.memory_space<vmem>>) target(%dma_start3A_911 : memref<10240x128xf32, #tpu.memory_space<vmem_shared>>) offsets(%dma_start3A_908 : memref<128xi32, #tpu.memory_space<vmem>>) semaphore(%arg17 : memref<!tpu.dma_semaphore, #tpu.memory_space<semaphore_mem>>) {add = true}
    %dma_wait3A_912 = arith.constant 0 : i32
    %dma_wait3A_913 = arith.constant 0 : i32
    %dma_wait3A_914 = tpu.memref_slice %arg10[%dma_wait3A_912, %dma_wait3A_913] : memref<4x128xi32, #tpu.memory_space<vmem>> -> memref<1x128xi32, #tpu.memory_space<vmem>>
    %dma_wait3A_915 = tpu.memref_squeeze %dma_wait3A_914 : memref<1x128xi32, #tpu.memory_space<vmem>> -> memref<128xi32, #tpu.memory_space<vmem>>
    %dma_wait3A_916 = arith.constant 0 : i32
    %dma_wait3A_917 = arith.constant 0 : i32
    %dma_wait3A_918 = tpu.memref_slice %arg2[%dma_wait3A_916, %dma_wait3A_917] : memref<10000x128xf32, #tpu.memory_space<hbm>> -> memref<10000x128xf32, #tpu.memory_space<hbm>>
    tpu.wait_indirect_dma semaphore(%arg16 : memref<!tpu.dma_semaphore, #tpu.memory_space<semaphore_mem>>) src(%dma_wait3A_918 : memref<10000x128xf32, #tpu.memory_space<hbm>>) dst(%arg13 : memref<128x128xf32, #tpu.memory_space<vmem>>)
    %dma_wait3A_919 = arith.constant 0 : i32
    %dma_wait3A_920 = arith.constant 0 : i32
    %dma_wait3A_921 = arith.constant 0 : i32
    %dma_wait3A_922 = tpu.memref_slice %arg10[%dma_wait3A_920, %dma_wait3A_921] : memref<4x128xi32, #tpu.memory_space<vmem>> -> memref<1x128xi32, #tpu.memory_space<vmem>>
    %dma_wait3A_923 = tpu.memref_squeeze %dma_wait3A_922 : memref<1x128xi32, #tpu.memory_space<vmem>> -> memref<128xi32, #tpu.memory_space<vmem>>
    %dma_wait3A_924 = arith.constant 0 : i32
    %dma_wait3A_925 = tpu.memref_slice %arg3[%dma_wait3A_919, %dma_wait3A_924] : memref<2528x128xi32, #tpu.memory_space<hbm>> -> memref<1x128xi32, #tpu.memory_space<hbm>>
    %dma_wait3A_926 = tpu.memref_squeeze %dma_wait3A_925 : memref<1x128xi32, #tpu.memory_space<hbm>> -> memref<128xi32, #tpu.memory_space<hbm>>
    %dma_wait3A_927 = arith.constant 0 : i32
    %dma_wait3A_928 = tpu.memref_slice %arg10[%dma_wait3A_920, %dma_wait3A_927] : memref<4x128xi32, #tpu.memory_space<vmem>> -> memref<1x128xi32, #tpu.memory_space<vmem>>
    %dma_wait3A_929 = tpu.memref_squeeze %dma_wait3A_928 : memref<1x128xi32, #tpu.memory_space<vmem>> -> memref<128xi32, #tpu.memory_space<vmem>>
    %dma_wait3A_930 = arith.constant 0 : i32
    %dma_wait3A_931 = tpu.memref_slice %arg3[%dma_wait3A_919, %dma_wait3A_930] : memref<2528x128xi32, #tpu.memory_space<hbm>> -> memref<1x128xi32, #tpu.memory_space<hbm>>
    %dma_wait3A_932 = tpu.memref_squeeze %dma_wait3A_931 : memref<1x128xi32, #tpu.memory_space<hbm>> -> memref<128xi32, #tpu.memory_space<hbm>>
    tpu.wait_dma2 semaphore(%arg19 : memref<!tpu.dma_semaphore, #tpu.memory_space<semaphore_mem>>) src(%dma_wait3A_932 : memref<128xi32, #tpu.memory_space<hbm>>) dst(%dma_wait3A_929 : memref<128xi32, #tpu.memory_space<vmem>>)
    %dma_wait3A_933 = arith.constant 0 : i32
    %dma_wait3A_934 = arith.constant 0 : i32
    %dma_wait3A_935 = arith.constant 0 : i32
    %dma_wait3A_936 = tpu.memref_slice %arg11[%dma_wait3A_934, %dma_wait3A_935] : memref<4x128xi32, #tpu.memory_space<vmem>> -> memref<1x128xi32, #tpu.memory_space<vmem>>
    %dma_wait3A_937 = tpu.memref_squeeze %dma_wait3A_936 : memref<1x128xi32, #tpu.memory_space<vmem>> -> memref<128xi32, #tpu.memory_space<vmem>>
    %dma_wait3A_938 = arith.constant 0 : i32
    %dma_wait3A_939 = tpu.memref_slice %arg4[%dma_wait3A_933, %dma_wait3A_938] : memref<2528x128xi32, #tpu.memory_space<hbm>> -> memref<1x128xi32, #tpu.memory_space<hbm>>
    %dma_wait3A_940 = tpu.memref_squeeze %dma_wait3A_939 : memref<1x128xi32, #tpu.memory_space<hbm>> -> memref<128xi32, #tpu.memory_space<hbm>>
    %dma_wait3A_941 = arith.constant 0 : i32
    %dma_wait3A_942 = tpu.memref_slice %arg11[%dma_wait3A_934, %dma_wait3A_941] : memref<4x128xi32, #tpu.memory_space<vmem>> -> memref<1x128xi32, #tpu.memory_space<vmem>>
    %dma_wait3A_943 = tpu.memref_squeeze %dma_wait3A_942 : memref<1x128xi32, #tpu.memory_space<vmem>> -> memref<128xi32, #tpu.memory_space<vmem>>
    %dma_wait3A_944 = arith.constant 0 : i32
    %dma_wait3A_945 = tpu.memref_slice %arg4[%dma_wait3A_933, %dma_wait3A_944] : memref<2528x128xi32, #tpu.memory_space<hbm>> -> memref<1x128xi32, #tpu.memory_space<hbm>>
    %dma_wait3A_946 = tpu.memref_squeeze %dma_wait3A_945 : memref<1x128xi32, #tpu.memory_space<hbm>> -> memref<128xi32, #tpu.memory_space<hbm>>
    tpu.wait_dma2 semaphore(%arg19 : memref<!tpu.dma_semaphore, #tpu.memory_space<semaphore_mem>>) src(%dma_wait3A_946 : memref<128xi32, #tpu.memory_space<hbm>>) dst(%dma_wait3A_943 : memref<128xi32, #tpu.memory_space<vmem>>)
    %dma_start3A_947 = arith.constant 2 : i32
    %dma_start3A_948 = arith.constant 0 : i32
    %dma_start3A_949 = tpu.memref_slice %arg10[%dma_start3A_947, %dma_start3A_948] : memref<4x128xi32, #tpu.memory_space<vmem>> -> memref<1x128xi32, #tpu.memory_space<vmem>>
    %dma_start3A_950 = tpu.memref_squeeze %dma_start3A_949 : memref<1x128xi32, #tpu.memory_space<vmem>> -> memref<128xi32, #tpu.memory_space<vmem>>
    %dma_start3A_951 = arith.constant 0 : i32
    %dma_start3A_952 = arith.constant 0 : i32
    %dma_start3A_953 = tpu.memref_slice %arg2[%dma_start3A_951, %dma_start3A_952] : memref<10000x128xf32, #tpu.memory_space<hbm>> -> memref<10000x128xf32, #tpu.memory_space<hbm>>
    tpu.enqueue_indirect_dma source(%dma_start3A_953 : memref<10000x128xf32, #tpu.memory_space<hbm>>) target(%arg12 : memref<128x128xf32, #tpu.memory_space<vmem>>) offsets(%dma_start3A_950 : memref<128xi32, #tpu.memory_space<vmem>>) semaphore(%arg15 : memref<!tpu.dma_semaphore, #tpu.memory_space<semaphore_mem>>)
    %get3A_954 = arith.constant 1 : i32
    %get3A_955 = arith.index_cast %get3A_954 : i32 to index
    %get3A_956 = arith.constant 0 : index
    %get3A_957 = tpu.vector_load %arg11[%get3A_955, %get3A_956] {strides = array<i32>} : memref<4x128xi32, #tpu.memory_space<vmem>>, vector<16xi32>,
    %shift_right_arithmetic3A_958 = arith.constant 4 : i32
    %shift_right_arithmetic3A_959 = vector.broadcast %shift_right_arithmetic3A_958 : i32 to vector<16xi32>
    %shift_right_arithmetic3A_960 = arith.shrsi %get3A_957, %shift_right_arithmetic3A_959 : vector<16xi32>
    %and3A_961 = arith.constant 15 : i32
    %and3A_962 = vector.broadcast %and3A_961 : i32 to vector<16xi32>
    %and3A_963 = arith.andi %get3A_957, %and3A_962 : vector<16xi32>
    tpu.vector_store_idx %arg21[%shift_right_arithmetic3A_960, %and3A_963], %broadcast_in_dim3A_7 {add = true} : memref<640x16xf32, #tpu.memory_space<vmem>>[vector<16xi32>, vector<16xi32>], vector<16xf32>,
    %get3A_964 = arith.constant 1 : i32
    %get3A_965 = arith.index_cast %get3A_964 : i32 to index
    %get3A_966 = arith.constant 16 : index
    %get3A_967 = tpu.vector_load %arg11[%get3A_965, %get3A_966] {strides = array<i32>} : memref<4x128xi32, #tpu.memory_space<vmem>>, vector<16xi32>,
    %shift_right_arithmetic3A_968 = arith.constant 4 : i32
    %shift_right_arithmetic3A_969 = vector.broadcast %shift_right_arithmetic3A_968 : i32 to vector<16xi32>
    %shift_right_arithmetic3A_970 = arith.shrsi %get3A_967, %shift_right_arithmetic3A_969 : vector<16xi32>
    %and3A_971 = arith.constant 15 : i32
    %and3A_972 = vector.broadcast %and3A_971 : i32 to vector<16xi32>
    %and3A_973 = arith.andi %get3A_967, %and3A_972 : vector<16xi32>
    tpu.vector_store_idx %arg21[%shift_right_arithmetic3A_970, %and3A_973], %broadcast_in_dim3A_7 {add = true} : memref<640x16xf32, #tpu.memory_space<vmem>>[vector<16xi32>, vector<16xi32>], vector<16xf32>,
    %get3A_974 = arith.constant 1 : i32
    %get3A_975 = arith.index_cast %get3A_974 : i32 to index
    %get3A_976 = arith.constant 32 : index
    %get3A_977 = tpu.vector_load %arg11[%get3A_975, %get3A_976] {strides = array<i32>} : memref<4x128xi32, #tpu.memory_space<vmem>>, vector<16xi32>,
    %shift_right_arithmetic3A_978 = arith.constant 4 : i32
    %shift_right_arithmetic3A_979 = vector.broadcast %shift_right_arithmetic3A_978 : i32 to vector<16xi32>
    %shift_right_arithmetic3A_980 = arith.shrsi %get3A_977, %shift_right_arithmetic3A_979 : vector<16xi32>
    %and3A_981 = arith.constant 15 : i32
    %and3A_982 = vector.broadcast %and3A_981 : i32 to vector<16xi32>
    %and3A_983 = arith.andi %get3A_977, %and3A_982 : vector<16xi32>
    tpu.vector_store_idx %arg21[%shift_right_arithmetic3A_980, %and3A_983], %broadcast_in_dim3A_7 {add = true} : memref<640x16xf32, #tpu.memory_space<vmem>>[vector<16xi32>, vector<16xi32>], vector<16xf32>,
    %get3A_984 = arith.constant 1 : i32
    %get3A_985 = arith.index_cast %get3A_984 : i32 to index
    %get3A_986 = arith.constant 48 : index
    %get3A_987 = tpu.vector_load %arg11[%get3A_985, %get3A_986] {strides = array<i32>} : memref<4x128xi32, #tpu.memory_space<vmem>>, vector<16xi32>,
    %shift_right_arithmetic3A_988 = arith.constant 4 : i32
    %shift_right_arithmetic3A_989 = vector.broadcast %shift_right_arithmetic3A_988 : i32 to vector<16xi32>
    %shift_right_arithmetic3A_990 = arith.shrsi %get3A_987, %shift_right_arithmetic3A_989 : vector<16xi32>
    %and3A_991 = arith.constant 15 : i32
    %and3A_992 = vector.broadcast %and3A_991 : i32 to vector<16xi32>
    %and3A_993 = arith.andi %get3A_987, %and3A_992 : vector<16xi32>
    tpu.vector_store_idx %arg21[%shift_right_arithmetic3A_990, %and3A_993], %broadcast_in_dim3A_7 {add = true} : memref<640x16xf32, #tpu.memory_space<vmem>>[vector<16xi32>, vector<16xi32>], vector<16xf32>,
    %get3A_994 = arith.constant 1 : i32
    %get3A_995 = arith.index_cast %get3A_994 : i32 to index
    %get3A_996 = arith.constant 64 : index
    %get3A_997 = tpu.vector_load %arg11[%get3A_995, %get3A_996] {strides = array<i32>} : memref<4x128xi32, #tpu.memory_space<vmem>>, vector<16xi32>,
    %shift_right_arithmetic3A_998 = arith.constant 4 : i32
    %shift_right_arithmetic3A_999 = vector.broadcast %shift_right_arithmetic3A_998 : i32 to vector<16xi32>
    %shift_right_arithmetic3A_1000 = arith.shrsi %get3A_997, %shift_right_arithmetic3A_999 : vector<16xi32>
    %and3A_1001 = arith.constant 15 : i32
    %and3A_1002 = vector.broadcast %and3A_1001 : i32 to vector<16xi32>
    %and3A_1003 = arith.andi %get3A_997, %and3A_1002 : vector<16xi32>
    tpu.vector_store_idx %arg21[%shift_right_arithmetic3A_1000, %and3A_1003], %broadcast_in_dim3A_7 {add = true} : memref<640x16xf32, #tpu.memory_space<vmem>>[vector<16xi32>, vector<16xi32>], vector<16xf32>,
    %get3A_1004 = arith.constant 1 : i32
    %get3A_1005 = arith.index_cast %get3A_1004 : i32 to index
    %get3A_1006 = arith.constant 80 : index
    %get3A_1007 = tpu.vector_load %arg11[%get3A_1005, %get3A_1006] {strides = array<i32>} : memref<4x128xi32, #tpu.memory_space<vmem>>, vector<16xi32>,
    %shift_right_arithmetic3A_1008 = arith.constant 4 : i32
    %shift_right_arithmetic3A_1009 = vector.broadcast %shift_right_arithmetic3A_1008 : i32 to vector<16xi32>
    %shift_right_arithmetic3A_1010 = arith.shrsi %get3A_1007, %shift_right_arithmetic3A_1009 : vector<16xi32>
    %and3A_1011 = arith.constant 15 : i32
    %and3A_1012 = vector.broadcast %and3A_1011 : i32 to vector<16xi32>
    %and3A_1013 = arith.andi %get3A_1007, %and3A_1012 : vector<16xi32>
    tpu.vector_store_idx %arg21[%shift_right_arithmetic3A_1010, %and3A_1013], %broadcast_in_dim3A_7 {add = true} : memref<640x16xf32, #tpu.memory_space<vmem>>[vector<16xi32>, vector<16xi32>], vector<16xf32>,
    %get3A_1014 = arith.constant 1 : i32
    %get3A_1015 = arith.index_cast %get3A_1014 : i32 to index
    %get3A_1016 = arith.constant 96 : index
    %get3A_1017 = tpu.vector_load %arg11[%get3A_1015, %get3A_1016] {strides = array<i32>} : memref<4x128xi32, #tpu.memory_space<vmem>>, vector<16xi32>,
    %shift_right_arithmetic3A_1018 = arith.constant 4 : i32
    %shift_right_arithmetic3A_1019 = vector.broadcast %shift_right_arithmetic3A_1018 : i32 to vector<16xi32>
    %shift_right_arithmetic3A_1020 = arith.shrsi %get3A_1017, %shift_right_arithmetic3A_1019 : vector<16xi32>
    %and3A_1021 = arith.constant 15 : i32
    %and3A_1022 = vector.broadcast %and3A_1021 : i32 to vector<16xi32>
    %and3A_1023 = arith.andi %get3A_1017, %and3A_1022 : vector<16xi32>
    tpu.vector_store_idx %arg21[%shift_right_arithmetic3A_1020, %and3A_1023], %broadcast_in_dim3A_7 {add = true} : memref<640x16xf32, #tpu.memory_space<vmem>>[vector<16xi32>, vector<16xi32>], vector<16xf32>,
    %get3A_1024 = arith.constant 1 : i32
    %get3A_1025 = arith.index_cast %get3A_1024 : i32 to index
    %get3A_1026 = arith.constant 112 : index
    %get3A_1027 = tpu.vector_load %arg11[%get3A_1025, %get3A_1026] {strides = array<i32>} : memref<4x128xi32, #tpu.memory_space<vmem>>, vector<16xi32>,
    %shift_right_arithmetic3A_1028 = arith.constant 4 : i32
    %shift_right_arithmetic3A_1029 = vector.broadcast %shift_right_arithmetic3A_1028 : i32 to vector<16xi32>
    %shift_right_arithmetic3A_1030 = arith.shrsi %get3A_1027, %shift_right_arithmetic3A_1029 : vector<16xi32>
    %and3A_1031 = arith.constant 15 : i32
    %and3A_1032 = vector.broadcast %and3A_1031 : i32 to vector<16xi32>
    %and3A_1033 = arith.andi %get3A_1027, %and3A_1032 : vector<16xi32>
    tpu.vector_store_idx %arg21[%shift_right_arithmetic3A_1030, %and3A_1033], %broadcast_in_dim3A_7 {add = true} : memref<640x16xf32, #tpu.memory_space<vmem>>[vector<16xi32>, vector<16xi32>], vector<16xf32>,
    %dma_wait3A_1034 = arith.constant 0 : i32
    %dma_wait3A_1035 = arith.constant 0 : i32
    %dma_wait3A_1036 = tpu.memref_slice %arg11[%dma_wait3A_1034, %dma_wait3A_1035] : memref<4x128xi32, #tpu.memory_space<vmem>> -> memref<1x128xi32, #tpu.memory_space<vmem>>
    %dma_wait3A_1037 = tpu.memref_squeeze %dma_wait3A_1036 : memref<1x128xi32, #tpu.memory_space<vmem>> -> memref<128xi32, #tpu.memory_space<vmem>>
    %dma_wait3A_1038 = arith.constant 0 : i32
    %dma_wait3A_1039 = arith.constant 0 : i32
    %dma_wait3A_1040 = tpu.memref_slice %arg14[%dma_wait3A_1038, %dma_wait3A_1039] : memref<10240x128xf32, #tpu.memory_space<vmem_shared>> -> memref<10240x128xf32, #tpu.memory_space<vmem_shared>>
    tpu.wait_indirect_dma semaphore(%arg17 : memref<!tpu.dma_semaphore, #tpu.memory_space<semaphore_mem>>) src(%arg12 : memref<128x128xf32, #tpu.memory_space<vmem>>) dst(%dma_wait3A_1040 : memref<10240x128xf32, #tpu.memory_space<vmem_shared>>)
    %dma_start3A_1041 = arith.constant 1 : i32
    %dma_start3A_1042 = arith.constant 0 : i32
    %dma_start3A_1043 = tpu.memref_slice %arg11[%dma_start3A_1041, %dma_start3A_1042] : memref<4x128xi32, #tpu.memory_space<vmem>> -> memref<1x128xi32, #tpu.memory_space<vmem>>
    %dma_start3A_1044 = tpu.memref_squeeze %dma_start3A_1043 : memref<1x128xi32, #tpu.memory_space<vmem>> -> memref<128xi32, #tpu.memory_space<vmem>>
    %dma_start3A_1045 = arith.constant 0 : i32
    %dma_start3A_1046 = arith.constant 0 : i32
    %dma_start3A_1047 = tpu.memref_slice %arg14[%dma_start3A_1045, %dma_start3A_1046] : memref<10240x128xf32, #tpu.memory_space<vmem_shared>> -> memref<10240x128xf32, #tpu.memory_space<vmem_shared>>
    tpu.enqueue_indirect_dma source(%arg13 : memref<128x128xf32, #tpu.memory_space<vmem>>) target(%dma_start3A_1047 : memref<10240x128xf32, #tpu.memory_space<vmem_shared>>) offsets(%dma_start3A_1044 : memref<128xi32, #tpu.memory_space<vmem>>) semaphore(%arg18 : memref<!tpu.dma_semaphore, #tpu.memory_space<semaphore_mem>>) {add = true}
    %dma_wait3A_1048 = arith.constant 0 : i32
    %dma_wait3A_1049 = arith.constant 0 : i32
    %dma_wait3A_1050 = tpu.memref_slice %arg10[%dma_wait3A_1048, %dma_wait3A_1049] : memref<4x128xi32, #tpu.memory_space<vmem>> -> memref<1x128xi32, #tpu.memory_space<vmem>>
    %dma_wait3A_1051 = tpu.memref_squeeze %dma_wait3A_1050 : memref<1x128xi32, #tpu.memory_space<vmem>> -> memref<128xi32, #tpu.memory_space<vmem>>
    %dma_wait3A_1052 = arith.constant 0 : i32
    %dma_wait3A_1053 = arith.constant 0 : i32
    %dma_wait3A_1054 = tpu.memref_slice %arg2[%dma_wait3A_1052, %dma_wait3A_1053] : memref<10000x128xf32, #tpu.memory_space<hbm>> -> memref<10000x128xf32, #tpu.memory_space<hbm>>
    tpu.wait_indirect_dma semaphore(%arg15 : memref<!tpu.dma_semaphore, #tpu.memory_space<semaphore_mem>>) src(%dma_wait3A_1054 : memref<10000x128xf32, #tpu.memory_space<hbm>>) dst(%arg12 : memref<128x128xf32, #tpu.memory_space<vmem>>)
    %get3A_1055 = arith.constant 2 : i32
    %get3A_1056 = arith.index_cast %get3A_1055 : i32 to index
    %get3A_1057 = arith.constant 0 : index
    %get3A_1058 = tpu.vector_load %arg11[%get3A_1056, %get3A_1057] {strides = array<i32>} : memref<4x128xi32, #tpu.memory_space<vmem>>, vector<16xi32>,
    %shift_right_arithmetic3A_1059 = arith.constant 4 : i32
    %shift_right_arithmetic3A_1060 = vector.broadcast %shift_right_arithmetic3A_1059 : i32 to vector<16xi32>
    %shift_right_arithmetic3A_1061 = arith.shrsi %get3A_1058, %shift_right_arithmetic3A_1060 : vector<16xi32>
    %and3A_1062 = arith.constant 15 : i32
    %and3A_1063 = vector.broadcast %and3A_1062 : i32 to vector<16xi32>
    %and3A_1064 = arith.andi %get3A_1058, %and3A_1063 : vector<16xi32>
    tpu.vector_store_idx %arg21[%shift_right_arithmetic3A_1061, %and3A_1064], %broadcast_in_dim3A_7 {add = true} : memref<640x16xf32, #tpu.memory_space<vmem>>[vector<16xi32>, vector<16xi32>], vector<16xf32>,
    %get3A_1065 = arith.constant 2 : i32
    %get3A_1066 = arith.index_cast %get3A_1065 : i32 to index
    %get3A_1067 = arith.constant 16 : index
    %get3A_1068 = tpu.vector_load %arg11[%get3A_1066, %get3A_1067] {strides = array<i32>} : memref<4x128xi32, #tpu.memory_space<vmem>>, vector<16xi32>,
    %shift_right_arithmetic3A_1069 = arith.constant 4 : i32
    %shift_right_arithmetic3A_1070 = vector.broadcast %shift_right_arithmetic3A_1069 : i32 to vector<16xi32>
    %shift_right_arithmetic3A_1071 = arith.shrsi %get3A_1068, %shift_right_arithmetic3A_1070 : vector<16xi32>
    %and3A_1072 = arith.constant 15 : i32
    %and3A_1073 = vector.broadcast %and3A_1072 : i32 to vector<16xi32>
    %and3A_1074 = arith.andi %get3A_1068, %and3A_1073 : vector<16xi32>
    tpu.vector_store_idx %arg21[%shift_right_arithmetic3A_1071, %and3A_1074], %broadcast_in_dim3A_7 {add = true} : memref<640x16xf32, #tpu.memory_space<vmem>>[vector<16xi32>, vector<16xi32>], vector<16xf32>,
    %get3A_1075 = arith.constant 2 : i32
    %get3A_1076 = arith.index_cast %get3A_1075 : i32 to index
    %get3A_1077 = arith.constant 32 : index
    %get3A_1078 = tpu.vector_load %arg11[%get3A_1076, %get3A_1077] {strides = array<i32>} : memref<4x128xi32, #tpu.memory_space<vmem>>, vector<16xi32>,
    %shift_right_arithmetic3A_1079 = arith.constant 4 : i32
    %shift_right_arithmetic3A_1080 = vector.broadcast %shift_right_arithmetic3A_1079 : i32 to vector<16xi32>
    %shift_right_arithmetic3A_1081 = arith.shrsi %get3A_1078, %shift_right_arithmetic3A_1080 : vector<16xi32>
    %and3A_1082 = arith.constant 15 : i32
    %and3A_1083 = vector.broadcast %and3A_1082 : i32 to vector<16xi32>
    %and3A_1084 = arith.andi %get3A_1078, %and3A_1083 : vector<16xi32>
    tpu.vector_store_idx %arg21[%shift_right_arithmetic3A_1081, %and3A_1084], %broadcast_in_dim3A_7 {add = true} : memref<640x16xf32, #tpu.memory_space<vmem>>[vector<16xi32>, vector<16xi32>], vector<16xf32>,
    %get3A_1085 = arith.constant 2 : i32
    %get3A_1086 = arith.index_cast %get3A_1085 : i32 to index
    %get3A_1087 = arith.constant 48 : index
    %get3A_1088 = tpu.vector_load %arg11[%get3A_1086, %get3A_1087] {strides = array<i32>} : memref<4x128xi32, #tpu.memory_space<vmem>>, vector<16xi32>,
    %shift_right_arithmetic3A_1089 = arith.constant 4 : i32
    %shift_right_arithmetic3A_1090 = vector.broadcast %shift_right_arithmetic3A_1089 : i32 to vector<16xi32>
    %shift_right_arithmetic3A_1091 = arith.shrsi %get3A_1088, %shift_right_arithmetic3A_1090 : vector<16xi32>
    %and3A_1092 = arith.constant 15 : i32
    %and3A_1093 = vector.broadcast %and3A_1092 : i32 to vector<16xi32>
    %and3A_1094 = arith.andi %get3A_1088, %and3A_1093 : vector<16xi32>
    tpu.vector_store_idx %arg21[%shift_right_arithmetic3A_1091, %and3A_1094], %broadcast_in_dim3A_7 {add = true} : memref<640x16xf32, #tpu.memory_space<vmem>>[vector<16xi32>, vector<16xi32>], vector<16xf32>,
    %get3A_1095 = arith.constant 2 : i32
    %get3A_1096 = arith.index_cast %get3A_1095 : i32 to index
    %get3A_1097 = arith.constant 64 : index
    %get3A_1098 = tpu.vector_load %arg11[%get3A_1096, %get3A_1097] {strides = array<i32>} : memref<4x128xi32, #tpu.memory_space<vmem>>, vector<16xi32>,
    %shift_right_arithmetic3A_1099 = arith.constant 4 : i32
    %shift_right_arithmetic3A_1100 = vector.broadcast %shift_right_arithmetic3A_1099 : i32 to vector<16xi32>
    %shift_right_arithmetic3A_1101 = arith.shrsi %get3A_1098, %shift_right_arithmetic3A_1100 : vector<16xi32>
    %and3A_1102 = arith.constant 15 : i32
    %and3A_1103 = vector.broadcast %and3A_1102 : i32 to vector<16xi32>
    %and3A_1104 = arith.andi %get3A_1098, %and3A_1103 : vector<16xi32>
    tpu.vector_store_idx %arg21[%shift_right_arithmetic3A_1101, %and3A_1104], %broadcast_in_dim3A_7 {add = true} : memref<640x16xf32, #tpu.memory_space<vmem>>[vector<16xi32>, vector<16xi32>], vector<16xf32>,
    %get3A_1105 = arith.constant 2 : i32
    %get3A_1106 = arith.index_cast %get3A_1105 : i32 to index
    %get3A_1107 = arith.constant 80 : index
    %get3A_1108 = tpu.vector_load %arg11[%get3A_1106, %get3A_1107] {strides = array<i32>} : memref<4x128xi32, #tpu.memory_space<vmem>>, vector<16xi32>,
    %shift_right_arithmetic3A_1109 = arith.constant 4 : i32
    %shift_right_arithmetic3A_1110 = vector.broadcast %shift_right_arithmetic3A_1109 : i32 to vector<16xi32>
    %shift_right_arithmetic3A_1111 = arith.shrsi %get3A_1108, %shift_right_arithmetic3A_1110 : vector<16xi32>
    %and3A_1112 = arith.constant 15 : i32
    %and3A_1113 = vector.broadcast %and3A_1112 : i32 to vector<16xi32>
    %and3A_1114 = arith.andi %get3A_1108, %and3A_1113 : vector<16xi32>
    tpu.vector_store_idx %arg21[%shift_right_arithmetic3A_1111, %and3A_1114], %broadcast_in_dim3A_7 {add = true} : memref<640x16xf32, #tpu.memory_space<vmem>>[vector<16xi32>, vector<16xi32>], vector<16xf32>,
    %get3A_1115 = arith.constant 2 : i32
    %get3A_1116 = arith.index_cast %get3A_1115 : i32 to index
    %get3A_1117 = arith.constant 96 : index
    %get3A_1118 = tpu.vector_load %arg11[%get3A_1116, %get3A_1117] {strides = array<i32>} : memref<4x128xi32, #tpu.memory_space<vmem>>, vector<16xi32>,
    %shift_right_arithmetic3A_1119 = arith.constant 4 : i32
    %shift_right_arithmetic3A_1120 = vector.broadcast %shift_right_arithmetic3A_1119 : i32 to vector<16xi32>
    %shift_right_arithmetic3A_1121 = arith.shrsi %get3A_1118, %shift_right_arithmetic3A_1120 : vector<16xi32>
    %and3A_1122 = arith.constant 15 : i32
    %and3A_1123 = vector.broadcast %and3A_1122 : i32 to vector<16xi32>
    %and3A_1124 = arith.andi %get3A_1118, %and3A_1123 : vector<16xi32>
    tpu.vector_store_idx %arg21[%shift_right_arithmetic3A_1121, %and3A_1124], %broadcast_in_dim3A_7 {add = true} : memref<640x16xf32, #tpu.memory_space<vmem>>[vector<16xi32>, vector<16xi32>], vector<16xf32>,
    %get3A_1125 = arith.constant 2 : i32
    %get3A_1126 = arith.index_cast %get3A_1125 : i32 to index
    %get3A_1127 = arith.constant 112 : index
    %get3A_1128 = tpu.vector_load %arg11[%get3A_1126, %get3A_1127] {strides = array<i32>} : memref<4x128xi32, #tpu.memory_space<vmem>>, vector<16xi32>,
    %shift_right_arithmetic3A_1129 = arith.constant 4 : i32
    %shift_right_arithmetic3A_1130 = vector.broadcast %shift_right_arithmetic3A_1129 : i32 to vector<16xi32>
    %shift_right_arithmetic3A_1131 = arith.shrsi %get3A_1128, %shift_right_arithmetic3A_1130 : vector<16xi32>
    %and3A_1132 = arith.constant 15 : i32
    %and3A_1133 = vector.broadcast %and3A_1132 : i32 to vector<16xi32>
    %and3A_1134 = arith.andi %get3A_1128, %and3A_1133 : vector<16xi32>
    tpu.vector_store_idx %arg21[%shift_right_arithmetic3A_1131, %and3A_1134], %broadcast_in_dim3A_7 {add = true} : memref<640x16xf32, #tpu.memory_space<vmem>>[vector<16xi32>, vector<16xi32>], vector<16xf32>,
    %dma_wait3A_1135 = arith.constant 0 : i32
    %dma_wait3A_1136 = arith.constant 0 : i32
    %dma_wait3A_1137 = tpu.memref_slice %arg11[%dma_wait3A_1135, %dma_wait3A_1136] : memref<4x128xi32, #tpu.memory_space<vmem>> -> memref<1x128xi32, #tpu.memory_space<vmem>>
    %dma_wait3A_1138 = tpu.memref_squeeze %dma_wait3A_1137 : memref<1x128xi32, #tpu.memory_space<vmem>> -> memref<128xi32, #tpu.memory_space<vmem>>
    %dma_wait3A_1139 = arith.constant 0 : i32
    %dma_wait3A_1140 = arith.constant 0 : i32
    %dma_wait3A_1141 = tpu.memref_slice %arg14[%dma_wait3A_1139, %dma_wait3A_1140] : memref<10240x128xf32, #tpu.memory_space<vmem_shared>> -> memref<10240x128xf32, #tpu.memory_space<vmem_shared>>
    tpu.wait_indirect_dma semaphore(%arg18 : memref<!tpu.dma_semaphore, #tpu.memory_space<semaphore_mem>>) src(%arg13 : memref<128x128xf32, #tpu.memory_space<vmem>>) dst(%dma_wait3A_1141 : memref<10240x128xf32, #tpu.memory_space<vmem_shared>>)
    %dma_start3A_1142 = arith.constant 2 : i32
    %dma_start3A_1143 = arith.constant 0 : i32
    %dma_start3A_1144 = tpu.memref_slice %arg11[%dma_start3A_1142, %dma_start3A_1143] : memref<4x128xi32, #tpu.memory_space<vmem>> -> memref<1x128xi32, #tpu.memory_space<vmem>>
    %dma_start3A_1145 = tpu.memref_squeeze %dma_start3A_1144 : memref<1x128xi32, #tpu.memory_space<vmem>> -> memref<128xi32, #tpu.memory_space<vmem>>
    %dma_start3A_1146 = arith.constant 0 : i32
    %dma_start3A_1147 = arith.constant 0 : i32
    %dma_start3A_1148 = tpu.memref_slice %arg14[%dma_start3A_1146, %dma_start3A_1147] : memref<10240x128xf32, #tpu.memory_space<vmem_shared>> -> memref<10240x128xf32, #tpu.memory_space<vmem_shared>>
    tpu.enqueue_indirect_dma source(%arg12 : memref<128x128xf32, #tpu.memory_space<vmem>>) target(%dma_start3A_1148 : memref<10240x128xf32, #tpu.memory_space<vmem_shared>>) offsets(%dma_start3A_1145 : memref<128xi32, #tpu.memory_space<vmem>>) semaphore(%arg17 : memref<!tpu.dma_semaphore, #tpu.memory_space<semaphore_mem>>) {add = true}
    %dma_wait3A_1149 = arith.constant 0 : i32
    %dma_wait3A_1150 = arith.constant 0 : i32
    %dma_wait3A_1151 = tpu.memref_slice %arg11[%dma_wait3A_1149, %dma_wait3A_1150] : memref<4x128xi32, #tpu.memory_space<vmem>> -> memref<1x128xi32, #tpu.memory_space<vmem>>
    %dma_wait3A_1152 = tpu.memref_squeeze %dma_wait3A_1151 : memref<1x128xi32, #tpu.memory_space<vmem>> -> memref<128xi32, #tpu.memory_space<vmem>>
    %dma_wait3A_1153 = arith.constant 0 : i32
    %dma_wait3A_1154 = arith.constant 0 : i32
    %dma_wait3A_1155 = tpu.memref_slice %arg14[%dma_wait3A_1153, %dma_wait3A_1154] : memref<10240x128xf32, #tpu.memory_space<vmem_shared>> -> memref<10240x128xf32, #tpu.memory_space<vmem_shared>>
    tpu.wait_indirect_dma semaphore(%arg17 : memref<!tpu.dma_semaphore, #tpu.memory_space<semaphore_mem>>) src(%arg12 : memref<128x128xf32, #tpu.memory_space<vmem>>) dst(%dma_wait3A_1155 : memref<10240x128xf32, #tpu.memory_space<vmem_shared>>)
    "tpu.region"() ({
      %run_scoped3A = tpu.sem_alloc : memref<!tpu.dma_semaphore, #tpu.memory_space<semaphore_mem>>
      %dma_start3A_1171 = arith.constant 0 : i32
      %dma_start3A_1172 = arith.constant 0 : i32
      %dma_start3A_1173 = tpu.memref_slice %arg23[%dma_start3A_1171, %dma_start3A_1172] : memref<640x16xf32, #tpu.memory_space<vmem_shared>> -> memref<640x16xf32, #tpu.memory_space<vmem_shared>>
      tpu.enqueue_indirect_dma source(%arg21 : memref<640x16xf32, #tpu.memory_space<vmem>>) target(%dma_start3A_1173 : memref<640x16xf32, #tpu.memory_space<vmem_shared>>) offsets(%arg22 : memref<640xi32, #tpu.memory_space<vmem>>) semaphore(%run_scoped3A : memref<!tpu.dma_semaphore, #tpu.memory_space<semaphore_mem>>) {add = true}
      %dma_wait3A_1174 = arith.constant 0 : i32
      %dma_wait3A_1175 = arith.constant 0 : i32
      %dma_wait3A_1176 = tpu.memref_slice %arg23[%dma_wait3A_1174, %dma_wait3A_1175] : memref<640x16xf32, #tpu.memory_space<vmem_shared>> -> memref<640x16xf32, #tpu.memory_space<vmem_shared>>
      tpu.wait_indirect_dma semaphore(%run_scoped3A : memref<!tpu.dma_semaphore, #tpu.memory_space<semaphore_mem>>) src(%arg21 : memref<640x16xf32, #tpu.memory_space<vmem>>) dst(%dma_wait3A_1176 : memref<640x16xf32, #tpu.memory_space<vmem_shared>>)
      tpu.yield
    }) : () -> ()
    %barrier3A_1156 = arith.constant 0 : index
    tpu.barrier barrier_id(%barrier3A_1156)
    %mul3A_1157 = arith.constant 640 : i32
    %mul3A_1158 = arith.muli %arg1, %mul3A_1157 : i32
    %mul3A_1159 = arith.constant 10240 : i32
    %mul3A_1160 = arith.muli %arg0, %mul3A_1159 : i32
    %mul3A_1161 = arith.constant 640 : i32
    %mul3A_1162 = arith.muli %arg1, %mul3A_1161 : i32
    %add3A_1163 = arith.addi %mul3A_1160, %mul3A_1162 : i32
    "tpu.region"() ({
      %run_scoped3A = tpu.sem_alloc : memref<!tpu.dma_semaphore, #tpu.memory_space<semaphore_mem>>
      %dma_start3A_1171 = arith.constant 0 : i32
      %dma_start3A_1172 = tpu.memref_slice %arg8[%add3A_1163, %dma_start3A_1171] : memref<20480x128xf32, #tpu.memory_space<hbm>> -> memref<640x128xf32, #tpu.memory_space<hbm>>
      %dma_start3A_1173 = arith.constant 0 : i32
      %dma_start3A_1174 = tpu.memref_slice %arg14[%mul3A_1158, %dma_start3A_1173] : memref<10240x128xf32, #tpu.memory_space<vmem_shared>> -> memref<640x128xf32, #tpu.memory_space<vmem_shared>>
      tpu.enqueue_dma source(%dma_start3A_1174 : memref<640x128xf32, #tpu.memory_space<vmem_shared>>) target(%dma_start3A_1172 : memref<640x128xf32, #tpu.memory_space<hbm>>) target_semaphore(%run_scoped3A : memref<!tpu.dma_semaphore, #tpu.memory_space<semaphore_mem>>)
      %dma_wait3A_1175 = arith.constant 0 : i32
      %dma_wait3A_1176 = tpu.memref_slice %arg8[%add3A_1163, %dma_wait3A_1175] : memref<20480x128xf32, #tpu.memory_space<hbm>> -> memref<640x128xf32, #tpu.memory_space<hbm>>
      %dma_wait3A_1177 = arith.constant 0 : i32
      %dma_wait3A_1178 = tpu.memref_slice %arg14[%mul3A_1158, %dma_wait3A_1177] : memref<10240x128xf32, #tpu.memory_space<vmem_shared>> -> memref<640x128xf32, #tpu.memory_space<vmem_shared>>
      tpu.wait_dma2 semaphore(%run_scoped3A : memref<!tpu.dma_semaphore, #tpu.memory_space<semaphore_mem>>) src(%dma_wait3A_1178 : memref<640x128xf32, #tpu.memory_space<vmem_shared>>) dst(%dma_wait3A_1176 : memref<640x128xf32, #tpu.memory_space<hbm>>)
      tpu.yield
    }) : () -> ()
    %mul3A_1164 = arith.constant 40 : i32
    %mul3A_1165 = arith.muli %arg1, %mul3A_1164 : i32
    %mul3A_1166 = arith.constant 640 : i32
    %mul3A_1167 = arith.muli %arg0, %mul3A_1166 : i32
    %mul3A_1168 = arith.constant 40 : i32
    %mul3A_1169 = arith.muli %arg1, %mul3A_1168 : i32
    %add3A_1170 = arith.addi %mul3A_1167, %mul3A_1169 : i32
    "tpu.region"() ({
      %run_scoped3A = tpu.sem_alloc : memref<!tpu.dma_semaphore, #tpu.memory_space<semaphore_mem>>
      %dma_start3A_1171 = arith.constant 0 : i32
      %dma_start3A_1172 = tpu.memref_slice %arg9[%add3A_1170, %dma_start3A_1171] : memref<1280x16xf32, #tpu.memory_space<hbm>> -> memref<40x16xf32, #tpu.memory_space<hbm>>
      %dma_start3A_1173 = arith.constant 0 : i32
      %dma_start3A_1174 = tpu.memref_slice %arg23[%mul3A_1165, %dma_start3A_1173] : memref<640x16xf32, #tpu.memory_space<vmem_shared>> -> memref<40x16xf32, #tpu.memory_space<vmem_shared>>
      tpu.enqueue_dma source(%dma_start3A_1174 : memref<40x16xf32, #tpu.memory_space<vmem_shared>>) target(%dma_start3A_1172 : memref<40x16xf32, #tpu.memory_space<hbm>>) target_semaphore(%run_scoped3A : memref<!tpu.dma_semaphore, #tpu.memory_space<semaphore_mem>>)
      %dma_wait3A_1175 = arith.constant 0 : i32
      %dma_wait3A_1176 = tpu.memref_slice %arg9[%add3A_1170, %dma_wait3A_1175] : memref<1280x16xf32, #tpu.memory_space<hbm>> -> memref<40x16xf32, #tpu.memory_space<hbm>>
      %dma_wait3A_1177 = arith.constant 0 : i32
      %dma_wait3A_1178 = tpu.memref_slice %arg23[%mul3A_1165, %dma_wait3A_1177] : memref<640x16xf32, #tpu.memory_space<vmem_shared>> -> memref<40x16xf32, #tpu.memory_space<vmem_shared>>
      tpu.wait_dma2 semaphore(%run_scoped3A : memref<!tpu.dma_semaphore, #tpu.memory_space<semaphore_mem>>) src(%dma_wait3A_1178 : memref<40x16xf32, #tpu.memory_space<vmem_shared>>) dst(%dma_wait3A_1176 : memref<40x16xf32, #tpu.memory_space<hbm>>)
      tpu.yield
    }) : () -> ()
    return
  }
}

#map = affine_map<(d0, d1) -> (0, 0)>
#map1 = affine_map<(d0, d1) -> (0)>
module attributes {stable_mosaic.version = 14 : i64} {
  func.func @sc_agg(%arg0: i32, %arg1: i32, %arg2: memref<10000x128xf32, #tpu.memory_space<hbm>>, %arg3: memref<2528x128xi32, #tpu.memory_space<hbm>>, %arg4: memref<2528x128xi32, #tpu.memory_space<hbm>>, %arg5: memref<640x128xf32, #tpu.memory_space<hbm>>, %arg6: memref<640x16xf32, #tpu.memory_space<hbm>>, %arg7: memref<640xi32, #tpu.memory_space<hbm>>, %arg8: memref<20480x128xf32, #tpu.memory_space<hbm>>, %arg9: memref<4x128xi32, #tpu.memory_space<vmem>>, %arg10: memref<4x128xi32, #tpu.memory_space<vmem>>, %arg11: memref<128x128xf32, #tpu.memory_space<vmem>>, %arg12: memref<128x128xf32, #tpu.memory_space<vmem>>, %arg13: memref<10240x128xf32, #tpu.memory_space<vmem_shared>>, %arg14: memref<!tpu.dma_semaphore, #tpu.memory_space<semaphore_mem>>, %arg15: memref<!tpu.dma_semaphore, #tpu.memory_space<semaphore_mem>>, %arg16: memref<!tpu.dma_semaphore, #tpu.memory_space<semaphore_mem>>, %arg17: memref<!tpu.dma_semaphore, #tpu.memory_space<semaphore_mem>>, %arg18: memref<!tpu.dma_semaphore, #tpu.memory_space<semaphore_mem>>, %arg19: memref<!tpu.dma_semaphore, #tpu.memory_space<semaphore_mem>>) attributes {dimension_semantics = [#tpu.dimension_semantics<core_parallel>, #tpu.dimension_semantics<subcore_parallel>], iteration_bounds = array<i64: 2, 16>, scalar_prefetch = 0 : i64, scratch_operands = 11 : i64, tpu.core_type = #tpu.core_type<sc_vector_subcore>, window_params = [{transform_indices = #map}, {transform_indices = #map}, {transform_indices = #map}, {transform_indices = #map}, {transform_indices = #map}, {transform_indices = #map1}, {transform_indices = #map}]} {
    %mul3A = arith.constant 16 : i32
    %mul3A_0 = arith.muli %arg0, %mul3A : i32
    %add3A = arith.addi %mul3A_0, %arg1 : i32
    %mul3A_1 = arith.constant 640 : i32
    %mul3A_2 = arith.muli %arg1, %mul3A_1 : i32
    "tpu.region"() ({
      %run_scoped3A = tpu.sem_alloc : memref<!tpu.dma_semaphore, #tpu.memory_space<semaphore_mem>>
      %dma_start3A_603 = arith.constant 0 : i32
      %dma_start3A_604 = tpu.memref_slice %arg13[%mul3A_2, %dma_start3A_603] : memref<10240x128xf32, #tpu.memory_space<vmem_shared>> -> memref<640x128xf32, #tpu.memory_space<vmem_shared>>
      tpu.enqueue_dma source(%arg5 : memref<640x128xf32, #tpu.memory_space<hbm>>) target(%dma_start3A_604 : memref<640x128xf32, #tpu.memory_space<vmem_shared>>) target_semaphore(%run_scoped3A : memref<!tpu.dma_semaphore, #tpu.memory_space<semaphore_mem>>)
      %dma_wait3A_605 = arith.constant 0 : i32
      %dma_wait3A_606 = tpu.memref_slice %arg13[%mul3A_2, %dma_wait3A_605] : memref<10240x128xf32, #tpu.memory_space<vmem_shared>> -> memref<640x128xf32, #tpu.memory_space<vmem_shared>>
      tpu.wait_dma2 semaphore(%run_scoped3A : memref<!tpu.dma_semaphore, #tpu.memory_space<semaphore_mem>>) src(%arg5 : memref<640x128xf32, #tpu.memory_space<hbm>>) dst(%dma_wait3A_606 : memref<640x128xf32, #tpu.memory_space<vmem_shared>>)
      tpu.yield
    }) : () -> ()
    %barrier3A = arith.constant 0 : index
    tpu.barrier barrier_id(%barrier3A)
    %broadcast_in_dim3A = arith.constant 1.000000e+00 : f32
    %broadcast_in_dim3A_3 = vector.broadcast %broadcast_in_dim3A : f32 to vector<16xf32>
    %add3A_4 = arith.constant 0 : i32
    %add3A_5 = arith.addi %add3A, %add3A_4 : i32
    %dma_start3A = arith.constant 0 : i32
    %dma_start3A_6 = arith.constant 0 : i32
    %dma_start3A_7 = tpu.memref_slice %arg9[%dma_start3A, %dma_start3A_6] : memref<4x128xi32, #tpu.memory_space<vmem>> -> memref<1x128xi32, #tpu.memory_space<vmem>>
    %dma_start3A_8 = tpu.memref_squeeze %dma_start3A_7 : memref<1x128xi32, #tpu.memory_space<vmem>> -> memref<128xi32, #tpu.memory_space<vmem>>
    %dma_start3A_9 = arith.constant 0 : i32
    %dma_start3A_10 = tpu.memref_slice %arg3[%add3A_5, %dma_start3A_9] : memref<2528x128xi32, #tpu.memory_space<hbm>> -> memref<1x128xi32, #tpu.memory_space<hbm>>
    %dma_start3A_11 = tpu.memref_squeeze %dma_start3A_10 : memref<1x128xi32, #tpu.memory_space<hbm>> -> memref<128xi32, #tpu.memory_space<hbm>>
    %dma_start3A_12 = arith.constant 0 : i32
    %dma_start3A_13 = tpu.memref_slice %arg9[%dma_start3A, %dma_start3A_12] : memref<4x128xi32, #tpu.memory_space<vmem>> -> memref<1x128xi32, #tpu.memory_space<vmem>>
    %dma_start3A_14 = tpu.memref_squeeze %dma_start3A_13 : memref<1x128xi32, #tpu.memory_space<vmem>> -> memref<128xi32, #tpu.memory_space<vmem>>
    %dma_start3A_15 = arith.constant 0 : i32
    %dma_start3A_16 = tpu.memref_slice %arg3[%add3A_5, %dma_start3A_15] : memref<2528x128xi32, #tpu.memory_space<hbm>> -> memref<1x128xi32, #tpu.memory_space<hbm>>
    %dma_start3A_17 = tpu.memref_squeeze %dma_start3A_16 : memref<1x128xi32, #tpu.memory_space<hbm>> -> memref<128xi32, #tpu.memory_space<hbm>>
    tpu.enqueue_dma source(%dma_start3A_17 : memref<128xi32, #tpu.memory_space<hbm>>) target(%dma_start3A_14 : memref<128xi32, #tpu.memory_space<vmem>>) target_semaphore(%arg18 : memref<!tpu.dma_semaphore, #tpu.memory_space<semaphore_mem>>)
    %dma_start3A_18 = arith.constant 0 : i32
    %dma_start3A_19 = arith.constant 0 : i32
    %dma_start3A_20 = tpu.memref_slice %arg10[%dma_start3A_18, %dma_start3A_19] : memref<4x128xi32, #tpu.memory_space<vmem>> -> memref<1x128xi32, #tpu.memory_space<vmem>>
    %dma_start3A_21 = tpu.memref_squeeze %dma_start3A_20 : memref<1x128xi32, #tpu.memory_space<vmem>> -> memref<128xi32, #tpu.memory_space<vmem>>
    %dma_start3A_22 = arith.constant 0 : i32
    %dma_start3A_23 = tpu.memref_slice %arg4[%add3A_5, %dma_start3A_22] : memref<2528x128xi32, #tpu.memory_space<hbm>> -> memref<1x128xi32, #tpu.memory_space<hbm>>
    %dma_start3A_24 = tpu.memref_squeeze %dma_start3A_23 : memref<1x128xi32, #tpu.memory_space<hbm>> -> memref<128xi32, #tpu.memory_space<hbm>>
    %dma_start3A_25 = arith.constant 0 : i32
    %dma_start3A_26 = tpu.memref_slice %arg10[%dma_start3A_18, %dma_start3A_25] : memref<4x128xi32, #tpu.memory_space<vmem>> -> memref<1x128xi32, #tpu.memory_space<vmem>>
    %dma_start3A_27 = tpu.memref_squeeze %dma_start3A_26 : memref<1x128xi32, #tpu.memory_space<vmem>> -> memref<128xi32, #tpu.memory_space<vmem>>
    %dma_start3A_28 = arith.constant 0 : i32
    %dma_start3A_29 = tpu.memref_slice %arg4[%add3A_5, %dma_start3A_28] : memref<2528x128xi32, #tpu.memory_space<hbm>> -> memref<1x128xi32, #tpu.memory_space<hbm>>
    %dma_start3A_30 = tpu.memref_squeeze %dma_start3A_29 : memref<1x128xi32, #tpu.memory_space<hbm>> -> memref<128xi32, #tpu.memory_space<hbm>>
    tpu.enqueue_dma source(%dma_start3A_30 : memref<128xi32, #tpu.memory_space<hbm>>) target(%dma_start3A_27 : memref<128xi32, #tpu.memory_space<vmem>>) target_semaphore(%arg18 : memref<!tpu.dma_semaphore, #tpu.memory_space<semaphore_mem>>)
    %add3A_31 = arith.constant 32 : i32
    %add3A_32 = arith.addi %add3A, %add3A_31 : i32
    %dma_start3A_33 = arith.constant 1 : i32
    %dma_start3A_34 = arith.constant 0 : i32
    %dma_start3A_35 = tpu.memref_slice %arg9[%dma_start3A_33, %dma_start3A_34] : memref<4x128xi32, #tpu.memory_space<vmem>> -> memref<1x128xi32, #tpu.memory_space<vmem>>
    %dma_start3A_36 = tpu.memref_squeeze %dma_start3A_35 : memref<1x128xi32, #tpu.memory_space<vmem>> -> memref<128xi32, #tpu.memory_space<vmem>>
    %dma_start3A_37 = arith.constant 0 : i32
    %dma_start3A_38 = tpu.memref_slice %arg3[%add3A_32, %dma_start3A_37] : memref<2528x128xi32, #tpu.memory_space<hbm>> -> memref<1x128xi32, #tpu.memory_space<hbm>>
    %dma_start3A_39 = tpu.memref_squeeze %dma_start3A_38 : memref<1x128xi32, #tpu.memory_space<hbm>> -> memref<128xi32, #tpu.memory_space<hbm>>
    %dma_start3A_40 = arith.constant 0 : i32
    %dma_start3A_41 = tpu.memref_slice %arg9[%dma_start3A_33, %dma_start3A_40] : memref<4x128xi32, #tpu.memory_space<vmem>> -> memref<1x128xi32, #tpu.memory_space<vmem>>
    %dma_start3A_42 = tpu.memref_squeeze %dma_start3A_41 : memref<1x128xi32, #tpu.memory_space<vmem>> -> memref<128xi32, #tpu.memory_space<vmem>>
    %dma_start3A_43 = arith.constant 0 : i32
    %dma_start3A_44 = tpu.memref_slice %arg3[%add3A_32, %dma_start3A_43] : memref<2528x128xi32, #tpu.memory_space<hbm>> -> memref<1x128xi32, #tpu.memory_space<hbm>>
    %dma_start3A_45 = tpu.memref_squeeze %dma_start3A_44 : memref<1x128xi32, #tpu.memory_space<hbm>> -> memref<128xi32, #tpu.memory_space<hbm>>
    tpu.enqueue_dma source(%dma_start3A_45 : memref<128xi32, #tpu.memory_space<hbm>>) target(%dma_start3A_42 : memref<128xi32, #tpu.memory_space<vmem>>) target_semaphore(%arg19 : memref<!tpu.dma_semaphore, #tpu.memory_space<semaphore_mem>>)
    %dma_start3A_46 = arith.constant 1 : i32
    %dma_start3A_47 = arith.constant 0 : i32
    %dma_start3A_48 = tpu.memref_slice %arg10[%dma_start3A_46, %dma_start3A_47] : memref<4x128xi32, #tpu.memory_space<vmem>> -> memref<1x128xi32, #tpu.memory_space<vmem>>
    %dma_start3A_49 = tpu.memref_squeeze %dma_start3A_48 : memref<1x128xi32, #tpu.memory_space<vmem>> -> memref<128xi32, #tpu.memory_space<vmem>>
    %dma_start3A_50 = arith.constant 0 : i32
    %dma_start3A_51 = tpu.memref_slice %arg4[%add3A_32, %dma_start3A_50] : memref<2528x128xi32, #tpu.memory_space<hbm>> -> memref<1x128xi32, #tpu.memory_space<hbm>>
    %dma_start3A_52 = tpu.memref_squeeze %dma_start3A_51 : memref<1x128xi32, #tpu.memory_space<hbm>> -> memref<128xi32, #tpu.memory_space<hbm>>
    %dma_start3A_53 = arith.constant 0 : i32
    %dma_start3A_54 = tpu.memref_slice %arg10[%dma_start3A_46, %dma_start3A_53] : memref<4x128xi32, #tpu.memory_space<vmem>> -> memref<1x128xi32, #tpu.memory_space<vmem>>
    %dma_start3A_55 = tpu.memref_squeeze %dma_start3A_54 : memref<1x128xi32, #tpu.memory_space<vmem>> -> memref<128xi32, #tpu.memory_space<vmem>>
    %dma_start3A_56 = arith.constant 0 : i32
    %dma_start3A_57 = tpu.memref_slice %arg4[%add3A_32, %dma_start3A_56] : memref<2528x128xi32, #tpu.memory_space<hbm>> -> memref<1x128xi32, #tpu.memory_space<hbm>>
    %dma_start3A_58 = tpu.memref_squeeze %dma_start3A_57 : memref<1x128xi32, #tpu.memory_space<hbm>> -> memref<128xi32, #tpu.memory_space<hbm>>
    tpu.enqueue_dma source(%dma_start3A_58 : memref<128xi32, #tpu.memory_space<hbm>>) target(%dma_start3A_55 : memref<128xi32, #tpu.memory_space<vmem>>) target_semaphore(%arg19 : memref<!tpu.dma_semaphore, #tpu.memory_space<semaphore_mem>>)
    %dma_wait3A = arith.constant 0 : i32
    %dma_wait3A_59 = arith.constant 0 : i32
    %dma_wait3A_60 = arith.constant 0 : i32
    %dma_wait3A_61 = tpu.memref_slice %arg9[%dma_wait3A_59, %dma_wait3A_60] : memref<4x128xi32, #tpu.memory_space<vmem>> -> memref<1x128xi32, #tpu.memory_space<vmem>>
    %dma_wait3A_62 = tpu.memref_squeeze %dma_wait3A_61 : memref<1x128xi32, #tpu.memory_space<vmem>> -> memref<128xi32, #tpu.memory_space<vmem>>
    %dma_wait3A_63 = arith.constant 0 : i32
    %dma_wait3A_64 = tpu.memref_slice %arg3[%dma_wait3A, %dma_wait3A_63] : memref<2528x128xi32, #tpu.memory_space<hbm>> -> memref<1x128xi32, #tpu.memory_space<hbm>>
    %dma_wait3A_65 = tpu.memref_squeeze %dma_wait3A_64 : memref<1x128xi32, #tpu.memory_space<hbm>> -> memref<128xi32, #tpu.memory_space<hbm>>
    %dma_wait3A_66 = arith.constant 0 : i32
    %dma_wait3A_67 = tpu.memref_slice %arg9[%dma_wait3A_59, %dma_wait3A_66] : memref<4x128xi32, #tpu.memory_space<vmem>> -> memref<1x128xi32, #tpu.memory_space<vmem>>
    %dma_wait3A_68 = tpu.memref_squeeze %dma_wait3A_67 : memref<1x128xi32, #tpu.memory_space<vmem>> -> memref<128xi32, #tpu.memory_space<vmem>>
    %dma_wait3A_69 = arith.constant 0 : i32
    %dma_wait3A_70 = tpu.memref_slice %arg3[%dma_wait3A, %dma_wait3A_69] : memref<2528x128xi32, #tpu.memory_space<hbm>> -> memref<1x128xi32, #tpu.memory_space<hbm>>
    %dma_wait3A_71 = tpu.memref_squeeze %dma_wait3A_70 : memref<1x128xi32, #tpu.memory_space<hbm>> -> memref<128xi32, #tpu.memory_space<hbm>>
    tpu.wait_dma2 semaphore(%arg18 : memref<!tpu.dma_semaphore, #tpu.memory_space<semaphore_mem>>) src(%dma_wait3A_71 : memref<128xi32, #tpu.memory_space<hbm>>) dst(%dma_wait3A_68 : memref<128xi32, #tpu.memory_space<vmem>>)
    %dma_wait3A_72 = arith.constant 0 : i32
    %dma_wait3A_73 = arith.constant 0 : i32
    %dma_wait3A_74 = arith.constant 0 : i32
    %dma_wait3A_75 = tpu.memref_slice %arg10[%dma_wait3A_73, %dma_wait3A_74] : memref<4x128xi32, #tpu.memory_space<vmem>> -> memref<1x128xi32, #tpu.memory_space<vmem>>
    %dma_wait3A_76 = tpu.memref_squeeze %dma_wait3A_75 : memref<1x128xi32, #tpu.memory_space<vmem>> -> memref<128xi32, #tpu.memory_space<vmem>>
    %dma_wait3A_77 = arith.constant 0 : i32
    %dma_wait3A_78 = tpu.memref_slice %arg4[%dma_wait3A_72, %dma_wait3A_77] : memref<2528x128xi32, #tpu.memory_space<hbm>> -> memref<1x128xi32, #tpu.memory_space<hbm>>
    %dma_wait3A_79 = tpu.memref_squeeze %dma_wait3A_78 : memref<1x128xi32, #tpu.memory_space<hbm>> -> memref<128xi32, #tpu.memory_space<hbm>>
    %dma_wait3A_80 = arith.constant 0 : i32
    %dma_wait3A_81 = tpu.memref_slice %arg10[%dma_wait3A_73, %dma_wait3A_80] : memref<4x128xi32, #tpu.memory_space<vmem>> -> memref<1x128xi32, #tpu.memory_space<vmem>>
    %dma_wait3A_82 = tpu.memref_squeeze %dma_wait3A_81 : memref<1x128xi32, #tpu.memory_space<vmem>> -> memref<128xi32, #tpu.memory_space<vmem>>
    %dma_wait3A_83 = arith.constant 0 : i32
    %dma_wait3A_84 = tpu.memref_slice %arg4[%dma_wait3A_72, %dma_wait3A_83] : memref<2528x128xi32, #tpu.memory_space<hbm>> -> memref<1x128xi32, #tpu.memory_space<hbm>>
    %dma_wait3A_85 = tpu.memref_squeeze %dma_wait3A_84 : memref<1x128xi32, #tpu.memory_space<hbm>> -> memref<128xi32, #tpu.memory_space<hbm>>
    tpu.wait_dma2 semaphore(%arg18 : memref<!tpu.dma_semaphore, #tpu.memory_space<semaphore_mem>>) src(%dma_wait3A_85 : memref<128xi32, #tpu.memory_space<hbm>>) dst(%dma_wait3A_82 : memref<128xi32, #tpu.memory_space<vmem>>)
    %dma_start3A_86 = arith.constant 0 : i32
    %dma_start3A_87 = arith.constant 0 : i32
    %dma_start3A_88 = tpu.memref_slice %arg9[%dma_start3A_86, %dma_start3A_87] : memref<4x128xi32, #tpu.memory_space<vmem>> -> memref<1x128xi32, #tpu.memory_space<vmem>>
    %dma_start3A_89 = tpu.memref_squeeze %dma_start3A_88 : memref<1x128xi32, #tpu.memory_space<vmem>> -> memref<128xi32, #tpu.memory_space<vmem>>
    %dma_start3A_90 = arith.constant 0 : i32
    %dma_start3A_91 = arith.constant 0 : i32
    %dma_start3A_92 = tpu.memref_slice %arg2[%dma_start3A_90, %dma_start3A_91] : memref<10000x128xf32, #tpu.memory_space<hbm>> -> memref<10000x128xf32, #tpu.memory_space<hbm>>
    tpu.enqueue_indirect_dma source(%dma_start3A_92 : memref<10000x128xf32, #tpu.memory_space<hbm>>) target(%arg11 : memref<128x128xf32, #tpu.memory_space<vmem>>) offsets(%dma_start3A_89 : memref<128xi32, #tpu.memory_space<vmem>>) semaphore(%arg14 : memref<!tpu.dma_semaphore, #tpu.memory_space<semaphore_mem>>)
    %dma_wait3A_93 = arith.constant 0 : i32
    %dma_wait3A_94 = arith.constant 0 : i32
    %dma_wait3A_95 = tpu.memref_slice %arg9[%dma_wait3A_93, %dma_wait3A_94] : memref<4x128xi32, #tpu.memory_space<vmem>> -> memref<1x128xi32, #tpu.memory_space<vmem>>
    %dma_wait3A_96 = tpu.memref_squeeze %dma_wait3A_95 : memref<1x128xi32, #tpu.memory_space<vmem>> -> memref<128xi32, #tpu.memory_space<vmem>>
    %dma_wait3A_97 = arith.constant 0 : i32
    %dma_wait3A_98 = arith.constant 0 : i32
    %dma_wait3A_99 = tpu.memref_slice %arg2[%dma_wait3A_97, %dma_wait3A_98] : memref<10000x128xf32, #tpu.memory_space<hbm>> -> memref<10000x128xf32, #tpu.memory_space<hbm>>
    tpu.wait_indirect_dma semaphore(%arg14 : memref<!tpu.dma_semaphore, #tpu.memory_space<semaphore_mem>>) src(%dma_wait3A_99 : memref<10000x128xf32, #tpu.memory_space<hbm>>) dst(%arg11 : memref<128x128xf32, #tpu.memory_space<vmem>>)
    %dma_wait3A_100 = arith.constant 0 : i32
    %dma_wait3A_101 = arith.constant 0 : i32
    %dma_wait3A_102 = arith.constant 0 : i32
    %dma_wait3A_103 = tpu.memref_slice %arg9[%dma_wait3A_101, %dma_wait3A_102] : memref<4x128xi32, #tpu.memory_space<vmem>> -> memref<1x128xi32, #tpu.memory_space<vmem>>
    %dma_wait3A_104 = tpu.memref_squeeze %dma_wait3A_103 : memref<1x128xi32, #tpu.memory_space<vmem>> -> memref<128xi32, #tpu.memory_space<vmem>>
    %dma_wait3A_105 = arith.constant 0 : i32
    %dma_wait3A_106 = tpu.memref_slice %arg3[%dma_wait3A_100, %dma_wait3A_105] : memref<2528x128xi32, #tpu.memory_space<hbm>> -> memref<1x128xi32, #tpu.memory_space<hbm>>
    %dma_wait3A_107 = tpu.memref_squeeze %dma_wait3A_106 : memref<1x128xi32, #tpu.memory_space<hbm>> -> memref<128xi32, #tpu.memory_space<hbm>>
    %dma_wait3A_108 = arith.constant 0 : i32
    %dma_wait3A_109 = tpu.memref_slice %arg9[%dma_wait3A_101, %dma_wait3A_108] : memref<4x128xi32, #tpu.memory_space<vmem>> -> memref<1x128xi32, #tpu.memory_space<vmem>>
    %dma_wait3A_110 = tpu.memref_squeeze %dma_wait3A_109 : memref<1x128xi32, #tpu.memory_space<vmem>> -> memref<128xi32, #tpu.memory_space<vmem>>
    %dma_wait3A_111 = arith.constant 0 : i32
    %dma_wait3A_112 = tpu.memref_slice %arg3[%dma_wait3A_100, %dma_wait3A_111] : memref<2528x128xi32, #tpu.memory_space<hbm>> -> memref<1x128xi32, #tpu.memory_space<hbm>>
    %dma_wait3A_113 = tpu.memref_squeeze %dma_wait3A_112 : memref<1x128xi32, #tpu.memory_space<hbm>> -> memref<128xi32, #tpu.memory_space<hbm>>
    tpu.wait_dma2 semaphore(%arg19 : memref<!tpu.dma_semaphore, #tpu.memory_space<semaphore_mem>>) src(%dma_wait3A_113 : memref<128xi32, #tpu.memory_space<hbm>>) dst(%dma_wait3A_110 : memref<128xi32, #tpu.memory_space<vmem>>)
    %dma_wait3A_114 = arith.constant 0 : i32
    %dma_wait3A_115 = arith.constant 0 : i32
    %dma_wait3A_116 = arith.constant 0 : i32
    %dma_wait3A_117 = tpu.memref_slice %arg10[%dma_wait3A_115, %dma_wait3A_116] : memref<4x128xi32, #tpu.memory_space<vmem>> -> memref<1x128xi32, #tpu.memory_space<vmem>>
    %dma_wait3A_118 = tpu.memref_squeeze %dma_wait3A_117 : memref<1x128xi32, #tpu.memory_space<vmem>> -> memref<128xi32, #tpu.memory_space<vmem>>
    %dma_wait3A_119 = arith.constant 0 : i32
    %dma_wait3A_120 = tpu.memref_slice %arg4[%dma_wait3A_114, %dma_wait3A_119] : memref<2528x128xi32, #tpu.memory_space<hbm>> -> memref<1x128xi32, #tpu.memory_space<hbm>>
    %dma_wait3A_121 = tpu.memref_squeeze %dma_wait3A_120 : memref<1x128xi32, #tpu.memory_space<hbm>> -> memref<128xi32, #tpu.memory_space<hbm>>
    %dma_wait3A_122 = arith.constant 0 : i32
    %dma_wait3A_123 = tpu.memref_slice %arg10[%dma_wait3A_115, %dma_wait3A_122] : memref<4x128xi32, #tpu.memory_space<vmem>> -> memref<1x128xi32, #tpu.memory_space<vmem>>
    %dma_wait3A_124 = tpu.memref_squeeze %dma_wait3A_123 : memref<1x128xi32, #tpu.memory_space<vmem>> -> memref<128xi32, #tpu.memory_space<vmem>>
    %dma_wait3A_125 = arith.constant 0 : i32
    %dma_wait3A_126 = tpu.memref_slice %arg4[%dma_wait3A_114, %dma_wait3A_125] : memref<2528x128xi32, #tpu.memory_space<hbm>> -> memref<1x128xi32, #tpu.memory_space<hbm>>
    %dma_wait3A_127 = tpu.memref_squeeze %dma_wait3A_126 : memref<1x128xi32, #tpu.memory_space<hbm>> -> memref<128xi32, #tpu.memory_space<hbm>>
    tpu.wait_dma2 semaphore(%arg19 : memref<!tpu.dma_semaphore, #tpu.memory_space<semaphore_mem>>) src(%dma_wait3A_127 : memref<128xi32, #tpu.memory_space<hbm>>) dst(%dma_wait3A_124 : memref<128xi32, #tpu.memory_space<vmem>>)
    %dma_start3A_128 = arith.constant 1 : i32
    %dma_start3A_129 = arith.constant 0 : i32
    %dma_start3A_130 = tpu.memref_slice %arg9[%dma_start3A_128, %dma_start3A_129] : memref<4x128xi32, #tpu.memory_space<vmem>> -> memref<1x128xi32, #tpu.memory_space<vmem>>
    %dma_start3A_131 = tpu.memref_squeeze %dma_start3A_130 : memref<1x128xi32, #tpu.memory_space<vmem>> -> memref<128xi32, #tpu.memory_space<vmem>>
    %dma_start3A_132 = arith.constant 0 : i32
    %dma_start3A_133 = arith.constant 0 : i32
    %dma_start3A_134 = tpu.memref_slice %arg2[%dma_start3A_132, %dma_start3A_133] : memref<10000x128xf32, #tpu.memory_space<hbm>> -> memref<10000x128xf32, #tpu.memory_space<hbm>>
    tpu.enqueue_indirect_dma source(%dma_start3A_134 : memref<10000x128xf32, #tpu.memory_space<hbm>>) target(%arg12 : memref<128x128xf32, #tpu.memory_space<vmem>>) offsets(%dma_start3A_131 : memref<128xi32, #tpu.memory_space<vmem>>) semaphore(%arg15 : memref<!tpu.dma_semaphore, #tpu.memory_space<semaphore_mem>>)
    %add3A_135 = arith.constant 64 : i32
    %add3A_136 = arith.addi %add3A, %add3A_135 : i32
    %dma_start3A_137 = arith.constant 2 : i32
    %dma_start3A_138 = arith.constant 0 : i32
    %dma_start3A_139 = tpu.memref_slice %arg9[%dma_start3A_137, %dma_start3A_138] : memref<4x128xi32, #tpu.memory_space<vmem>> -> memref<1x128xi32, #tpu.memory_space<vmem>>
    %dma_start3A_140 = tpu.memref_squeeze %dma_start3A_139 : memref<1x128xi32, #tpu.memory_space<vmem>> -> memref<128xi32, #tpu.memory_space<vmem>>
    %dma_start3A_141 = arith.constant 0 : i32
    %dma_start3A_142 = tpu.memref_slice %arg3[%add3A_136, %dma_start3A_141] : memref<2528x128xi32, #tpu.memory_space<hbm>> -> memref<1x128xi32, #tpu.memory_space<hbm>>
    %dma_start3A_143 = tpu.memref_squeeze %dma_start3A_142 : memref<1x128xi32, #tpu.memory_space<hbm>> -> memref<128xi32, #tpu.memory_space<hbm>>
    %dma_start3A_144 = arith.constant 0 : i32
    %dma_start3A_145 = tpu.memref_slice %arg9[%dma_start3A_137, %dma_start3A_144] : memref<4x128xi32, #tpu.memory_space<vmem>> -> memref<1x128xi32, #tpu.memory_space<vmem>>
    %dma_start3A_146 = tpu.memref_squeeze %dma_start3A_145 : memref<1x128xi32, #tpu.memory_space<vmem>> -> memref<128xi32, #tpu.memory_space<vmem>>
    %dma_start3A_147 = arith.constant 0 : i32
    %dma_start3A_148 = tpu.memref_slice %arg3[%add3A_136, %dma_start3A_147] : memref<2528x128xi32, #tpu.memory_space<hbm>> -> memref<1x128xi32, #tpu.memory_space<hbm>>
    %dma_start3A_149 = tpu.memref_squeeze %dma_start3A_148 : memref<1x128xi32, #tpu.memory_space<hbm>> -> memref<128xi32, #tpu.memory_space<hbm>>
    tpu.enqueue_dma source(%dma_start3A_149 : memref<128xi32, #tpu.memory_space<hbm>>) target(%dma_start3A_146 : memref<128xi32, #tpu.memory_space<vmem>>) target_semaphore(%arg18 : memref<!tpu.dma_semaphore, #tpu.memory_space<semaphore_mem>>)
    %dma_start3A_150 = arith.constant 2 : i32
    %dma_start3A_151 = arith.constant 0 : i32
    %dma_start3A_152 = tpu.memref_slice %arg10[%dma_start3A_150, %dma_start3A_151] : memref<4x128xi32, #tpu.memory_space<vmem>> -> memref<1x128xi32, #tpu.memory_space<vmem>>
    %dma_start3A_153 = tpu.memref_squeeze %dma_start3A_152 : memref<1x128xi32, #tpu.memory_space<vmem>> -> memref<128xi32, #tpu.memory_space<vmem>>
    %dma_start3A_154 = arith.constant 0 : i32
    %dma_start3A_155 = tpu.memref_slice %arg4[%add3A_136, %dma_start3A_154] : memref<2528x128xi32, #tpu.memory_space<hbm>> -> memref<1x128xi32, #tpu.memory_space<hbm>>
    %dma_start3A_156 = tpu.memref_squeeze %dma_start3A_155 : memref<1x128xi32, #tpu.memory_space<hbm>> -> memref<128xi32, #tpu.memory_space<hbm>>
    %dma_start3A_157 = arith.constant 0 : i32
    %dma_start3A_158 = tpu.memref_slice %arg10[%dma_start3A_150, %dma_start3A_157] : memref<4x128xi32, #tpu.memory_space<vmem>> -> memref<1x128xi32, #tpu.memory_space<vmem>>
    %dma_start3A_159 = tpu.memref_squeeze %dma_start3A_158 : memref<1x128xi32, #tpu.memory_space<vmem>> -> memref<128xi32, #tpu.memory_space<vmem>>
    %dma_start3A_160 = arith.constant 0 : i32
    %dma_start3A_161 = tpu.memref_slice %arg4[%add3A_136, %dma_start3A_160] : memref<2528x128xi32, #tpu.memory_space<hbm>> -> memref<1x128xi32, #tpu.memory_space<hbm>>
    %dma_start3A_162 = tpu.memref_squeeze %dma_start3A_161 : memref<1x128xi32, #tpu.memory_space<hbm>> -> memref<128xi32, #tpu.memory_space<hbm>>
    tpu.enqueue_dma source(%dma_start3A_162 : memref<128xi32, #tpu.memory_space<hbm>>) target(%dma_start3A_159 : memref<128xi32, #tpu.memory_space<vmem>>) target_semaphore(%arg18 : memref<!tpu.dma_semaphore, #tpu.memory_space<semaphore_mem>>)
    %dma_start3A_163 = arith.constant 0 : i32
    %dma_start3A_164 = arith.constant 0 : i32
    %dma_start3A_165 = tpu.memref_slice %arg10[%dma_start3A_163, %dma_start3A_164] : memref<4x128xi32, #tpu.memory_space<vmem>> -> memref<1x128xi32, #tpu.memory_space<vmem>>
    %dma_start3A_166 = tpu.memref_squeeze %dma_start3A_165 : memref<1x128xi32, #tpu.memory_space<vmem>> -> memref<128xi32, #tpu.memory_space<vmem>>
    %dma_start3A_167 = arith.constant 0 : i32
    %dma_start3A_168 = arith.constant 0 : i32
    %dma_start3A_169 = tpu.memref_slice %arg13[%dma_start3A_167, %dma_start3A_168] : memref<10240x128xf32, #tpu.memory_space<vmem_shared>> -> memref<10240x128xf32, #tpu.memory_space<vmem_shared>>
    tpu.enqueue_indirect_dma source(%arg11 : memref<128x128xf32, #tpu.memory_space<vmem>>) target(%dma_start3A_169 : memref<10240x128xf32, #tpu.memory_space<vmem_shared>>) offsets(%dma_start3A_166 : memref<128xi32, #tpu.memory_space<vmem>>) semaphore(%arg16 : memref<!tpu.dma_semaphore, #tpu.memory_space<semaphore_mem>>) {add = true}
    %dma_wait3A_170 = arith.constant 0 : i32
    %dma_wait3A_171 = arith.constant 0 : i32
    %dma_wait3A_172 = tpu.memref_slice %arg9[%dma_wait3A_170, %dma_wait3A_171] : memref<4x128xi32, #tpu.memory_space<vmem>> -> memref<1x128xi32, #tpu.memory_space<vmem>>
    %dma_wait3A_173 = tpu.memref_squeeze %dma_wait3A_172 : memref<1x128xi32, #tpu.memory_space<vmem>> -> memref<128xi32, #tpu.memory_space<vmem>>
    %dma_wait3A_174 = arith.constant 0 : i32
    %dma_wait3A_175 = arith.constant 0 : i32
    %dma_wait3A_176 = tpu.memref_slice %arg2[%dma_wait3A_174, %dma_wait3A_175] : memref<10000x128xf32, #tpu.memory_space<hbm>> -> memref<10000x128xf32, #tpu.memory_space<hbm>>
    tpu.wait_indirect_dma semaphore(%arg15 : memref<!tpu.dma_semaphore, #tpu.memory_space<semaphore_mem>>) src(%dma_wait3A_176 : memref<10000x128xf32, #tpu.memory_space<hbm>>) dst(%arg12 : memref<128x128xf32, #tpu.memory_space<vmem>>)
    %dma_wait3A_177 = arith.constant 0 : i32
    %dma_wait3A_178 = arith.constant 0 : i32
    %dma_wait3A_179 = arith.constant 0 : i32
    %dma_wait3A_180 = tpu.memref_slice %arg9[%dma_wait3A_178, %dma_wait3A_179] : memref<4x128xi32, #tpu.memory_space<vmem>> -> memref<1x128xi32, #tpu.memory_space<vmem>>
    %dma_wait3A_181 = tpu.memref_squeeze %dma_wait3A_180 : memref<1x128xi32, #tpu.memory_space<vmem>> -> memref<128xi32, #tpu.memory_space<vmem>>
    %dma_wait3A_182 = arith.constant 0 : i32
    %dma_wait3A_183 = tpu.memref_slice %arg3[%dma_wait3A_177, %dma_wait3A_182] : memref<2528x128xi32, #tpu.memory_space<hbm>> -> memref<1x128xi32, #tpu.memory_space<hbm>>
    %dma_wait3A_184 = tpu.memref_squeeze %dma_wait3A_183 : memref<1x128xi32, #tpu.memory_space<hbm>> -> memref<128xi32, #tpu.memory_space<hbm>>
    %dma_wait3A_185 = arith.constant 0 : i32
    %dma_wait3A_186 = tpu.memref_slice %arg9[%dma_wait3A_178, %dma_wait3A_185] : memref<4x128xi32, #tpu.memory_space<vmem>> -> memref<1x128xi32, #tpu.memory_space<vmem>>
    %dma_wait3A_187 = tpu.memref_squeeze %dma_wait3A_186 : memref<1x128xi32, #tpu.memory_space<vmem>> -> memref<128xi32, #tpu.memory_space<vmem>>
    %dma_wait3A_188 = arith.constant 0 : i32
    %dma_wait3A_189 = tpu.memref_slice %arg3[%dma_wait3A_177, %dma_wait3A_188] : memref<2528x128xi32, #tpu.memory_space<hbm>> -> memref<1x128xi32, #tpu.memory_space<hbm>>
    %dma_wait3A_190 = tpu.memref_squeeze %dma_wait3A_189 : memref<1x128xi32, #tpu.memory_space<hbm>> -> memref<128xi32, #tpu.memory_space<hbm>>
    tpu.wait_dma2 semaphore(%arg18 : memref<!tpu.dma_semaphore, #tpu.memory_space<semaphore_mem>>) src(%dma_wait3A_190 : memref<128xi32, #tpu.memory_space<hbm>>) dst(%dma_wait3A_187 : memref<128xi32, #tpu.memory_space<vmem>>)
    %dma_wait3A_191 = arith.constant 0 : i32
    %dma_wait3A_192 = arith.constant 0 : i32
    %dma_wait3A_193 = arith.constant 0 : i32
    %dma_wait3A_194 = tpu.memref_slice %arg10[%dma_wait3A_192, %dma_wait3A_193] : memref<4x128xi32, #tpu.memory_space<vmem>> -> memref<1x128xi32, #tpu.memory_space<vmem>>
    %dma_wait3A_195 = tpu.memref_squeeze %dma_wait3A_194 : memref<1x128xi32, #tpu.memory_space<vmem>> -> memref<128xi32, #tpu.memory_space<vmem>>
    %dma_wait3A_196 = arith.constant 0 : i32
    %dma_wait3A_197 = tpu.memref_slice %arg4[%dma_wait3A_191, %dma_wait3A_196] : memref<2528x128xi32, #tpu.memory_space<hbm>> -> memref<1x128xi32, #tpu.memory_space<hbm>>
    %dma_wait3A_198 = tpu.memref_squeeze %dma_wait3A_197 : memref<1x128xi32, #tpu.memory_space<hbm>> -> memref<128xi32, #tpu.memory_space<hbm>>
    %dma_wait3A_199 = arith.constant 0 : i32
    %dma_wait3A_200 = tpu.memref_slice %arg10[%dma_wait3A_192, %dma_wait3A_199] : memref<4x128xi32, #tpu.memory_space<vmem>> -> memref<1x128xi32, #tpu.memory_space<vmem>>
    %dma_wait3A_201 = tpu.memref_squeeze %dma_wait3A_200 : memref<1x128xi32, #tpu.memory_space<vmem>> -> memref<128xi32, #tpu.memory_space<vmem>>
    %dma_wait3A_202 = arith.constant 0 : i32
    %dma_wait3A_203 = tpu.memref_slice %arg4[%dma_wait3A_191, %dma_wait3A_202] : memref<2528x128xi32, #tpu.memory_space<hbm>> -> memref<1x128xi32, #tpu.memory_space<hbm>>
    %dma_wait3A_204 = tpu.memref_squeeze %dma_wait3A_203 : memref<1x128xi32, #tpu.memory_space<hbm>> -> memref<128xi32, #tpu.memory_space<hbm>>
    tpu.wait_dma2 semaphore(%arg18 : memref<!tpu.dma_semaphore, #tpu.memory_space<semaphore_mem>>) src(%dma_wait3A_204 : memref<128xi32, #tpu.memory_space<hbm>>) dst(%dma_wait3A_201 : memref<128xi32, #tpu.memory_space<vmem>>)
    %dma_start3A_205 = arith.constant 2 : i32
    %dma_start3A_206 = arith.constant 0 : i32
    %dma_start3A_207 = tpu.memref_slice %arg9[%dma_start3A_205, %dma_start3A_206] : memref<4x128xi32, #tpu.memory_space<vmem>> -> memref<1x128xi32, #tpu.memory_space<vmem>>
    %dma_start3A_208 = tpu.memref_squeeze %dma_start3A_207 : memref<1x128xi32, #tpu.memory_space<vmem>> -> memref<128xi32, #tpu.memory_space<vmem>>
    %dma_start3A_209 = arith.constant 0 : i32
    %dma_start3A_210 = arith.constant 0 : i32
    %dma_start3A_211 = tpu.memref_slice %arg2[%dma_start3A_209, %dma_start3A_210] : memref<10000x128xf32, #tpu.memory_space<hbm>> -> memref<10000x128xf32, #tpu.memory_space<hbm>>
    tpu.enqueue_indirect_dma source(%dma_start3A_211 : memref<10000x128xf32, #tpu.memory_space<hbm>>) target(%arg11 : memref<128x128xf32, #tpu.memory_space<vmem>>) offsets(%dma_start3A_208 : memref<128xi32, #tpu.memory_space<vmem>>) semaphore(%arg14 : memref<!tpu.dma_semaphore, #tpu.memory_space<semaphore_mem>>)
    %add3A_212 = arith.constant 96 : i32
    %add3A_213 = arith.addi %add3A, %add3A_212 : i32
    %dma_start3A_214 = arith.constant 3 : i32
    %dma_start3A_215 = arith.constant 0 : i32
    %dma_start3A_216 = tpu.memref_slice %arg9[%dma_start3A_214, %dma_start3A_215] : memref<4x128xi32, #tpu.memory_space<vmem>> -> memref<1x128xi32, #tpu.memory_space<vmem>>
    %dma_start3A_217 = tpu.memref_squeeze %dma_start3A_216 : memref<1x128xi32, #tpu.memory_space<vmem>> -> memref<128xi32, #tpu.memory_space<vmem>>
    %dma_start3A_218 = arith.constant 0 : i32
    %dma_start3A_219 = tpu.memref_slice %arg3[%add3A_213, %dma_start3A_218] : memref<2528x128xi32, #tpu.memory_space<hbm>> -> memref<1x128xi32, #tpu.memory_space<hbm>>
    %dma_start3A_220 = tpu.memref_squeeze %dma_start3A_219 : memref<1x128xi32, #tpu.memory_space<hbm>> -> memref<128xi32, #tpu.memory_space<hbm>>
    %dma_start3A_221 = arith.constant 0 : i32
    %dma_start3A_222 = tpu.memref_slice %arg9[%dma_start3A_214, %dma_start3A_221] : memref<4x128xi32, #tpu.memory_space<vmem>> -> memref<1x128xi32, #tpu.memory_space<vmem>>
    %dma_start3A_223 = tpu.memref_squeeze %dma_start3A_222 : memref<1x128xi32, #tpu.memory_space<vmem>> -> memref<128xi32, #tpu.memory_space<vmem>>
    %dma_start3A_224 = arith.constant 0 : i32
    %dma_start3A_225 = tpu.memref_slice %arg3[%add3A_213, %dma_start3A_224] : memref<2528x128xi32, #tpu.memory_space<hbm>> -> memref<1x128xi32, #tpu.memory_space<hbm>>
    %dma_start3A_226 = tpu.memref_squeeze %dma_start3A_225 : memref<1x128xi32, #tpu.memory_space<hbm>> -> memref<128xi32, #tpu.memory_space<hbm>>
    tpu.enqueue_dma source(%dma_start3A_226 : memref<128xi32, #tpu.memory_space<hbm>>) target(%dma_start3A_223 : memref<128xi32, #tpu.memory_space<vmem>>) target_semaphore(%arg19 : memref<!tpu.dma_semaphore, #tpu.memory_space<semaphore_mem>>)
    %dma_start3A_227 = arith.constant 3 : i32
    %dma_start3A_228 = arith.constant 0 : i32
    %dma_start3A_229 = tpu.memref_slice %arg10[%dma_start3A_227, %dma_start3A_228] : memref<4x128xi32, #tpu.memory_space<vmem>> -> memref<1x128xi32, #tpu.memory_space<vmem>>
    %dma_start3A_230 = tpu.memref_squeeze %dma_start3A_229 : memref<1x128xi32, #tpu.memory_space<vmem>> -> memref<128xi32, #tpu.memory_space<vmem>>
    %dma_start3A_231 = arith.constant 0 : i32
    %dma_start3A_232 = tpu.memref_slice %arg4[%add3A_213, %dma_start3A_231] : memref<2528x128xi32, #tpu.memory_space<hbm>> -> memref<1x128xi32, #tpu.memory_space<hbm>>
    %dma_start3A_233 = tpu.memref_squeeze %dma_start3A_232 : memref<1x128xi32, #tpu.memory_space<hbm>> -> memref<128xi32, #tpu.memory_space<hbm>>
    %dma_start3A_234 = arith.constant 0 : i32
    %dma_start3A_235 = tpu.memref_slice %arg10[%dma_start3A_227, %dma_start3A_234] : memref<4x128xi32, #tpu.memory_space<vmem>> -> memref<1x128xi32, #tpu.memory_space<vmem>>
    %dma_start3A_236 = tpu.memref_squeeze %dma_start3A_235 : memref<1x128xi32, #tpu.memory_space<vmem>> -> memref<128xi32, #tpu.memory_space<vmem>>
    %dma_start3A_237 = arith.constant 0 : i32
    %dma_start3A_238 = tpu.memref_slice %arg4[%add3A_213, %dma_start3A_237] : memref<2528x128xi32, #tpu.memory_space<hbm>> -> memref<1x128xi32, #tpu.memory_space<hbm>>
    %dma_start3A_239 = tpu.memref_squeeze %dma_start3A_238 : memref<1x128xi32, #tpu.memory_space<hbm>> -> memref<128xi32, #tpu.memory_space<hbm>>
    tpu.enqueue_dma source(%dma_start3A_239 : memref<128xi32, #tpu.memory_space<hbm>>) target(%dma_start3A_236 : memref<128xi32, #tpu.memory_space<vmem>>) target_semaphore(%arg19 : memref<!tpu.dma_semaphore, #tpu.memory_space<semaphore_mem>>)
    %dma_wait3A_240 = arith.constant 0 : i32
    %dma_wait3A_241 = arith.constant 0 : i32
    %dma_wait3A_242 = tpu.memref_slice %arg10[%dma_wait3A_240, %dma_wait3A_241] : memref<4x128xi32, #tpu.memory_space<vmem>> -> memref<1x128xi32, #tpu.memory_space<vmem>>
    %dma_wait3A_243 = tpu.memref_squeeze %dma_wait3A_242 : memref<1x128xi32, #tpu.memory_space<vmem>> -> memref<128xi32, #tpu.memory_space<vmem>>
    %dma_wait3A_244 = arith.constant 0 : i32
    %dma_wait3A_245 = arith.constant 0 : i32
    %dma_wait3A_246 = tpu.memref_slice %arg13[%dma_wait3A_244, %dma_wait3A_245] : memref<10240x128xf32, #tpu.memory_space<vmem_shared>> -> memref<10240x128xf32, #tpu.memory_space<vmem_shared>>
    tpu.wait_indirect_dma semaphore(%arg16 : memref<!tpu.dma_semaphore, #tpu.memory_space<semaphore_mem>>) src(%arg11 : memref<128x128xf32, #tpu.memory_space<vmem>>) dst(%dma_wait3A_246 : memref<10240x128xf32, #tpu.memory_space<vmem_shared>>)
    %dma_start3A_247 = arith.constant 1 : i32
    %dma_start3A_248 = arith.constant 0 : i32
    %dma_start3A_249 = tpu.memref_slice %arg10[%dma_start3A_247, %dma_start3A_248] : memref<4x128xi32, #tpu.memory_space<vmem>> -> memref<1x128xi32, #tpu.memory_space<vmem>>
    %dma_start3A_250 = tpu.memref_squeeze %dma_start3A_249 : memref<1x128xi32, #tpu.memory_space<vmem>> -> memref<128xi32, #tpu.memory_space<vmem>>
    %dma_start3A_251 = arith.constant 0 : i32
    %dma_start3A_252 = arith.constant 0 : i32
    %dma_start3A_253 = tpu.memref_slice %arg13[%dma_start3A_251, %dma_start3A_252] : memref<10240x128xf32, #tpu.memory_space<vmem_shared>> -> memref<10240x128xf32, #tpu.memory_space<vmem_shared>>
    tpu.enqueue_indirect_dma source(%arg12 : memref<128x128xf32, #tpu.memory_space<vmem>>) target(%dma_start3A_253 : memref<10240x128xf32, #tpu.memory_space<vmem_shared>>) offsets(%dma_start3A_250 : memref<128xi32, #tpu.memory_space<vmem>>) semaphore(%arg17 : memref<!tpu.dma_semaphore, #tpu.memory_space<semaphore_mem>>) {add = true}
    %dma_wait3A_254 = arith.constant 0 : i32
    %dma_wait3A_255 = arith.constant 0 : i32
    %dma_wait3A_256 = tpu.memref_slice %arg9[%dma_wait3A_254, %dma_wait3A_255] : memref<4x128xi32, #tpu.memory_space<vmem>> -> memref<1x128xi32, #tpu.memory_space<vmem>>
    %dma_wait3A_257 = tpu.memref_squeeze %dma_wait3A_256 : memref<1x128xi32, #tpu.memory_space<vmem>> -> memref<128xi32, #tpu.memory_space<vmem>>
    %dma_wait3A_258 = arith.constant 0 : i32
    %dma_wait3A_259 = arith.constant 0 : i32
    %dma_wait3A_260 = tpu.memref_slice %arg2[%dma_wait3A_258, %dma_wait3A_259] : memref<10000x128xf32, #tpu.memory_space<hbm>> -> memref<10000x128xf32, #tpu.memory_space<hbm>>
    tpu.wait_indirect_dma semaphore(%arg14 : memref<!tpu.dma_semaphore, #tpu.memory_space<semaphore_mem>>) src(%dma_wait3A_260 : memref<10000x128xf32, #tpu.memory_space<hbm>>) dst(%arg11 : memref<128x128xf32, #tpu.memory_space<vmem>>)
    %dma_wait3A_261 = arith.constant 0 : i32
    %dma_wait3A_262 = arith.constant 0 : i32
    %dma_wait3A_263 = arith.constant 0 : i32
    %dma_wait3A_264 = tpu.memref_slice %arg9[%dma_wait3A_262, %dma_wait3A_263] : memref<4x128xi32, #tpu.memory_space<vmem>> -> memref<1x128xi32, #tpu.memory_space<vmem>>
    %dma_wait3A_265 = tpu.memref_squeeze %dma_wait3A_264 : memref<1x128xi32, #tpu.memory_space<vmem>> -> memref<128xi32, #tpu.memory_space<vmem>>
    %dma_wait3A_266 = arith.constant 0 : i32
    %dma_wait3A_267 = tpu.memref_slice %arg3[%dma_wait3A_261, %dma_wait3A_266] : memref<2528x128xi32, #tpu.memory_space<hbm>> -> memref<1x128xi32, #tpu.memory_space<hbm>>
    %dma_wait3A_268 = tpu.memref_squeeze %dma_wait3A_267 : memref<1x128xi32, #tpu.memory_space<hbm>> -> memref<128xi32, #tpu.memory_space<hbm>>
    %dma_wait3A_269 = arith.constant 0 : i32
    %dma_wait3A_270 = tpu.memref_slice %arg9[%dma_wait3A_262, %dma_wait3A_269] : memref<4x128xi32, #tpu.memory_space<vmem>> -> memref<1x128xi32, #tpu.memory_space<vmem>>
    %dma_wait3A_271 = tpu.memref_squeeze %dma_wait3A_270 : memref<1x128xi32, #tpu.memory_space<vmem>> -> memref<128xi32, #tpu.memory_space<vmem>>
    %dma_wait3A_272 = arith.constant 0 : i32
    %dma_wait3A_273 = tpu.memref_slice %arg3[%dma_wait3A_261, %dma_wait3A_272] : memref<2528x128xi32, #tpu.memory_space<hbm>> -> memref<1x128xi32, #tpu.memory_space<hbm>>
    %dma_wait3A_274 = tpu.memref_squeeze %dma_wait3A_273 : memref<1x128xi32, #tpu.memory_space<hbm>> -> memref<128xi32, #tpu.memory_space<hbm>>
    tpu.wait_dma2 semaphore(%arg19 : memref<!tpu.dma_semaphore, #tpu.memory_space<semaphore_mem>>) src(%dma_wait3A_274 : memref<128xi32, #tpu.memory_space<hbm>>) dst(%dma_wait3A_271 : memref<128xi32, #tpu.memory_space<vmem>>)
    %dma_wait3A_275 = arith.constant 0 : i32
    %dma_wait3A_276 = arith.constant 0 : i32
    %dma_wait3A_277 = arith.constant 0 : i32
    %dma_wait3A_278 = tpu.memref_slice %arg10[%dma_wait3A_276, %dma_wait3A_277] : memref<4x128xi32, #tpu.memory_space<vmem>> -> memref<1x128xi32, #tpu.memory_space<vmem>>
    %dma_wait3A_279 = tpu.memref_squeeze %dma_wait3A_278 : memref<1x128xi32, #tpu.memory_space<vmem>> -> memref<128xi32, #tpu.memory_space<vmem>>
    %dma_wait3A_280 = arith.constant 0 : i32
    %dma_wait3A_281 = tpu.memref_slice %arg4[%dma_wait3A_275, %dma_wait3A_280] : memref<2528x128xi32, #tpu.memory_space<hbm>> -> memref<1x128xi32, #tpu.memory_space<hbm>>
    %dma_wait3A_282 = tpu.memref_squeeze %dma_wait3A_281 : memref<1x128xi32, #tpu.memory_space<hbm>> -> memref<128xi32, #tpu.memory_space<hbm>>
    %dma_wait3A_283 = arith.constant 0 : i32
    %dma_wait3A_284 = tpu.memref_slice %arg10[%dma_wait3A_276, %dma_wait3A_283] : memref<4x128xi32, #tpu.memory_space<vmem>> -> memref<1x128xi32, #tpu.memory_space<vmem>>
    %dma_wait3A_285 = tpu.memref_squeeze %dma_wait3A_284 : memref<1x128xi32, #tpu.memory_space<vmem>> -> memref<128xi32, #tpu.memory_space<vmem>>
    %dma_wait3A_286 = arith.constant 0 : i32
    %dma_wait3A_287 = tpu.memref_slice %arg4[%dma_wait3A_275, %dma_wait3A_286] : memref<2528x128xi32, #tpu.memory_space<hbm>> -> memref<1x128xi32, #tpu.memory_space<hbm>>
    %dma_wait3A_288 = tpu.memref_squeeze %dma_wait3A_287 : memref<1x128xi32, #tpu.memory_space<hbm>> -> memref<128xi32, #tpu.memory_space<hbm>>
    tpu.wait_dma2 semaphore(%arg19 : memref<!tpu.dma_semaphore, #tpu.memory_space<semaphore_mem>>) src(%dma_wait3A_288 : memref<128xi32, #tpu.memory_space<hbm>>) dst(%dma_wait3A_285 : memref<128xi32, #tpu.memory_space<vmem>>)
    %dma_start3A_289 = arith.constant 3 : i32
    %dma_start3A_290 = arith.constant 0 : i32
    %dma_start3A_291 = tpu.memref_slice %arg9[%dma_start3A_289, %dma_start3A_290] : memref<4x128xi32, #tpu.memory_space<vmem>> -> memref<1x128xi32, #tpu.memory_space<vmem>>
    %dma_start3A_292 = tpu.memref_squeeze %dma_start3A_291 : memref<1x128xi32, #tpu.memory_space<vmem>> -> memref<128xi32, #tpu.memory_space<vmem>>
    %dma_start3A_293 = arith.constant 0 : i32
    %dma_start3A_294 = arith.constant 0 : i32
    %dma_start3A_295 = tpu.memref_slice %arg2[%dma_start3A_293, %dma_start3A_294] : memref<10000x128xf32, #tpu.memory_space<hbm>> -> memref<10000x128xf32, #tpu.memory_space<hbm>>
    tpu.enqueue_indirect_dma source(%dma_start3A_295 : memref<10000x128xf32, #tpu.memory_space<hbm>>) target(%arg12 : memref<128x128xf32, #tpu.memory_space<vmem>>) offsets(%dma_start3A_292 : memref<128xi32, #tpu.memory_space<vmem>>) semaphore(%arg15 : memref<!tpu.dma_semaphore, #tpu.memory_space<semaphore_mem>>)
    %add3A_296 = arith.constant 128 : i32
    %add3A_297 = arith.addi %add3A, %add3A_296 : i32
    %dma_start3A_298 = arith.constant 0 : i32
    %dma_start3A_299 = arith.constant 0 : i32
    %dma_start3A_300 = tpu.memref_slice %arg9[%dma_start3A_298, %dma_start3A_299] : memref<4x128xi32, #tpu.memory_space<vmem>> -> memref<1x128xi32, #tpu.memory_space<vmem>>
    %dma_start3A_301 = tpu.memref_squeeze %dma_start3A_300 : memref<1x128xi32, #tpu.memory_space<vmem>> -> memref<128xi32, #tpu.memory_space<vmem>>
    %dma_start3A_302 = arith.constant 0 : i32
    %dma_start3A_303 = tpu.memref_slice %arg3[%add3A_297, %dma_start3A_302] : memref<2528x128xi32, #tpu.memory_space<hbm>> -> memref<1x128xi32, #tpu.memory_space<hbm>>
    %dma_start3A_304 = tpu.memref_squeeze %dma_start3A_303 : memref<1x128xi32, #tpu.memory_space<hbm>> -> memref<128xi32, #tpu.memory_space<hbm>>
    %dma_start3A_305 = arith.constant 0 : i32
    %dma_start3A_306 = tpu.memref_slice %arg9[%dma_start3A_298, %dma_start3A_305] : memref<4x128xi32, #tpu.memory_space<vmem>> -> memref<1x128xi32, #tpu.memory_space<vmem>>
    %dma_start3A_307 = tpu.memref_squeeze %dma_start3A_306 : memref<1x128xi32, #tpu.memory_space<vmem>> -> memref<128xi32, #tpu.memory_space<vmem>>
    %dma_start3A_308 = arith.constant 0 : i32
    %dma_start3A_309 = tpu.memref_slice %arg3[%add3A_297, %dma_start3A_308] : memref<2528x128xi32, #tpu.memory_space<hbm>> -> memref<1x128xi32, #tpu.memory_space<hbm>>
    %dma_start3A_310 = tpu.memref_squeeze %dma_start3A_309 : memref<1x128xi32, #tpu.memory_space<hbm>> -> memref<128xi32, #tpu.memory_space<hbm>>
    tpu.enqueue_dma source(%dma_start3A_310 : memref<128xi32, #tpu.memory_space<hbm>>) target(%dma_start3A_307 : memref<128xi32, #tpu.memory_space<vmem>>) target_semaphore(%arg18 : memref<!tpu.dma_semaphore, #tpu.memory_space<semaphore_mem>>)
    %dma_start3A_311 = arith.constant 0 : i32
    %dma_start3A_312 = arith.constant 0 : i32
    %dma_start3A_313 = tpu.memref_slice %arg10[%dma_start3A_311, %dma_start3A_312] : memref<4x128xi32, #tpu.memory_space<vmem>> -> memref<1x128xi32, #tpu.memory_space<vmem>>
    %dma_start3A_314 = tpu.memref_squeeze %dma_start3A_313 : memref<1x128xi32, #tpu.memory_space<vmem>> -> memref<128xi32, #tpu.memory_space<vmem>>
    %dma_start3A_315 = arith.constant 0 : i32
    %dma_start3A_316 = tpu.memref_slice %arg4[%add3A_297, %dma_start3A_315] : memref<2528x128xi32, #tpu.memory_space<hbm>> -> memref<1x128xi32, #tpu.memory_space<hbm>>
    %dma_start3A_317 = tpu.memref_squeeze %dma_start3A_316 : memref<1x128xi32, #tpu.memory_space<hbm>> -> memref<128xi32, #tpu.memory_space<hbm>>
    %dma_start3A_318 = arith.constant 0 : i32
    %dma_start3A_319 = tpu.memref_slice %arg10[%dma_start3A_311, %dma_start3A_318] : memref<4x128xi32, #tpu.memory_space<vmem>> -> memref<1x128xi32, #tpu.memory_space<vmem>>
    %dma_start3A_320 = tpu.memref_squeeze %dma_start3A_319 : memref<1x128xi32, #tpu.memory_space<vmem>> -> memref<128xi32, #tpu.memory_space<vmem>>
    %dma_start3A_321 = arith.constant 0 : i32
    %dma_start3A_322 = tpu.memref_slice %arg4[%add3A_297, %dma_start3A_321] : memref<2528x128xi32, #tpu.memory_space<hbm>> -> memref<1x128xi32, #tpu.memory_space<hbm>>
    %dma_start3A_323 = tpu.memref_squeeze %dma_start3A_322 : memref<1x128xi32, #tpu.memory_space<hbm>> -> memref<128xi32, #tpu.memory_space<hbm>>
    tpu.enqueue_dma source(%dma_start3A_323 : memref<128xi32, #tpu.memory_space<hbm>>) target(%dma_start3A_320 : memref<128xi32, #tpu.memory_space<vmem>>) target_semaphore(%arg18 : memref<!tpu.dma_semaphore, #tpu.memory_space<semaphore_mem>>)
    %dma_wait3A_324 = arith.constant 0 : i32
    %dma_wait3A_325 = arith.constant 0 : i32
    %dma_wait3A_326 = tpu.memref_slice %arg10[%dma_wait3A_324, %dma_wait3A_325] : memref<4x128xi32, #tpu.memory_space<vmem>> -> memref<1x128xi32, #tpu.memory_space<vmem>>
    %dma_wait3A_327 = tpu.memref_squeeze %dma_wait3A_326 : memref<1x128xi32, #tpu.memory_space<vmem>> -> memref<128xi32, #tpu.memory_space<vmem>>
    %dma_wait3A_328 = arith.constant 0 : i32
    %dma_wait3A_329 = arith.constant 0 : i32
    %dma_wait3A_330 = tpu.memref_slice %arg13[%dma_wait3A_328, %dma_wait3A_329] : memref<10240x128xf32, #tpu.memory_space<vmem_shared>> -> memref<10240x128xf32, #tpu.memory_space<vmem_shared>>
    tpu.wait_indirect_dma semaphore(%arg17 : memref<!tpu.dma_semaphore, #tpu.memory_space<semaphore_mem>>) src(%arg12 : memref<128x128xf32, #tpu.memory_space<vmem>>) dst(%dma_wait3A_330 : memref<10240x128xf32, #tpu.memory_space<vmem_shared>>)
    %dma_start3A_331 = arith.constant 2 : i32
    %dma_start3A_332 = arith.constant 0 : i32
    %dma_start3A_333 = tpu.memref_slice %arg10[%dma_start3A_331, %dma_start3A_332] : memref<4x128xi32, #tpu.memory_space<vmem>> -> memref<1x128xi32, #tpu.memory_space<vmem>>
    %dma_start3A_334 = tpu.memref_squeeze %dma_start3A_333 : memref<1x128xi32, #tpu.memory_space<vmem>> -> memref<128xi32, #tpu.memory_space<vmem>>
    %dma_start3A_335 = arith.constant 0 : i32
    %dma_start3A_336 = arith.constant 0 : i32
    %dma_start3A_337 = tpu.memref_slice %arg13[%dma_start3A_335, %dma_start3A_336] : memref<10240x128xf32, #tpu.memory_space<vmem_shared>> -> memref<10240x128xf32, #tpu.memory_space<vmem_shared>>
    tpu.enqueue_indirect_dma source(%arg11 : memref<128x128xf32, #tpu.memory_space<vmem>>) target(%dma_start3A_337 : memref<10240x128xf32, #tpu.memory_space<vmem_shared>>) offsets(%dma_start3A_334 : memref<128xi32, #tpu.memory_space<vmem>>) semaphore(%arg16 : memref<!tpu.dma_semaphore, #tpu.memory_space<semaphore_mem>>) {add = true}
    %scan3A = arith.constant 0 : i32
    %scan3A_338 = arith.constant 0 : i32
    %scan3A_339 = arith.constant 18 : i32
    %scan3A_340 = arith.addi %scan3A_338, %scan3A_339 : i32
    %scan3A_341 = arith.constant 1 : i32
    scf.for %scan3A_603 = %scan3A_338 to %scan3A_340 step %scan3A_341  : i32 {
      %mul3A_604 = arith.constant 4 : i32
      %mul3A_605 = arith.muli %mul3A_604, %scan3A_603 : i32
      %add3A_606 = arith.constant 3 : i32
      %add3A_607 = arith.addi %add3A_606, %mul3A_605 : i32
      %add3A_608 = arith.constant 0 : i32
      %add3A_609 = arith.addi %add3A_607, %add3A_608 : i32
      %dma_wait3A_610 = arith.constant 0 : i32
      %dma_wait3A_611 = arith.constant 0 : i32
      %dma_wait3A_612 = tpu.memref_slice %arg9[%dma_wait3A_610, %dma_wait3A_611] : memref<4x128xi32, #tpu.memory_space<vmem>> -> memref<1x128xi32, #tpu.memory_space<vmem>>
      %dma_wait3A_613 = tpu.memref_squeeze %dma_wait3A_612 : memref<1x128xi32, #tpu.memory_space<vmem>> -> memref<128xi32, #tpu.memory_space<vmem>>
      %dma_wait3A_614 = arith.constant 0 : i32
      %dma_wait3A_615 = arith.constant 0 : i32
      %dma_wait3A_616 = tpu.memref_slice %arg2[%dma_wait3A_614, %dma_wait3A_615] : memref<10000x128xf32, #tpu.memory_space<hbm>> -> memref<10000x128xf32, #tpu.memory_space<hbm>>
      tpu.wait_indirect_dma semaphore(%arg15 : memref<!tpu.dma_semaphore, #tpu.memory_space<semaphore_mem>>) src(%dma_wait3A_616 : memref<10000x128xf32, #tpu.memory_space<hbm>>) dst(%arg12 : memref<128x128xf32, #tpu.memory_space<vmem>>)
      %dma_wait3A_617 = arith.constant 0 : i32
      %dma_wait3A_618 = arith.constant 0 : i32
      %dma_wait3A_619 = arith.constant 0 : i32
      %dma_wait3A_620 = tpu.memref_slice %arg9[%dma_wait3A_618, %dma_wait3A_619] : memref<4x128xi32, #tpu.memory_space<vmem>> -> memref<1x128xi32, #tpu.memory_space<vmem>>
      %dma_wait3A_621 = tpu.memref_squeeze %dma_wait3A_620 : memref<1x128xi32, #tpu.memory_space<vmem>> -> memref<128xi32, #tpu.memory_space<vmem>>
      %dma_wait3A_622 = arith.constant 0 : i32
      %dma_wait3A_623 = tpu.memref_slice %arg3[%dma_wait3A_617, %dma_wait3A_622] : memref<2528x128xi32, #tpu.memory_space<hbm>> -> memref<1x128xi32, #tpu.memory_space<hbm>>
      %dma_wait3A_624 = tpu.memref_squeeze %dma_wait3A_623 : memref<1x128xi32, #tpu.memory_space<hbm>> -> memref<128xi32, #tpu.memory_space<hbm>>
      %dma_wait3A_625 = arith.constant 0 : i32
      %dma_wait3A_626 = tpu.memref_slice %arg9[%dma_wait3A_618, %dma_wait3A_625] : memref<4x128xi32, #tpu.memory_space<vmem>> -> memref<1x128xi32, #tpu.memory_space<vmem>>
      %dma_wait3A_627 = tpu.memref_squeeze %dma_wait3A_626 : memref<1x128xi32, #tpu.memory_space<vmem>> -> memref<128xi32, #tpu.memory_space<vmem>>
      %dma_wait3A_628 = arith.constant 0 : i32
      %dma_wait3A_629 = tpu.memref_slice %arg3[%dma_wait3A_617, %dma_wait3A_628] : memref<2528x128xi32, #tpu.memory_space<hbm>> -> memref<1x128xi32, #tpu.memory_space<hbm>>
      %dma_wait3A_630 = tpu.memref_squeeze %dma_wait3A_629 : memref<1x128xi32, #tpu.memory_space<hbm>> -> memref<128xi32, #tpu.memory_space<hbm>>
      tpu.wait_dma2 semaphore(%arg18 : memref<!tpu.dma_semaphore, #tpu.memory_space<semaphore_mem>>) src(%dma_wait3A_630 : memref<128xi32, #tpu.memory_space<hbm>>) dst(%dma_wait3A_627 : memref<128xi32, #tpu.memory_space<vmem>>)
      %dma_wait3A_631 = arith.constant 0 : i32
      %dma_wait3A_632 = arith.constant 0 : i32
      %dma_wait3A_633 = arith.constant 0 : i32
      %dma_wait3A_634 = tpu.memref_slice %arg10[%dma_wait3A_632, %dma_wait3A_633] : memref<4x128xi32, #tpu.memory_space<vmem>> -> memref<1x128xi32, #tpu.memory_space<vmem>>
      %dma_wait3A_635 = tpu.memref_squeeze %dma_wait3A_634 : memref<1x128xi32, #tpu.memory_space<vmem>> -> memref<128xi32, #tpu.memory_space<vmem>>
      %dma_wait3A_636 = arith.constant 0 : i32
      %dma_wait3A_637 = tpu.memref_slice %arg4[%dma_wait3A_631, %dma_wait3A_636] : memref<2528x128xi32, #tpu.memory_space<hbm>> -> memref<1x128xi32, #tpu.memory_space<hbm>>
      %dma_wait3A_638 = tpu.memref_squeeze %dma_wait3A_637 : memref<1x128xi32, #tpu.memory_space<hbm>> -> memref<128xi32, #tpu.memory_space<hbm>>
      %dma_wait3A_639 = arith.constant 0 : i32
      %dma_wait3A_640 = tpu.memref_slice %arg10[%dma_wait3A_632, %dma_wait3A_639] : memref<4x128xi32, #tpu.memory_space<vmem>> -> memref<1x128xi32, #tpu.memory_space<vmem>>
      %dma_wait3A_641 = tpu.memref_squeeze %dma_wait3A_640 : memref<1x128xi32, #tpu.memory_space<vmem>> -> memref<128xi32, #tpu.memory_space<vmem>>
      %dma_wait3A_642 = arith.constant 0 : i32
      %dma_wait3A_643 = tpu.memref_slice %arg4[%dma_wait3A_631, %dma_wait3A_642] : memref<2528x128xi32, #tpu.memory_space<hbm>> -> memref<1x128xi32, #tpu.memory_space<hbm>>
      %dma_wait3A_644 = tpu.memref_squeeze %dma_wait3A_643 : memref<1x128xi32, #tpu.memory_space<hbm>> -> memref<128xi32, #tpu.memory_space<hbm>>
      tpu.wait_dma2 semaphore(%arg18 : memref<!tpu.dma_semaphore, #tpu.memory_space<semaphore_mem>>) src(%dma_wait3A_644 : memref<128xi32, #tpu.memory_space<hbm>>) dst(%dma_wait3A_641 : memref<128xi32, #tpu.memory_space<vmem>>)
      %dma_start3A_645 = arith.constant 0 : i32
      %dma_start3A_646 = arith.constant 0 : i32
      %dma_start3A_647 = tpu.memref_slice %arg9[%dma_start3A_645, %dma_start3A_646] : memref<4x128xi32, #tpu.memory_space<vmem>> -> memref<1x128xi32, #tpu.memory_space<vmem>>
      %dma_start3A_648 = tpu.memref_squeeze %dma_start3A_647 : memref<1x128xi32, #tpu.memory_space<vmem>> -> memref<128xi32, #tpu.memory_space<vmem>>
      %dma_start3A_649 = arith.constant 0 : i32
      %dma_start3A_650 = arith.constant 0 : i32
      %dma_start3A_651 = tpu.memref_slice %arg2[%dma_start3A_649, %dma_start3A_650] : memref<10000x128xf32, #tpu.memory_space<hbm>> -> memref<10000x128xf32, #tpu.memory_space<hbm>>
      tpu.enqueue_indirect_dma source(%dma_start3A_651 : memref<10000x128xf32, #tpu.memory_space<hbm>>) target(%arg11 : memref<128x128xf32, #tpu.memory_space<vmem>>) offsets(%dma_start3A_648 : memref<128xi32, #tpu.memory_space<vmem>>) semaphore(%arg14 : memref<!tpu.dma_semaphore, #tpu.memory_space<semaphore_mem>>)
      %add3A_652 = arith.constant 2 : i32
      %add3A_653 = arith.addi %add3A_609, %add3A_652 : i32
      %mul3A_654 = arith.constant 32 : i32
      %mul3A_655 = arith.muli %add3A_653, %mul3A_654 : i32
      %add3A_656 = arith.addi %add3A, %mul3A_655 : i32
      %dma_start3A_657 = arith.constant 1 : i32
      %dma_start3A_658 = arith.constant 0 : i32
      %dma_start3A_659 = tpu.memref_slice %arg9[%dma_start3A_657, %dma_start3A_658] : memref<4x128xi32, #tpu.memory_space<vmem>> -> memref<1x128xi32, #tpu.memory_space<vmem>>
      %dma_start3A_660 = tpu.memref_squeeze %dma_start3A_659 : memref<1x128xi32, #tpu.memory_space<vmem>> -> memref<128xi32, #tpu.memory_space<vmem>>
      %dma_start3A_661 = arith.constant 0 : i32
      %dma_start3A_662 = tpu.memref_slice %arg3[%add3A_656, %dma_start3A_661] : memref<2528x128xi32, #tpu.memory_space<hbm>> -> memref<1x128xi32, #tpu.memory_space<hbm>>
      %dma_start3A_663 = tpu.memref_squeeze %dma_start3A_662 : memref<1x128xi32, #tpu.memory_space<hbm>> -> memref<128xi32, #tpu.memory_space<hbm>>
      %dma_start3A_664 = arith.constant 0 : i32
      %dma_start3A_665 = tpu.memref_slice %arg9[%dma_start3A_657, %dma_start3A_664] : memref<4x128xi32, #tpu.memory_space<vmem>> -> memref<1x128xi32, #tpu.memory_space<vmem>>
      %dma_start3A_666 = tpu.memref_squeeze %dma_start3A_665 : memref<1x128xi32, #tpu.memory_space<vmem>> -> memref<128xi32, #tpu.memory_space<vmem>>
      %dma_start3A_667 = arith.constant 0 : i32
      %dma_start3A_668 = tpu.memref_slice %arg3[%add3A_656, %dma_start3A_667] : memref<2528x128xi32, #tpu.memory_space<hbm>> -> memref<1x128xi32, #tpu.memory_space<hbm>>
      %dma_start3A_669 = tpu.memref_squeeze %dma_start3A_668 : memref<1x128xi32, #tpu.memory_space<hbm>> -> memref<128xi32, #tpu.memory_space<hbm>>
      tpu.enqueue_dma source(%dma_start3A_669 : memref<128xi32, #tpu.memory_space<hbm>>) target(%dma_start3A_666 : memref<128xi32, #tpu.memory_space<vmem>>) target_semaphore(%arg19 : memref<!tpu.dma_semaphore, #tpu.memory_space<semaphore_mem>>)
      %dma_start3A_670 = arith.constant 1 : i32
      %dma_start3A_671 = arith.constant 0 : i32
      %dma_start3A_672 = tpu.memref_slice %arg10[%dma_start3A_670, %dma_start3A_671] : memref<4x128xi32, #tpu.memory_space<vmem>> -> memref<1x128xi32, #tpu.memory_space<vmem>>
      %dma_start3A_673 = tpu.memref_squeeze %dma_start3A_672 : memref<1x128xi32, #tpu.memory_space<vmem>> -> memref<128xi32, #tpu.memory_space<vmem>>
      %dma_start3A_674 = arith.constant 0 : i32
      %dma_start3A_675 = tpu.memref_slice %arg4[%add3A_656, %dma_start3A_674] : memref<2528x128xi32, #tpu.memory_space<hbm>> -> memref<1x128xi32, #tpu.memory_space<hbm>>
      %dma_start3A_676 = tpu.memref_squeeze %dma_start3A_675 : memref<1x128xi32, #tpu.memory_space<hbm>> -> memref<128xi32, #tpu.memory_space<hbm>>
      %dma_start3A_677 = arith.constant 0 : i32
      %dma_start3A_678 = tpu.memref_slice %arg10[%dma_start3A_670, %dma_start3A_677] : memref<4x128xi32, #tpu.memory_space<vmem>> -> memref<1x128xi32, #tpu.memory_space<vmem>>
      %dma_start3A_679 = tpu.memref_squeeze %dma_start3A_678 : memref<1x128xi32, #tpu.memory_space<vmem>> -> memref<128xi32, #tpu.memory_space<vmem>>
      %dma_start3A_680 = arith.constant 0 : i32
      %dma_start3A_681 = tpu.memref_slice %arg4[%add3A_656, %dma_start3A_680] : memref<2528x128xi32, #tpu.memory_space<hbm>> -> memref<1x128xi32, #tpu.memory_space<hbm>>
      %dma_start3A_682 = tpu.memref_squeeze %dma_start3A_681 : memref<1x128xi32, #tpu.memory_space<hbm>> -> memref<128xi32, #tpu.memory_space<hbm>>
      tpu.enqueue_dma source(%dma_start3A_682 : memref<128xi32, #tpu.memory_space<hbm>>) target(%dma_start3A_679 : memref<128xi32, #tpu.memory_space<vmem>>) target_semaphore(%arg19 : memref<!tpu.dma_semaphore, #tpu.memory_space<semaphore_mem>>)
      %dma_wait3A_683 = arith.constant 0 : i32
      %dma_wait3A_684 = arith.constant 0 : i32
      %dma_wait3A_685 = tpu.memref_slice %arg10[%dma_wait3A_683, %dma_wait3A_684] : memref<4x128xi32, #tpu.memory_space<vmem>> -> memref<1x128xi32, #tpu.memory_space<vmem>>
      %dma_wait3A_686 = tpu.memref_squeeze %dma_wait3A_685 : memref<1x128xi32, #tpu.memory_space<vmem>> -> memref<128xi32, #tpu.memory_space<vmem>>
      %dma_wait3A_687 = arith.constant 0 : i32
      %dma_wait3A_688 = arith.constant 0 : i32
      %dma_wait3A_689 = tpu.memref_slice %arg13[%dma_wait3A_687, %dma_wait3A_688] : memref<10240x128xf32, #tpu.memory_space<vmem_shared>> -> memref<10240x128xf32, #tpu.memory_space<vmem_shared>>
      tpu.wait_indirect_dma semaphore(%arg16 : memref<!tpu.dma_semaphore, #tpu.memory_space<semaphore_mem>>) src(%arg11 : memref<128x128xf32, #tpu.memory_space<vmem>>) dst(%dma_wait3A_689 : memref<10240x128xf32, #tpu.memory_space<vmem_shared>>)
      %dma_start3A_690 = arith.constant 3 : i32
      %dma_start3A_691 = arith.constant 0 : i32
      %dma_start3A_692 = tpu.memref_slice %arg10[%dma_start3A_690, %dma_start3A_691] : memref<4x128xi32, #tpu.memory_space<vmem>> -> memref<1x128xi32, #tpu.memory_space<vmem>>
      %dma_start3A_693 = tpu.memref_squeeze %dma_start3A_692 : memref<1x128xi32, #tpu.memory_space<vmem>> -> memref<128xi32, #tpu.memory_space<vmem>>
      %dma_start3A_694 = arith.constant 0 : i32
      %dma_start3A_695 = arith.constant 0 : i32
      %dma_start3A_696 = tpu.memref_slice %arg13[%dma_start3A_694, %dma_start3A_695] : memref<10240x128xf32, #tpu.memory_space<vmem_shared>> -> memref<10240x128xf32, #tpu.memory_space<vmem_shared>>
      tpu.enqueue_indirect_dma source(%arg12 : memref<128x128xf32, #tpu.memory_space<vmem>>) target(%dma_start3A_696 : memref<10240x128xf32, #tpu.memory_space<vmem_shared>>) offsets(%dma_start3A_693 : memref<128xi32, #tpu.memory_space<vmem>>) semaphore(%arg17 : memref<!tpu.dma_semaphore, #tpu.memory_space<semaphore_mem>>) {add = true}
      %add3A_697 = arith.constant 1 : i32
      %add3A_698 = arith.addi %add3A_607, %add3A_697 : i32
      %dma_wait3A_699 = arith.constant 0 : i32
      %dma_wait3A_700 = arith.constant 0 : i32
      %dma_wait3A_701 = tpu.memref_slice %arg9[%dma_wait3A_699, %dma_wait3A_700] : memref<4x128xi32, #tpu.memory_space<vmem>> -> memref<1x128xi32, #tpu.memory_space<vmem>>
      %dma_wait3A_702 = tpu.memref_squeeze %dma_wait3A_701 : memref<1x128xi32, #tpu.memory_space<vmem>> -> memref<128xi32, #tpu.memory_space<vmem>>
      %dma_wait3A_703 = arith.constant 0 : i32
      %dma_wait3A_704 = arith.constant 0 : i32
      %dma_wait3A_705 = tpu.memref_slice %arg2[%dma_wait3A_703, %dma_wait3A_704] : memref<10000x128xf32, #tpu.memory_space<hbm>> -> memref<10000x128xf32, #tpu.memory_space<hbm>>
      tpu.wait_indirect_dma semaphore(%arg14 : memref<!tpu.dma_semaphore, #tpu.memory_space<semaphore_mem>>) src(%dma_wait3A_705 : memref<10000x128xf32, #tpu.memory_space<hbm>>) dst(%arg11 : memref<128x128xf32, #tpu.memory_space<vmem>>)
      %dma_wait3A_706 = arith.constant 0 : i32
      %dma_wait3A_707 = arith.constant 0 : i32
      %dma_wait3A_708 = arith.constant 0 : i32
      %dma_wait3A_709 = tpu.memref_slice %arg9[%dma_wait3A_707, %dma_wait3A_708] : memref<4x128xi32, #tpu.memory_space<vmem>> -> memref<1x128xi32, #tpu.memory_space<vmem>>
      %dma_wait3A_710 = tpu.memref_squeeze %dma_wait3A_709 : memref<1x128xi32, #tpu.memory_space<vmem>> -> memref<128xi32, #tpu.memory_space<vmem>>
      %dma_wait3A_711 = arith.constant 0 : i32
      %dma_wait3A_712 = tpu.memref_slice %arg3[%dma_wait3A_706, %dma_wait3A_711] : memref<2528x128xi32, #tpu.memory_space<hbm>> -> memref<1x128xi32, #tpu.memory_space<hbm>>
      %dma_wait3A_713 = tpu.memref_squeeze %dma_wait3A_712 : memref<1x128xi32, #tpu.memory_space<hbm>> -> memref<128xi32, #tpu.memory_space<hbm>>
      %dma_wait3A_714 = arith.constant 0 : i32
      %dma_wait3A_715 = tpu.memref_slice %arg9[%dma_wait3A_707, %dma_wait3A_714] : memref<4x128xi32, #tpu.memory_space<vmem>> -> memref<1x128xi32, #tpu.memory_space<vmem>>
      %dma_wait3A_716 = tpu.memref_squeeze %dma_wait3A_715 : memref<1x128xi32, #tpu.memory_space<vmem>> -> memref<128xi32, #tpu.memory_space<vmem>>
      %dma_wait3A_717 = arith.constant 0 : i32
      %dma_wait3A_718 = tpu.memref_slice %arg3[%dma_wait3A_706, %dma_wait3A_717] : memref<2528x128xi32, #tpu.memory_space<hbm>> -> memref<1x128xi32, #tpu.memory_space<hbm>>
      %dma_wait3A_719 = tpu.memref_squeeze %dma_wait3A_718 : memref<1x128xi32, #tpu.memory_space<hbm>> -> memref<128xi32, #tpu.memory_space<hbm>>
      tpu.wait_dma2 semaphore(%arg19 : memref<!tpu.dma_semaphore, #tpu.memory_space<semaphore_mem>>) src(%dma_wait3A_719 : memref<128xi32, #tpu.memory_space<hbm>>) dst(%dma_wait3A_716 : memref<128xi32, #tpu.memory_space<vmem>>)
      %dma_wait3A_720 = arith.constant 0 : i32
      %dma_wait3A_721 = arith.constant 0 : i32
      %dma_wait3A_722 = arith.constant 0 : i32
      %dma_wait3A_723 = tpu.memref_slice %arg10[%dma_wait3A_721, %dma_wait3A_722] : memref<4x128xi32, #tpu.memory_space<vmem>> -> memref<1x128xi32, #tpu.memory_space<vmem>>
      %dma_wait3A_724 = tpu.memref_squeeze %dma_wait3A_723 : memref<1x128xi32, #tpu.memory_space<vmem>> -> memref<128xi32, #tpu.memory_space<vmem>>
      %dma_wait3A_725 = arith.constant 0 : i32
      %dma_wait3A_726 = tpu.memref_slice %arg4[%dma_wait3A_720, %dma_wait3A_725] : memref<2528x128xi32, #tpu.memory_space<hbm>> -> memref<1x128xi32, #tpu.memory_space<hbm>>
      %dma_wait3A_727 = tpu.memref_squeeze %dma_wait3A_726 : memref<1x128xi32, #tpu.memory_space<hbm>> -> memref<128xi32, #tpu.memory_space<hbm>>
      %dma_wait3A_728 = arith.constant 0 : i32
      %dma_wait3A_729 = tpu.memref_slice %arg10[%dma_wait3A_721, %dma_wait3A_728] : memref<4x128xi32, #tpu.memory_space<vmem>> -> memref<1x128xi32, #tpu.memory_space<vmem>>
      %dma_wait3A_730 = tpu.memref_squeeze %dma_wait3A_729 : memref<1x128xi32, #tpu.memory_space<vmem>> -> memref<128xi32, #tpu.memory_space<vmem>>
      %dma_wait3A_731 = arith.constant 0 : i32
      %dma_wait3A_732 = tpu.memref_slice %arg4[%dma_wait3A_720, %dma_wait3A_731] : memref<2528x128xi32, #tpu.memory_space<hbm>> -> memref<1x128xi32, #tpu.memory_space<hbm>>
      %dma_wait3A_733 = tpu.memref_squeeze %dma_wait3A_732 : memref<1x128xi32, #tpu.memory_space<hbm>> -> memref<128xi32, #tpu.memory_space<hbm>>
      tpu.wait_dma2 semaphore(%arg19 : memref<!tpu.dma_semaphore, #tpu.memory_space<semaphore_mem>>) src(%dma_wait3A_733 : memref<128xi32, #tpu.memory_space<hbm>>) dst(%dma_wait3A_730 : memref<128xi32, #tpu.memory_space<vmem>>)
      %dma_start3A_734 = arith.constant 1 : i32
      %dma_start3A_735 = arith.constant 0 : i32
      %dma_start3A_736 = tpu.memref_slice %arg9[%dma_start3A_734, %dma_start3A_735] : memref<4x128xi32, #tpu.memory_space<vmem>> -> memref<1x128xi32, #tpu.memory_space<vmem>>
      %dma_start3A_737 = tpu.memref_squeeze %dma_start3A_736 : memref<1x128xi32, #tpu.memory_space<vmem>> -> memref<128xi32, #tpu.memory_space<vmem>>
      %dma_start3A_738 = arith.constant 0 : i32
      %dma_start3A_739 = arith.constant 0 : i32
      %dma_start3A_740 = tpu.memref_slice %arg2[%dma_start3A_738, %dma_start3A_739] : memref<10000x128xf32, #tpu.memory_space<hbm>> -> memref<10000x128xf32, #tpu.memory_space<hbm>>
      tpu.enqueue_indirect_dma source(%dma_start3A_740 : memref<10000x128xf32, #tpu.memory_space<hbm>>) target(%arg12 : memref<128x128xf32, #tpu.memory_space<vmem>>) offsets(%dma_start3A_737 : memref<128xi32, #tpu.memory_space<vmem>>) semaphore(%arg15 : memref<!tpu.dma_semaphore, #tpu.memory_space<semaphore_mem>>)
      %add3A_741 = arith.constant 2 : i32
      %add3A_742 = arith.addi %add3A_698, %add3A_741 : i32
      %mul3A_743 = arith.constant 32 : i32
      %mul3A_744 = arith.muli %add3A_742, %mul3A_743 : i32
      %add3A_745 = arith.addi %add3A, %mul3A_744 : i32
      %dma_start3A_746 = arith.constant 2 : i32
      %dma_start3A_747 = arith.constant 0 : i32
      %dma_start3A_748 = tpu.memref_slice %arg9[%dma_start3A_746, %dma_start3A_747] : memref<4x128xi32, #tpu.memory_space<vmem>> -> memref<1x128xi32, #tpu.memory_space<vmem>>
      %dma_start3A_749 = tpu.memref_squeeze %dma_start3A_748 : memref<1x128xi32, #tpu.memory_space<vmem>> -> memref<128xi32, #tpu.memory_space<vmem>>
      %dma_start3A_750 = arith.constant 0 : i32
      %dma_start3A_751 = tpu.memref_slice %arg3[%add3A_745, %dma_start3A_750] : memref<2528x128xi32, #tpu.memory_space<hbm>> -> memref<1x128xi32, #tpu.memory_space<hbm>>
      %dma_start3A_752 = tpu.memref_squeeze %dma_start3A_751 : memref<1x128xi32, #tpu.memory_space<hbm>> -> memref<128xi32, #tpu.memory_space<hbm>>
      %dma_start3A_753 = arith.constant 0 : i32
      %dma_start3A_754 = tpu.memref_slice %arg9[%dma_start3A_746, %dma_start3A_753] : memref<4x128xi32, #tpu.memory_space<vmem>> -> memref<1x128xi32, #tpu.memory_space<vmem>>
      %dma_start3A_755 = tpu.memref_squeeze %dma_start3A_754 : memref<1x128xi32, #tpu.memory_space<vmem>> -> memref<128xi32, #tpu.memory_space<vmem>>
      %dma_start3A_756 = arith.constant 0 : i32
      %dma_start3A_757 = tpu.memref_slice %arg3[%add3A_745, %dma_start3A_756] : memref<2528x128xi32, #tpu.memory_space<hbm>> -> memref<1x128xi32, #tpu.memory_space<hbm>>
      %dma_start3A_758 = tpu.memref_squeeze %dma_start3A_757 : memref<1x128xi32, #tpu.memory_space<hbm>> -> memref<128xi32, #tpu.memory_space<hbm>>
      tpu.enqueue_dma source(%dma_start3A_758 : memref<128xi32, #tpu.memory_space<hbm>>) target(%dma_start3A_755 : memref<128xi32, #tpu.memory_space<vmem>>) target_semaphore(%arg18 : memref<!tpu.dma_semaphore, #tpu.memory_space<semaphore_mem>>)
      %dma_start3A_759 = arith.constant 2 : i32
      %dma_start3A_760 = arith.constant 0 : i32
      %dma_start3A_761 = tpu.memref_slice %arg10[%dma_start3A_759, %dma_start3A_760] : memref<4x128xi32, #tpu.memory_space<vmem>> -> memref<1x128xi32, #tpu.memory_space<vmem>>
      %dma_start3A_762 = tpu.memref_squeeze %dma_start3A_761 : memref<1x128xi32, #tpu.memory_space<vmem>> -> memref<128xi32, #tpu.memory_space<vmem>>
      %dma_start3A_763 = arith.constant 0 : i32
      %dma_start3A_764 = tpu.memref_slice %arg4[%add3A_745, %dma_start3A_763] : memref<2528x128xi32, #tpu.memory_space<hbm>> -> memref<1x128xi32, #tpu.memory_space<hbm>>
      %dma_start3A_765 = tpu.memref_squeeze %dma_start3A_764 : memref<1x128xi32, #tpu.memory_space<hbm>> -> memref<128xi32, #tpu.memory_space<hbm>>
      %dma_start3A_766 = arith.constant 0 : i32
      %dma_start3A_767 = tpu.memref_slice %arg10[%dma_start3A_759, %dma_start3A_766] : memref<4x128xi32, #tpu.memory_space<vmem>> -> memref<1x128xi32, #tpu.memory_space<vmem>>
      %dma_start3A_768 = tpu.memref_squeeze %dma_start3A_767 : memref<1x128xi32, #tpu.memory_space<vmem>> -> memref<128xi32, #tpu.memory_space<vmem>>
      %dma_start3A_769 = arith.constant 0 : i32
      %dma_start3A_770 = tpu.memref_slice %arg4[%add3A_745, %dma_start3A_769] : memref<2528x128xi32, #tpu.memory_space<hbm>> -> memref<1x128xi32, #tpu.memory_space<hbm>>
      %dma_start3A_771 = tpu.memref_squeeze %dma_start3A_770 : memref<1x128xi32, #tpu.memory_space<hbm>> -> memref<128xi32, #tpu.memory_space<hbm>>
      tpu.enqueue_dma source(%dma_start3A_771 : memref<128xi32, #tpu.memory_space<hbm>>) target(%dma_start3A_768 : memref<128xi32, #tpu.memory_space<vmem>>) target_semaphore(%arg18 : memref<!tpu.dma_semaphore, #tpu.memory_space<semaphore_mem>>)
      %dma_wait3A_772 = arith.constant 0 : i32
      %dma_wait3A_773 = arith.constant 0 : i32
      %dma_wait3A_774 = tpu.memref_slice %arg10[%dma_wait3A_772, %dma_wait3A_773] : memref<4x128xi32, #tpu.memory_space<vmem>> -> memref<1x128xi32, #tpu.memory_space<vmem>>
      %dma_wait3A_775 = tpu.memref_squeeze %dma_wait3A_774 : memref<1x128xi32, #tpu.memory_space<vmem>> -> memref<128xi32, #tpu.memory_space<vmem>>
      %dma_wait3A_776 = arith.constant 0 : i32
      %dma_wait3A_777 = arith.constant 0 : i32
      %dma_wait3A_778 = tpu.memref_slice %arg13[%dma_wait3A_776, %dma_wait3A_777] : memref<10240x128xf32, #tpu.memory_space<vmem_shared>> -> memref<10240x128xf32, #tpu.memory_space<vmem_shared>>
      tpu.wait_indirect_dma semaphore(%arg17 : memref<!tpu.dma_semaphore, #tpu.memory_space<semaphore_mem>>) src(%arg12 : memref<128x128xf32, #tpu.memory_space<vmem>>) dst(%dma_wait3A_778 : memref<10240x128xf32, #tpu.memory_space<vmem_shared>>)
      %dma_start3A_779 = arith.constant 0 : i32
      %dma_start3A_780 = arith.constant 0 : i32
      %dma_start3A_781 = tpu.memref_slice %arg10[%dma_start3A_779, %dma_start3A_780] : memref<4x128xi32, #tpu.memory_space<vmem>> -> memref<1x128xi32, #tpu.memory_space<vmem>>
      %dma_start3A_782 = tpu.memref_squeeze %dma_start3A_781 : memref<1x128xi32, #tpu.memory_space<vmem>> -> memref<128xi32, #tpu.memory_space<vmem>>
      %dma_start3A_783 = arith.constant 0 : i32
      %dma_start3A_784 = arith.constant 0 : i32
      %dma_start3A_785 = tpu.memref_slice %arg13[%dma_start3A_783, %dma_start3A_784] : memref<10240x128xf32, #tpu.memory_space<vmem_shared>> -> memref<10240x128xf32, #tpu.memory_space<vmem_shared>>
      tpu.enqueue_indirect_dma source(%arg11 : memref<128x128xf32, #tpu.memory_space<vmem>>) target(%dma_start3A_785 : memref<10240x128xf32, #tpu.memory_space<vmem_shared>>) offsets(%dma_start3A_782 : memref<128xi32, #tpu.memory_space<vmem>>) semaphore(%arg16 : memref<!tpu.dma_semaphore, #tpu.memory_space<semaphore_mem>>) {add = true}
      %add3A_786 = arith.constant 2 : i32
      %add3A_787 = arith.addi %add3A_607, %add3A_786 : i32
      %dma_wait3A_788 = arith.constant 0 : i32
      %dma_wait3A_789 = arith.constant 0 : i32
      %dma_wait3A_790 = tpu.memref_slice %arg9[%dma_wait3A_788, %dma_wait3A_789] : memref<4x128xi32, #tpu.memory_space<vmem>> -> memref<1x128xi32, #tpu.memory_space<vmem>>
      %dma_wait3A_791 = tpu.memref_squeeze %dma_wait3A_790 : memref<1x128xi32, #tpu.memory_space<vmem>> -> memref<128xi32, #tpu.memory_space<vmem>>
      %dma_wait3A_792 = arith.constant 0 : i32
      %dma_wait3A_793 = arith.constant 0 : i32
      %dma_wait3A_794 = tpu.memref_slice %arg2[%dma_wait3A_792, %dma_wait3A_793] : memref<10000x128xf32, #tpu.memory_space<hbm>> -> memref<10000x128xf32, #tpu.memory_space<hbm>>
      tpu.wait_indirect_dma semaphore(%arg15 : memref<!tpu.dma_semaphore, #tpu.memory_space<semaphore_mem>>) src(%dma_wait3A_794 : memref<10000x128xf32, #tpu.memory_space<hbm>>) dst(%arg12 : memref<128x128xf32, #tpu.memory_space<vmem>>)
      %dma_wait3A_795 = arith.constant 0 : i32
      %dma_wait3A_796 = arith.constant 0 : i32
      %dma_wait3A_797 = arith.constant 0 : i32
      %dma_wait3A_798 = tpu.memref_slice %arg9[%dma_wait3A_796, %dma_wait3A_797] : memref<4x128xi32, #tpu.memory_space<vmem>> -> memref<1x128xi32, #tpu.memory_space<vmem>>
      %dma_wait3A_799 = tpu.memref_squeeze %dma_wait3A_798 : memref<1x128xi32, #tpu.memory_space<vmem>> -> memref<128xi32, #tpu.memory_space<vmem>>
      %dma_wait3A_800 = arith.constant 0 : i32
      %dma_wait3A_801 = tpu.memref_slice %arg3[%dma_wait3A_795, %dma_wait3A_800] : memref<2528x128xi32, #tpu.memory_space<hbm>> -> memref<1x128xi32, #tpu.memory_space<hbm>>
      %dma_wait3A_802 = tpu.memref_squeeze %dma_wait3A_801 : memref<1x128xi32, #tpu.memory_space<hbm>> -> memref<128xi32, #tpu.memory_space<hbm>>
      %dma_wait3A_803 = arith.constant 0 : i32
      %dma_wait3A_804 = tpu.memref_slice %arg9[%dma_wait3A_796, %dma_wait3A_803] : memref<4x128xi32, #tpu.memory_space<vmem>> -> memref<1x128xi32, #tpu.memory_space<vmem>>
      %dma_wait3A_805 = tpu.memref_squeeze %dma_wait3A_804 : memref<1x128xi32, #tpu.memory_space<vmem>> -> memref<128xi32, #tpu.memory_space<vmem>>
      %dma_wait3A_806 = arith.constant 0 : i32
      %dma_wait3A_807 = tpu.memref_slice %arg3[%dma_wait3A_795, %dma_wait3A_806] : memref<2528x128xi32, #tpu.memory_space<hbm>> -> memref<1x128xi32, #tpu.memory_space<hbm>>
      %dma_wait3A_808 = tpu.memref_squeeze %dma_wait3A_807 : memref<1x128xi32, #tpu.memory_space<hbm>> -> memref<128xi32, #tpu.memory_space<hbm>>
      tpu.wait_dma2 semaphore(%arg18 : memref<!tpu.dma_semaphore, #tpu.memory_space<semaphore_mem>>) src(%dma_wait3A_808 : memref<128xi32, #tpu.memory_space<hbm>>) dst(%dma_wait3A_805 : memref<128xi32, #tpu.memory_space<vmem>>)
      %dma_wait3A_809 = arith.constant 0 : i32
      %dma_wait3A_810 = arith.constant 0 : i32
      %dma_wait3A_811 = arith.constant 0 : i32
      %dma_wait3A_812 = tpu.memref_slice %arg10[%dma_wait3A_810, %dma_wait3A_811] : memref<4x128xi32, #tpu.memory_space<vmem>> -> memref<1x128xi32, #tpu.memory_space<vmem>>
      %dma_wait3A_813 = tpu.memref_squeeze %dma_wait3A_812 : memref<1x128xi32, #tpu.memory_space<vmem>> -> memref<128xi32, #tpu.memory_space<vmem>>
      %dma_wait3A_814 = arith.constant 0 : i32
      %dma_wait3A_815 = tpu.memref_slice %arg4[%dma_wait3A_809, %dma_wait3A_814] : memref<2528x128xi32, #tpu.memory_space<hbm>> -> memref<1x128xi32, #tpu.memory_space<hbm>>
      %dma_wait3A_816 = tpu.memref_squeeze %dma_wait3A_815 : memref<1x128xi32, #tpu.memory_space<hbm>> -> memref<128xi32, #tpu.memory_space<hbm>>
      %dma_wait3A_817 = arith.constant 0 : i32
      %dma_wait3A_818 = tpu.memref_slice %arg10[%dma_wait3A_810, %dma_wait3A_817] : memref<4x128xi32, #tpu.memory_space<vmem>> -> memref<1x128xi32, #tpu.memory_space<vmem>>
      %dma_wait3A_819 = tpu.memref_squeeze %dma_wait3A_818 : memref<1x128xi32, #tpu.memory_space<vmem>> -> memref<128xi32, #tpu.memory_space<vmem>>
      %dma_wait3A_820 = arith.constant 0 : i32
      %dma_wait3A_821 = tpu.memref_slice %arg4[%dma_wait3A_809, %dma_wait3A_820] : memref<2528x128xi32, #tpu.memory_space<hbm>> -> memref<1x128xi32, #tpu.memory_space<hbm>>
      %dma_wait3A_822 = tpu.memref_squeeze %dma_wait3A_821 : memref<1x128xi32, #tpu.memory_space<hbm>> -> memref<128xi32, #tpu.memory_space<hbm>>
      tpu.wait_dma2 semaphore(%arg18 : memref<!tpu.dma_semaphore, #tpu.memory_space<semaphore_mem>>) src(%dma_wait3A_822 : memref<128xi32, #tpu.memory_space<hbm>>) dst(%dma_wait3A_819 : memref<128xi32, #tpu.memory_space<vmem>>)
      %dma_start3A_823 = arith.constant 2 : i32
      %dma_start3A_824 = arith.constant 0 : i32
      %dma_start3A_825 = tpu.memref_slice %arg9[%dma_start3A_823, %dma_start3A_824] : memref<4x128xi32, #tpu.memory_space<vmem>> -> memref<1x128xi32, #tpu.memory_space<vmem>>
      %dma_start3A_826 = tpu.memref_squeeze %dma_start3A_825 : memref<1x128xi32, #tpu.memory_space<vmem>> -> memref<128xi32, #tpu.memory_space<vmem>>
      %dma_start3A_827 = arith.constant 0 : i32
      %dma_start3A_828 = arith.constant 0 : i32
      %dma_start3A_829 = tpu.memref_slice %arg2[%dma_start3A_827, %dma_start3A_828] : memref<10000x128xf32, #tpu.memory_space<hbm>> -> memref<10000x128xf32, #tpu.memory_space<hbm>>
      tpu.enqueue_indirect_dma source(%dma_start3A_829 : memref<10000x128xf32, #tpu.memory_space<hbm>>) target(%arg11 : memref<128x128xf32, #tpu.memory_space<vmem>>) offsets(%dma_start3A_826 : memref<128xi32, #tpu.memory_space<vmem>>) semaphore(%arg14 : memref<!tpu.dma_semaphore, #tpu.memory_space<semaphore_mem>>)
      %add3A_830 = arith.constant 2 : i32
      %add3A_831 = arith.addi %add3A_787, %add3A_830 : i32
      %mul3A_832 = arith.constant 32 : i32
      %mul3A_833 = arith.muli %add3A_831, %mul3A_832 : i32
      %add3A_834 = arith.addi %add3A, %mul3A_833 : i32
      %dma_start3A_835 = arith.constant 3 : i32
      %dma_start3A_836 = arith.constant 0 : i32
      %dma_start3A_837 = tpu.memref_slice %arg9[%dma_start3A_835, %dma_start3A_836] : memref<4x128xi32, #tpu.memory_space<vmem>> -> memref<1x128xi32, #tpu.memory_space<vmem>>
      %dma_start3A_838 = tpu.memref_squeeze %dma_start3A_837 : memref<1x128xi32, #tpu.memory_space<vmem>> -> memref<128xi32, #tpu.memory_space<vmem>>
      %dma_start3A_839 = arith.constant 0 : i32
      %dma_start3A_840 = tpu.memref_slice %arg3[%add3A_834, %dma_start3A_839] : memref<2528x128xi32, #tpu.memory_space<hbm>> -> memref<1x128xi32, #tpu.memory_space<hbm>>
      %dma_start3A_841 = tpu.memref_squeeze %dma_start3A_840 : memref<1x128xi32, #tpu.memory_space<hbm>> -> memref<128xi32, #tpu.memory_space<hbm>>
      %dma_start3A_842 = arith.constant 0 : i32
      %dma_start3A_843 = tpu.memref_slice %arg9[%dma_start3A_835, %dma_start3A_842] : memref<4x128xi32, #tpu.memory_space<vmem>> -> memref<1x128xi32, #tpu.memory_space<vmem>>
      %dma_start3A_844 = tpu.memref_squeeze %dma_start3A_843 : memref<1x128xi32, #tpu.memory_space<vmem>> -> memref<128xi32, #tpu.memory_space<vmem>>
      %dma_start3A_845 = arith.constant 0 : i32
      %dma_start3A_846 = tpu.memref_slice %arg3[%add3A_834, %dma_start3A_845] : memref<2528x128xi32, #tpu.memory_space<hbm>> -> memref<1x128xi32, #tpu.memory_space<hbm>>
      %dma_start3A_847 = tpu.memref_squeeze %dma_start3A_846 : memref<1x128xi32, #tpu.memory_space<hbm>> -> memref<128xi32, #tpu.memory_space<hbm>>
      tpu.enqueue_dma source(%dma_start3A_847 : memref<128xi32, #tpu.memory_space<hbm>>) target(%dma_start3A_844 : memref<128xi32, #tpu.memory_space<vmem>>) target_semaphore(%arg19 : memref<!tpu.dma_semaphore, #tpu.memory_space<semaphore_mem>>)
      %dma_start3A_848 = arith.constant 3 : i32
      %dma_start3A_849 = arith.constant 0 : i32
      %dma_start3A_850 = tpu.memref_slice %arg10[%dma_start3A_848, %dma_start3A_849] : memref<4x128xi32, #tpu.memory_space<vmem>> -> memref<1x128xi32, #tpu.memory_space<vmem>>
      %dma_start3A_851 = tpu.memref_squeeze %dma_start3A_850 : memref<1x128xi32, #tpu.memory_space<vmem>> -> memref<128xi32, #tpu.memory_space<vmem>>
      %dma_start3A_852 = arith.constant 0 : i32
      %dma_start3A_853 = tpu.memref_slice %arg4[%add3A_834, %dma_start3A_852] : memref<2528x128xi32, #tpu.memory_space<hbm>> -> memref<1x128xi32, #tpu.memory_space<hbm>>
      %dma_start3A_854 = tpu.memref_squeeze %dma_start3A_853 : memref<1x128xi32, #tpu.memory_space<hbm>> -> memref<128xi32, #tpu.memory_space<hbm>>
      %dma_start3A_855 = arith.constant 0 : i32
      %dma_start3A_856 = tpu.memref_slice %arg10[%dma_start3A_848, %dma_start3A_855] : memref<4x128xi32, #tpu.memory_space<vmem>> -> memref<1x128xi32, #tpu.memory_space<vmem>>
      %dma_start3A_857 = tpu.memref_squeeze %dma_start3A_856 : memref<1x128xi32, #tpu.memory_space<vmem>> -> memref<128xi32, #tpu.memory_space<vmem>>
      %dma_start3A_858 = arith.constant 0 : i32
      %dma_start3A_859 = tpu.memref_slice %arg4[%add3A_834, %dma_start3A_858] : memref<2528x128xi32, #tpu.memory_space<hbm>> -> memref<1x128xi32, #tpu.memory_space<hbm>>
      %dma_start3A_860 = tpu.memref_squeeze %dma_start3A_859 : memref<1x128xi32, #tpu.memory_space<hbm>> -> memref<128xi32, #tpu.memory_space<hbm>>
      tpu.enqueue_dma source(%dma_start3A_860 : memref<128xi32, #tpu.memory_space<hbm>>) target(%dma_start3A_857 : memref<128xi32, #tpu.memory_space<vmem>>) target_semaphore(%arg19 : memref<!tpu.dma_semaphore, #tpu.memory_space<semaphore_mem>>)
      %dma_wait3A_861 = arith.constant 0 : i32
      %dma_wait3A_862 = arith.constant 0 : i32
      %dma_wait3A_863 = tpu.memref_slice %arg10[%dma_wait3A_861, %dma_wait3A_862] : memref<4x128xi32, #tpu.memory_space<vmem>> -> memref<1x128xi32, #tpu.memory_space<vmem>>
      %dma_wait3A_864 = tpu.memref_squeeze %dma_wait3A_863 : memref<1x128xi32, #tpu.memory_space<vmem>> -> memref<128xi32, #tpu.memory_space<vmem>>
      %dma_wait3A_865 = arith.constant 0 : i32
      %dma_wait3A_866 = arith.constant 0 : i32
      %dma_wait3A_867 = tpu.memref_slice %arg13[%dma_wait3A_865, %dma_wait3A_866] : memref<10240x128xf32, #tpu.memory_space<vmem_shared>> -> memref<10240x128xf32, #tpu.memory_space<vmem_shared>>
      tpu.wait_indirect_dma semaphore(%arg16 : memref<!tpu.dma_semaphore, #tpu.memory_space<semaphore_mem>>) src(%arg11 : memref<128x128xf32, #tpu.memory_space<vmem>>) dst(%dma_wait3A_867 : memref<10240x128xf32, #tpu.memory_space<vmem_shared>>)
      %dma_start3A_868 = arith.constant 1 : i32
      %dma_start3A_869 = arith.constant 0 : i32
      %dma_start3A_870 = tpu.memref_slice %arg10[%dma_start3A_868, %dma_start3A_869] : memref<4x128xi32, #tpu.memory_space<vmem>> -> memref<1x128xi32, #tpu.memory_space<vmem>>
      %dma_start3A_871 = tpu.memref_squeeze %dma_start3A_870 : memref<1x128xi32, #tpu.memory_space<vmem>> -> memref<128xi32, #tpu.memory_space<vmem>>
      %dma_start3A_872 = arith.constant 0 : i32
      %dma_start3A_873 = arith.constant 0 : i32
      %dma_start3A_874 = tpu.memref_slice %arg13[%dma_start3A_872, %dma_start3A_873] : memref<10240x128xf32, #tpu.memory_space<vmem_shared>> -> memref<10240x128xf32, #tpu.memory_space<vmem_shared>>
      tpu.enqueue_indirect_dma source(%arg12 : memref<128x128xf32, #tpu.memory_space<vmem>>) target(%dma_start3A_874 : memref<10240x128xf32, #tpu.memory_space<vmem_shared>>) offsets(%dma_start3A_871 : memref<128xi32, #tpu.memory_space<vmem>>) semaphore(%arg17 : memref<!tpu.dma_semaphore, #tpu.memory_space<semaphore_mem>>) {add = true}
      %add3A_875 = arith.constant 3 : i32
      %add3A_876 = arith.addi %add3A_607, %add3A_875 : i32
      %dma_wait3A_877 = arith.constant 0 : i32
      %dma_wait3A_878 = arith.constant 0 : i32
      %dma_wait3A_879 = tpu.memref_slice %arg9[%dma_wait3A_877, %dma_wait3A_878] : memref<4x128xi32, #tpu.memory_space<vmem>> -> memref<1x128xi32, #tpu.memory_space<vmem>>
      %dma_wait3A_880 = tpu.memref_squeeze %dma_wait3A_879 : memref<1x128xi32, #tpu.memory_space<vmem>> -> memref<128xi32, #tpu.memory_space<vmem>>
      %dma_wait3A_881 = arith.constant 0 : i32
      %dma_wait3A_882 = arith.constant 0 : i32
      %dma_wait3A_883 = tpu.memref_slice %arg2[%dma_wait3A_881, %dma_wait3A_882] : memref<10000x128xf32, #tpu.memory_space<hbm>> -> memref<10000x128xf32, #tpu.memory_space<hbm>>
      tpu.wait_indirect_dma semaphore(%arg14 : memref<!tpu.dma_semaphore, #tpu.memory_space<semaphore_mem>>) src(%dma_wait3A_883 : memref<10000x128xf32, #tpu.memory_space<hbm>>) dst(%arg11 : memref<128x128xf32, #tpu.memory_space<vmem>>)
      %dma_wait3A_884 = arith.constant 0 : i32
      %dma_wait3A_885 = arith.constant 0 : i32
      %dma_wait3A_886 = arith.constant 0 : i32
      %dma_wait3A_887 = tpu.memref_slice %arg9[%dma_wait3A_885, %dma_wait3A_886] : memref<4x128xi32, #tpu.memory_space<vmem>> -> memref<1x128xi32, #tpu.memory_space<vmem>>
      %dma_wait3A_888 = tpu.memref_squeeze %dma_wait3A_887 : memref<1x128xi32, #tpu.memory_space<vmem>> -> memref<128xi32, #tpu.memory_space<vmem>>
      %dma_wait3A_889 = arith.constant 0 : i32
      %dma_wait3A_890 = tpu.memref_slice %arg3[%dma_wait3A_884, %dma_wait3A_889] : memref<2528x128xi32, #tpu.memory_space<hbm>> -> memref<1x128xi32, #tpu.memory_space<hbm>>
      %dma_wait3A_891 = tpu.memref_squeeze %dma_wait3A_890 : memref<1x128xi32, #tpu.memory_space<hbm>> -> memref<128xi32, #tpu.memory_space<hbm>>
      %dma_wait3A_892 = arith.constant 0 : i32
      %dma_wait3A_893 = tpu.memref_slice %arg9[%dma_wait3A_885, %dma_wait3A_892] : memref<4x128xi32, #tpu.memory_space<vmem>> -> memref<1x128xi32, #tpu.memory_space<vmem>>
      %dma_wait3A_894 = tpu.memref_squeeze %dma_wait3A_893 : memref<1x128xi32, #tpu.memory_space<vmem>> -> memref<128xi32, #tpu.memory_space<vmem>>
      %dma_wait3A_895 = arith.constant 0 : i32
      %dma_wait3A_896 = tpu.memref_slice %arg3[%dma_wait3A_884, %dma_wait3A_895] : memref<2528x128xi32, #tpu.memory_space<hbm>> -> memref<1x128xi32, #tpu.memory_space<hbm>>
      %dma_wait3A_897 = tpu.memref_squeeze %dma_wait3A_896 : memref<1x128xi32, #tpu.memory_space<hbm>> -> memref<128xi32, #tpu.memory_space<hbm>>
      tpu.wait_dma2 semaphore(%arg19 : memref<!tpu.dma_semaphore, #tpu.memory_space<semaphore_mem>>) src(%dma_wait3A_897 : memref<128xi32, #tpu.memory_space<hbm>>) dst(%dma_wait3A_894 : memref<128xi32, #tpu.memory_space<vmem>>)
      %dma_wait3A_898 = arith.constant 0 : i32
      %dma_wait3A_899 = arith.constant 0 : i32
      %dma_wait3A_900 = arith.constant 0 : i32
      %dma_wait3A_901 = tpu.memref_slice %arg10[%dma_wait3A_899, %dma_wait3A_900] : memref<4x128xi32, #tpu.memory_space<vmem>> -> memref<1x128xi32, #tpu.memory_space<vmem>>
      %dma_wait3A_902 = tpu.memref_squeeze %dma_wait3A_901 : memref<1x128xi32, #tpu.memory_space<vmem>> -> memref<128xi32, #tpu.memory_space<vmem>>
      %dma_wait3A_903 = arith.constant 0 : i32
      %dma_wait3A_904 = tpu.memref_slice %arg4[%dma_wait3A_898, %dma_wait3A_903] : memref<2528x128xi32, #tpu.memory_space<hbm>> -> memref<1x128xi32, #tpu.memory_space<hbm>>
      %dma_wait3A_905 = tpu.memref_squeeze %dma_wait3A_904 : memref<1x128xi32, #tpu.memory_space<hbm>> -> memref<128xi32, #tpu.memory_space<hbm>>
      %dma_wait3A_906 = arith.constant 0 : i32
      %dma_wait3A_907 = tpu.memref_slice %arg10[%dma_wait3A_899, %dma_wait3A_906] : memref<4x128xi32, #tpu.memory_space<vmem>> -> memref<1x128xi32, #tpu.memory_space<vmem>>
      %dma_wait3A_908 = tpu.memref_squeeze %dma_wait3A_907 : memref<1x128xi32, #tpu.memory_space<vmem>> -> memref<128xi32, #tpu.memory_space<vmem>>
      %dma_wait3A_909 = arith.constant 0 : i32
      %dma_wait3A_910 = tpu.memref_slice %arg4[%dma_wait3A_898, %dma_wait3A_909] : memref<2528x128xi32, #tpu.memory_space<hbm>> -> memref<1x128xi32, #tpu.memory_space<hbm>>
      %dma_wait3A_911 = tpu.memref_squeeze %dma_wait3A_910 : memref<1x128xi32, #tpu.memory_space<hbm>> -> memref<128xi32, #tpu.memory_space<hbm>>
      tpu.wait_dma2 semaphore(%arg19 : memref<!tpu.dma_semaphore, #tpu.memory_space<semaphore_mem>>) src(%dma_wait3A_911 : memref<128xi32, #tpu.memory_space<hbm>>) dst(%dma_wait3A_908 : memref<128xi32, #tpu.memory_space<vmem>>)
      %dma_start3A_912 = arith.constant 3 : i32
      %dma_start3A_913 = arith.constant 0 : i32
      %dma_start3A_914 = tpu.memref_slice %arg9[%dma_start3A_912, %dma_start3A_913] : memref<4x128xi32, #tpu.memory_space<vmem>> -> memref<1x128xi32, #tpu.memory_space<vmem>>
      %dma_start3A_915 = tpu.memref_squeeze %dma_start3A_914 : memref<1x128xi32, #tpu.memory_space<vmem>> -> memref<128xi32, #tpu.memory_space<vmem>>
      %dma_start3A_916 = arith.constant 0 : i32
      %dma_start3A_917 = arith.constant 0 : i32
      %dma_start3A_918 = tpu.memref_slice %arg2[%dma_start3A_916, %dma_start3A_917] : memref<10000x128xf32, #tpu.memory_space<hbm>> -> memref<10000x128xf32, #tpu.memory_space<hbm>>
      tpu.enqueue_indirect_dma source(%dma_start3A_918 : memref<10000x128xf32, #tpu.memory_space<hbm>>) target(%arg12 : memref<128x128xf32, #tpu.memory_space<vmem>>) offsets(%dma_start3A_915 : memref<128xi32, #tpu.memory_space<vmem>>) semaphore(%arg15 : memref<!tpu.dma_semaphore, #tpu.memory_space<semaphore_mem>>)
      %add3A_919 = arith.constant 2 : i32
      %add3A_920 = arith.addi %add3A_876, %add3A_919 : i32
      %mul3A_921 = arith.constant 32 : i32
      %mul3A_922 = arith.muli %add3A_920, %mul3A_921 : i32
      %add3A_923 = arith.addi %add3A, %mul3A_922 : i32
      %dma_start3A_924 = arith.constant 0 : i32
      %dma_start3A_925 = arith.constant 0 : i32
      %dma_start3A_926 = tpu.memref_slice %arg9[%dma_start3A_924, %dma_start3A_925] : memref<4x128xi32, #tpu.memory_space<vmem>> -> memref<1x128xi32, #tpu.memory_space<vmem>>
      %dma_start3A_927 = tpu.memref_squeeze %dma_start3A_926 : memref<1x128xi32, #tpu.memory_space<vmem>> -> memref<128xi32, #tpu.memory_space<vmem>>
      %dma_start3A_928 = arith.constant 0 : i32
      %dma_start3A_929 = tpu.memref_slice %arg3[%add3A_923, %dma_start3A_928] : memref<2528x128xi32, #tpu.memory_space<hbm>> -> memref<1x128xi32, #tpu.memory_space<hbm>>
      %dma_start3A_930 = tpu.memref_squeeze %dma_start3A_929 : memref<1x128xi32, #tpu.memory_space<hbm>> -> memref<128xi32, #tpu.memory_space<hbm>>
      %dma_start3A_931 = arith.constant 0 : i32
      %dma_start3A_932 = tpu.memref_slice %arg9[%dma_start3A_924, %dma_start3A_931] : memref<4x128xi32, #tpu.memory_space<vmem>> -> memref<1x128xi32, #tpu.memory_space<vmem>>
      %dma_start3A_933 = tpu.memref_squeeze %dma_start3A_932 : memref<1x128xi32, #tpu.memory_space<vmem>> -> memref<128xi32, #tpu.memory_space<vmem>>
      %dma_start3A_934 = arith.constant 0 : i32
      %dma_start3A_935 = tpu.memref_slice %arg3[%add3A_923, %dma_start3A_934] : memref<2528x128xi32, #tpu.memory_space<hbm>> -> memref<1x128xi32, #tpu.memory_space<hbm>>
      %dma_start3A_936 = tpu.memref_squeeze %dma_start3A_935 : memref<1x128xi32, #tpu.memory_space<hbm>> -> memref<128xi32, #tpu.memory_space<hbm>>
      tpu.enqueue_dma source(%dma_start3A_936 : memref<128xi32, #tpu.memory_space<hbm>>) target(%dma_start3A_933 : memref<128xi32, #tpu.memory_space<vmem>>) target_semaphore(%arg18 : memref<!tpu.dma_semaphore, #tpu.memory_space<semaphore_mem>>)
      %dma_start3A_937 = arith.constant 0 : i32
      %dma_start3A_938 = arith.constant 0 : i32
      %dma_start3A_939 = tpu.memref_slice %arg10[%dma_start3A_937, %dma_start3A_938] : memref<4x128xi32, #tpu.memory_space<vmem>> -> memref<1x128xi32, #tpu.memory_space<vmem>>
      %dma_start3A_940 = tpu.memref_squeeze %dma_start3A_939 : memref<1x128xi32, #tpu.memory_space<vmem>> -> memref<128xi32, #tpu.memory_space<vmem>>
      %dma_start3A_941 = arith.constant 0 : i32
      %dma_start3A_942 = tpu.memref_slice %arg4[%add3A_923, %dma_start3A_941] : memref<2528x128xi32, #tpu.memory_space<hbm>> -> memref<1x128xi32, #tpu.memory_space<hbm>>
      %dma_start3A_943 = tpu.memref_squeeze %dma_start3A_942 : memref<1x128xi32, #tpu.memory_space<hbm>> -> memref<128xi32, #tpu.memory_space<hbm>>
      %dma_start3A_944 = arith.constant 0 : i32
      %dma_start3A_945 = tpu.memref_slice %arg10[%dma_start3A_937, %dma_start3A_944] : memref<4x128xi32, #tpu.memory_space<vmem>> -> memref<1x128xi32, #tpu.memory_space<vmem>>
      %dma_start3A_946 = tpu.memref_squeeze %dma_start3A_945 : memref<1x128xi32, #tpu.memory_space<vmem>> -> memref<128xi32, #tpu.memory_space<vmem>>
      %dma_start3A_947 = arith.constant 0 : i32
      %dma_start3A_948 = tpu.memref_slice %arg4[%add3A_923, %dma_start3A_947] : memref<2528x128xi32, #tpu.memory_space<hbm>> -> memref<1x128xi32, #tpu.memory_space<hbm>>
      %dma_start3A_949 = tpu.memref_squeeze %dma_start3A_948 : memref<1x128xi32, #tpu.memory_space<hbm>> -> memref<128xi32, #tpu.memory_space<hbm>>
      tpu.enqueue_dma source(%dma_start3A_949 : memref<128xi32, #tpu.memory_space<hbm>>) target(%dma_start3A_946 : memref<128xi32, #tpu.memory_space<vmem>>) target_semaphore(%arg18 : memref<!tpu.dma_semaphore, #tpu.memory_space<semaphore_mem>>)
      %dma_wait3A_950 = arith.constant 0 : i32
      %dma_wait3A_951 = arith.constant 0 : i32
      %dma_wait3A_952 = tpu.memref_slice %arg10[%dma_wait3A_950, %dma_wait3A_951] : memref<4x128xi32, #tpu.memory_space<vmem>> -> memref<1x128xi32, #tpu.memory_space<vmem>>
      %dma_wait3A_953 = tpu.memref_squeeze %dma_wait3A_952 : memref<1x128xi32, #tpu.memory_space<vmem>> -> memref<128xi32, #tpu.memory_space<vmem>>
      %dma_wait3A_954 = arith.constant 0 : i32
      %dma_wait3A_955 = arith.constant 0 : i32
      %dma_wait3A_956 = tpu.memref_slice %arg13[%dma_wait3A_954, %dma_wait3A_955] : memref<10240x128xf32, #tpu.memory_space<vmem_shared>> -> memref<10240x128xf32, #tpu.memory_space<vmem_shared>>
      tpu.wait_indirect_dma semaphore(%arg17 : memref<!tpu.dma_semaphore, #tpu.memory_space<semaphore_mem>>) src(%arg12 : memref<128x128xf32, #tpu.memory_space<vmem>>) dst(%dma_wait3A_956 : memref<10240x128xf32, #tpu.memory_space<vmem_shared>>)
      %dma_start3A_957 = arith.constant 2 : i32
      %dma_start3A_958 = arith.constant 0 : i32
      %dma_start3A_959 = tpu.memref_slice %arg10[%dma_start3A_957, %dma_start3A_958] : memref<4x128xi32, #tpu.memory_space<vmem>> -> memref<1x128xi32, #tpu.memory_space<vmem>>
      %dma_start3A_960 = tpu.memref_squeeze %dma_start3A_959 : memref<1x128xi32, #tpu.memory_space<vmem>> -> memref<128xi32, #tpu.memory_space<vmem>>
      %dma_start3A_961 = arith.constant 0 : i32
      %dma_start3A_962 = arith.constant 0 : i32
      %dma_start3A_963 = tpu.memref_slice %arg13[%dma_start3A_961, %dma_start3A_962] : memref<10240x128xf32, #tpu.memory_space<vmem_shared>> -> memref<10240x128xf32, #tpu.memory_space<vmem_shared>>
      tpu.enqueue_indirect_dma source(%arg11 : memref<128x128xf32, #tpu.memory_space<vmem>>) target(%dma_start3A_963 : memref<10240x128xf32, #tpu.memory_space<vmem_shared>>) offsets(%dma_start3A_960 : memref<128xi32, #tpu.memory_space<vmem>>) semaphore(%arg16 : memref<!tpu.dma_semaphore, #tpu.memory_space<semaphore_mem>>) {add = true}
    }
    %scan3A_342 = arith.constant 18 : i32
    %dma_wait3A_343 = arith.constant 0 : i32
    %dma_wait3A_344 = arith.constant 0 : i32
    %dma_wait3A_345 = tpu.memref_slice %arg9[%dma_wait3A_343, %dma_wait3A_344] : memref<4x128xi32, #tpu.memory_space<vmem>> -> memref<1x128xi32, #tpu.memory_space<vmem>>
    %dma_wait3A_346 = tpu.memref_squeeze %dma_wait3A_345 : memref<1x128xi32, #tpu.memory_space<vmem>> -> memref<128xi32, #tpu.memory_space<vmem>>
    %dma_wait3A_347 = arith.constant 0 : i32
    %dma_wait3A_348 = arith.constant 0 : i32
    %dma_wait3A_349 = tpu.memref_slice %arg2[%dma_wait3A_347, %dma_wait3A_348] : memref<10000x128xf32, #tpu.memory_space<hbm>> -> memref<10000x128xf32, #tpu.memory_space<hbm>>
    tpu.wait_indirect_dma semaphore(%arg15 : memref<!tpu.dma_semaphore, #tpu.memory_space<semaphore_mem>>) src(%dma_wait3A_349 : memref<10000x128xf32, #tpu.memory_space<hbm>>) dst(%arg12 : memref<128x128xf32, #tpu.memory_space<vmem>>)
    %dma_wait3A_350 = arith.constant 0 : i32
    %dma_wait3A_351 = arith.constant 0 : i32
    %dma_wait3A_352 = arith.constant 0 : i32
    %dma_wait3A_353 = tpu.memref_slice %arg9[%dma_wait3A_351, %dma_wait3A_352] : memref<4x128xi32, #tpu.memory_space<vmem>> -> memref<1x128xi32, #tpu.memory_space<vmem>>
    %dma_wait3A_354 = tpu.memref_squeeze %dma_wait3A_353 : memref<1x128xi32, #tpu.memory_space<vmem>> -> memref<128xi32, #tpu.memory_space<vmem>>
    %dma_wait3A_355 = arith.constant 0 : i32
    %dma_wait3A_356 = tpu.memref_slice %arg3[%dma_wait3A_350, %dma_wait3A_355] : memref<2528x128xi32, #tpu.memory_space<hbm>> -> memref<1x128xi32, #tpu.memory_space<hbm>>
    %dma_wait3A_357 = tpu.memref_squeeze %dma_wait3A_356 : memref<1x128xi32, #tpu.memory_space<hbm>> -> memref<128xi32, #tpu.memory_space<hbm>>
    %dma_wait3A_358 = arith.constant 0 : i32
    %dma_wait3A_359 = tpu.memref_slice %arg9[%dma_wait3A_351, %dma_wait3A_358] : memref<4x128xi32, #tpu.memory_space<vmem>> -> memref<1x128xi32, #tpu.memory_space<vmem>>
    %dma_wait3A_360 = tpu.memref_squeeze %dma_wait3A_359 : memref<1x128xi32, #tpu.memory_space<vmem>> -> memref<128xi32, #tpu.memory_space<vmem>>
    %dma_wait3A_361 = arith.constant 0 : i32
    %dma_wait3A_362 = tpu.memref_slice %arg3[%dma_wait3A_350, %dma_wait3A_361] : memref<2528x128xi32, #tpu.memory_space<hbm>> -> memref<1x128xi32, #tpu.memory_space<hbm>>
    %dma_wait3A_363 = tpu.memref_squeeze %dma_wait3A_362 : memref<1x128xi32, #tpu.memory_space<hbm>> -> memref<128xi32, #tpu.memory_space<hbm>>
    tpu.wait_dma2 semaphore(%arg18 : memref<!tpu.dma_semaphore, #tpu.memory_space<semaphore_mem>>) src(%dma_wait3A_363 : memref<128xi32, #tpu.memory_space<hbm>>) dst(%dma_wait3A_360 : memref<128xi32, #tpu.memory_space<vmem>>)
    %dma_wait3A_364 = arith.constant 0 : i32
    %dma_wait3A_365 = arith.constant 0 : i32
    %dma_wait3A_366 = arith.constant 0 : i32
    %dma_wait3A_367 = tpu.memref_slice %arg10[%dma_wait3A_365, %dma_wait3A_366] : memref<4x128xi32, #tpu.memory_space<vmem>> -> memref<1x128xi32, #tpu.memory_space<vmem>>
    %dma_wait3A_368 = tpu.memref_squeeze %dma_wait3A_367 : memref<1x128xi32, #tpu.memory_space<vmem>> -> memref<128xi32, #tpu.memory_space<vmem>>
    %dma_wait3A_369 = arith.constant 0 : i32
    %dma_wait3A_370 = tpu.memref_slice %arg4[%dma_wait3A_364, %dma_wait3A_369] : memref<2528x128xi32, #tpu.memory_space<hbm>> -> memref<1x128xi32, #tpu.memory_space<hbm>>
    %dma_wait3A_371 = tpu.memref_squeeze %dma_wait3A_370 : memref<1x128xi32, #tpu.memory_space<hbm>> -> memref<128xi32, #tpu.memory_space<hbm>>
    %dma_wait3A_372 = arith.constant 0 : i32
    %dma_wait3A_373 = tpu.memref_slice %arg10[%dma_wait3A_365, %dma_wait3A_372] : memref<4x128xi32, #tpu.memory_space<vmem>> -> memref<1x128xi32, #tpu.memory_space<vmem>>
    %dma_wait3A_374 = tpu.memref_squeeze %dma_wait3A_373 : memref<1x128xi32, #tpu.memory_space<vmem>> -> memref<128xi32, #tpu.memory_space<vmem>>
    %dma_wait3A_375 = arith.constant 0 : i32
    %dma_wait3A_376 = tpu.memref_slice %arg4[%dma_wait3A_364, %dma_wait3A_375] : memref<2528x128xi32, #tpu.memory_space<hbm>> -> memref<1x128xi32, #tpu.memory_space<hbm>>
    %dma_wait3A_377 = tpu.memref_squeeze %dma_wait3A_376 : memref<1x128xi32, #tpu.memory_space<hbm>> -> memref<128xi32, #tpu.memory_space<hbm>>
    tpu.wait_dma2 semaphore(%arg18 : memref<!tpu.dma_semaphore, #tpu.memory_space<semaphore_mem>>) src(%dma_wait3A_377 : memref<128xi32, #tpu.memory_space<hbm>>) dst(%dma_wait3A_374 : memref<128xi32, #tpu.memory_space<vmem>>)
    %dma_start3A_378 = arith.constant 0 : i32
    %dma_start3A_379 = arith.constant 0 : i32
    %dma_start3A_380 = tpu.memref_slice %arg9[%dma_start3A_378, %dma_start3A_379] : memref<4x128xi32, #tpu.memory_space<vmem>> -> memref<1x128xi32, #tpu.memory_space<vmem>>
    %dma_start3A_381 = tpu.memref_squeeze %dma_start3A_380 : memref<1x128xi32, #tpu.memory_space<vmem>> -> memref<128xi32, #tpu.memory_space<vmem>>
    %dma_start3A_382 = arith.constant 0 : i32
    %dma_start3A_383 = arith.constant 0 : i32
    %dma_start3A_384 = tpu.memref_slice %arg2[%dma_start3A_382, %dma_start3A_383] : memref<10000x128xf32, #tpu.memory_space<hbm>> -> memref<10000x128xf32, #tpu.memory_space<hbm>>
    tpu.enqueue_indirect_dma source(%dma_start3A_384 : memref<10000x128xf32, #tpu.memory_space<hbm>>) target(%arg11 : memref<128x128xf32, #tpu.memory_space<vmem>>) offsets(%dma_start3A_381 : memref<128xi32, #tpu.memory_space<vmem>>) semaphore(%arg14 : memref<!tpu.dma_semaphore, #tpu.memory_space<semaphore_mem>>)
    %add3A_385 = arith.constant 2464 : i32
    %add3A_386 = arith.addi %add3A, %add3A_385 : i32
    %dma_start3A_387 = arith.constant 1 : i32
    %dma_start3A_388 = arith.constant 0 : i32
    %dma_start3A_389 = tpu.memref_slice %arg9[%dma_start3A_387, %dma_start3A_388] : memref<4x128xi32, #tpu.memory_space<vmem>> -> memref<1x128xi32, #tpu.memory_space<vmem>>
    %dma_start3A_390 = tpu.memref_squeeze %dma_start3A_389 : memref<1x128xi32, #tpu.memory_space<vmem>> -> memref<128xi32, #tpu.memory_space<vmem>>
    %dma_start3A_391 = arith.constant 0 : i32
    %dma_start3A_392 = tpu.memref_slice %arg3[%add3A_386, %dma_start3A_391] : memref<2528x128xi32, #tpu.memory_space<hbm>> -> memref<1x128xi32, #tpu.memory_space<hbm>>
    %dma_start3A_393 = tpu.memref_squeeze %dma_start3A_392 : memref<1x128xi32, #tpu.memory_space<hbm>> -> memref<128xi32, #tpu.memory_space<hbm>>
    %dma_start3A_394 = arith.constant 0 : i32
    %dma_start3A_395 = tpu.memref_slice %arg9[%dma_start3A_387, %dma_start3A_394] : memref<4x128xi32, #tpu.memory_space<vmem>> -> memref<1x128xi32, #tpu.memory_space<vmem>>
    %dma_start3A_396 = tpu.memref_squeeze %dma_start3A_395 : memref<1x128xi32, #tpu.memory_space<vmem>> -> memref<128xi32, #tpu.memory_space<vmem>>
    %dma_start3A_397 = arith.constant 0 : i32
    %dma_start3A_398 = tpu.memref_slice %arg3[%add3A_386, %dma_start3A_397] : memref<2528x128xi32, #tpu.memory_space<hbm>> -> memref<1x128xi32, #tpu.memory_space<hbm>>
    %dma_start3A_399 = tpu.memref_squeeze %dma_start3A_398 : memref<1x128xi32, #tpu.memory_space<hbm>> -> memref<128xi32, #tpu.memory_space<hbm>>
    tpu.enqueue_dma source(%dma_start3A_399 : memref<128xi32, #tpu.memory_space<hbm>>) target(%dma_start3A_396 : memref<128xi32, #tpu.memory_space<vmem>>) target_semaphore(%arg19 : memref<!tpu.dma_semaphore, #tpu.memory_space<semaphore_mem>>)
    %dma_start3A_400 = arith.constant 1 : i32
    %dma_start3A_401 = arith.constant 0 : i32
    %dma_start3A_402 = tpu.memref_slice %arg10[%dma_start3A_400, %dma_start3A_401] : memref<4x128xi32, #tpu.memory_space<vmem>> -> memref<1x128xi32, #tpu.memory_space<vmem>>
    %dma_start3A_403 = tpu.memref_squeeze %dma_start3A_402 : memref<1x128xi32, #tpu.memory_space<vmem>> -> memref<128xi32, #tpu.memory_space<vmem>>
    %dma_start3A_404 = arith.constant 0 : i32
    %dma_start3A_405 = tpu.memref_slice %arg4[%add3A_386, %dma_start3A_404] : memref<2528x128xi32, #tpu.memory_space<hbm>> -> memref<1x128xi32, #tpu.memory_space<hbm>>
    %dma_start3A_406 = tpu.memref_squeeze %dma_start3A_405 : memref<1x128xi32, #tpu.memory_space<hbm>> -> memref<128xi32, #tpu.memory_space<hbm>>
    %dma_start3A_407 = arith.constant 0 : i32
    %dma_start3A_408 = tpu.memref_slice %arg10[%dma_start3A_400, %dma_start3A_407] : memref<4x128xi32, #tpu.memory_space<vmem>> -> memref<1x128xi32, #tpu.memory_space<vmem>>
    %dma_start3A_409 = tpu.memref_squeeze %dma_start3A_408 : memref<1x128xi32, #tpu.memory_space<vmem>> -> memref<128xi32, #tpu.memory_space<vmem>>
    %dma_start3A_410 = arith.constant 0 : i32
    %dma_start3A_411 = tpu.memref_slice %arg4[%add3A_386, %dma_start3A_410] : memref<2528x128xi32, #tpu.memory_space<hbm>> -> memref<1x128xi32, #tpu.memory_space<hbm>>
    %dma_start3A_412 = tpu.memref_squeeze %dma_start3A_411 : memref<1x128xi32, #tpu.memory_space<hbm>> -> memref<128xi32, #tpu.memory_space<hbm>>
    tpu.enqueue_dma source(%dma_start3A_412 : memref<128xi32, #tpu.memory_space<hbm>>) target(%dma_start3A_409 : memref<128xi32, #tpu.memory_space<vmem>>) target_semaphore(%arg19 : memref<!tpu.dma_semaphore, #tpu.memory_space<semaphore_mem>>)
    %dma_wait3A_413 = arith.constant 0 : i32
    %dma_wait3A_414 = arith.constant 0 : i32
    %dma_wait3A_415 = tpu.memref_slice %arg10[%dma_wait3A_413, %dma_wait3A_414] : memref<4x128xi32, #tpu.memory_space<vmem>> -> memref<1x128xi32, #tpu.memory_space<vmem>>
    %dma_wait3A_416 = tpu.memref_squeeze %dma_wait3A_415 : memref<1x128xi32, #tpu.memory_space<vmem>> -> memref<128xi32, #tpu.memory_space<vmem>>
    %dma_wait3A_417 = arith.constant 0 : i32
    %dma_wait3A_418 = arith.constant 0 : i32
    %dma_wait3A_419 = tpu.memref_slice %arg13[%dma_wait3A_417, %dma_wait3A_418] : memref<10240x128xf32, #tpu.memory_space<vmem_shared>> -> memref<10240x128xf32, #tpu.memory_space<vmem_shared>>
    tpu.wait_indirect_dma semaphore(%arg16 : memref<!tpu.dma_semaphore, #tpu.memory_space<semaphore_mem>>) src(%arg11 : memref<128x128xf32, #tpu.memory_space<vmem>>) dst(%dma_wait3A_419 : memref<10240x128xf32, #tpu.memory_space<vmem_shared>>)
    %dma_start3A_420 = arith.constant 3 : i32
    %dma_start3A_421 = arith.constant 0 : i32
    %dma_start3A_422 = tpu.memref_slice %arg10[%dma_start3A_420, %dma_start3A_421] : memref<4x128xi32, #tpu.memory_space<vmem>> -> memref<1x128xi32, #tpu.memory_space<vmem>>
    %dma_start3A_423 = tpu.memref_squeeze %dma_start3A_422 : memref<1x128xi32, #tpu.memory_space<vmem>> -> memref<128xi32, #tpu.memory_space<vmem>>
    %dma_start3A_424 = arith.constant 0 : i32
    %dma_start3A_425 = arith.constant 0 : i32
    %dma_start3A_426 = tpu.memref_slice %arg13[%dma_start3A_424, %dma_start3A_425] : memref<10240x128xf32, #tpu.memory_space<vmem_shared>> -> memref<10240x128xf32, #tpu.memory_space<vmem_shared>>
    tpu.enqueue_indirect_dma source(%arg12 : memref<128x128xf32, #tpu.memory_space<vmem>>) target(%dma_start3A_426 : memref<10240x128xf32, #tpu.memory_space<vmem_shared>>) offsets(%dma_start3A_423 : memref<128xi32, #tpu.memory_space<vmem>>) semaphore(%arg17 : memref<!tpu.dma_semaphore, #tpu.memory_space<semaphore_mem>>) {add = true}
    %dma_wait3A_427 = arith.constant 0 : i32
    %dma_wait3A_428 = arith.constant 0 : i32
    %dma_wait3A_429 = tpu.memref_slice %arg9[%dma_wait3A_427, %dma_wait3A_428] : memref<4x128xi32, #tpu.memory_space<vmem>> -> memref<1x128xi32, #tpu.memory_space<vmem>>
    %dma_wait3A_430 = tpu.memref_squeeze %dma_wait3A_429 : memref<1x128xi32, #tpu.memory_space<vmem>> -> memref<128xi32, #tpu.memory_space<vmem>>
    %dma_wait3A_431 = arith.constant 0 : i32
    %dma_wait3A_432 = arith.constant 0 : i32
    %dma_wait3A_433 = tpu.memref_slice %arg2[%dma_wait3A_431, %dma_wait3A_432] : memref<10000x128xf32, #tpu.memory_space<hbm>> -> memref<10000x128xf32, #tpu.memory_space<hbm>>
    tpu.wait_indirect_dma semaphore(%arg14 : memref<!tpu.dma_semaphore, #tpu.memory_space<semaphore_mem>>) src(%dma_wait3A_433 : memref<10000x128xf32, #tpu.memory_space<hbm>>) dst(%arg11 : memref<128x128xf32, #tpu.memory_space<vmem>>)
    %dma_wait3A_434 = arith.constant 0 : i32
    %dma_wait3A_435 = arith.constant 0 : i32
    %dma_wait3A_436 = arith.constant 0 : i32
    %dma_wait3A_437 = tpu.memref_slice %arg9[%dma_wait3A_435, %dma_wait3A_436] : memref<4x128xi32, #tpu.memory_space<vmem>> -> memref<1x128xi32, #tpu.memory_space<vmem>>
    %dma_wait3A_438 = tpu.memref_squeeze %dma_wait3A_437 : memref<1x128xi32, #tpu.memory_space<vmem>> -> memref<128xi32, #tpu.memory_space<vmem>>
    %dma_wait3A_439 = arith.constant 0 : i32
    %dma_wait3A_440 = tpu.memref_slice %arg3[%dma_wait3A_434, %dma_wait3A_439] : memref<2528x128xi32, #tpu.memory_space<hbm>> -> memref<1x128xi32, #tpu.memory_space<hbm>>
    %dma_wait3A_441 = tpu.memref_squeeze %dma_wait3A_440 : memref<1x128xi32, #tpu.memory_space<hbm>> -> memref<128xi32, #tpu.memory_space<hbm>>
    %dma_wait3A_442 = arith.constant 0 : i32
    %dma_wait3A_443 = tpu.memref_slice %arg9[%dma_wait3A_435, %dma_wait3A_442] : memref<4x128xi32, #tpu.memory_space<vmem>> -> memref<1x128xi32, #tpu.memory_space<vmem>>
    %dma_wait3A_444 = tpu.memref_squeeze %dma_wait3A_443 : memref<1x128xi32, #tpu.memory_space<vmem>> -> memref<128xi32, #tpu.memory_space<vmem>>
    %dma_wait3A_445 = arith.constant 0 : i32
    %dma_wait3A_446 = tpu.memref_slice %arg3[%dma_wait3A_434, %dma_wait3A_445] : memref<2528x128xi32, #tpu.memory_space<hbm>> -> memref<1x128xi32, #tpu.memory_space<hbm>>
    %dma_wait3A_447 = tpu.memref_squeeze %dma_wait3A_446 : memref<1x128xi32, #tpu.memory_space<hbm>> -> memref<128xi32, #tpu.memory_space<hbm>>
    tpu.wait_dma2 semaphore(%arg19 : memref<!tpu.dma_semaphore, #tpu.memory_space<semaphore_mem>>) src(%dma_wait3A_447 : memref<128xi32, #tpu.memory_space<hbm>>) dst(%dma_wait3A_444 : memref<128xi32, #tpu.memory_space<vmem>>)
    %dma_wait3A_448 = arith.constant 0 : i32
    %dma_wait3A_449 = arith.constant 0 : i32
    %dma_wait3A_450 = arith.constant 0 : i32
    %dma_wait3A_451 = tpu.memref_slice %arg10[%dma_wait3A_449, %dma_wait3A_450] : memref<4x128xi32, #tpu.memory_space<vmem>> -> memref<1x128xi32, #tpu.memory_space<vmem>>
    %dma_wait3A_452 = tpu.memref_squeeze %dma_wait3A_451 : memref<1x128xi32, #tpu.memory_space<vmem>> -> memref<128xi32, #tpu.memory_space<vmem>>
    %dma_wait3A_453 = arith.constant 0 : i32
    %dma_wait3A_454 = tpu.memref_slice %arg4[%dma_wait3A_448, %dma_wait3A_453] : memref<2528x128xi32, #tpu.memory_space<hbm>> -> memref<1x128xi32, #tpu.memory_space<hbm>>
    %dma_wait3A_455 = tpu.memref_squeeze %dma_wait3A_454 : memref<1x128xi32, #tpu.memory_space<hbm>> -> memref<128xi32, #tpu.memory_space<hbm>>
    %dma_wait3A_456 = arith.constant 0 : i32
    %dma_wait3A_457 = tpu.memref_slice %arg10[%dma_wait3A_449, %dma_wait3A_456] : memref<4x128xi32, #tpu.memory_space<vmem>> -> memref<1x128xi32, #tpu.memory_space<vmem>>
    %dma_wait3A_458 = tpu.memref_squeeze %dma_wait3A_457 : memref<1x128xi32, #tpu.memory_space<vmem>> -> memref<128xi32, #tpu.memory_space<vmem>>
    %dma_wait3A_459 = arith.constant 0 : i32
    %dma_wait3A_460 = tpu.memref_slice %arg4[%dma_wait3A_448, %dma_wait3A_459] : memref<2528x128xi32, #tpu.memory_space<hbm>> -> memref<1x128xi32, #tpu.memory_space<hbm>>
    %dma_wait3A_461 = tpu.memref_squeeze %dma_wait3A_460 : memref<1x128xi32, #tpu.memory_space<hbm>> -> memref<128xi32, #tpu.memory_space<hbm>>
    tpu.wait_dma2 semaphore(%arg19 : memref<!tpu.dma_semaphore, #tpu.memory_space<semaphore_mem>>) src(%dma_wait3A_461 : memref<128xi32, #tpu.memory_space<hbm>>) dst(%dma_wait3A_458 : memref<128xi32, #tpu.memory_space<vmem>>)
    %dma_start3A_462 = arith.constant 1 : i32
    %dma_start3A_463 = arith.constant 0 : i32
    %dma_start3A_464 = tpu.memref_slice %arg9[%dma_start3A_462, %dma_start3A_463] : memref<4x128xi32, #tpu.memory_space<vmem>> -> memref<1x128xi32, #tpu.memory_space<vmem>>
    %dma_start3A_465 = tpu.memref_squeeze %dma_start3A_464 : memref<1x128xi32, #tpu.memory_space<vmem>> -> memref<128xi32, #tpu.memory_space<vmem>>
    %dma_start3A_466 = arith.constant 0 : i32
    %dma_start3A_467 = arith.constant 0 : i32
    %dma_start3A_468 = tpu.memref_slice %arg2[%dma_start3A_466, %dma_start3A_467] : memref<10000x128xf32, #tpu.memory_space<hbm>> -> memref<10000x128xf32, #tpu.memory_space<hbm>>
    tpu.enqueue_indirect_dma source(%dma_start3A_468 : memref<10000x128xf32, #tpu.memory_space<hbm>>) target(%arg12 : memref<128x128xf32, #tpu.memory_space<vmem>>) offsets(%dma_start3A_465 : memref<128xi32, #tpu.memory_space<vmem>>) semaphore(%arg15 : memref<!tpu.dma_semaphore, #tpu.memory_space<semaphore_mem>>)
    %add3A_469 = arith.constant 2496 : i32
    %add3A_470 = arith.addi %add3A, %add3A_469 : i32
    %dma_start3A_471 = arith.constant 2 : i32
    %dma_start3A_472 = arith.constant 0 : i32
    %dma_start3A_473 = tpu.memref_slice %arg9[%dma_start3A_471, %dma_start3A_472] : memref<4x128xi32, #tpu.memory_space<vmem>> -> memref<1x128xi32, #tpu.memory_space<vmem>>
    %dma_start3A_474 = tpu.memref_squeeze %dma_start3A_473 : memref<1x128xi32, #tpu.memory_space<vmem>> -> memref<128xi32, #tpu.memory_space<vmem>>
    %dma_start3A_475 = arith.constant 0 : i32
    %dma_start3A_476 = tpu.memref_slice %arg3[%add3A_470, %dma_start3A_475] : memref<2528x128xi32, #tpu.memory_space<hbm>> -> memref<1x128xi32, #tpu.memory_space<hbm>>
    %dma_start3A_477 = tpu.memref_squeeze %dma_start3A_476 : memref<1x128xi32, #tpu.memory_space<hbm>> -> memref<128xi32, #tpu.memory_space<hbm>>
    %dma_start3A_478 = arith.constant 0 : i32
    %dma_start3A_479 = tpu.memref_slice %arg9[%dma_start3A_471, %dma_start3A_478] : memref<4x128xi32, #tpu.memory_space<vmem>> -> memref<1x128xi32, #tpu.memory_space<vmem>>
    %dma_start3A_480 = tpu.memref_squeeze %dma_start3A_479 : memref<1x128xi32, #tpu.memory_space<vmem>> -> memref<128xi32, #tpu.memory_space<vmem>>
    %dma_start3A_481 = arith.constant 0 : i32
    %dma_start3A_482 = tpu.memref_slice %arg3[%add3A_470, %dma_start3A_481] : memref<2528x128xi32, #tpu.memory_space<hbm>> -> memref<1x128xi32, #tpu.memory_space<hbm>>
    %dma_start3A_483 = tpu.memref_squeeze %dma_start3A_482 : memref<1x128xi32, #tpu.memory_space<hbm>> -> memref<128xi32, #tpu.memory_space<hbm>>
    tpu.enqueue_dma source(%dma_start3A_483 : memref<128xi32, #tpu.memory_space<hbm>>) target(%dma_start3A_480 : memref<128xi32, #tpu.memory_space<vmem>>) target_semaphore(%arg18 : memref<!tpu.dma_semaphore, #tpu.memory_space<semaphore_mem>>)
    %dma_start3A_484 = arith.constant 2 : i32
    %dma_start3A_485 = arith.constant 0 : i32
    %dma_start3A_486 = tpu.memref_slice %arg10[%dma_start3A_484, %dma_start3A_485] : memref<4x128xi32, #tpu.memory_space<vmem>> -> memref<1x128xi32, #tpu.memory_space<vmem>>
    %dma_start3A_487 = tpu.memref_squeeze %dma_start3A_486 : memref<1x128xi32, #tpu.memory_space<vmem>> -> memref<128xi32, #tpu.memory_space<vmem>>
    %dma_start3A_488 = arith.constant 0 : i32
    %dma_start3A_489 = tpu.memref_slice %arg4[%add3A_470, %dma_start3A_488] : memref<2528x128xi32, #tpu.memory_space<hbm>> -> memref<1x128xi32, #tpu.memory_space<hbm>>
    %dma_start3A_490 = tpu.memref_squeeze %dma_start3A_489 : memref<1x128xi32, #tpu.memory_space<hbm>> -> memref<128xi32, #tpu.memory_space<hbm>>
    %dma_start3A_491 = arith.constant 0 : i32
    %dma_start3A_492 = tpu.memref_slice %arg10[%dma_start3A_484, %dma_start3A_491] : memref<4x128xi32, #tpu.memory_space<vmem>> -> memref<1x128xi32, #tpu.memory_space<vmem>>
    %dma_start3A_493 = tpu.memref_squeeze %dma_start3A_492 : memref<1x128xi32, #tpu.memory_space<vmem>> -> memref<128xi32, #tpu.memory_space<vmem>>
    %dma_start3A_494 = arith.constant 0 : i32
    %dma_start3A_495 = tpu.memref_slice %arg4[%add3A_470, %dma_start3A_494] : memref<2528x128xi32, #tpu.memory_space<hbm>> -> memref<1x128xi32, #tpu.memory_space<hbm>>
    %dma_start3A_496 = tpu.memref_squeeze %dma_start3A_495 : memref<1x128xi32, #tpu.memory_space<hbm>> -> memref<128xi32, #tpu.memory_space<hbm>>
    tpu.enqueue_dma source(%dma_start3A_496 : memref<128xi32, #tpu.memory_space<hbm>>) target(%dma_start3A_493 : memref<128xi32, #tpu.memory_space<vmem>>) target_semaphore(%arg18 : memref<!tpu.dma_semaphore, #tpu.memory_space<semaphore_mem>>)
    %dma_wait3A_497 = arith.constant 0 : i32
    %dma_wait3A_498 = arith.constant 0 : i32
    %dma_wait3A_499 = tpu.memref_slice %arg10[%dma_wait3A_497, %dma_wait3A_498] : memref<4x128xi32, #tpu.memory_space<vmem>> -> memref<1x128xi32, #tpu.memory_space<vmem>>
    %dma_wait3A_500 = tpu.memref_squeeze %dma_wait3A_499 : memref<1x128xi32, #tpu.memory_space<vmem>> -> memref<128xi32, #tpu.memory_space<vmem>>
    %dma_wait3A_501 = arith.constant 0 : i32
    %dma_wait3A_502 = arith.constant 0 : i32
    %dma_wait3A_503 = tpu.memref_slice %arg13[%dma_wait3A_501, %dma_wait3A_502] : memref<10240x128xf32, #tpu.memory_space<vmem_shared>> -> memref<10240x128xf32, #tpu.memory_space<vmem_shared>>
    tpu.wait_indirect_dma semaphore(%arg17 : memref<!tpu.dma_semaphore, #tpu.memory_space<semaphore_mem>>) src(%arg12 : memref<128x128xf32, #tpu.memory_space<vmem>>) dst(%dma_wait3A_503 : memref<10240x128xf32, #tpu.memory_space<vmem_shared>>)
    %dma_start3A_504 = arith.constant 0 : i32
    %dma_start3A_505 = arith.constant 0 : i32
    %dma_start3A_506 = tpu.memref_slice %arg10[%dma_start3A_504, %dma_start3A_505] : memref<4x128xi32, #tpu.memory_space<vmem>> -> memref<1x128xi32, #tpu.memory_space<vmem>>
    %dma_start3A_507 = tpu.memref_squeeze %dma_start3A_506 : memref<1x128xi32, #tpu.memory_space<vmem>> -> memref<128xi32, #tpu.memory_space<vmem>>
    %dma_start3A_508 = arith.constant 0 : i32
    %dma_start3A_509 = arith.constant 0 : i32
    %dma_start3A_510 = tpu.memref_slice %arg13[%dma_start3A_508, %dma_start3A_509] : memref<10240x128xf32, #tpu.memory_space<vmem_shared>> -> memref<10240x128xf32, #tpu.memory_space<vmem_shared>>
    tpu.enqueue_indirect_dma source(%arg11 : memref<128x128xf32, #tpu.memory_space<vmem>>) target(%dma_start3A_510 : memref<10240x128xf32, #tpu.memory_space<vmem_shared>>) offsets(%dma_start3A_507 : memref<128xi32, #tpu.memory_space<vmem>>) semaphore(%arg16 : memref<!tpu.dma_semaphore, #tpu.memory_space<semaphore_mem>>) {add = true}
    %dma_wait3A_511 = arith.constant 0 : i32
    %dma_wait3A_512 = arith.constant 0 : i32
    %dma_wait3A_513 = tpu.memref_slice %arg9[%dma_wait3A_511, %dma_wait3A_512] : memref<4x128xi32, #tpu.memory_space<vmem>> -> memref<1x128xi32, #tpu.memory_space<vmem>>
    %dma_wait3A_514 = tpu.memref_squeeze %dma_wait3A_513 : memref<1x128xi32, #tpu.memory_space<vmem>> -> memref<128xi32, #tpu.memory_space<vmem>>
    %dma_wait3A_515 = arith.constant 0 : i32
    %dma_wait3A_516 = arith.constant 0 : i32
    %dma_wait3A_517 = tpu.memref_slice %arg2[%dma_wait3A_515, %dma_wait3A_516] : memref<10000x128xf32, #tpu.memory_space<hbm>> -> memref<10000x128xf32, #tpu.memory_space<hbm>>
    tpu.wait_indirect_dma semaphore(%arg15 : memref<!tpu.dma_semaphore, #tpu.memory_space<semaphore_mem>>) src(%dma_wait3A_517 : memref<10000x128xf32, #tpu.memory_space<hbm>>) dst(%arg12 : memref<128x128xf32, #tpu.memory_space<vmem>>)
    %dma_wait3A_518 = arith.constant 0 : i32
    %dma_wait3A_519 = arith.constant 0 : i32
    %dma_wait3A_520 = arith.constant 0 : i32
    %dma_wait3A_521 = tpu.memref_slice %arg9[%dma_wait3A_519, %dma_wait3A_520] : memref<4x128xi32, #tpu.memory_space<vmem>> -> memref<1x128xi32, #tpu.memory_space<vmem>>
    %dma_wait3A_522 = tpu.memref_squeeze %dma_wait3A_521 : memref<1x128xi32, #tpu.memory_space<vmem>> -> memref<128xi32, #tpu.memory_space<vmem>>
    %dma_wait3A_523 = arith.constant 0 : i32
    %dma_wait3A_524 = tpu.memref_slice %arg3[%dma_wait3A_518, %dma_wait3A_523] : memref<2528x128xi32, #tpu.memory_space<hbm>> -> memref<1x128xi32, #tpu.memory_space<hbm>>
    %dma_wait3A_525 = tpu.memref_squeeze %dma_wait3A_524 : memref<1x128xi32, #tpu.memory_space<hbm>> -> memref<128xi32, #tpu.memory_space<hbm>>
    %dma_wait3A_526 = arith.constant 0 : i32
    %dma_wait3A_527 = tpu.memref_slice %arg9[%dma_wait3A_519, %dma_wait3A_526] : memref<4x128xi32, #tpu.memory_space<vmem>> -> memref<1x128xi32, #tpu.memory_space<vmem>>
    %dma_wait3A_528 = tpu.memref_squeeze %dma_wait3A_527 : memref<1x128xi32, #tpu.memory_space<vmem>> -> memref<128xi32, #tpu.memory_space<vmem>>
    %dma_wait3A_529 = arith.constant 0 : i32
    %dma_wait3A_530 = tpu.memref_slice %arg3[%dma_wait3A_518, %dma_wait3A_529] : memref<2528x128xi32, #tpu.memory_space<hbm>> -> memref<1x128xi32, #tpu.memory_space<hbm>>
    %dma_wait3A_531 = tpu.memref_squeeze %dma_wait3A_530 : memref<1x128xi32, #tpu.memory_space<hbm>> -> memref<128xi32, #tpu.memory_space<hbm>>
    tpu.wait_dma2 semaphore(%arg18 : memref<!tpu.dma_semaphore, #tpu.memory_space<semaphore_mem>>) src(%dma_wait3A_531 : memref<128xi32, #tpu.memory_space<hbm>>) dst(%dma_wait3A_528 : memref<128xi32, #tpu.memory_space<vmem>>)
    %dma_wait3A_532 = arith.constant 0 : i32
    %dma_wait3A_533 = arith.constant 0 : i32
    %dma_wait3A_534 = arith.constant 0 : i32
    %dma_wait3A_535 = tpu.memref_slice %arg10[%dma_wait3A_533, %dma_wait3A_534] : memref<4x128xi32, #tpu.memory_space<vmem>> -> memref<1x128xi32, #tpu.memory_space<vmem>>
    %dma_wait3A_536 = tpu.memref_squeeze %dma_wait3A_535 : memref<1x128xi32, #tpu.memory_space<vmem>> -> memref<128xi32, #tpu.memory_space<vmem>>
    %dma_wait3A_537 = arith.constant 0 : i32
    %dma_wait3A_538 = tpu.memref_slice %arg4[%dma_wait3A_532, %dma_wait3A_537] : memref<2528x128xi32, #tpu.memory_space<hbm>> -> memref<1x128xi32, #tpu.memory_space<hbm>>
    %dma_wait3A_539 = tpu.memref_squeeze %dma_wait3A_538 : memref<1x128xi32, #tpu.memory_space<hbm>> -> memref<128xi32, #tpu.memory_space<hbm>>
    %dma_wait3A_540 = arith.constant 0 : i32
    %dma_wait3A_541 = tpu.memref_slice %arg10[%dma_wait3A_533, %dma_wait3A_540] : memref<4x128xi32, #tpu.memory_space<vmem>> -> memref<1x128xi32, #tpu.memory_space<vmem>>
    %dma_wait3A_542 = tpu.memref_squeeze %dma_wait3A_541 : memref<1x128xi32, #tpu.memory_space<vmem>> -> memref<128xi32, #tpu.memory_space<vmem>>
    %dma_wait3A_543 = arith.constant 0 : i32
    %dma_wait3A_544 = tpu.memref_slice %arg4[%dma_wait3A_532, %dma_wait3A_543] : memref<2528x128xi32, #tpu.memory_space<hbm>> -> memref<1x128xi32, #tpu.memory_space<hbm>>
    %dma_wait3A_545 = tpu.memref_squeeze %dma_wait3A_544 : memref<1x128xi32, #tpu.memory_space<hbm>> -> memref<128xi32, #tpu.memory_space<hbm>>
    tpu.wait_dma2 semaphore(%arg18 : memref<!tpu.dma_semaphore, #tpu.memory_space<semaphore_mem>>) src(%dma_wait3A_545 : memref<128xi32, #tpu.memory_space<hbm>>) dst(%dma_wait3A_542 : memref<128xi32, #tpu.memory_space<vmem>>)
    %dma_start3A_546 = arith.constant 2 : i32
    %dma_start3A_547 = arith.constant 0 : i32
    %dma_start3A_548 = tpu.memref_slice %arg9[%dma_start3A_546, %dma_start3A_547] : memref<4x128xi32, #tpu.memory_space<vmem>> -> memref<1x128xi32, #tpu.memory_space<vmem>>
    %dma_start3A_549 = tpu.memref_squeeze %dma_start3A_548 : memref<1x128xi32, #tpu.memory_space<vmem>> -> memref<128xi32, #tpu.memory_space<vmem>>
    %dma_start3A_550 = arith.constant 0 : i32
    %dma_start3A_551 = arith.constant 0 : i32
    %dma_start3A_552 = tpu.memref_slice %arg2[%dma_start3A_550, %dma_start3A_551] : memref<10000x128xf32, #tpu.memory_space<hbm>> -> memref<10000x128xf32, #tpu.memory_space<hbm>>
    tpu.enqueue_indirect_dma source(%dma_start3A_552 : memref<10000x128xf32, #tpu.memory_space<hbm>>) target(%arg11 : memref<128x128xf32, #tpu.memory_space<vmem>>) offsets(%dma_start3A_549 : memref<128xi32, #tpu.memory_space<vmem>>) semaphore(%arg14 : memref<!tpu.dma_semaphore, #tpu.memory_space<semaphore_mem>>)
    %dma_wait3A_553 = arith.constant 0 : i32
    %dma_wait3A_554 = arith.constant 0 : i32
    %dma_wait3A_555 = tpu.memref_slice %arg10[%dma_wait3A_553, %dma_wait3A_554] : memref<4x128xi32, #tpu.memory_space<vmem>> -> memref<1x128xi32, #tpu.memory_space<vmem>>
    %dma_wait3A_556 = tpu.memref_squeeze %dma_wait3A_555 : memref<1x128xi32, #tpu.memory_space<vmem>> -> memref<128xi32, #tpu.memory_space<vmem>>
    %dma_wait3A_557 = arith.constant 0 : i32
    %dma_wait3A_558 = arith.constant 0 : i32
    %dma_wait3A_559 = tpu.memref_slice %arg13[%dma_wait3A_557, %dma_wait3A_558] : memref<10240x128xf32, #tpu.memory_space<vmem_shared>> -> memref<10240x128xf32, #tpu.memory_space<vmem_shared>>
    tpu.wait_indirect_dma semaphore(%arg16 : memref<!tpu.dma_semaphore, #tpu.memory_space<semaphore_mem>>) src(%arg11 : memref<128x128xf32, #tpu.memory_space<vmem>>) dst(%dma_wait3A_559 : memref<10240x128xf32, #tpu.memory_space<vmem_shared>>)
    %dma_start3A_560 = arith.constant 1 : i32
    %dma_start3A_561 = arith.constant 0 : i32
    %dma_start3A_562 = tpu.memref_slice %arg10[%dma_start3A_560, %dma_start3A_561] : memref<4x128xi32, #tpu.memory_space<vmem>> -> memref<1x128xi32, #tpu.memory_space<vmem>>
    %dma_start3A_563 = tpu.memref_squeeze %dma_start3A_562 : memref<1x128xi32, #tpu.memory_space<vmem>> -> memref<128xi32, #tpu.memory_space<vmem>>
    %dma_start3A_564 = arith.constant 0 : i32
    %dma_start3A_565 = arith.constant 0 : i32
    %dma_start3A_566 = tpu.memref_slice %arg13[%dma_start3A_564, %dma_start3A_565] : memref<10240x128xf32, #tpu.memory_space<vmem_shared>> -> memref<10240x128xf32, #tpu.memory_space<vmem_shared>>
    tpu.enqueue_indirect_dma source(%arg12 : memref<128x128xf32, #tpu.memory_space<vmem>>) target(%dma_start3A_566 : memref<10240x128xf32, #tpu.memory_space<vmem_shared>>) offsets(%dma_start3A_563 : memref<128xi32, #tpu.memory_space<vmem>>) semaphore(%arg17 : memref<!tpu.dma_semaphore, #tpu.memory_space<semaphore_mem>>) {add = true}
    %dma_wait3A_567 = arith.constant 0 : i32
    %dma_wait3A_568 = arith.constant 0 : i32
    %dma_wait3A_569 = tpu.memref_slice %arg9[%dma_wait3A_567, %dma_wait3A_568] : memref<4x128xi32, #tpu.memory_space<vmem>> -> memref<1x128xi32, #tpu.memory_space<vmem>>
    %dma_wait3A_570 = tpu.memref_squeeze %dma_wait3A_569 : memref<1x128xi32, #tpu.memory_space<vmem>> -> memref<128xi32, #tpu.memory_space<vmem>>
    %dma_wait3A_571 = arith.constant 0 : i32
    %dma_wait3A_572 = arith.constant 0 : i32
    %dma_wait3A_573 = tpu.memref_slice %arg2[%dma_wait3A_571, %dma_wait3A_572] : memref<10000x128xf32, #tpu.memory_space<hbm>> -> memref<10000x128xf32, #tpu.memory_space<hbm>>
    tpu.wait_indirect_dma semaphore(%arg14 : memref<!tpu.dma_semaphore, #tpu.memory_space<semaphore_mem>>) src(%dma_wait3A_573 : memref<10000x128xf32, #tpu.memory_space<hbm>>) dst(%arg11 : memref<128x128xf32, #tpu.memory_space<vmem>>)
    %dma_wait3A_574 = arith.constant 0 : i32
    %dma_wait3A_575 = arith.constant 0 : i32
    %dma_wait3A_576 = tpu.memref_slice %arg10[%dma_wait3A_574, %dma_wait3A_575] : memref<4x128xi32, #tpu.memory_space<vmem>> -> memref<1x128xi32, #tpu.memory_space<vmem>>
    %dma_wait3A_577 = tpu.memref_squeeze %dma_wait3A_576 : memref<1x128xi32, #tpu.memory_space<vmem>> -> memref<128xi32, #tpu.memory_space<vmem>>
    %dma_wait3A_578 = arith.constant 0 : i32
    %dma_wait3A_579 = arith.constant 0 : i32
    %dma_wait3A_580 = tpu.memref_slice %arg13[%dma_wait3A_578, %dma_wait3A_579] : memref<10240x128xf32, #tpu.memory_space<vmem_shared>> -> memref<10240x128xf32, #tpu.memory_space<vmem_shared>>
    tpu.wait_indirect_dma semaphore(%arg17 : memref<!tpu.dma_semaphore, #tpu.memory_space<semaphore_mem>>) src(%arg12 : memref<128x128xf32, #tpu.memory_space<vmem>>) dst(%dma_wait3A_580 : memref<10240x128xf32, #tpu.memory_space<vmem_shared>>)
    %dma_start3A_581 = arith.constant 2 : i32
    %dma_start3A_582 = arith.constant 0 : i32
    %dma_start3A_583 = tpu.memref_slice %arg10[%dma_start3A_581, %dma_start3A_582] : memref<4x128xi32, #tpu.memory_space<vmem>> -> memref<1x128xi32, #tpu.memory_space<vmem>>
    %dma_start3A_584 = tpu.memref_squeeze %dma_start3A_583 : memref<1x128xi32, #tpu.memory_space<vmem>> -> memref<128xi32, #tpu.memory_space<vmem>>
    %dma_start3A_585 = arith.constant 0 : i32
    %dma_start3A_586 = arith.constant 0 : i32
    %dma_start3A_587 = tpu.memref_slice %arg13[%dma_start3A_585, %dma_start3A_586] : memref<10240x128xf32, #tpu.memory_space<vmem_shared>> -> memref<10240x128xf32, #tpu.memory_space<vmem_shared>>
    tpu.enqueue_indirect_dma source(%arg11 : memref<128x128xf32, #tpu.memory_space<vmem>>) target(%dma_start3A_587 : memref<10240x128xf32, #tpu.memory_space<vmem_shared>>) offsets(%dma_start3A_584 : memref<128xi32, #tpu.memory_space<vmem>>) semaphore(%arg16 : memref<!tpu.dma_semaphore, #tpu.memory_space<semaphore_mem>>) {add = true}
    %dma_wait3A_588 = arith.constant 0 : i32
    %dma_wait3A_589 = arith.constant 0 : i32
    %dma_wait3A_590 = tpu.memref_slice %arg10[%dma_wait3A_588, %dma_wait3A_589] : memref<4x128xi32, #tpu.memory_space<vmem>> -> memref<1x128xi32, #tpu.memory_space<vmem>>
    %dma_wait3A_591 = tpu.memref_squeeze %dma_wait3A_590 : memref<1x128xi32, #tpu.memory_space<vmem>> -> memref<128xi32, #tpu.memory_space<vmem>>
    %dma_wait3A_592 = arith.constant 0 : i32
    %dma_wait3A_593 = arith.constant 0 : i32
    %dma_wait3A_594 = tpu.memref_slice %arg13[%dma_wait3A_592, %dma_wait3A_593] : memref<10240x128xf32, #tpu.memory_space<vmem_shared>> -> memref<10240x128xf32, #tpu.memory_space<vmem_shared>>
    tpu.wait_indirect_dma semaphore(%arg16 : memref<!tpu.dma_semaphore, #tpu.memory_space<semaphore_mem>>) src(%arg11 : memref<128x128xf32, #tpu.memory_space<vmem>>) dst(%dma_wait3A_594 : memref<10240x128xf32, #tpu.memory_space<vmem_shared>>)
    %barrier3A_595 = arith.constant 0 : index
    tpu.barrier barrier_id(%barrier3A_595)
    %mul3A_596 = arith.constant 640 : i32
    %mul3A_597 = arith.muli %arg1, %mul3A_596 : i32
    %mul3A_598 = arith.constant 10240 : i32
    %mul3A_599 = arith.muli %arg0, %mul3A_598 : i32
    %mul3A_600 = arith.constant 640 : i32
    %mul3A_601 = arith.muli %arg1, %mul3A_600 : i32
    %add3A_602 = arith.addi %mul3A_599, %mul3A_601 : i32
    "tpu.region"() ({
      %run_scoped3A = tpu.sem_alloc : memref<!tpu.dma_semaphore, #tpu.memory_space<semaphore_mem>>
      %dma_start3A_603 = arith.constant 0 : i32
      %dma_start3A_604 = tpu.memref_slice %arg8[%add3A_602, %dma_start3A_603] : memref<20480x128xf32, #tpu.memory_space<hbm>> -> memref<640x128xf32, #tpu.memory_space<hbm>>
      %dma_start3A_605 = arith.constant 0 : i32
      %dma_start3A_606 = tpu.memref_slice %arg13[%mul3A_597, %dma_start3A_605] : memref<10240x128xf32, #tpu.memory_space<vmem_shared>> -> memref<640x128xf32, #tpu.memory_space<vmem_shared>>
      tpu.enqueue_dma source(%dma_start3A_606 : memref<640x128xf32, #tpu.memory_space<vmem_shared>>) target(%dma_start3A_604 : memref<640x128xf32, #tpu.memory_space<hbm>>) target_semaphore(%run_scoped3A : memref<!tpu.dma_semaphore, #tpu.memory_space<semaphore_mem>>)
      %dma_wait3A_607 = arith.constant 0 : i32
      %dma_wait3A_608 = tpu.memref_slice %arg8[%add3A_602, %dma_wait3A_607] : memref<20480x128xf32, #tpu.memory_space<hbm>> -> memref<640x128xf32, #tpu.memory_space<hbm>>
      %dma_wait3A_609 = arith.constant 0 : i32
      %dma_wait3A_610 = tpu.memref_slice %arg13[%mul3A_597, %dma_wait3A_609] : memref<10240x128xf32, #tpu.memory_space<vmem_shared>> -> memref<640x128xf32, #tpu.memory_space<vmem_shared>>
      tpu.wait_dma2 semaphore(%run_scoped3A : memref<!tpu.dma_semaphore, #tpu.memory_space<semaphore_mem>>) src(%dma_wait3A_610 : memref<640x128xf32, #tpu.memory_space<vmem_shared>>) dst(%dma_wait3A_608 : memref<640x128xf32, #tpu.memory_space<hbm>>)
      tpu.yield
    }) : () -> ()
    return
  }
}

module attributes {stable_mosaic.version = 14 : i64} {
  func.func @body(%arg0: i32, %arg1: memref<1000x128xf32, #tpu.memory_space<vmem>>, %arg2: memref<1x1000x128xf32, #tpu.memory_space<vmem>>, %arg3: memref<1x1000x128xf32, #tpu.memory_space<vmem>>, %arg4: memref<1000x1xf32, #tpu.memory_space<vmem>>, %arg5: memref<1000x1xf32, #tpu.memory_space<vmem>>, %arg6: memref<128x128xf32, #tpu.memory_space<vmem>>, %arg7: memref<128x128xf32, #tpu.memory_space<vmem>>, %arg8: memref<1x128xf32, #tpu.memory_space<vmem>>, %arg9: memref<1000x128xf32, #tpu.memory_space<vmem>>, %arg10: memref<1000x8xf32, #tpu.memory_space<vmem>>) attributes {dimension_semantics = [#tpu.dimension_semantics<arbitrary>], iteration_bounds = array<i64: 10>, scalar_prefetch = 0 : i64, scratch_operands = 0 : i64, tpu.core_type = #tpu.core_type<tc>, window_params = [{transform_indices = @transform_0, window_bounds = array<i64: 1000, 128>}, {transform_indices = @transform_1, window_bounds = array<i64: 1, 1000, 128>}, {transform_indices = @transform_2, window_bounds = array<i64: 1, 1000, 128>}, {transform_indices = @transform_3, window_bounds = array<i64: 1000, 1>}, {transform_indices = @transform_4, window_bounds = array<i64: 1000, 1>}, {pipeline_mode = #tpu.pipeline_mode<synchronous>, transform_indices = @transform_5, window_bounds = array<i64: 128, 128>}, {pipeline_mode = #tpu.pipeline_mode<synchronous>, transform_indices = @transform_6, window_bounds = array<i64: 128, 128>}, {pipeline_mode = #tpu.pipeline_mode<synchronous>, transform_indices = @transform_7, window_bounds = array<i64: 1, 128>}, {transform_indices = @transform_8, window_bounds = array<i64: 1000, 128>}, {transform_indices = @transform_9, window_bounds = array<i64: 1000, 8>}]} {
    %get3A = arith.constant 0 : index
    %get3A_0 = arith.constant 0 : index
    %get3A_1 = arith.constant 0 : index
    %get3A_2 = vector.load %arg2[%get3A, %get3A_0, %get3A_1] : memref<1x1000x128xf32, #tpu.memory_space<vmem>>, vector<1x1000x128xf32>
    %get3A_3 = vector.shape_cast %get3A_2 : vector<1x1000x128xf32> to vector<1000x128xf32>
    %get3A_4 = arith.constant 0 : index
    %get3A_5 = arith.constant 0 : index
    %get3A_6 = arith.constant 0 : index
    %get3A_7 = vector.load %arg3[%get3A_4, %get3A_5, %get3A_6] : memref<1x1000x128xf32, #tpu.memory_space<vmem>>, vector<1x1000x128xf32>
    %get3A_8 = vector.shape_cast %get3A_7 : vector<1x1000x128xf32> to vector<1000x128xf32>
    %add3A = arith.addf %get3A_3, %get3A_8 : vector<1000x128xf32>
    %get3A_9 = arith.constant 0 : index
    %get3A_10 = arith.constant 0 : index
    %get3A_11 = vector.load %arg4[%get3A_9, %get3A_10] : memref<1000x1xf32, #tpu.memory_space<vmem>>, vector<1000x1xf32>
    %get3A_12 = arith.constant 0 : index
    %get3A_13 = arith.constant 0 : index
    %get3A_14 = vector.load %arg5[%get3A_12, %get3A_13] : memref<1000x1xf32, #tpu.memory_space<vmem>>, vector<1000x1xf32>
    %add3A_15 = arith.addf %get3A_11, %get3A_14 : vector<1000x1xf32>
    %max3A = arith.constant 1.000000e+00 : f32
    %max3A_16 = vector.broadcast %max3A : f32 to vector<1000x1xf32>
    %max3A_17 = arith.maximumf %add3A_15, %max3A_16 : vector<1000x1xf32>
    %div3A = arith.constant 1.000000e+00 : f32
    %div3A_18 = vector.broadcast %div3A : f32 to vector<1000x1xf32>
    %div3A_19 = arith.divf %div3A_18, %max3A_17 : vector<1000x1xf32>
    %mul3A = vector.broadcast %div3A_19 : vector<1000x1xf32> to vector<1000x128xf32>
    %mul3A_20 = arith.mulf %add3A, %mul3A : vector<1000x128xf32>
    %get3A_21 = arith.constant 0 : index
    %get3A_22 = arith.constant 0 : index
    %get3A_23 = vector.load %arg1[%get3A_21, %get3A_22] : memref<1000x128xf32, #tpu.memory_space<vmem>>, vector<1000x128xf32>
    %get3A_24 = arith.constant 0 : index
    %get3A_25 = arith.constant 0 : index
    %get3A_26 = vector.load %arg6[%get3A_24, %get3A_25] : memref<128x128xf32, #tpu.memory_space<vmem>>, vector<128x128xf32>
    %dot_general3A = arith.constant dense<0.000000e+00> : vector<1000x128xf32>
    %dot_general3A_27 = tpu.matmul %get3A_23, %get3A_26, %dot_general3A {dimension_numbers = #tpu.dot_dimension_numbers<[1], [0], [0], [1], [0, 0, 1, 1], [], []>, transpose_lhs_hint = false} : vector<1000x128xf32>, vector<128x128xf32>, vector<1000x128xf32> -> vector<1000x128xf32>
    %get3A_28 = arith.constant 0 : index
    %get3A_29 = arith.constant 0 : index
    %get3A_30 = vector.load %arg7[%get3A_28, %get3A_29] : memref<128x128xf32, #tpu.memory_space<vmem>>, vector<128x128xf32>
    %dot_general3A_31 = arith.constant dense<0.000000e+00> : vector<1000x128xf32>
    %dot_general3A_32 = tpu.matmul %mul3A_20, %get3A_30, %dot_general3A_31 {dimension_numbers = #tpu.dot_dimension_numbers<[1], [0], [0], [1], [0, 0, 1, 1], [], []>, transpose_lhs_hint = false} : vector<1000x128xf32>, vector<128x128xf32>, vector<1000x128xf32> -> vector<1000x128xf32>
    %add3A_33 = arith.addf %dot_general3A_27, %dot_general3A_32 : vector<1000x128xf32>
    %get3A_34 = arith.constant 0 : index
    %get3A_35 = arith.constant 0 : index
    %get3A_36 = vector.load %arg8[%get3A_34, %get3A_35] : memref<1x128xf32, #tpu.memory_space<vmem>>, vector<1x128xf32>
    %add3A_37 = vector.broadcast %get3A_36 : vector<1x128xf32> to vector<1000x128xf32>
    %add3A_38 = arith.addf %add3A_33, %add3A_37 : vector<1000x128xf32>
    %max3A_39 = arith.constant 0.000000e+00 : f32
    %max3A_40 = vector.broadcast %max3A_39 : f32 to vector<1000x128xf32>
    %max3A_41 = arith.maximumf %add3A_38, %max3A_40 : vector<1000x128xf32>
    %swap3A = arith.constant 0 : index
    %swap3A_42 = arith.constant 0 : index
    %swap3A_43 = vector.load %arg9[%swap3A, %swap3A_42] : memref<1000x128xf32, #tpu.memory_space<vmem>>, vector<1000x128xf32>
    tpu.vector_store %arg9[%swap3A, %swap3A_42], %max3A_41 {strides = array<i32>} : memref<1000x128xf32, #tpu.memory_space<vmem>>, vector<1000x128xf32>,
    %broadcast_in_dim3A = vector.shape_cast %div3A_19 : vector<1000x1xf32> to vector<1000x1xf32>
    %broadcast_in_dim3A_44 = vector.broadcast %broadcast_in_dim3A : vector<1000x1xf32> to vector<1000x8xf32>
    %swap3A_45 = arith.constant 0 : index
    %swap3A_46 = arith.constant 0 : index
    %swap3A_47 = vector.load %arg10[%swap3A_45, %swap3A_46] : memref<1000x8xf32, #tpu.memory_space<vmem>>, vector<1000x8xf32>
    tpu.vector_store %arg10[%swap3A_45, %swap3A_46], %broadcast_in_dim3A_44 {strides = array<i32>} : memref<1000x8xf32, #tpu.memory_space<vmem>>, vector<1000x8xf32>,
    return
  }
  func.func @transform_0(%arg0: i32) -> (i32, i32) {
    %c0_i32 = arith.constant 0 : i32
    %c0_i32_0 = arith.constant 0 : i32
    return %arg0, %c0_i32 : i32, i32
  }
  func.func @transform_1(%arg0: i32) -> (i32, i32, i32) {
    %c0_i32 = arith.constant 0 : i32
    %c0_i32_0 = arith.constant 0 : i32
    %c0_i32_1 = arith.constant 0 : i32
    return %c0_i32, %arg0, %c0_i32_0 : i32, i32, i32
  }
  func.func @transform_2(%arg0: i32) -> (i32, i32, i32) {
    %c1_i32 = arith.constant 1 : i32
    %c0_i32 = arith.constant 0 : i32
    %c0_i32_0 = arith.constant 0 : i32
    return %c1_i32, %arg0, %c0_i32 : i32, i32, i32
  }
  func.func @transform_3(%arg0: i32) -> (i32, i32) {
    %c0_i32 = arith.constant 0 : i32
    %c0_i32_0 = arith.constant 0 : i32
    return %arg0, %c0_i32 : i32, i32
  }
  func.func @transform_4(%arg0: i32) -> (i32, i32) {
    %c0_i32 = arith.constant 0 : i32
    %c0_i32_0 = arith.constant 0 : i32
    return %arg0, %c0_i32 : i32, i32
  }
  func.func @transform_5(%arg0: i32) -> (i32, i32) {
    %c0_i32 = arith.constant 0 : i32
    %c0_i32_0 = arith.constant 0 : i32
    %c0_i32_1 = arith.constant 0 : i32
    return %c0_i32, %c0_i32_0 : i32, i32
  }
  func.func @transform_6(%arg0: i32) -> (i32, i32) {
    %c0_i32 = arith.constant 0 : i32
    %c0_i32_0 = arith.constant 0 : i32
    %c0_i32_1 = arith.constant 0 : i32
    return %c0_i32, %c0_i32_0 : i32, i32
  }
  func.func @transform_7(%arg0: i32) -> (i32, i32) {
    %c0_i32 = arith.constant 0 : i32
    %c0_i32_0 = arith.constant 0 : i32
    %c0_i32_1 = arith.constant 0 : i32
    return %c0_i32, %c0_i32_0 : i32, i32
  }
  func.func @transform_8(%arg0: i32) -> (i32, i32) {
    %c0_i32 = arith.constant 0 : i32
    %c0_i32_0 = arith.constant 0 : i32
    return %arg0, %c0_i32 : i32, i32
  }
  func.func @transform_9(%arg0: i32) -> (i32, i32) {
    %c0_i32 = arith.constant 0 : i32
    %c0_i32_0 = arith.constant 0 : i32
    return %arg0, %c0_i32 : i32, i32
  }
}

module attributes {stable_mosaic.version = 14 : i64} {
  func.func @body(%arg0: i32, %arg1: memref<1000x128xf32, #tpu.memory_space<vmem>>, %arg2: memref<1x1000x128xf32, #tpu.memory_space<vmem>>, %arg3: memref<1x1000x128xf32, #tpu.memory_space<vmem>>, %arg4: memref<1000x8xf32, #tpu.memory_space<vmem>>, %arg5: memref<128x128xf32, #tpu.memory_space<vmem>>, %arg6: memref<128x128xf32, #tpu.memory_space<vmem>>, %arg7: memref<1x128xf32, #tpu.memory_space<vmem>>, %arg8: memref<1000x128xf32, #tpu.memory_space<vmem>>) attributes {dimension_semantics = [#tpu.dimension_semantics<arbitrary>], iteration_bounds = array<i64: 10>, scalar_prefetch = 0 : i64, scratch_operands = 0 : i64, tpu.core_type = #tpu.core_type<tc>, window_params = [{transform_indices = @transform_0, window_bounds = array<i64: 1000, 128>}, {transform_indices = @transform_1, window_bounds = array<i64: 1, 1000, 128>}, {transform_indices = @transform_2, window_bounds = array<i64: 1, 1000, 128>}, {transform_indices = @transform_3, window_bounds = array<i64: 1000, 8>}, {pipeline_mode = #tpu.pipeline_mode<synchronous>, transform_indices = @transform_4, window_bounds = array<i64: 128, 128>}, {pipeline_mode = #tpu.pipeline_mode<synchronous>, transform_indices = @transform_5, window_bounds = array<i64: 128, 128>}, {pipeline_mode = #tpu.pipeline_mode<synchronous>, transform_indices = @transform_6, window_bounds = array<i64: 1, 128>}, {transform_indices = @transform_7, window_bounds = array<i64: 1000, 128>}]} {
    %get3A = arith.constant 0 : index
    %get3A_0 = arith.constant 0 : index
    %get3A_1 = arith.constant 0 : index
    %get3A_2 = vector.load %arg2[%get3A, %get3A_0, %get3A_1] : memref<1x1000x128xf32, #tpu.memory_space<vmem>>, vector<1x1000x128xf32>
    %get3A_3 = vector.shape_cast %get3A_2 : vector<1x1000x128xf32> to vector<1000x128xf32>
    %get3A_4 = arith.constant 0 : index
    %get3A_5 = arith.constant 0 : index
    %get3A_6 = arith.constant 0 : index
    %get3A_7 = vector.load %arg3[%get3A_4, %get3A_5, %get3A_6] : memref<1x1000x128xf32, #tpu.memory_space<vmem>>, vector<1x1000x128xf32>
    %get3A_8 = vector.shape_cast %get3A_7 : vector<1x1000x128xf32> to vector<1000x128xf32>
    %add3A = arith.addf %get3A_3, %get3A_8 : vector<1000x128xf32>
    %get3A_9 = arith.constant 0 : index
    %get3A_10 = arith.constant 0 : index
    %get3A_11 = vector.load %arg4[%get3A_9, %get3A_10] : memref<1000x8xf32, #tpu.memory_space<vmem>>, vector<1000x1xf32>
    %mul3A = vector.broadcast %get3A_11 : vector<1000x1xf32> to vector<1000x128xf32>
    %mul3A_12 = arith.mulf %add3A, %mul3A : vector<1000x128xf32>
    %get3A_13 = arith.constant 0 : index
    %get3A_14 = arith.constant 0 : index
    %get3A_15 = vector.load %arg1[%get3A_13, %get3A_14] : memref<1000x128xf32, #tpu.memory_space<vmem>>, vector<1000x128xf32>
    %get3A_16 = arith.constant 0 : index
    %get3A_17 = arith.constant 0 : index
    %get3A_18 = vector.load %arg5[%get3A_16, %get3A_17] : memref<128x128xf32, #tpu.memory_space<vmem>>, vector<128x128xf32>
    %dot_general3A = arith.constant dense<0.000000e+00> : vector<1000x128xf32>
    %dot_general3A_19 = tpu.matmul %get3A_15, %get3A_18, %dot_general3A {dimension_numbers = #tpu.dot_dimension_numbers<[1], [0], [0], [1], [0, 0, 1, 1], [], []>, transpose_lhs_hint = false} : vector<1000x128xf32>, vector<128x128xf32>, vector<1000x128xf32> -> vector<1000x128xf32>
    %get3A_20 = arith.constant 0 : index
    %get3A_21 = arith.constant 0 : index
    %get3A_22 = vector.load %arg6[%get3A_20, %get3A_21] : memref<128x128xf32, #tpu.memory_space<vmem>>, vector<128x128xf32>
    %dot_general3A_23 = arith.constant dense<0.000000e+00> : vector<1000x128xf32>
    %dot_general3A_24 = tpu.matmul %mul3A_12, %get3A_22, %dot_general3A_23 {dimension_numbers = #tpu.dot_dimension_numbers<[1], [0], [0], [1], [0, 0, 1, 1], [], []>, transpose_lhs_hint = false} : vector<1000x128xf32>, vector<128x128xf32>, vector<1000x128xf32> -> vector<1000x128xf32>
    %add3A_25 = arith.addf %dot_general3A_19, %dot_general3A_24 : vector<1000x128xf32>
    %get3A_26 = arith.constant 0 : index
    %get3A_27 = arith.constant 0 : index
    %get3A_28 = vector.load %arg7[%get3A_26, %get3A_27] : memref<1x128xf32, #tpu.memory_space<vmem>>, vector<1x128xf32>
    %add3A_29 = vector.broadcast %get3A_28 : vector<1x128xf32> to vector<1000x128xf32>
    %add3A_30 = arith.addf %add3A_25, %add3A_29 : vector<1000x128xf32>
    %swap3A = arith.constant 0 : index
    %swap3A_31 = arith.constant 0 : index
    %swap3A_32 = vector.load %arg8[%swap3A, %swap3A_31] : memref<1000x128xf32, #tpu.memory_space<vmem>>, vector<1000x128xf32>
    tpu.vector_store %arg8[%swap3A, %swap3A_31], %add3A_30 {strides = array<i32>} : memref<1000x128xf32, #tpu.memory_space<vmem>>, vector<1000x128xf32>,
    return
  }
  func.func @transform_0(%arg0: i32) -> (i32, i32) {
    %c0_i32 = arith.constant 0 : i32
    %c0_i32_0 = arith.constant 0 : i32
    return %arg0, %c0_i32 : i32, i32
  }
  func.func @transform_1(%arg0: i32) -> (i32, i32, i32) {
    %c0_i32 = arith.constant 0 : i32
    %c0_i32_0 = arith.constant 0 : i32
    %c0_i32_1 = arith.constant 0 : i32
    return %c0_i32, %arg0, %c0_i32_0 : i32, i32, i32
  }
  func.func @transform_2(%arg0: i32) -> (i32, i32, i32) {
    %c1_i32 = arith.constant 1 : i32
    %c0_i32 = arith.constant 0 : i32
    %c0_i32_0 = arith.constant 0 : i32
    return %c1_i32, %arg0, %c0_i32 : i32, i32, i32
  }
  func.func @transform_3(%arg0: i32) -> (i32, i32) {
    %c0_i32 = arith.constant 0 : i32
    %c0_i32_0 = arith.constant 0 : i32
    return %arg0, %c0_i32 : i32, i32
  }
  func.func @transform_4(%arg0: i32) -> (i32, i32) {
    %c0_i32 = arith.constant 0 : i32
    %c0_i32_0 = arith.constant 0 : i32
    %c0_i32_1 = arith.constant 0 : i32
    return %c0_i32, %c0_i32_0 : i32, i32
  }
  func.func @transform_5(%arg0: i32) -> (i32, i32) {
    %c0_i32 = arith.constant 0 : i32
    %c0_i32_0 = arith.constant 0 : i32
    %c0_i32_1 = arith.constant 0 : i32
    return %c0_i32, %c0_i32_0 : i32, i32
  }
  func.func @transform_6(%arg0: i32) -> (i32, i32) {
    %c0_i32 = arith.constant 0 : i32
    %c0_i32_0 = arith.constant 0 : i32
    %c0_i32_1 = arith.constant 0 : i32
    return %c0_i32, %c0_i32_0 : i32, i32
  }
  func.func @transform_7(%arg0: i32) -> (i32, i32) {
    %c0_i32 = arith.constant 0 : i32
    %c0_i32_0 = arith.constant 0 : i32
    return %arg0, %c0_i32 : i32, i32
  }
}

</mosaic_0001>

<sc_bundles>
// kernel: kernel.6.cloned.1.call-start
scs
__scs_entry_jumppad:
0x0: {  	(pc) =	sbr.rel $0x88, $3  }
0x1: {  	(tag) =	ssettag $0x0;
	lr =	simm.s32 $0x1  }
0x2: {  	[smem:$0x3F99] =	sst lr;
	_ =	strace $0xD0000000  }
0x3: {  	_ = 	snop  }
0x4: {  	_ = 	snop  }
0x5: {  	_ = 	snop  }
0x6: {  	_ = 	snop  }
0x7: {  	_ = 	snop  }
__scs_overlays_trampoline_lowered:
0x8: {  	[smem:$0x3FA8] =	sst s0  }
0x9: {  	[smem:$0x3FA9] =	sst s1  }
0xa: {  	[smem:$0x3FAA] =	sst s2  }
0xb: {  	[smem:$0x3FAB] =	sst s3  }
0xc: {  	[smem:$0x3FAC] =	sst s4  }
0xd: {  	[smem:$0x3FAD] =	sst s5  }
0xe: {  	[smem:$0x3FAE] =	sst s6  }
0xf: {  	[smem:$0x3FAF] =	sst s7  }
0x10: {  	[smem:$0x3FB0] =	sst s8  }
0x11: {  	[smem:$0x3FB1] =	sst s9;
	s0 =	simm.s32 @!p0 $0x0  }
0x12: {  	s1 =	sld [smem:$0x3F97];
	s0 =	simm.s32 @p0 $0x1  }
0x13: {  	[smem:$0x3FB2] =	sst s0;
	s0 =	simm.s32 @!p1 $0x0  }
0x14: {  	s2 =	sld [smem:$0x3F96];
	s0 =	simm.s32 @p1 $0x1  }
0x15: {  	[smem:$0x3FB3] =	sst s0;
	s0 =	simm.s32 @!p2 $0x0  }
0x16: {  	s3 =	sld [smem:$0x3FDB];
	s0 =	simm.s32 @p2 $0x1  }
0x17: {  	s4 =	simm.s32 $0x1BF5;
	[smem:$0x3FB5] =	sst s0  }
0x18: {  	s0 =	sld [smem:$0x3F98];
	_ =	swait.ge [sflag:s4], $0x0  }
0x19: {  	s7 =	sld [smem:$0x3F99]  }
0x1a: {  	s8 =	sadd.s32 $0xFFFFE003, lr  }
0x1b: {  	s9 =	sadd.s32 $0xFFFFFEF7, lr;
	s5 =	simm.s32 $0xFFFFFFFF;
	p2 =	slt.u32 s8, $0xFFFFF086  }
0x1c: {  	p1 =	slt.u32 s9, $0xF7A;
	s5 =	simm.s32 @!p2 $0x0  }
0x1d: {  	s5 =	simm.s32 @p1 $0x1;
	p0 =	seq.s32 s7, s2  }
0x1e: {  	s7 =	smul.u32 @!p0 $0xF7A, s2;
	p2 =	seq.s32 @!p0 s5, $0x0  }
0x1f: {  	s9 =	smul.u32 $0xF7A, s1;
	s8 =	simm.s32 @!p0 $0x1BF5;
	p2 =	por !p2, p0  }
0x20: {  	[sflag:s8] =	ssyncset.s32 @!p0 $0xFFFFF086;
	s6 =	sadd.s32 @!p0 s3, s7;
	s7 =	simm.s32 @!p0 $0x108  }
0x21: {  	s3 =	sadd.s32 s3, s9;
	s6 =	sadd.s32 @!p0 $0x88, s6;
	s7 =	simm.s32 @p2 $0x1082  }
0x22: {  	[simem:s7], [sflag:s8] =	dma.local @!p0 [hbm:s6], $0xF7A  }
0x23: {  	s9 =	sor.u32 $0xD0000000, s2;
	s6 =	simm.s32 $0x108;
	_ =	swait.ge @!p0 [sflag:s8], $0x0  }
0x24: {  	s3 =	sadd.s32 $0x88, s3;
	s6 =	simm.s32 @!p1 $0x1082;
	[sflag:s4] =	ssyncset.s32 $0xFFFFF086  }
0x25: {  	[simem:s6], [sflag:s4] =	dma.local [hbm:s3], $0xF7A  }
0x26: {  	[smem:$0x3F99] =	sst s1;
	(tag) =	ssettag s2;
	_ =	strace s9  }
0x27: {  	s1 =	sld [smem:$0x3FA9]  }
0x28: {  	s2 =	sld [smem:$0x3FAA]  }
0x29: {  	s4 =	sld [smem:$0x3FAC]  }
0x2a: {  	p0 =	seq.s32 s5, $0x0;
	s5 =	sld [smem:$0x3FAD]  }
0x2b: {  	s6 =	sld [smem:$0x3FAE]  }
0x2c: {  	s7 =	sld [smem:$0x3FAF]  }
0x2d: {  	s3 =	simm.s32 $0x108;
	s8 =	sld [smem:$0x3FB0]  }
0x2e: {  	s3 =	simm.s32 @!p0 $0x1082;
	s9 =	sld [smem:$0x3FB1]  }
0x2f: {  	lr =	sadd.s32 s0, s3;
	s0 =	sld [smem:$0x3FA8]  }
0x30: {  	s3 =	sld [smem:$0x3FAB]  }
0x31: {  	[smem:$0x3FB4] =	sst s10  }
0x32: {  	s10 =	sld [smem:$0x3FB2];
	_ =	sdelay $0x3  }
0x33: {  	p0 =	seq.s32 s10, $0x1;
	s10 =	sld [smem:$0x3FB4];
	_ =	sdelay $0x3  }
0x34: {  	[smem:$0x3FB4] =	sst s10  }
0x35: {  	s10 =	sld [smem:$0x3FB3];
	_ =	sdelay $0x3  }
0x36: {  	p1 =	seq.s32 s10, $0x1;
	s10 =	sld [smem:$0x3FB4];
	_ =	sdelay $0x3  }
0x37: {  	[smem:$0x3FB4] =	sst s10  }
0x38: {  	s10 =	sld [smem:$0x3FB5]  }
0x39: {  	_ = 	snop;
	(pc) =	sbr.ind lr, $3  }
0x3a: {  	_ = 	snop  }
0x3b: {  	_ = 	snop  }
0x3c: {  	p2 =	seq.s32 s10, $0x1;
	s10 =	sld [smem:$0x3FB4]  }
0x3d: {  	_ =	shalt  }
0x3e: {  	_ =	shalt  }
0x3f: {  	_ =	shalt  }
0x40: {  	_ =	shalt  }
0x41: {  	_ =	shalt  }
0x42: {  	_ =	shalt  }
0x43: {  	_ =	shalt  }
0x44: {  	_ =	shalt  }
0x45: {  	_ =	shalt  }
0x46: {  	_ =	shalt  }
0x47: {  	_ =	shalt  }
0x48: {  	_ =	shalt  }
0x49: {  	_ =	shalt  }
0x4a: {  	_ =	shalt  }
0x4b: {  	_ =	shalt  }
0x4c: {  	_ =	shalt  }
0x4d: {  	_ =	shalt  }
0x4e: {  	_ =	shalt  }
0x4f: {  	_ =	shalt  }
0x50: {  	_ =	shalt  }
0x51: {  	_ =	shalt  }
0x52: {  	_ =	shalt  }
0x53: {  	_ =	shalt  }
0x54: {  	_ =	shalt  }
0x55: {  	_ =	shalt  }
0x56: {  	_ =	shalt  }
0x57: {  	_ =	shalt  }
0x58: {  	_ =	shalt  }
0x59: {  	_ =	shalt  }
0x5a: {  	_ =	shalt  }
0x5b: {  	_ =	shalt  }
0x5c: {  	_ =	shalt  }
0x5d: {  	_ =	shalt  }
0x5e: {  	_ =	shalt  }
0x5f: {  	_ =	shalt  }
0x60: {  	_ =	shalt  }
0x61: {  	_ =	shalt  }
0x62: {  	_ =	shalt  }
0x63: {  	_ =	shalt  }
0x64: {  	_ =	shalt  }
0x65: {  	_ =	shalt  }
0x66: {  	_ =	shalt  }
0x67: {  	_ =	shalt  }
0x68: {  	_ =	shalt  }
0x69: {  	_ =	shalt  }
0x6a: {  	_ =	shalt  }
0x6b: {  	_ =	shalt  }
0x6c: {  	_ =	shalt  }
0x6d: {  	_ =	shalt  }
0x6e: {  	_ =	shalt  }
0x6f: {  	_ =	shalt  }
0x70: {  	_ =	shalt  }
0x71: {  	_ =	shalt  }
0x72: {  	_ =	shalt  }
0x73: {  	_ =	shalt  }
0x74: {  	_ =	shalt  }
0x75: {  	_ =	shalt  }
0x76: {  	_ =	shalt  }
0x77: {  	_ =	shalt  }
0x78: {  	_ =	shalt  }
0x79: {  	_ =	shalt  }
0x7a: {  	_ =	shalt  }
0x7b: {  	_ =	shalt  }
0x7c: {  	_ =	shalt  }
0x7d: {  	_ =	shalt  }
0x7e: {  	_ =	shalt  }
0x7f: {  	_ =	shalt  }
0x80: {  	_ =	shalt  }
0x81: {  	_ =	shalt  }
0x82: {  	_ =	shalt  }
0x83: {  	_ =	shalt  }
0x84: {  	_ =	shalt  }
0x85: {  	_ =	shalt  }
0x86: {  	_ =	shalt  }
0x87: {  	_ =	shalt  }
.Lfunc_end0:
.L_simem_size_0:
called_computation_lowered:
.L_overlay_start_0:
0x88: {  	s2 =	sld [smem:$0x3FD9]  }
0x89: {  	s3 =	sld [smem:$0x3FFE];
	_ =	sdelay $0x1  }
0x8a: {  	s1 =	srdreg.scid  }
0x8b: {  	s0 =	sand.u32 $0x1, s1  }
0x8c: {  	s17 =	sshll.u32 s0, $0xA;
	s2 =	sadd.s32 s3, s2  }
0x8d: {  	s2 =	sadd.s32 s2, s17  }
0x8e: {  	[smem:$0x3FC0] =	sst s2  }
0x8f: {  	_ = 	snop  }
0x90: {  	s2 =	sld [smem:$0x3FC9]  }
0x91: {  	s18 =	sld [smem:$0x3FD0];
	(tm) =	ssettm $0x1  }
0x92: {  	s4 =	sld [smem:$0x3FFB];
	_ =	sdelay $0x3  }
0x93: {  	_ =	strace s4  }
0x94: {  	s4 =	sld [smem:$0x3FFC];
	_ =	sdelay $0x3  }
0x95: {  	_ =	strace s4  }
0x96: {  	s4 =	sld [smem:$0x3FFD];
	_ =	sdelay $0x3  }
0x97: {  	_ =	strace s4  }
0x98: {  	_ =	strace $0x8FFFFFFF  }
0x99: {  	s19 =	sld [smem:$0x3FDB];
	_ =	sdelay $0x1  }
0x9a: {  	s5 =	simm.s32 $_scs_section_size  }
0x9b: {  	s6 =	simm.s32 $_size__tile_overlayer_lowered;
	s7 =	simm.s32 $_tile_overlayer_lowered  }
0x9c: {  	s22 =	simm.s32 $0x1BFF;
	s21 =	sshll.u32 s7, $0x1;
	s4 =	sadd.s32 s5, s19  }
0x9d: {  	s8 =	simm.s32 $0x0;
	s20 =	sshll.u32 s6, $0x1;
	s6 =	sadd.s32 s21, s4  }
0x9e: {  	[timem:s8], [sflag:s22] =	dma.local [hbm:s6], s20  }
0x9f: {  	_ =	swait.ge [sflag:s22], s20  }
0xa0: {  	s5 =	ssub.s32 $0x0, s20;
	[sflag:s22] =	ssyncset.done $0x0  }
0xa1: {  	[sflag:s22] =	ssyncadd.s32 s5;
	_ =	sdelay $0x1  }
0xa2: {  	s23 =	simm.s32 $0x1B8B  }
0xa3: {  	_ =	swait.ge [sflag:s23], $0x1  }
0xa4: {  	[sflag:s23] =	ssyncset.done $0x0  }
0xa5: {  	s25 =	simm.s32 $0x1B8E;
	s24 =	sld [smem:$0x3FFE];
	[sflag:s23] =	ssyncadd.s32 $0xFFFFFFFF  }
0xa6: {  	s26 =	simm.s32 $execute0_lowered;
	[smem:$0x3FD2] =	sst s25  }
0xa7: {  	s6 =	sshll.u32 s26, $0x1;
	_ =	strace $0x80000046;
	[dreg:$0x1] =	wrdreg $0xFFFFFFFF  }
0xa8: {  	s28 =	simm.s32 $_size_execute0_lowered;
	s4 =	sadd.s32 s4, s6;
	[dreg:$0x0] =	wrdreg $0x0  }
0xa9: {  	s6 =	sshll.u32 s28, $0x1;
	[dreg:$0x2] =	wrdreg s4  }
0xaa: {  	[dreg:$0x3] =	wrdreg s6  }
0xab: {  	[dreg:$0x4] =	wrdreg $0xC0  }
0xac: {  	_ =	task [dreg:s8], $0x5FFFF  }
0xad: {  	[dreg:$0x1] =	wrdreg $0xFFFFFFFF  }
0xae: {  	[dreg:$0x0] =	wrdreg $0x60  }
0xaf: {  	[dreg:$0x2] =	wrdreg s2  }
0xb0: {  	[dreg:$0x3] =	wrdreg s24  }
0xb1: {  	[dreg:$0x4] =	wrdreg s18  }
0xb2: {  	[dreg:$0x5] =	wrdreg $0x84000  }
0xb3: {  	[dreg:$0x6] =	wrdreg $0x1EE800  }
0xb4: {  	[dreg:$0x7] =	wrdreg $0x9  }
0xb5: {  	_ =	task.clear_ibuf [dreg:s8], $0x8FFFF;
	_ =	strace $0x90000046  }
0xb6: {  	s29 =	simm.s32 $0x9;
	_ =	strace $0x80000048  }
0xb7: {  	_ =	swait.ge [sflag:s29], $0x1  }
0xb8: {  	[sflag:s29] =	ssyncadd.s32 $0xFFFFFFFF  }
0xb9: {  	_ =	strace $0x90000048  }
0xba: {  	_ =	sfence  }
0xbb: {  	s30 =	sld [smem:$0x0];
	_ =	sdelay $0x2  }
0xbc: {  	s31 =	sshll.u32 s1, $0xD;
	s1 =	sshrl.u32 s1, $0x2  }
0xbd: {  	s3 =	sand.u32 $0x4000, s31;
	s1 =	sadd.s32 s1, s30  }
0xbe: {  	s0 =	sor.u32 s3, s0;
	s1 =	sshll.u32 s1, $0x11  }
0xbf: {  	s0 =	sor.u32 s1, s0  }
0xc0: {  	s0 =	sadd.s32 $0x8F2B, s0  }
0xc1: {  	[sflag:s0] =	ssyncadd.remote.s32 $0x1  }
0xc2: {  	_ =	sfence.sel $0xFFFF  }
0xc3: {  	[dreg:$0x0] =	wrdreg $0xFFFFFFFF;
	(pc) =	sbr.abs _section_cstart, $3  }
0xc4: {  	[dreg:$0x1] =	wrdreg $0xFFFFFFFF  }
0xc5: {  	_ =	task.clear_ibuf [dreg:s8], $0x2FFFF;
	_ =	strace $0x9FFFFFFF  }
0xc6: {  	(tm) =	ssettm $0x7FFFFFFF  }
0xc7: {  	_ =	shalt  }
tec
execute0_lowered:
.L_overlay_start_1:
0x0: {  	(tag) =	ssettag $0x1  }
0x1: {  	s1 =	rddreg [dreg:$0x0]  }
0x2: {  	s0 =	rddreg [dreg:$0x1]  }
0x3: {  	s3 =	rddreg [dreg:$0x2]  }
0x4: {  	s2 =	rddreg [dreg:$0x3]  }
0x5: {  	s17 =	rddreg [dreg:$0x4];
	s5 =	simm.s32 $0x0;
	s4 =	srdreg.scid  }
0x6: {  	s18 =	stileid.u32;
	s28 =	simm.s32 $0x1EC00;
	[smem:$0x7FF] =	sst s5  }
0x7: {  	s6 =	sadd.s32 $0xC400, s0;
	s4 =	sand.u32 $0x1, s4;
	s7 =	smul.u32 $0x280, s18  }
0x8: {  	s8 =	sadd.s32 $0x2600, s0;
	s13 =	sshll.u32 s18, $0x4;
	s14 =	smul.u32 $0x50, s18  }
0x9: {  	_ =	strace $0x80000047;
	s9 =	smul.u32 $0x2800, s4;
	s10 =	ssub.s32 $0x2, s4  }
0xa: {  	s12 =	sshll.u32 s4, $0x8;
	s4 =	smul.u32 $0x500, s4;
	s11 =	sshrl.u32 s10, $0x1  }
0xb: {  	s21 =	sadd.s32 s12, s8;
	s9 =	sadd.s32 s7, s9;
	s10 =	ssub.s32 s10, s11  }
0xc: {  	s11 =	sor.u32 s13, s12;
	s4 =	sadd.s32 s14, s4;
	s23 =	sadd.s32 s13, s21  }
0xd: {  	s12 =	sadd.s32 s12, s6;
	s15 =	sadd.s32 s6, s11;
	s24 =	sor.u32 $0x200, s11  }
0xe: {  	s25 =	sor.u32 $0x400, s11;
	s29 =	sor.u32 $0x600, s11;
	s20 =	sor.u32 $0x800, s11  }
0xf: {  	s3 =	sadd.s32 s3, s4;
	[dreg:$0x6] =	wrdreg s23;
	s14 =	sshll.u32 s9, $0x4  }
0x10: {  	s21 =	sadd.s32 s13, s12;
	s23 =	sadd.s32 $0x16400, s0;
	[dreg:$0x7] =	wrdreg s15  }
0x11: {  	s31 =	smax.u32 s10, $0x1;
	s16 =	sadd.s32 s6, s24;
	[dreg:$0xe] =	wrdreg s3  }
0x12: {  	s4 =	simm.s32 $0x1C400;
	s15 =	sadd.s32 s8, s24;
	[dreg:$0x8] =	wrdreg s16  }
0x13: {  	s9 =	simm.s32 $0x5;
	s26 =	sadd.s32 s6, s25;
	[dreg:$0x9] =	wrdreg s15  }
0x14: {  	s10 =	simm.s32 $0x400;
	s30 =	sadd.s32 s6, s29;
	[dreg:$0xa] =	wrdreg s26  }
0x15: {  	s12 =	simm.s32 $0x6;
	s19 =	sadd.s32 s8, s29;
	[dreg:$0xc] =	wrdreg s30  }
0x16: {  	s13 =	simm.s32 $0x4400;
	s22 =	sadd.s32 s6, s20;
	[dreg:$0xd] =	wrdreg s19  }
0x17: {  	s24 =	sadd.s32 s8, s20;
	s29 =	sor.u32 $0x9C00, s11;
	[dreg:$0xf] =	wrdreg s22  }
0x18: {  	s15 =	sadd.s32 s8, s25;
	[dreg:$0x10] =	wrdreg s24;
	s25 =	sor.u32 $0x9A00, s11  }
0x19: {  	s26 =	sadd.s32 s8, s11;
	s11 =	sadd.s32 s6, s29;
	s16 =	sadd.s32 s14, s0  }
0x1a: {  	s19 =	sadd.s32 $0x16A00, s0;
	s0 =	sadd.s32 $0x16200, s0;
	[dreg:$0xb] =	wrdreg s15  }
0x1b: {  	s22 =	sshll.u32 s18, $0x6;
	s24 =	sshrl.u32 s7, $0x3;
	[dreg:$0x11] =	wrdreg s26  }
0x1c: {  	s14 =	simm.s32 $0x100;
	s30 =	sadd.s32 s6, s25;
	[dreg:$0x15] =	wrdreg s11  }
0x1d: {  	s3 =	sadd.s32 s8, s25;
	s8 =	sadd.s32 s8, s29;
	[dreg:$0x16] =	wrdreg s19  }
0x1e: {  	s15 =	smul.u32 $0x50000, s18;
	[dreg:$0x17] =	wrdreg s0;
	s26 =	sor.u32 $0x1C07, s22  }
0x1f: {  	s25 =	sadd.s32 s7, s17;
	s29 =	sadd.s32 s23, s24;
	[dreg:$0x12] =	wrdreg s30  }
0x20: {  	s6 =	simm.s32 $0x200;
	s7 =	simm.s32 $0x80;
	[dreg:$0x13] =	wrdreg s3  }
0x21: {  	s11 =	simm.s32 $0x1;
	s17 =	simm.s32 $0x180;
	[dreg:$0x14] =	wrdreg s8  }
0x22: {  	s18 =	simm.s32 $0x380;
	s19 =	simm.s32 $0x3;
	[dreg:$0x19] =	wrdreg s25  }
0x23: {  	s22 =	simm.s32 $0x0;
	[dreg:$0x1a] =	wrdreg s29;
	s30 =	sadd.s32 $0x19200, s16  }
0x24: {  	s8 =	simm.s32 $0x280;
	s16 =	simm.s32 $0x2;
	s20 =	sshrl.u32 s15, $0x2  }
0x25: {  	[dreg:$0x1b] =	wrdreg s30;
	s15 =	simm.s32 $0x300;
	s0 =	sadd.s32 s20, s2  }
0x26: {  	v0 =	vimm.f32 $1.000000000e+00;
	s20 =	simm.s32 $0x4;
	[dreg:$0x18] =	wrdreg s0;
	s0 =	simm.s32 $0x7  }
.LBB2_1:
0x27: {  	s3 =	rddreg [dreg:$0x18]  }
0x28: {  	s30 =	rddreg [dreg:$0x16];
	s24 =	sshrl.u32 s3, $0x3  }
0x29: {  	[spmem:s24], [sflag:s26] =	dma.local [hbm:s30], $0x2800  }
0x2a: {  	_ =	swait.ge [sflag:s0], $0x2800  }
0x2b: {  	[sflag:s0] =	ssyncset.done $0x0  }
0x2c: {  	[sflag:s0] =	ssyncadd.s32 $0xFFFFD800  }
0x2d: {  	[tilespmem:s4], [sflag:$0x7] =	stream.linear.gather [hbm4b:s23+s5], $0x2800, $0x38;
	[tilespmem:$0x1F100] =	vst v63  }
0x2e: {  	_ =	swait.ge [sflag:s0], $0x2800  }
0x2f: {  	[sflag:s0] =	ssyncset.done $0x0  }
0x30: {  	s25 =	rddreg [dreg:$0x17];
	[sflag:s0] =	ssyncadd.s32 $0xFFFFD800  }
0x31: {  	[tilespmem:s28], [sflag:$0x7] =	stream.linear.gather [hbm4b:s25+s5], $0x280, $0x38;
	[tilespmem:$0x1F100] =	vst v63  }
0x32: {  	_ =	swait.ge [sflag:s0], $0x280  }
0x33: {  	[sflag:s0] =	ssyncset.done $0x0;
	s28 =	rddreg [dreg:$0x19]  }
0x34: {  	s29 =	rddreg [dreg:$0x1a];
	[sflag:s0] =	ssyncadd.s32 $0xFFFFFD80;
	s25 =	sshrl.u32 s28, $0x3  }
0x35: {  	[spmem:s25], [sflag:s26] =	dma.local [hbm:s29], $0x50  }
0x36: {  	_ =	swait.ge [sflag:s0], $0x50  }
0x37: {  	[sflag:s0] =	ssyncset.done $0x0  }
0x38: {  	[sflag:s0] =	ssyncadd.s32 $0xFFFFFFB0  }
0x39: {  	[bflag:$0x0] =	sbarrier.arrive $0xFFFF  }
0x3a: {  	s30 =	rddreg [dreg:$0x7]  }
0x3b: {  	[tilespmem:s5], [sflag:$0x5] =	stream.linear.gather [hbm4b:s30+s5], $0x80, $0x38;
	[tilespmem:$0x1F100] =	vst v63  }
0x3c: {  	s28 =	rddreg [dreg:$0x11]  }
0x3d: {  	[tilespmem:s6], [sflag:$0x5] =	stream.linear.gather [hbm4b:s28+s5], $0x80, $0x38;
	[tilespmem:$0x1F100] =	vst v63  }
0x3e: {  	s29 =	rddreg [dreg:$0x8]  }
0x3f: {  	[tilespmem:s7], [sflag:$0x6] =	stream.linear.gather [hbm4b:s29+s5], $0x80, $0x38;
	[tilespmem:$0x1F100] =	vst v63  }
0x40: {  	s30 =	rddreg [dreg:$0x9]  }
0x41: {  	[tilespmem:s8], [sflag:$0x6] =	stream.linear.gather [hbm4b:s30+s5], $0x80, $0x38;
	[tilespmem:$0x1F100] =	vst v63  }
0x42: {  	_ =	swait.ge [sflag:s9], $0x80  }
0x43: {  	[sflag:s9] =	ssyncset.done $0x0  }
0x44: {  	[sflag:s9] =	ssyncadd.s32 $0xFFFFFF80  }
0x45: {  	_ =	swait.ge [sflag:s9], $0x80  }
0x46: {  	[sflag:s9] =	ssyncset.done $0x0  }
0x47: {  	[sflag:s9] =	ssyncadd.s32 $0xFFFFFF80  }
0x48: {  	[tilespmem:s10], [sflag:$0x1] =	stream.indirect.gather [hbm4b:s1+s7], $0x80, s5, s7, $0xb8;
	[tilespmem:$0x1F100] =	vst v63  }
0x49: {  	_ =	swait.ge [sflag:s11], $0x4000  }
0x4a: {  	[sflag:s11] =	ssyncset.done $0x0  }
0x4b: {  	[sflag:s11] =	ssyncadd.s32 $0xFFFFC000  }
0x4c: {  	_ =	swait.ge [sflag:s12], $0x80  }
0x4d: {  	[sflag:s12] =	ssyncset.done $0x0  }
0x4e: {  	[sflag:s12] =	ssyncadd.s32 $0xFFFFFF80  }
0x4f: {  	_ =	swait.ge [sflag:s12], $0x80  }
0x50: {  	[sflag:s12] =	ssyncset.done $0x0  }
0x51: {  	[sflag:s12] =	ssyncadd.s32 $0xFFFFFF80  }
0x52: {  	[tilespmem:s13], [sflag:$0x2] =	stream.indirect.gather [hbm4b:s1+s7], $0x80, s7, s7, $0xb8;
	[tilespmem:$0x1F100] =	vst v63  }
0x53: {  	s28 =	rddreg [dreg:$0xa]  }
0x54: {  	[tilespmem:s14], [sflag:$0x5] =	stream.linear.gather [hbm4b:s28+s5], $0x80, $0x38;
	[tilespmem:$0x1F100] =	vst v63  }
0x55: {  	s29 =	rddreg [dreg:$0xb]  }
0x56: {  	[tilespmem:s15], [sflag:$0x5] =	stream.linear.gather [hbm4b:s29+s5], $0x80, $0x38;
	[tilespmem:$0x1F100] =	vst v63  }
0x57: {  	v1 =	vld [tilespmem:$0x200];
	_ =	sdelay $0x7  }
0x58: {  	[tilespmem:v1+s4+$0x0] =	vst.idx.add.f32.msk $0xffff, v0  }
0x59: {  	v1 =	vld [tilespmem:$0x210];
	_ =	sdelay $0x7  }
0x5a: {  	[tilespmem:v1+s4+$0x0] =	vst.idx.add.f32.msk $0xffff, v0  }
0x5b: {  	v1 =	vld [tilespmem:$0x220];
	_ =	sdelay $0x7  }
0x5c: {  	[tilespmem:v1+s4+$0x0] =	vst.idx.add.f32.msk $0xffff, v0  }
0x5d: {  	v1 =	vld [tilespmem:$0x230];
	_ =	sdelay $0x7  }
0x5e: {  	[tilespmem:v1+s4+$0x0] =	vst.idx.add.f32.msk $0xffff, v0  }
0x5f: {  	v1 =	vld [tilespmem:$0x240];
	_ =	sdelay $0x7  }
0x60: {  	[tilespmem:v1+s4+$0x0] =	vst.idx.add.f32.msk $0xffff, v0  }
0x61: {  	v1 =	vld [tilespmem:$0x250];
	_ =	sdelay $0x7  }
0x62: {  	[tilespmem:v1+s4+$0x0] =	vst.idx.add.f32.msk $0xffff, v0  }
0x63: {  	v1 =	vld [tilespmem:$0x260];
	_ =	sdelay $0x7  }
0x64: {  	[tilespmem:v1+s4+$0x0] =	vst.idx.add.f32.msk $0xffff, v0  }
0x65: {  	v1 =	vld [tilespmem:$0x270];
	_ =	sdelay $0x7  }
0x66: {  	[tilespmem:v1+s4+$0x0] =	vst.idx.add.f32.msk $0xffff, v0  }
0x67: {  	[spmem:s2] =	stream.indirect.scatter.add.f32 [tilespmem:s10], [sflag:$0x3], $0x80, s6, s7, $0xb8;
	[tilespmem:$0x1F100] =	vst v63  }
0x68: {  	_ =	swait.ge [sflag:s16], $0x4000  }
0x69: {  	[sflag:s16] =	ssyncset.done $0x0  }
0x6a: {  	[sflag:s16] =	ssyncadd.s32 $0xFFFFC000  }
0x6b: {  	_ =	swait.ge [sflag:s9], $0x80  }
0x6c: {  	[sflag:s9] =	ssyncset.done $0x0  }
0x6d: {  	[sflag:s9] =	ssyncadd.s32 $0xFFFFFF80  }
0x6e: {  	_ =	swait.ge [sflag:s9], $0x80  }
0x6f: {  	[sflag:s9] =	ssyncset.done $0x0  }
0x70: {  	[sflag:s9] =	ssyncadd.s32 $0xFFFFFF80  }
0x71: {  	[tilespmem:s10], [sflag:$0x1] =	stream.indirect.gather [hbm4b:s1+s7], $0x80, s14, s7, $0xb8;
	[tilespmem:$0x1F100] =	vst v63  }
0x72: {  	s30 =	rddreg [dreg:$0xc]  }
0x73: {  	[tilespmem:s17], [sflag:$0x6] =	stream.linear.gather [hbm4b:s30+s5], $0x80, $0x38;
	[tilespmem:$0x1F100] =	vst v63  }
0x74: {  	s28 =	rddreg [dreg:$0xd]  }
0x75: {  	[tilespmem:s18], [sflag:$0x6] =	stream.linear.gather [hbm4b:s28+s5], $0x80, $0x38;
	[tilespmem:$0x1F100] =	vst v63  }
0x76: {  	v1 =	vld [tilespmem:$0x280];
	_ =	sdelay $0x7  }
0x77: {  	[tilespmem:v1+s4+$0x0] =	vst.idx.add.f32.msk $0xffff, v0  }
0x78: {  	v1 =	vld [tilespmem:$0x290];
	_ =	sdelay $0x7  }
0x79: {  	[tilespmem:v1+s4+$0x0] =	vst.idx.add.f32.msk $0xffff, v0  }
0x7a: {  	v1 =	vld [tilespmem:$0x2A0];
	_ =	sdelay $0x7  }
0x7b: {  	[tilespmem:v1+s4+$0x0] =	vst.idx.add.f32.msk $0xffff, v0  }
0x7c: {  	v1 =	vld [tilespmem:$0x2B0];
	_ =	sdelay $0x7  }
0x7d: {  	[tilespmem:v1+s4+$0x0] =	vst.idx.add.f32.msk $0xffff, v0  }
0x7e: {  	v1 =	vld [tilespmem:$0x2C0];
	_ =	sdelay $0x7  }
0x7f: {  	[tilespmem:v1+s4+$0x0] =	vst.idx.add.f32.msk $0xffff, v0  }
0x80: {  	v1 =	vld [tilespmem:$0x2D0];
	_ =	sdelay $0x7  }
0x81: {  	[tilespmem:v1+s4+$0x0] =	vst.idx.add.f32.msk $0xffff, v0  }
0x82: {  	v1 =	vld [tilespmem:$0x2E0];
	_ =	sdelay $0x7  }
0x83: {  	[tilespmem:v1+s4+$0x0] =	vst.idx.add.f32.msk $0xffff, v0  }
0x84: {  	v1 =	vld [tilespmem:$0x2F0];
	_ =	sdelay $0x7  }
0x85: {  	[tilespmem:v1+s4+$0x0] =	vst.idx.add.f32.msk $0xffff, v0  }
0x86: {  	_ =	swait.ge [sflag:s19], $0x4000  }
0x87: {  	[sflag:s19] =	ssyncset.done $0x0  }
0x88: {  	[sflag:s19] =	ssyncadd.s32 $0xFFFFC000  }
0x89: {  	[spmem:s2] =	stream.indirect.scatter.add.f32 [tilespmem:s13], [sflag:$0x4], $0x80, s8, s7, $0xb8;
	[tilespmem:$0x1F100] =	vst v63  }
0x8a: {  	_ =	swait.ge [sflag:s11], $0x4000  }
0x8b: {  	[sflag:s11] =	ssyncset.done $0x0  }
0x8c: {  	[sflag:s11] =	ssyncadd.s32 $0xFFFFC000  }
0x8d: {  	_ =	swait.ge [sflag:s12], $0x80  }
0x8e: {  	[sflag:s12] =	ssyncset.done $0x0  }
0x8f: {  	[sflag:s12] =	ssyncadd.s32 $0xFFFFFF80  }
0x90: {  	_ =	swait.ge [sflag:s12], $0x80  }
0x91: {  	[sflag:s12] =	ssyncset.done $0x0  }
0x92: {  	[sflag:s12] =	ssyncadd.s32 $0xFFFFFF80  }
0x93: {  	[tilespmem:s13], [sflag:$0x2] =	stream.indirect.gather [hbm4b:s1+s7], $0x80, s17, s7, $0xb8;
	[tilespmem:$0x1F100] =	vst v63  }
0x94: {  	s29 =	rddreg [dreg:$0xf]  }
0x95: {  	[tilespmem:s5], [sflag:$0x5] =	stream.linear.gather [hbm4b:s29+s5], $0x80, $0x38;
	[tilespmem:$0x1F100] =	vst v63  }
0x96: {  	s30 =	rddreg [dreg:$0x10]  }
0x97: {  	[tilespmem:s6], [sflag:$0x5] =	stream.linear.gather [hbm4b:s30+s5], $0x80, $0x38;
	[tilespmem:$0x1F100] =	vst v63  }
0x98: {  	v1 =	vld [tilespmem:$0x300];
	_ =	sdelay $0x7  }
0x99: {  	[tilespmem:v1+s4+$0x0] =	vst.idx.add.f32.msk $0xffff, v0  }
0x9a: {  	v1 =	vld [tilespmem:$0x310];
	_ =	sdelay $0x7  }
0x9b: {  	[tilespmem:v1+s4+$0x0] =	vst.idx.add.f32.msk $0xffff, v0  }
0x9c: {  	v1 =	vld [tilespmem:$0x320];
	_ =	sdelay $0x7  }
0x9d: {  	[tilespmem:v1+s4+$0x0] =	vst.idx.add.f32.msk $0xffff, v0  }
0x9e: {  	v1 =	vld [tilespmem:$0x330];
	_ =	sdelay $0x7  }
0x9f: {  	[tilespmem:v1+s4+$0x0] =	vst.idx.add.f32.msk $0xffff, v0  }
0xa0: {  	v1 =	vld [tilespmem:$0x340];
	_ =	sdelay $0x7  }
0xa1: {  	[tilespmem:v1+s4+$0x0] =	vst.idx.add.f32.msk $0xffff, v0  }
0xa2: {  	v1 =	vld [tilespmem:$0x350];
	_ =	sdelay $0x7  }
0xa3: {  	[tilespmem:v1+s4+$0x0] =	vst.idx.add.f32.msk $0xffff, v0  }
0xa4: {  	v1 =	vld [tilespmem:$0x360];
	_ =	sdelay $0x7  }
0xa5: {  	[tilespmem:v1+s4+$0x0] =	vst.idx.add.f32.msk $0xffff, v0  }
0xa6: {  	v1 =	vld [tilespmem:$0x370];
	_ =	sdelay $0x7  }
0xa7: {  	[tilespmem:v1+s4+$0x0] =	vst.idx.add.f32.msk $0xffff, v0  }
0xa8: {  	_ =	swait.ge [sflag:s20], $0x4000  }
0xa9: {  	[sflag:s20] =	ssyncset.done $0x0  }
0xaa: {  	s3 =	simm.s32 $0x0;
	[sflag:s20] =	ssyncadd.s32 $0xFFFFC000  }
0xab: {  	[spmem:s2] =	stream.indirect.scatter.add.f32 [tilespmem:s10], [sflag:$0x3], $0x80, s15, s7, $0xb8;
	[tilespmem:$0x1F100] =	vst v63  }
.LBB2_2:
0xac: {  	_ =	swait.ge [sflag:s16], $0x4000  }
0xad: {  	[sflag:s16] =	ssyncset.done $0x0  }
0xae: {  	[sflag:s16] =	ssyncadd.s32 $0xFFFFC000  }
0xaf: {  	_ =	swait.ge [sflag:s9], $0x80  }
0xb0: {  	[sflag:s9] =	ssyncset.done $0x0  }
0xb1: {  	[sflag:s9] =	ssyncadd.s32 $0xFFFFFF80  }
0xb2: {  	_ =	swait.ge [sflag:s9], $0x80  }
0xb3: {  	[sflag:s9] =	ssyncset.done $0x0  }
0xb4: {  	s28 =	sadd.s32 s3, s21;
	s29 =	rddreg [dreg:$0x6];
	[sflag:s9] =	ssyncadd.s32 $0xFFFFFF80  }
0xb5: {  	[tilespmem:s10], [sflag:$0x1] =	stream.indirect.gather [hbm4b:s1+s7], $0x80, s5, s7, $0xb8;
	[tilespmem:$0x1F100] =	vst v63  }
0xb6: {  	s30 =	sadd.s32 $0xA00, s28;
	s29 =	sadd.s32 s3, s29  }
0xb7: {  	[tilespmem:s7], [sflag:$0x6] =	stream.linear.gather [hbm4b:s30+s5], $0x80, $0x38;
	[tilespmem:$0x1F100] =	vst v63  }
0xb8: {  	s30 =	sadd.s32 $0xA00, s29  }
0xb9: {  	[tilespmem:s8], [sflag:$0x6] =	stream.linear.gather [hbm4b:s30+s5], $0x80, $0x38;
	[tilespmem:$0x1F100] =	vst v63  }
0xba: {  	v1 =	vld [tilespmem:$0x380];
	_ =	sdelay $0x7  }
0xbb: {  	[tilespmem:v1+s4+$0x0] =	vst.idx.add.f32.msk $0xffff, v0  }
0xbc: {  	v1 =	vld [tilespmem:$0x390];
	_ =	sdelay $0x7  }
0xbd: {  	[tilespmem:v1+s4+$0x0] =	vst.idx.add.f32.msk $0xffff, v0  }
0xbe: {  	v1 =	vld [tilespmem:$0x3A0];
	_ =	sdelay $0x7  }
0xbf: {  	[tilespmem:v1+s4+$0x0] =	vst.idx.add.f32.msk $0xffff, v0  }
0xc0: {  	v1 =	vld [tilespmem:$0x3B0];
	_ =	sdelay $0x7  }
0xc1: {  	[tilespmem:v1+s4+$0x0] =	vst.idx.add.f32.msk $0xffff, v0  }
0xc2: {  	v1 =	vld [tilespmem:$0x3C0];
	_ =	sdelay $0x7  }
0xc3: {  	[tilespmem:v1+s4+$0x0] =	vst.idx.add.f32.msk $0xffff, v0  }
0xc4: {  	v1 =	vld [tilespmem:$0x3D0];
	_ =	sdelay $0x7  }
0xc5: {  	[tilespmem:v1+s4+$0x0] =	vst.idx.add.f32.msk $0xffff, v0  }
0xc6: {  	v1 =	vld [tilespmem:$0x3E0];
	_ =	sdelay $0x7  }
0xc7: {  	[tilespmem:v1+s4+$0x0] =	vst.idx.add.f32.msk $0xffff, v0  }
0xc8: {  	v1 =	vld [tilespmem:$0x3F0];
	_ =	sdelay $0x7  }
0xc9: {  	[tilespmem:v1+s4+$0x0] =	vst.idx.add.f32.msk $0xffff, v0  }
0xca: {  	_ =	swait.ge [sflag:s19], $0x4000  }
0xcb: {  	[sflag:s19] =	ssyncset.done $0x0  }
0xcc: {  	[sflag:s19] =	ssyncadd.s32 $0xFFFFC000  }
0xcd: {  	[spmem:s2] =	stream.indirect.scatter.add.f32 [tilespmem:s13], [sflag:$0x4], $0x80, s18, s7, $0xb8;
	[tilespmem:$0x1F100] =	vst v63  }
0xce: {  	_ =	swait.ge [sflag:s11], $0x4000  }
0xcf: {  	[sflag:s11] =	ssyncset.done $0x0  }
0xd0: {  	[sflag:s11] =	ssyncadd.s32 $0xFFFFC000  }
0xd1: {  	_ =	swait.ge [sflag:s12], $0x80  }
0xd2: {  	[sflag:s12] =	ssyncset.done $0x0  }
0xd3: {  	[sflag:s12] =	ssyncadd.s32 $0xFFFFFF80  }
0xd4: {  	_ =	swait.ge [sflag:s12], $0x80  }
0xd5: {  	[sflag:s12] =	ssyncset.done $0x0  }
0xd6: {  	[sflag:s12] =	ssyncadd.s32 $0xFFFFFF80  }
0xd7: {  	[tilespmem:s13], [sflag:$0x2] =	stream.indirect.gather [hbm4b:s1+s7], $0x80, s7, s7, $0xb8;
	[tilespmem:$0x1F100] =	vst v63  }
0xd8: {  	s30 =	sadd.s32 $0xC00, s28  }
0xd9: {  	[tilespmem:s14], [sflag:$0x5] =	stream.linear.gather [hbm4b:s30+s5], $0x80, $0x38;
	[tilespmem:$0x1F100] =	vst v63  }
0xda: {  	s30 =	sadd.s32 $0xC00, s29  }
0xdb: {  	[tilespmem:s15], [sflag:$0x5] =	stream.linear.gather [hbm4b:s30+s5], $0x80, $0x38;
	[tilespmem:$0x1F100] =	vst v63  }
0xdc: {  	v1 =	vld [tilespmem:$0x200];
	_ =	sdelay $0x7  }
0xdd: {  	[tilespmem:v1+s4+$0x0] =	vst.idx.add.f32.msk $0xffff, v0  }
0xde: {  	v1 =	vld [tilespmem:$0x210];
	_ =	sdelay $0x7  }
0xdf: {  	[tilespmem:v1+s4+$0x0] =	vst.idx.add.f32.msk $0xffff, v0  }
0xe0: {  	v1 =	vld [tilespmem:$0x220];
	_ =	sdelay $0x7  }
0xe1: {  	[tilespmem:v1+s4+$0x0] =	vst.idx.add.f32.msk $0xffff, v0  }
0xe2: {  	v1 =	vld [tilespmem:$0x230];
	_ =	sdelay $0x7  }
0xe3: {  	[tilespmem:v1+s4+$0x0] =	vst.idx.add.f32.msk $0xffff, v0  }
0xe4: {  	v1 =	vld [tilespmem:$0x240];
	_ =	sdelay $0x7  }
0xe5: {  	[tilespmem:v1+s4+$0x0] =	vst.idx.add.f32.msk $0xffff, v0  }
0xe6: {  	v1 =	vld [tilespmem:$0x250];
	_ =	sdelay $0x7  }
0xe7: {  	[tilespmem:v1+s4+$0x0] =	vst.idx.add.f32.msk $0xffff, v0  }
0xe8: {  	v1 =	vld [tilespmem:$0x260];
	_ =	sdelay $0x7  }
0xe9: {  	[tilespmem:v1+s4+$0x0] =	vst.idx.add.f32.msk $0xffff, v0  }
0xea: {  	v1 =	vld [tilespmem:$0x270];
	_ =	sdelay $0x7  }
0xeb: {  	[tilespmem:v1+s4+$0x0] =	vst.idx.add.f32.msk $0xffff, v0  }
0xec: {  	_ =	swait.ge [sflag:s20], $0x4000  }
0xed: {  	[sflag:s20] =	ssyncset.done $0x0  }
0xee: {  	[sflag:s20] =	ssyncadd.s32 $0xFFFFC000  }
0xef: {  	[spmem:s2] =	stream.indirect.scatter.add.f32 [tilespmem:s10], [sflag:$0x3], $0x80, s6, s7, $0xb8;
	[tilespmem:$0x1F100] =	vst v63  }
0xf0: {  	_ =	swait.ge [sflag:s16], $0x4000  }
0xf1: {  	[sflag:s16] =	ssyncset.done $0x0  }
0xf2: {  	[sflag:s16] =	ssyncadd.s32 $0xFFFFC000  }
0xf3: {  	_ =	swait.ge [sflag:s9], $0x80  }
0xf4: {  	[sflag:s9] =	ssyncset.done $0x0  }
0xf5: {  	[sflag:s9] =	ssyncadd.s32 $0xFFFFFF80  }
0xf6: {  	_ =	swait.ge [sflag:s9], $0x80  }
0xf7: {  	[sflag:s9] =	ssyncset.done $0x0  }
0xf8: {  	[sflag:s9] =	ssyncadd.s32 $0xFFFFFF80  }
0xf9: {  	[tilespmem:s10], [sflag:$0x1] =	stream.indirect.gather [hbm4b:s1+s7], $0x80, s14, s7, $0xb8;
	[tilespmem:$0x1F100] =	vst v63  }
0xfa: {  	s30 =	sadd.s32 $0xE00, s28  }
0xfb: {  	[tilespmem:s17], [sflag:$0x6] =	stream.linear.gather [hbm4b:s30+s5], $0x80, $0x38;
	[tilespmem:$0x1F100] =	vst v63  }
0xfc: {  	s30 =	sadd.s32 $0xE00, s29  }
0xfd: {  	[tilespmem:s18], [sflag:$0x6] =	stream.linear.gather [hbm4b:s30+s5], $0x80, $0x38;
	[tilespmem:$0x1F100] =	vst v63  }
0xfe: {  	v1 =	vld [tilespmem:$0x280];
	_ =	sdelay $0x7  }
0xff: {  	[tilespmem:v1+s4+$0x0] =	vst.idx.add.f32.msk $0xffff, v0  }
0x100: {  	v1 =	vld [tilespmem:$0x290];
	_ =	sdelay $0x7  }
0x101: {  	[tilespmem:v1+s4+$0x0] =	vst.idx.add.f32.msk $0xffff, v0  }
0x102: {  	v1 =	vld [tilespmem:$0x2A0];
	_ =	sdelay $0x7  }
0x103: {  	[tilespmem:v1+s4+$0x0] =	vst.idx.add.f32.msk $0xffff, v0  }
0x104: {  	v1 =	vld [tilespmem:$0x2B0];
	_ =	sdelay $0x7  }
0x105: {  	[tilespmem:v1+s4+$0x0] =	vst.idx.add.f32.msk $0xffff, v0  }
0x106: {  	v1 =	vld [tilespmem:$0x2C0];
	_ =	sdelay $0x7  }
0x107: {  	[tilespmem:v1+s4+$0x0] =	vst.idx.add.f32.msk $0xffff, v0  }
0x108: {  	v1 =	vld [tilespmem:$0x2D0];
	_ =	sdelay $0x7  }
0x109: {  	[tilespmem:v1+s4+$0x0] =	vst.idx.add.f32.msk $0xffff, v0  }
0x10a: {  	v1 =	vld [tilespmem:$0x2E0];
	_ =	sdelay $0x7  }
0x10b: {  	[tilespmem:v1+s4+$0x0] =	vst.idx.add.f32.msk $0xffff, v0  }
0x10c: {  	v1 =	vld [tilespmem:$0x2F0];
	_ =	sdelay $0x7  }
0x10d: {  	[tilespmem:v1+s4+$0x0] =	vst.idx.add.f32.msk $0xffff, v0  }
0x10e: {  	_ =	swait.ge [sflag:s19], $0x4000  }
0x10f: {  	[sflag:s19] =	ssyncset.done $0x0  }
0x110: {  	[sflag:s19] =	ssyncadd.s32 $0xFFFFC000  }
0x111: {  	[spmem:s2] =	stream.indirect.scatter.add.f32 [tilespmem:s13], [sflag:$0x4], $0x80, s8, s7, $0xb8;
	[tilespmem:$0x1F100] =	vst v63  }
0x112: {  	_ =	swait.ge [sflag:s11], $0x4000  }
0x113: {  	[sflag:s11] =	ssyncset.done $0x0  }
0x114: {  	[sflag:s11] =	ssyncadd.s32 $0xFFFFC000  }
0x115: {  	_ =	swait.ge [sflag:s12], $0x80  }
0x116: {  	[sflag:s12] =	ssyncset.done $0x0  }
0x117: {  	[sflag:s12] =	ssyncadd.s32 $0xFFFFFF80  }
0x118: {  	_ =	swait.ge [sflag:s12], $0x80  }
0x119: {  	[sflag:s12] =	ssyncset.done $0x0  }
0x11a: {  	[sflag:s12] =	ssyncadd.s32 $0xFFFFFF80  }
0x11b: {  	[tilespmem:s13], [sflag:$0x2] =	stream.indirect.gather [hbm4b:s1+s7], $0x80, s17, s7, $0xb8;
	[tilespmem:$0x1F100] =	vst v63  }
0x11c: {  	s28 =	sadd.s32 $0x1000, s28  }
0x11d: {  	[tilespmem:s5], [sflag:$0x5] =	stream.linear.gather [hbm4b:s28+s5], $0x80, $0x38;
	[tilespmem:$0x1F100] =	vst v63  }
0x11e: {  	s30 =	sadd.s32 $0x1000, s29  }
0x11f: {  	[tilespmem:s6], [sflag:$0x5] =	stream.linear.gather [hbm4b:s30+s5], $0x80, $0x38;
	[tilespmem:$0x1F100] =	vst v63  }
0x120: {  	v1 =	vld [tilespmem:$0x300];
	_ =	sdelay $0x7  }
0x121: {  	[tilespmem:v1+s4+$0x0] =	vst.idx.add.f32.msk $0xffff, v0  }
0x122: {  	v1 =	vld [tilespmem:$0x310];
	_ =	sdelay $0x7  }
0x123: {  	[tilespmem:v1+s4+$0x0] =	vst.idx.add.f32.msk $0xffff, v0  }
0x124: {  	v1 =	vld [tilespmem:$0x320];
	_ =	sdelay $0x7  }
0x125: {  	[tilespmem:v1+s4+$0x0] =	vst.idx.add.f32.msk $0xffff, v0  }
0x126: {  	v1 =	vld [tilespmem:$0x330];
	_ =	sdelay $0x7  }
0x127: {  	[tilespmem:v1+s4+$0x0] =	vst.idx.add.f32.msk $0xffff, v0  }
0x128: {  	v1 =	vld [tilespmem:$0x340];
	_ =	sdelay $0x7  }
0x129: {  	[tilespmem:v1+s4+$0x0] =	vst.idx.add.f32.msk $0xffff, v0  }
0x12a: {  	v1 =	vld [tilespmem:$0x350];
	_ =	sdelay $0x7  }
0x12b: {  	[tilespmem:v1+s4+$0x0] =	vst.idx.add.f32.msk $0xffff, v0  }
0x12c: {  	v1 =	vld [tilespmem:$0x360];
	_ =	sdelay $0x7  }
0x12d: {  	[tilespmem:v1+s4+$0x0] =	vst.idx.add.f32.msk $0xffff, v0  }
0x12e: {  	v1 =	vld [tilespmem:$0x370];
	_ =	sdelay $0x6  }
0x12f: {  	p0 =	sne.s32 s3, $0x8800  }
.Ltmp0:
0x130: {  	[tilespmem:v1+s4+$0x0] =	vst.idx.add.f32.msk $0xffff, v0;
	(pc) =	sbr.rel @p0 .LBB2_2-.Ltmp0, $4  }
0x131: {  	_ =	swait.ge [sflag:s20], $0x4000  }
0x132: {  	[sflag:s20] =	ssyncset.done $0x0  }
0x133: {  	s3 =	sadd.s32 $0x800, s3;
	[sflag:s20] =	ssyncadd.s32 $0xFFFFC000  }
0x134: {  	[spmem:s2] =	stream.indirect.scatter.add.f32 [tilespmem:s10], [sflag:$0x3], $0x80, s15, s7, $0xb8;
	[tilespmem:$0x1F100] =	vst v63  }
0x135: {  	_ =	swait.ge [sflag:s16], $0x4000  }
0x136: {  	[sflag:s16] =	ssyncset.done $0x0  }
0x137: {  	[sflag:s16] =	ssyncadd.s32 $0xFFFFC000  }
0x138: {  	_ =	swait.ge [sflag:s9], $0x80  }
0x139: {  	[sflag:s9] =	ssyncset.done $0x0  }
0x13a: {  	[sflag:s9] =	ssyncadd.s32 $0xFFFFFF80  }
0x13b: {  	_ =	swait.ge [sflag:s9], $0x80  }
0x13c: {  	[sflag:s9] =	ssyncset.done $0x0  }
0x13d: {  	[sflag:s9] =	ssyncadd.s32 $0xFFFFFF80  }
0x13e: {  	[tilespmem:s10], [sflag:$0x1] =	stream.indirect.gather [hbm4b:s1+s7], $0x80, s5, s7, $0xb8;
	[tilespmem:$0x1F100] =	vst v63  }
0x13f: {  	s3 =	rddreg [dreg:$0x12]  }
0x140: {  	[tilespmem:s7], [sflag:$0x6] =	stream.linear.gather [hbm4b:s3+s5], $0x80, $0x38;
	[tilespmem:$0x1F100] =	vst v63  }
0x141: {  	s29 =	rddreg [dreg:$0x13]  }
0x142: {  	[tilespmem:s8], [sflag:$0x6] =	stream.linear.gather [hbm4b:s29+s5], $0x80, $0x38;
	[tilespmem:$0x1F100] =	vst v63  }
0x143: {  	v1 =	vld [tilespmem:$0x380];
	_ =	sdelay $0x7  }
0x144: {  	[tilespmem:v1+s4+$0x0] =	vst.idx.add.f32.msk $0xffff, v0  }
0x145: {  	v1 =	vld [tilespmem:$0x390];
	_ =	sdelay $0x7  }
0x146: {  	[tilespmem:v1+s4+$0x0] =	vst.idx.add.f32.msk $0xffff, v0  }
0x147: {  	v1 =	vld [tilespmem:$0x3A0];
	_ =	sdelay $0x7  }
0x148: {  	[tilespmem:v1+s4+$0x0] =	vst.idx.add.f32.msk $0xffff, v0  }
0x149: {  	v1 =	vld [tilespmem:$0x3B0];
	_ =	sdelay $0x7  }
0x14a: {  	[tilespmem:v1+s4+$0x0] =	vst.idx.add.f32.msk $0xffff, v0  }
0x14b: {  	v1 =	vld [tilespmem:$0x3C0];
	_ =	sdelay $0x7  }
0x14c: {  	[tilespmem:v1+s4+$0x0] =	vst.idx.add.f32.msk $0xffff, v0  }
0x14d: {  	v1 =	vld [tilespmem:$0x3D0];
	_ =	sdelay $0x7  }
0x14e: {  	[tilespmem:v1+s4+$0x0] =	vst.idx.add.f32.msk $0xffff, v0  }
0x14f: {  	v1 =	vld [tilespmem:$0x3E0];
	_ =	sdelay $0x7  }
0x150: {  	[tilespmem:v1+s4+$0x0] =	vst.idx.add.f32.msk $0xffff, v0  }
0x151: {  	v1 =	vld [tilespmem:$0x3F0];
	_ =	sdelay $0x7  }
0x152: {  	[tilespmem:v1+s4+$0x0] =	vst.idx.add.f32.msk $0xffff, v0  }
0x153: {  	_ =	swait.ge [sflag:s19], $0x4000  }
0x154: {  	[sflag:s19] =	ssyncset.done $0x0  }
0x155: {  	[sflag:s19] =	ssyncadd.s32 $0xFFFFC000  }
0x156: {  	[spmem:s2] =	stream.indirect.scatter.add.f32 [tilespmem:s13], [sflag:$0x4], $0x80, s18, s7, $0xb8;
	[tilespmem:$0x1F100] =	vst v63  }
0x157: {  	_ =	swait.ge [sflag:s11], $0x4000  }
0x158: {  	[sflag:s11] =	ssyncset.done $0x0  }
0x159: {  	[sflag:s11] =	ssyncadd.s32 $0xFFFFC000  }
0x15a: {  	_ =	swait.ge [sflag:s12], $0x80  }
0x15b: {  	[sflag:s12] =	ssyncset.done $0x0  }
0x15c: {  	[sflag:s12] =	ssyncadd.s32 $0xFFFFFF80  }
0x15d: {  	_ =	swait.ge [sflag:s12], $0x80  }
0x15e: {  	[sflag:s12] =	ssyncset.done $0x0  }
0x15f: {  	[sflag:s12] =	ssyncadd.s32 $0xFFFFFF80  }
0x160: {  	[tilespmem:s13], [sflag:$0x2] =	stream.indirect.gather [hbm4b:s1+s7], $0x80, s7, s7, $0xb8;
	[tilespmem:$0x1F100] =	vst v63  }
0x161: {  	s30 =	rddreg [dreg:$0x15]  }
0x162: {  	[tilespmem:s14], [sflag:$0x5] =	stream.linear.gather [hbm4b:s30+s5], $0x80, $0x38;
	[tilespmem:$0x1F100] =	vst v63  }
0x163: {  	s29 =	rddreg [dreg:$0x14]  }
0x164: {  	[tilespmem:s15], [sflag:$0x5] =	stream.linear.gather [hbm4b:s29+s5], $0x80, $0x38;
	[tilespmem:$0x1F100] =	vst v63  }
0x165: {  	v1 =	vld [tilespmem:$0x200];
	_ =	sdelay $0x7  }
0x166: {  	[tilespmem:v1+s4+$0x0] =	vst.idx.add.f32.msk $0xffff, v0  }
0x167: {  	v1 =	vld [tilespmem:$0x210];
	_ =	sdelay $0x7  }
0x168: {  	[tilespmem:v1+s4+$0x0] =	vst.idx.add.f32.msk $0xffff, v0  }
0x169: {  	v1 =	vld [tilespmem:$0x220];
	_ =	sdelay $0x7  }
0x16a: {  	[tilespmem:v1+s4+$0x0] =	vst.idx.add.f32.msk $0xffff, v0  }
0x16b: {  	v1 =	vld [tilespmem:$0x230];
	_ =	sdelay $0x7  }
0x16c: {  	[tilespmem:v1+s4+$0x0] =	vst.idx.add.f32.msk $0xffff, v0  }
0x16d: {  	v1 =	vld [tilespmem:$0x240];
	_ =	sdelay $0x7  }
0x16e: {  	[tilespmem:v1+s4+$0x0] =	vst.idx.add.f32.msk $0xffff, v0  }
0x16f: {  	v1 =	vld [tilespmem:$0x250];
	_ =	sdelay $0x7  }
0x170: {  	[tilespmem:v1+s4+$0x0] =	vst.idx.add.f32.msk $0xffff, v0  }
0x171: {  	v1 =	vld [tilespmem:$0x260];
	_ =	sdelay $0x7  }
0x172: {  	[tilespmem:v1+s4+$0x0] =	vst.idx.add.f32.msk $0xffff, v0  }
0x173: {  	v1 =	vld [tilespmem:$0x270];
	_ =	sdelay $0x7  }
0x174: {  	[tilespmem:v1+s4+$0x0] =	vst.idx.add.f32.msk $0xffff, v0  }
0x175: {  	_ =	swait.ge [sflag:s20], $0x4000  }
0x176: {  	[sflag:s20] =	ssyncset.done $0x0  }
0x177: {  	[sflag:s20] =	ssyncadd.s32 $0xFFFFC000  }
0x178: {  	[spmem:s2] =	stream.indirect.scatter.add.f32 [tilespmem:s10], [sflag:$0x3], $0x80, s6, s7, $0xb8;
	[tilespmem:$0x1F100] =	vst v63  }
0x179: {  	_ =	swait.ge [sflag:s16], $0x4000  }
0x17a: {  	[sflag:s16] =	ssyncset.done $0x0  }
0x17b: {  	[sflag:s16] =	ssyncadd.s32 $0xFFFFC000  }
0x17c: {  	_ =	swait.ge [sflag:s9], $0x80  }
0x17d: {  	[sflag:s9] =	ssyncset.done $0x0  }
0x17e: {  	[sflag:s9] =	ssyncadd.s32 $0xFFFFFF80  }
0x17f: {  	_ =	swait.ge [sflag:s9], $0x80  }
0x180: {  	[sflag:s9] =	ssyncset.done $0x0  }
0x181: {  	[sflag:s9] =	ssyncadd.s32 $0xFFFFFF80  }
0x182: {  	[tilespmem:s10], [sflag:$0x1] =	stream.indirect.gather [hbm4b:s1+s7], $0x80, s14, s7, $0xb8;
	[tilespmem:$0x1F100] =	vst v63  }
0x183: {  	v1 =	vld [tilespmem:$0x280];
	_ =	sdelay $0x7  }
0x184: {  	[tilespmem:v1+s4+$0x0] =	vst.idx.add.f32.msk $0xffff, v0  }
0x185: {  	v1 =	vld [tilespmem:$0x290];
	_ =	sdelay $0x7  }
0x186: {  	[tilespmem:v1+s4+$0x0] =	vst.idx.add.f32.msk $0xffff, v0  }
0x187: {  	v1 =	vld [tilespmem:$0x2A0];
	_ =	sdelay $0x7  }
0x188: {  	[tilespmem:v1+s4+$0x0] =	vst.idx.add.f32.msk $0xffff, v0  }
0x189: {  	v1 =	vld [tilespmem:$0x2B0];
	_ =	sdelay $0x7  }
0x18a: {  	[tilespmem:v1+s4+$0x0] =	vst.idx.add.f32.msk $0xffff, v0  }
0x18b: {  	v1 =	vld [tilespmem:$0x2C0];
	_ =	sdelay $0x7  }
0x18c: {  	[tilespmem:v1+s4+$0x0] =	vst.idx.add.f32.msk $0xffff, v0  }
0x18d: {  	v1 =	vld [tilespmem:$0x2D0];
	_ =	sdelay $0x7  }
0x18e: {  	[tilespmem:v1+s4+$0x0] =	vst.idx.add.f32.msk $0xffff, v0  }
0x18f: {  	v1 =	vld [tilespmem:$0x2E0];
	_ =	sdelay $0x7  }
0x190: {  	[tilespmem:v1+s4+$0x0] =	vst.idx.add.f32.msk $0xffff, v0  }
0x191: {  	v1 =	vld [tilespmem:$0x2F0];
	_ =	sdelay $0x7  }
0x192: {  	[tilespmem:v1+s4+$0x0] =	vst.idx.add.f32.msk $0xffff, v0  }
0x193: {  	_ =	swait.ge [sflag:s19], $0x4000  }
0x194: {  	[sflag:s19] =	ssyncset.done $0x0  }
0x195: {  	[sflag:s19] =	ssyncadd.s32 $0xFFFFC000  }
0x196: {  	[spmem:s2] =	stream.indirect.scatter.add.f32 [tilespmem:s13], [sflag:$0x4], $0x80, s8, s7, $0xb8;
	[tilespmem:$0x1F100] =	vst v63  }
0x197: {  	_ =	swait.ge [sflag:s11], $0x4000  }
0x198: {  	[sflag:s11] =	ssyncset.done $0x0  }
0x199: {  	[sflag:s11] =	ssyncadd.s32 $0xFFFFC000  }
0x19a: {  	v1 =	vld [tilespmem:$0x300];
	_ =	sdelay $0x7  }
0x19b: {  	[tilespmem:v1+s4+$0x0] =	vst.idx.add.f32.msk $0xffff, v0  }
0x19c: {  	v1 =	vld [tilespmem:$0x310];
	_ =	sdelay $0x7  }
0x19d: {  	[tilespmem:v1+s4+$0x0] =	vst.idx.add.f32.msk $0xffff, v0  }
0x19e: {  	v1 =	vld [tilespmem:$0x320];
	_ =	sdelay $0x7  }
0x19f: {  	[tilespmem:v1+s4+$0x0] =	vst.idx.add.f32.msk $0xffff, v0  }
0x1a0: {  	v1 =	vld [tilespmem:$0x330];
	_ =	sdelay $0x7  }
0x1a1: {  	[tilespmem:v1+s4+$0x0] =	vst.idx.add.f32.msk $0xffff, v0  }
0x1a2: {  	v1 =	vld [tilespmem:$0x340];
	_ =	sdelay $0x7  }
0x1a3: {  	[tilespmem:v1+s4+$0x0] =	vst.idx.add.f32.msk $0xffff, v0  }
0x1a4: {  	v1 =	vld [tilespmem:$0x350];
	_ =	sdelay $0x7  }
0x1a5: {  	[tilespmem:v1+s4+$0x0] =	vst.idx.add.f32.msk $0xffff, v0  }
0x1a6: {  	v1 =	vld [tilespmem:$0x360];
	_ =	sdelay $0x7  }
0x1a7: {  	[tilespmem:v1+s4+$0x0] =	vst.idx.add.f32.msk $0xffff, v0  }
0x1a8: {  	v1 =	vld [tilespmem:$0x370];
	_ =	sdelay $0x7  }
0x1a9: {  	[tilespmem:v1+s4+$0x0] =	vst.idx.add.f32.msk $0xffff, v0  }
0x1aa: {  	_ =	swait.ge [sflag:s20], $0x4000  }
0x1ab: {  	[sflag:s20] =	ssyncset.done $0x0  }
0x1ac: {  	[sflag:s20] =	ssyncadd.s32 $0xFFFFC000  }
0x1ad: {  	[spmem:s2] =	stream.indirect.scatter.add.f32 [tilespmem:s10], [sflag:$0x3], $0x80, s15, s7, $0xb8;
	[tilespmem:$0x1F100] =	vst v63  }
0x1ae: {  	_ =	swait.ge [sflag:s19], $0x4000  }
0x1af: {  	[sflag:s19] =	ssyncset.done $0x0  }
0x1b0: {  	[sflag:s19] =	ssyncadd.s32 $0xFFFFC000  }
0x1b1: {  	s28 =	simm.s32 $0x1EC00;
	s30 =	rddreg [dreg:$0x4]  }
0x1b2: {  	[spmem:s30] =	stream.indirect.scatter.add.f32 [tilespmem:s4], [sflag:$0x7], $0x10, s28, s8, $0xb8;
	[tilespmem:$0x1F100] =	vst v63  }
0x1b3: {  	_ =	swait.ge [sflag:s0], $0x2800  }
0x1b4: {  	[sflag:s0] =	ssyncset.done $0x0  }
0x1b5: {  	[sflag:s0] =	ssyncadd.s32 $0xFFFFD800  }
0x1b6: {  	[bflag:$0x0] =	sbarrier.arrive $0xFFFF  }
0x1b7: {  	s29 =	rddreg [dreg:$0x1b]  }
0x1b8: {  	[hbm:s29], [sflag:s26] =	dma.local [spmem:s24], $0x2800  }
0x1b9: {  	s22 =	sadd.s32 $0x1, s22;
	_ =	swait.ge [sflag:s0], $0x2800  }
0x1ba: {  	p0 =	sne.s32 s22, s31;
	[sflag:s0] =	ssyncset.done $0x0  }
.Ltmp1:
0x1bb: {  	s30 =	rddreg [dreg:$0xe];
	[sflag:s0] =	ssyncadd.s32 $0xFFFFD800;
	(pc) =	sbr.rel @p0 .LBB2_1-.Ltmp1, $4  }
0x1bc: {  	[hbm:s30], [sflag:s26] =	dma.local [spmem:s25], $0x50  }
0x1bd: {  	_ =	swait.ge [sflag:s0], $0x50  }
0x1be: {  	[sflag:s0] =	ssyncset.done $0x0  }
0x1bf: {  	[sflag:s0] =	ssyncadd.s32 $0xFFFFFFB0  }
0x1c0: {  	_ =	sfence.sel $0x180000  }
0x1c1: {  	[bflag:$0x0] =	sbarrier.arrive $0xFFFF  }
0x1c2: {  	_ =	strace $0x90000047  }
0x1c3: {  	s0 =	stileid.u32;
	[bflag:$0x2] =	sbarrier.arrive $0xFFFF  }
0x1c4: {  	p0 =	sne.s32 s0, $0x0;
	s0 =	rddreg [dreg:$0x5]  }
0x1c5: {  	s0 =	sadd.s32 @!p0 $0x100000, s0  }
0x1c6: {  	[sflag:s0] =	ssyncadd.tile.s32 @!p0 $0x1;
	_ =	shalt  }
.Lfunc_end2:
_tile_overlayer_lowered:
.L_overlay_start_2:
0x1c7: {  	(tag) =	ssettag $0x2  }
0x1c8: {  	s0 =	rddreg [dreg:$0x0];
	s2 =	stileid.u32  }
0x1c9: {  	s1 =	rddreg [dreg:$0x1];
	p0 =	sne.s32 s2, $0x0  }
0x1ca: {  	s3 =	rddreg [dreg:$0x2];
	[bflag:$0x3] =	sbarrier.arrive $0xFFFF;
	s2 =	simm.s32 @!p0 $0x1C07  }
0x1cb: {  	[timem:s3], [sflag:s2] =	dma.local @!p0 [hbm:s0], s1  }
0x1cc: {  	s0 =	simm.s32 @!p0 $0x7  }
0x1cd: {  	_ =	swait.ge @!p0 [sflag:s0], s1  }
0x1ce: {  	s1 =	ssub.s32 @!p0 $0x0, s1;
	[sflag:s0] =	ssyncset.done @!p0 $0x0  }
0x1cf: {  	[sflag:s0] =	ssyncadd.s32 @!p0 s1  }
0x1d0: {  	[bflag:$0x3] =	sbarrier.arrive $0xFFFF  }
0x1d1: {  	_ =	shalt  }

// kernel: kernel.9.cloned.1.call-start
scs
__scs_entry_jumppad:
0x0: {  	(pc) =	sbr.rel $0x88, $3  }
0x1: {  	(tag) =	ssettag $0x0;
	lr =	simm.s32 $0x1  }
0x2: {  	[smem:$0x3F99] =	sst lr;
	_ =	strace $0xD0000000  }
0x3: {  	_ = 	snop  }
0x4: {  	_ = 	snop  }
0x5: {  	_ = 	snop  }
0x6: {  	_ = 	snop  }
0x7: {  	_ = 	snop  }
__scs_overlays_trampoline_lowered:
0x8: {  	[smem:$0x3FA8] =	sst s0  }
0x9: {  	[smem:$0x3FA9] =	sst s1  }
0xa: {  	[smem:$0x3FAA] =	sst s2  }
0xb: {  	[smem:$0x3FAB] =	sst s3  }
0xc: {  	[smem:$0x3FAC] =	sst s4  }
0xd: {  	[smem:$0x3FAD] =	sst s5  }
0xe: {  	[smem:$0x3FAE] =	sst s6  }
0xf: {  	[smem:$0x3FAF] =	sst s7  }
0x10: {  	[smem:$0x3FB0] =	sst s8  }
0x11: {  	[smem:$0x3FB1] =	sst s9;
	s0 =	simm.s32 @!p0 $0x0  }
0x12: {  	s1 =	sld [smem:$0x3F97];
	s0 =	simm.s32 @p0 $0x1  }
0x13: {  	[smem:$0x3FB2] =	sst s0;
	s0 =	simm.s32 @!p1 $0x0  }
0x14: {  	s2 =	sld [smem:$0x3F96];
	s0 =	simm.s32 @p1 $0x1  }
0x15: {  	[smem:$0x3FB3] =	sst s0;
	s0 =	simm.s32 @!p2 $0x0  }
0x16: {  	s3 =	sld [smem:$0x3FDB];
	s0 =	simm.s32 @p2 $0x1  }
0x17: {  	s4 =	simm.s32 $0x1BF5;
	[smem:$0x3FB5] =	sst s0  }
0x18: {  	s0 =	sld [smem:$0x3F98];
	_ =	swait.ge [sflag:s4], $0x0  }
0x19: {  	s7 =	sld [smem:$0x3F99]  }
0x1a: {  	s8 =	sadd.s32 $0xFFFFE003, lr  }
0x1b: {  	s9 =	sadd.s32 $0xFFFFFEF7, lr;
	s5 =	simm.s32 $0xFFFFFFFF;
	p2 =	slt.u32 s8, $0xFFFFF086  }
0x1c: {  	p1 =	slt.u32 s9, $0xF7A;
	s5 =	simm.s32 @!p2 $0x0  }
0x1d: {  	s5 =	simm.s32 @p1 $0x1;
	p0 =	seq.s32 s7, s2  }
0x1e: {  	s7 =	smul.u32 @!p0 $0xF7A, s2;
	p2 =	seq.s32 @!p0 s5, $0x0  }
0x1f: {  	s9 =	smul.u32 $0xF7A, s1;
	s8 =	simm.s32 @!p0 $0x1BF5;
	p2 =	por !p2, p0  }
0x20: {  	[sflag:s8] =	ssyncset.s32 @!p0 $0xFFFFF086;
	s6 =	sadd.s32 @!p0 s3, s7;
	s7 =	simm.s32 @!p0 $0x108  }
0x21: {  	s3 =	sadd.s32 s3, s9;
	s6 =	sadd.s32 @!p0 $0x88, s6;
	s7 =	simm.s32 @p2 $0x1082  }
0x22: {  	[simem:s7], [sflag:s8] =	dma.local @!p0 [hbm:s6], $0xF7A  }
0x23: {  	s9 =	sor.u32 $0xD0000000, s2;
	s6 =	simm.s32 $0x108;
	_ =	swait.ge @!p0 [sflag:s8], $0x0  }
0x24: {  	s3 =	sadd.s32 $0x88, s3;
	s6 =	simm.s32 @!p1 $0x1082;
	[sflag:s4] =	ssyncset.s32 $0xFFFFF086  }
0x25: {  	[simem:s6], [sflag:s4] =	dma.local [hbm:s3], $0xF7A  }
0x26: {  	[smem:$0x3F99] =	sst s1;
	(tag) =	ssettag s2;
	_ =	strace s9  }
0x27: {  	s1 =	sld [smem:$0x3FA9]  }
0x28: {  	s2 =	sld [smem:$0x3FAA]  }
0x29: {  	s4 =	sld [smem:$0x3FAC]  }
0x2a: {  	p0 =	seq.s32 s5, $0x0;
	s5 =	sld [smem:$0x3FAD]  }
0x2b: {  	s6 =	sld [smem:$0x3FAE]  }
0x2c: {  	s7 =	sld [smem:$0x3FAF]  }
0x2d: {  	s3 =	simm.s32 $0x108;
	s8 =	sld [smem:$0x3FB0]  }
0x2e: {  	s3 =	simm.s32 @!p0 $0x1082;
	s9 =	sld [smem:$0x3FB1]  }
0x2f: {  	lr =	sadd.s32 s0, s3;
	s0 =	sld [smem:$0x3FA8]  }
0x30: {  	s3 =	sld [smem:$0x3FAB]  }
0x31: {  	[smem:$0x3FB4] =	sst s10  }
0x32: {  	s10 =	sld [smem:$0x3FB2];
	_ =	sdelay $0x3  }
0x33: {  	p0 =	seq.s32 s10, $0x1;
	s10 =	sld [smem:$0x3FB4];
	_ =	sdelay $0x3  }
0x34: {  	[smem:$0x3FB4] =	sst s10  }
0x35: {  	s10 =	sld [smem:$0x3FB3];
	_ =	sdelay $0x3  }
0x36: {  	p1 =	seq.s32 s10, $0x1;
	s10 =	sld [smem:$0x3FB4];
	_ =	sdelay $0x3  }
0x37: {  	[smem:$0x3FB4] =	sst s10  }
0x38: {  	s10 =	sld [smem:$0x3FB5]  }
0x39: {  	_ = 	snop;
	(pc) =	sbr.ind lr, $3  }
0x3a: {  	_ = 	snop  }
0x3b: {  	_ = 	snop  }
0x3c: {  	p2 =	seq.s32 s10, $0x1;
	s10 =	sld [smem:$0x3FB4]  }
0x3d: {  	_ =	shalt  }
0x3e: {  	_ =	shalt  }
0x3f: {  	_ =	shalt  }
0x40: {  	_ =	shalt  }
0x41: {  	_ =	shalt  }
0x42: {  	_ =	shalt  }
0x43: {  	_ =	shalt  }
0x44: {  	_ =	shalt  }
0x45: {  	_ =	shalt  }
0x46: {  	_ =	shalt  }
0x47: {  	_ =	shalt  }
0x48: {  	_ =	shalt  }
0x49: {  	_ =	shalt  }
0x4a: {  	_ =	shalt  }
0x4b: {  	_ =	shalt  }
0x4c: {  	_ =	shalt  }
0x4d: {  	_ =	shalt  }
0x4e: {  	_ =	shalt  }
0x4f: {  	_ =	shalt  }
0x50: {  	_ =	shalt  }
0x51: {  	_ =	shalt  }
0x52: {  	_ =	shalt  }
0x53: {  	_ =	shalt  }
0x54: {  	_ =	shalt  }
0x55: {  	_ =	shalt  }
0x56: {  	_ =	shalt  }
0x57: {  	_ =	shalt  }
0x58: {  	_ =	shalt  }
0x59: {  	_ =	shalt  }
0x5a: {  	_ =	shalt  }
0x5b: {  	_ =	shalt  }
0x5c: {  	_ =	shalt  }
0x5d: {  	_ =	shalt  }
0x5e: {  	_ =	shalt  }
0x5f: {  	_ =	shalt  }
0x60: {  	_ =	shalt  }
0x61: {  	_ =	shalt  }
0x62: {  	_ =	shalt  }
0x63: {  	_ =	shalt  }
0x64: {  	_ =	shalt  }
0x65: {  	_ =	shalt  }
0x66: {  	_ =	shalt  }
0x67: {  	_ =	shalt  }
0x68: {  	_ =	shalt  }
0x69: {  	_ =	shalt  }
0x6a: {  	_ =	shalt  }
0x6b: {  	_ =	shalt  }
0x6c: {  	_ =	shalt  }
0x6d: {  	_ =	shalt  }
0x6e: {  	_ =	shalt  }
0x6f: {  	_ =	shalt  }
0x70: {  	_ =	shalt  }
0x71: {  	_ =	shalt  }
0x72: {  	_ =	shalt  }
0x73: {  	_ =	shalt  }
0x74: {  	_ =	shalt  }
0x75: {  	_ =	shalt  }
0x76: {  	_ =	shalt  }
0x77: {  	_ =	shalt  }
0x78: {  	_ =	shalt  }
0x79: {  	_ =	shalt  }
0x7a: {  	_ =	shalt  }
0x7b: {  	_ =	shalt  }
0x7c: {  	_ =	shalt  }
0x7d: {  	_ =	shalt  }
0x7e: {  	_ =	shalt  }
0x7f: {  	_ =	shalt  }
0x80: {  	_ =	shalt  }
0x81: {  	_ =	shalt  }
0x82: {  	_ =	shalt  }
0x83: {  	_ =	shalt  }
0x84: {  	_ =	shalt  }
0x85: {  	_ =	shalt  }
0x86: {  	_ =	shalt  }
0x87: {  	_ =	shalt  }
.Lfunc_end0:
.L_simem_size_0:
called_computation.1_lowered:
.L_overlay_start_0:
0x88: {  	s2 =	sld [smem:$0x3FD9]  }
0x89: {  	s3 =	sld [smem:$0x3FFE];
	_ =	sdelay $0x1  }
0x8a: {  	s1 =	srdreg.scid  }
0x8b: {  	s0 =	sand.u32 $0x1, s1  }
0x8c: {  	s17 =	sshll.u32 s0, $0xA;
	s2 =	sadd.s32 s3, s2  }
0x8d: {  	s2 =	sadd.s32 s2, s17  }
0x8e: {  	[smem:$0x3FC0] =	sst s2  }
0x8f: {  	_ = 	snop  }
0x90: {  	s2 =	sld [smem:$0x3FD0];
	(tm) =	ssettm $0x1  }
0x91: {  	s18 =	sld [smem:$0x3FFB];
	_ =	sdelay $0x3  }
0x92: {  	_ =	strace s18  }
0x93: {  	s3 =	sld [smem:$0x3FFC];
	_ =	sdelay $0x3  }
0x94: {  	_ =	strace s3  }
0x95: {  	s3 =	sld [smem:$0x3FFD];
	_ =	sdelay $0x3  }
0x96: {  	_ =	strace s3  }
0x97: {  	_ =	strace $0x8FFFFFFF  }
0x98: {  	s19 =	sld [smem:$0x3FDB];
	_ =	sdelay $0x1  }
0x99: {  	s4 =	simm.s32 $_scs_section_size  }
0x9a: {  	s5 =	simm.s32 $_size__tile_overlayer_lowered;
	s6 =	simm.s32 $_tile_overlayer_lowered  }
0x9b: {  	s22 =	simm.s32 $0x1BFF;
	s21 =	sshll.u32 s6, $0x1;
	s3 =	sadd.s32 s4, s19  }
0x9c: {  	s7 =	simm.s32 $0x0;
	s20 =	sshll.u32 s5, $0x1;
	s5 =	sadd.s32 s21, s3  }
0x9d: {  	[timem:s7], [sflag:s22] =	dma.local [hbm:s5], s20  }
0x9e: {  	_ =	swait.ge [sflag:s22], s20  }
0x9f: {  	s4 =	ssub.s32 $0x0, s20;
	[sflag:s22] =	ssyncset.done $0x0  }
0xa0: {  	[sflag:s22] =	ssyncadd.s32 s4;
	_ =	sdelay $0x1  }
0xa1: {  	s23 =	simm.s32 $0x1B8B  }
0xa2: {  	_ =	swait.ge [sflag:s23], $0x1  }
0xa3: {  	[sflag:s23] =	ssyncset.done $0x0  }
0xa4: {  	s25 =	simm.s32 $0x1B8E;
	s24 =	sld [smem:$0x3FFE];
	[sflag:s23] =	ssyncadd.s32 $0xFFFFFFFF  }
0xa5: {  	s26 =	simm.s32 $execute0_lowered;
	[smem:$0x3FD2] =	sst s25  }
0xa6: {  	s5 =	sshll.u32 s26, $0x1;
	_ =	strace $0x80000049;
	[dreg:$0x1] =	wrdreg $0xFFFFFFFF  }
0xa7: {  	s28 =	simm.s32 $_size_execute0_lowered;
	s3 =	sadd.s32 s3, s5;
	[dreg:$0x0] =	wrdreg $0x0  }
0xa8: {  	s5 =	sshll.u32 s28, $0x1;
	[dreg:$0x2] =	wrdreg s3  }
0xa9: {  	[dreg:$0x3] =	wrdreg s5  }
0xaa: {  	[dreg:$0x4] =	wrdreg $0xC0  }
0xab: {  	_ =	task [dreg:s7], $0x5FFFF  }
0xac: {  	[dreg:$0x1] =	wrdreg $0xFFFFFFFF  }
0xad: {  	[dreg:$0x0] =	wrdreg $0x60  }
0xae: {  	[dreg:$0x2] =	wrdreg s2  }
0xaf: {  	[dreg:$0x3] =	wrdreg s24  }
0xb0: {  	[dreg:$0x4] =	wrdreg $0x84000  }
0xb1: {  	[dreg:$0x5] =	wrdreg $0x9  }
0xb2: {  	_ =	task.clear_ibuf [dreg:s7], $0x6FFFF;
	_ =	strace $0x90000049  }
0xb3: {  	s29 =	simm.s32 $0x9;
	_ =	strace $0x8000004B  }
0xb4: {  	_ =	swait.ge [sflag:s29], $0x1  }
0xb5: {  	[sflag:s29] =	ssyncadd.s32 $0xFFFFFFFF  }
0xb6: {  	_ =	strace $0x9000004B  }
0xb7: {  	_ =	sfence  }
0xb8: {  	s30 =	sld [smem:$0x0];
	_ =	sdelay $0x2  }
0xb9: {  	s31 =	sshll.u32 s1, $0xD;
	s1 =	sshrl.u32 s1, $0x2  }
0xba: {  	s3 =	sand.u32 $0x4000, s31;
	s1 =	sadd.s32 s1, s30  }
0xbb: {  	s0 =	sor.u32 s3, s0;
	s1 =	sshll.u32 s1, $0x11  }
0xbc: {  	s0 =	sor.u32 s1, s0  }
0xbd: {  	s0 =	sadd.s32 $0x8F2B, s0  }
0xbe: {  	[sflag:s0] =	ssyncadd.remote.s32 $0x1  }
0xbf: {  	_ =	sfence.sel $0xFFFF  }
0xc0: {  	[dreg:$0x0] =	wrdreg $0xFFFFFFFF;
	(pc) =	sbr.abs _section_cstart, $3  }
0xc1: {  	[dreg:$0x1] =	wrdreg $0xFFFFFFFF  }
0xc2: {  	_ =	task.clear_ibuf [dreg:s7], $0x2FFFF;
	_ =	strace $0x9FFFFFFF  }
0xc3: {  	(tm) =	ssettm $0x7FFFFFFF  }
tec
execute0_lowered:
.L_overlay_start_1:
0x0: {  	(tag) =	ssettag $0x1  }
0x1: {  	s1 =	rddreg [dreg:$0x0]  }
0x2: {  	s0 =	rddreg [dreg:$0x1]  }
0x3: {  	s2 =	rddreg [dreg:$0x2];
	s4 =	simm.s32 $0x0  }
0x4: {  	s3 =	srdreg.scid;
	s12 =	stileid.u32;
	s28 =	simm.s32 $0x200  }
0x5: {  	s29 =	simm.s32 $0x80;
	s30 =	simm.s32 $0x280;
	s31 =	simm.s32 $0x5  }
0x6: {  	[smem:$0x7FF] =	sst s4;
	s3 =	sand.u32 $0x1, s3;
	s6 =	smul.u32 $0x2800, s12  }
0x7: {  	s5 =	sadd.s32 $0xC400, s0;
	s7 =	sadd.s32 $0x2600, s0;
	s8 =	smul.u32 $0x28000, s3  }
0x8: {  	s11 =	sshll.u32 s12, $0x4;
	s9 =	ssub.s32 $0x2, s3;
	s3 =	sshll.u32 s3, $0x8  }
0x9: {  	s10 =	sshrl.u32 s9, $0x1;
	s23 =	sor.u32 s11, s3;
	s6 =	sadd.s32 s6, s8  }
0xa: {  	s8 =	ssub.s32 s9, s10;
	s24 =	sadd.s32 s5, s23;
	s25 =	sadd.s32 s7, s23  }
0xb: {  	s26 =	sor.u32 $0x200, s23;
	s14 =	sor.u32 $0x400, s23;
	s16 =	sor.u32 $0x600, s23  }
0xc: {  	s18 =	sor.u32 $0x800, s23;
	s20 =	sor.u32 $0x9A00, s23;
	[dreg:$0x4] =	wrdreg s24  }
0xd: {  	s9 =	sor.u32 $0x9C00, s23;
	[dreg:$0x5] =	wrdreg s25;
	s13 =	sadd.s32 s5, s26  }
0xe: {  	s23 =	smul.u32 $0x50000, s12;
	s10 =	sadd.s32 s7, s26;
	[dreg:$0x6] =	wrdreg s13  }
0xf: {  	s15 =	sadd.s32 s5, s14;
	s17 =	sadd.s32 s5, s16;
	[dreg:$0x7] =	wrdreg s10  }
0x10: {  	s19 =	sadd.s32 s5, s18;
	s21 =	sadd.s32 s5, s20;
	[dreg:$0x8] =	wrdreg s15  }
0x11: {  	s22 =	sadd.s32 s5, s9;
	s9 =	sadd.s32 s7, s9;
	[dreg:$0xa] =	wrdreg s17  }
0x12: {  	s24 =	sadd.s32 s6, s0;
	s0 =	sadd.s32 $0x16A00, s0;
	[dreg:$0xc] =	wrdreg s19  }
0x13: {  	s26 =	sshll.u32 s12, $0x6;
	s6 =	simm.s32 $0x4400;
	[dreg:$0xe] =	wrdreg s21  }
0x14: {  	s12 =	simm.s32 $0x3;
	s10 =	sadd.s32 s7, s14;
	[dreg:$0x10] =	wrdreg s22  }
0x15: {  	[dreg:$0x11] =	wrdreg s9;
	s25 =	sshrl.u32 s23, $0x2;
	s23 =	sor.u32 $0x1C07, s26  }
0x16: {  	s24 =	sadd.s32 $0x19200, s24;
	s26 =	simm.s32 $0x7;
	s9 =	simm.s32 $0x2  }
0x17: {  	s13 =	simm.s32 $0x4;
	s14 =	simm.s32 $0x0;
	[dreg:$0x9] =	wrdreg s10  }
0x18: {  	s10 =	sadd.s32 s7, s16;
	s22 =	sadd.s32 s25, s2;
	s25 =	smax.u32 s8, $0x1  }
0x19: {  	s8 =	simm.s32 $0x300;
	[dreg:$0xb] =	wrdreg s10;
	s10 =	sadd.s32 s7, s18  }
0x1a: {  	[dreg:$0xd] =	wrdreg s10;
	s10 =	sadd.s32 s7, s20;
	s7 =	sadd.s32 s3, s7  }
0x1b: {  	s3 =	sadd.s32 s3, s5;
	s5 =	simm.s32 $0x6;
	[dreg:$0xf] =	wrdreg s10  }
0x1c: {  	s20 =	sadd.s32 s11, s7;
	s21 =	sadd.s32 s11, s3;
	s3 =	simm.s32 $0x1  }
0x1d: {  	s7 =	simm.s32 $0x100;
	s10 =	simm.s32 $0x180;
	s11 =	simm.s32 $0x380  }
0x1e: {  	_ =	strace $0x8000004A;
	[dreg:$0x12] =	wrdreg s0;
	s0 =	simm.s32 $0x400  }
.LBB2_1:
0x1f: {  	s15 =	sshrl.u32 s22, $0x3;
	s16 =	rddreg [dreg:$0x12]  }
0x20: {  	[spmem:s15], [sflag:s23] =	dma.local [hbm:s16], $0x2800  }
0x21: {  	_ =	swait.ge [sflag:s26], $0x2800  }
0x22: {  	[sflag:s26] =	ssyncset.done $0x0  }
0x23: {  	[sflag:s26] =	ssyncadd.s32 $0xFFFFD800  }
0x24: {  	[bflag:$0x0] =	sbarrier.arrive $0xFFFF  }
0x25: {  	s18 =	rddreg [dreg:$0x4]  }
0x26: {  	[tilespmem:s4], [sflag:$0x5] =	stream.linear.gather [hbm4b:s18+s4], $0x80, $0x38;
	[tilespmem:$0x1C400] =	vst v63  }
0x27: {  	s19 =	rddreg [dreg:$0x5]  }
0x28: {  	[tilespmem:s28], [sflag:$0x5] =	stream.linear.gather [hbm4b:s19+s4], $0x80, $0x38;
	[tilespmem:$0x1C400] =	vst v63  }
0x29: {  	s17 =	rddreg [dreg:$0x6]  }
0x2a: {  	[tilespmem:s29], [sflag:$0x6] =	stream.linear.gather [hbm4b:s17+s4], $0x80, $0x38;
	[tilespmem:$0x1C400] =	vst v63  }
0x2b: {  	s18 =	rddreg [dreg:$0x7]  }
0x2c: {  	[tilespmem:s30], [sflag:$0x6] =	stream.linear.gather [hbm4b:s18+s4], $0x80, $0x38;
	[tilespmem:$0x1C400] =	vst v63  }
0x2d: {  	_ =	swait.ge [sflag:s31], $0x80  }
0x2e: {  	[sflag:s31] =	ssyncset.done $0x0  }
0x2f: {  	[sflag:s31] =	ssyncadd.s32 $0xFFFFFF80  }
0x30: {  	_ =	swait.ge [sflag:s31], $0x80  }
0x31: {  	[sflag:s31] =	ssyncset.done $0x0  }
0x32: {  	[sflag:s31] =	ssyncadd.s32 $0xFFFFFF80  }
0x33: {  	[tilespmem:s0], [sflag:$0x1] =	stream.indirect.gather [hbm4b:s1+s29], $0x80, s4, s29, $0xb8;
	[tilespmem:$0x1C400] =	vst v63  }
0x34: {  	_ =	swait.ge [sflag:s3], $0x4000  }
0x35: {  	[sflag:s3] =	ssyncset.done $0x0  }
0x36: {  	[sflag:s3] =	ssyncadd.s32 $0xFFFFC000  }
0x37: {  	_ =	swait.ge [sflag:s5], $0x80  }
0x38: {  	[sflag:s5] =	ssyncset.done $0x0  }
0x39: {  	[sflag:s5] =	ssyncadd.s32 $0xFFFFFF80  }
0x3a: {  	_ =	swait.ge [sflag:s5], $0x80  }
0x3b: {  	[sflag:s5] =	ssyncset.done $0x0  }
0x3c: {  	[sflag:s5] =	ssyncadd.s32 $0xFFFFFF80  }
0x3d: {  	[tilespmem:s6], [sflag:$0x2] =	stream.indirect.gather [hbm4b:s1+s29], $0x80, s29, s29, $0xb8;
	[tilespmem:$0x1C400] =	vst v63  }
0x3e: {  	s19 =	rddreg [dreg:$0x8]  }
0x3f: {  	[tilespmem:s7], [sflag:$0x5] =	stream.linear.gather [hbm4b:s19+s4], $0x80, $0x38;
	[tilespmem:$0x1C400] =	vst v63  }
0x40: {  	s17 =	rddreg [dreg:$0x9]  }
0x41: {  	[tilespmem:s8], [sflag:$0x5] =	stream.linear.gather [hbm4b:s17+s4], $0x80, $0x38;
	[tilespmem:$0x1C400] =	vst v63  }
0x42: {  	_ = 	snop  }
0x43: {  	[spmem:s2] =	stream.indirect.scatter.add.f32 [tilespmem:s0], [sflag:$0x3], $0x80, s28, s29, $0xb8;
	[tilespmem:$0x1C400] =	vst v63  }
0x44: {  	_ =	swait.ge [sflag:s9], $0x4000  }
0x45: {  	[sflag:s9] =	ssyncset.done $0x0  }
0x46: {  	[sflag:s9] =	ssyncadd.s32 $0xFFFFC000  }
0x47: {  	_ =	swait.ge [sflag:s31], $0x80  }
0x48: {  	[sflag:s31] =	ssyncset.done $0x0  }
0x49: {  	[sflag:s31] =	ssyncadd.s32 $0xFFFFFF80  }
0x4a: {  	_ =	swait.ge [sflag:s31], $0x80  }
0x4b: {  	[sflag:s31] =	ssyncset.done $0x0  }
0x4c: {  	[sflag:s31] =	ssyncadd.s32 $0xFFFFFF80  }
0x4d: {  	[tilespmem:s0], [sflag:$0x1] =	stream.indirect.gather [hbm4b:s1+s29], $0x80, s7, s29, $0xb8;
	[tilespmem:$0x1C400] =	vst v63  }
0x4e: {  	s18 =	rddreg [dreg:$0xa]  }
0x4f: {  	[tilespmem:s10], [sflag:$0x6] =	stream.linear.gather [hbm4b:s18+s4], $0x80, $0x38;
	[tilespmem:$0x1C400] =	vst v63  }
0x50: {  	s19 =	rddreg [dreg:$0xb]  }
0x51: {  	[tilespmem:s11], [sflag:$0x6] =	stream.linear.gather [hbm4b:s19+s4], $0x80, $0x38;
	[tilespmem:$0x1C400] =	vst v63  }
0x52: {  	_ =	swait.ge [sflag:s12], $0x4000  }
0x53: {  	[sflag:s12] =	ssyncset.done $0x0  }
0x54: {  	[sflag:s12] =	ssyncadd.s32 $0xFFFFC000  }
0x55: {  	[spmem:s2] =	stream.indirect.scatter.add.f32 [tilespmem:s6], [sflag:$0x4], $0x80, s30, s29, $0xb8;
	[tilespmem:$0x1C400] =	vst v63  }
0x56: {  	_ =	swait.ge [sflag:s3], $0x4000  }
0x57: {  	[sflag:s3] =	ssyncset.done $0x0  }
0x58: {  	[sflag:s3] =	ssyncadd.s32 $0xFFFFC000  }
0x59: {  	_ =	swait.ge [sflag:s5], $0x80  }
0x5a: {  	[sflag:s5] =	ssyncset.done $0x0  }
0x5b: {  	[sflag:s5] =	ssyncadd.s32 $0xFFFFFF80  }
0x5c: {  	_ =	swait.ge [sflag:s5], $0x80  }
0x5d: {  	[sflag:s5] =	ssyncset.done $0x0  }
0x5e: {  	[sflag:s5] =	ssyncadd.s32 $0xFFFFFF80  }
0x5f: {  	[tilespmem:s6], [sflag:$0x2] =	stream.indirect.gather [hbm4b:s1+s29], $0x80, s10, s29, $0xb8;
	[tilespmem:$0x1C400] =	vst v63  }
0x60: {  	s17 =	rddreg [dreg:$0xc]  }
0x61: {  	[tilespmem:s4], [sflag:$0x5] =	stream.linear.gather [hbm4b:s17+s4], $0x80, $0x38;
	[tilespmem:$0x1C400] =	vst v63  }
0x62: {  	s18 =	rddreg [dreg:$0xd]  }
0x63: {  	[tilespmem:s28], [sflag:$0x5] =	stream.linear.gather [hbm4b:s18+s4], $0x80, $0x38;
	[tilespmem:$0x1C400] =	vst v63  }
0x64: {  	_ =	swait.ge [sflag:s13], $0x4000  }
0x65: {  	[sflag:s13] =	ssyncset.done $0x0  }
0x66: {  	[sflag:s13] =	ssyncadd.s32 $0xFFFFC000  }
0x67: {  	[spmem:s2] =	stream.indirect.scatter.add.f32 [tilespmem:s0], [sflag:$0x3], $0x80, s8, s29, $0xb8;
	[tilespmem:$0x1C400] =	vst v63  }
0x68: {  	_ =	swait.ge [sflag:s9], $0x4000  }
0x69: {  	[sflag:s9] =	ssyncset.done $0x0  }
0x6a: {  	[sflag:s9] =	ssyncadd.s32 $0xFFFFC000  }
0x6b: {  	_ =	swait.ge [sflag:s31], $0x80  }
0x6c: {  	[sflag:s31] =	ssyncset.done $0x0  }
0x6d: {  	[sflag:s31] =	ssyncadd.s32 $0xFFFFFF80  }
0x6e: {  	_ =	swait.ge [sflag:s31], $0x80  }
0x6f: {  	[sflag:s31] =	ssyncset.done $0x0  }
0x70: {  	s16 =	sadd.s32 $0x0, s21;
	[sflag:s31] =	ssyncadd.s32 $0xFFFFFF80  }
0x71: {  	[tilespmem:s0], [sflag:$0x1] =	stream.indirect.gather [hbm4b:s1+s29], $0x80, s4, s29, $0xb8;
	[tilespmem:$0x1C400] =	vst v63  }
0x72: {  	s17 =	sadd.s32 $0xA00, s16;
	s18 =	sadd.s32 $0x0, s20  }
0x73: {  	[tilespmem:s29], [sflag:$0x6] =	stream.linear.gather [hbm4b:s17+s4], $0x80, $0x38;
	[tilespmem:$0x1C400] =	vst v63  }
0x74: {  	s19 =	sadd.s32 $0xA00, s18  }
0x75: {  	[tilespmem:s30], [sflag:$0x6] =	stream.linear.gather [hbm4b:s19+s4], $0x80, $0x38;
	[tilespmem:$0x1C400] =	vst v63  }
0x76: {  	_ =	swait.ge [sflag:s12], $0x4000  }
0x77: {  	[sflag:s12] =	ssyncset.done $0x0  }
0x78: {  	[sflag:s12] =	ssyncadd.s32 $0xFFFFC000  }
0x79: {  	[spmem:s2] =	stream.indirect.scatter.add.f32 [tilespmem:s6], [sflag:$0x4], $0x80, s11, s29, $0xb8;
	[tilespmem:$0x1C400] =	vst v63  }
0x7a: {  	_ =	swait.ge [sflag:s3], $0x4000  }
0x7b: {  	[sflag:s3] =	ssyncset.done $0x0  }
0x7c: {  	[sflag:s3] =	ssyncadd.s32 $0xFFFFC000  }
0x7d: {  	_ =	swait.ge [sflag:s5], $0x80  }
0x7e: {  	[sflag:s5] =	ssyncset.done $0x0  }
0x7f: {  	[sflag:s5] =	ssyncadd.s32 $0xFFFFFF80  }
0x80: {  	_ =	swait.ge [sflag:s5], $0x80  }
0x81: {  	[sflag:s5] =	ssyncset.done $0x0  }
0x82: {  	[sflag:s5] =	ssyncadd.s32 $0xFFFFFF80  }
0x83: {  	[tilespmem:s6], [sflag:$0x2] =	stream.indirect.gather [hbm4b:s1+s29], $0x80, s29, s29, $0xb8;
	[tilespmem:$0x1C400] =	vst v63  }
0x84: {  	s19 =	sadd.s32 $0xC00, s16  }
0x85: {  	[tilespmem:s7], [sflag:$0x5] =	stream.linear.gather [hbm4b:s19+s4], $0x80, $0x38;
	[tilespmem:$0x1C400] =	vst v63  }
0x86: {  	s19 =	sadd.s32 $0xC00, s18  }
0x87: {  	[tilespmem:s8], [sflag:$0x5] =	stream.linear.gather [hbm4b:s19+s4], $0x80, $0x38;
	[tilespmem:$0x1C400] =	vst v63  }
0x88: {  	_ =	swait.ge [sflag:s13], $0x4000  }
0x89: {  	[sflag:s13] =	ssyncset.done $0x0  }
0x8a: {  	[sflag:s13] =	ssyncadd.s32 $0xFFFFC000  }
0x8b: {  	[spmem:s2] =	stream.indirect.scatter.add.f32 [tilespmem:s0], [sflag:$0x3], $0x80, s28, s29, $0xb8;
	[tilespmem:$0x1C400] =	vst v63  }
0x8c: {  	_ =	swait.ge [sflag:s9], $0x4000  }
0x8d: {  	[sflag:s9] =	ssyncset.done $0x0  }
0x8e: {  	[sflag:s9] =	ssyncadd.s32 $0xFFFFC000  }
0x8f: {  	_ =	swait.ge [sflag:s31], $0x80  }
0x90: {  	[sflag:s31] =	ssyncset.done $0x0  }
0x91: {  	[sflag:s31] =	ssyncadd.s32 $0xFFFFFF80  }
0x92: {  	_ =	swait.ge [sflag:s31], $0x80  }
0x93: {  	[sflag:s31] =	ssyncset.done $0x0  }
0x94: {  	[sflag:s31] =	ssyncadd.s32 $0xFFFFFF80  }
0x95: {  	[tilespmem:s0], [sflag:$0x1] =	stream.indirect.gather [hbm4b:s1+s29], $0x80, s7, s29, $0xb8;
	[tilespmem:$0x1C400] =	vst v63  }
0x96: {  	s19 =	sadd.s32 $0xE00, s16  }
0x97: {  	[tilespmem:s10], [sflag:$0x6] =	stream.linear.gather [hbm4b:s19+s4], $0x80, $0x38;
	[tilespmem:$0x1C400] =	vst v63  }
0x98: {  	s19 =	sadd.s32 $0xE00, s18  }
0x99: {  	[tilespmem:s11], [sflag:$0x6] =	stream.linear.gather [hbm4b:s19+s4], $0x80, $0x38;
	[tilespmem:$0x1C400] =	vst v63  }
0x9a: {  	_ =	swait.ge [sflag:s12], $0x4000  }
0x9b: {  	[sflag:s12] =	ssyncset.done $0x0  }
0x9c: {  	[sflag:s12] =	ssyncadd.s32 $0xFFFFC000  }
0x9d: {  	[spmem:s2] =	stream.indirect.scatter.add.f32 [tilespmem:s6], [sflag:$0x4], $0x80, s30, s29, $0xb8;
	[tilespmem:$0x1C400] =	vst v63  }
0x9e: {  	_ =	swait.ge [sflag:s3], $0x4000  }
0x9f: {  	[sflag:s3] =	ssyncset.done $0x0  }
0xa0: {  	[sflag:s3] =	ssyncadd.s32 $0xFFFFC000  }
0xa1: {  	_ =	swait.ge [sflag:s5], $0x80  }
0xa2: {  	[sflag:s5] =	ssyncset.done $0x0  }
0xa3: {  	[sflag:s5] =	ssyncadd.s32 $0xFFFFFF80  }
0xa4: {  	_ =	swait.ge [sflag:s5], $0x80  }
0xa5: {  	[sflag:s5] =	ssyncset.done $0x0  }
0xa6: {  	[sflag:s5] =	ssyncadd.s32 $0xFFFFFF80  }
0xa7: {  	[tilespmem:s6], [sflag:$0x2] =	stream.indirect.gather [hbm4b:s1+s29], $0x80, s10, s29, $0xb8;
	[tilespmem:$0x1C400] =	vst v63  }
0xa8: {  	s16 =	sadd.s32 $0x1000, s16  }
0xa9: {  	[tilespmem:s4], [sflag:$0x5] =	stream.linear.gather [hbm4b:s16+s4], $0x80, $0x38;
	[tilespmem:$0x1C400] =	vst v63  }
0xaa: {  	s19 =	sadd.s32 $0x1000, s18  }
0xab: {  	[tilespmem:s28], [sflag:$0x5] =	stream.linear.gather [hbm4b:s19+s4], $0x80, $0x38;
	[tilespmem:$0x1C400] =	vst v63  }
0xac: {  	_ =	swait.ge [sflag:s13], $0x4000  }
0xad: {  	[sflag:s13] =	ssyncset.done $0x0  }
0xae: {  	s16 =	simm.s32 $0x800;
	[sflag:s13] =	ssyncadd.s32 $0xFFFFC000  }
.LBB2_2:
0xaf: {  	[spmem:s2] =	stream.indirect.scatter.add.f32 [tilespmem:s0], [sflag:$0x3], $0x80, s8, s29, $0xb8;
	[tilespmem:$0x1C400] =	vst v63  }
0xb0: {  	s18 =	smov.u32 s16  }
0xb1: {  	p0 =	sne.s32 s16, $0x8800;
	s16 =	sadd.s32 $0x800, s16;
	_ =	swait.ge [sflag:s9], $0x4000  }
0xb2: {  	[sflag:s9] =	ssyncset.done $0x0  }
0xb3: {  	[sflag:s9] =	ssyncadd.s32 $0xFFFFC000  }
0xb4: {  	_ =	swait.ge [sflag:s31], $0x80  }
0xb5: {  	[sflag:s31] =	ssyncset.done $0x0  }
0xb6: {  	[sflag:s31] =	ssyncadd.s32 $0xFFFFFF80  }
0xb7: {  	_ =	swait.ge [sflag:s31], $0x80  }
0xb8: {  	[sflag:s31] =	ssyncset.done $0x0  }
0xb9: {  	s17 =	sadd.s32 s18, s21;
	[sflag:s31] =	ssyncadd.s32 $0xFFFFFF80  }
0xba: {  	[tilespmem:s0], [sflag:$0x1] =	stream.indirect.gather [hbm4b:s1+s29], $0x80, s4, s29, $0xb8;
	[tilespmem:$0x1C400] =	vst v63  }
0xbb: {  	s18 =	sadd.s32 s18, s20;
	s19 =	sadd.s32 $0xA00, s17  }
0xbc: {  	[tilespmem:s29], [sflag:$0x6] =	stream.linear.gather [hbm4b:s19+s4], $0x80, $0x38;
	[tilespmem:$0x1C400] =	vst v63  }
0xbd: {  	s19 =	sadd.s32 $0xA00, s18  }
0xbe: {  	[tilespmem:s30], [sflag:$0x6] =	stream.linear.gather [hbm4b:s19+s4], $0x80, $0x38;
	[tilespmem:$0x1C400] =	vst v63  }
0xbf: {  	_ =	swait.ge [sflag:s12], $0x4000  }
0xc0: {  	[sflag:s12] =	ssyncset.done $0x0  }
0xc1: {  	[sflag:s12] =	ssyncadd.s32 $0xFFFFC000  }
0xc2: {  	[spmem:s2] =	stream.indirect.scatter.add.f32 [tilespmem:s6], [sflag:$0x4], $0x80, s11, s29, $0xb8;
	[tilespmem:$0x1C400] =	vst v63  }
0xc3: {  	_ =	swait.ge [sflag:s3], $0x4000  }
0xc4: {  	[sflag:s3] =	ssyncset.done $0x0  }
0xc5: {  	[sflag:s3] =	ssyncadd.s32 $0xFFFFC000  }
0xc6: {  	_ =	swait.ge [sflag:s5], $0x80  }
0xc7: {  	[sflag:s5] =	ssyncset.done $0x0  }
0xc8: {  	[sflag:s5] =	ssyncadd.s32 $0xFFFFFF80  }
0xc9: {  	_ =	swait.ge [sflag:s5], $0x80  }
0xca: {  	[sflag:s5] =	ssyncset.done $0x0  }
0xcb: {  	[sflag:s5] =	ssyncadd.s32 $0xFFFFFF80  }
0xcc: {  	[tilespmem:s6], [sflag:$0x2] =	stream.indirect.gather [hbm4b:s1+s29], $0x80, s29, s29, $0xb8;
	[tilespmem:$0x1C400] =	vst v63  }
0xcd: {  	s19 =	sadd.s32 $0xC00, s17  }
0xce: {  	[tilespmem:s7], [sflag:$0x5] =	stream.linear.gather [hbm4b:s19+s4], $0x80, $0x38;
	[tilespmem:$0x1C400] =	vst v63  }
0xcf: {  	s19 =	sadd.s32 $0xC00, s18  }
0xd0: {  	[tilespmem:s8], [sflag:$0x5] =	stream.linear.gather [hbm4b:s19+s4], $0x80, $0x38;
	[tilespmem:$0x1C400] =	vst v63  }
0xd1: {  	_ =	swait.ge [sflag:s13], $0x4000  }
0xd2: {  	[sflag:s13] =	ssyncset.done $0x0  }
0xd3: {  	[sflag:s13] =	ssyncadd.s32 $0xFFFFC000  }
0xd4: {  	[spmem:s2] =	stream.indirect.scatter.add.f32 [tilespmem:s0], [sflag:$0x3], $0x80, s28, s29, $0xb8;
	[tilespmem:$0x1C400] =	vst v63  }
0xd5: {  	_ =	swait.ge [sflag:s9], $0x4000  }
0xd6: {  	[sflag:s9] =	ssyncset.done $0x0  }
0xd7: {  	[sflag:s9] =	ssyncadd.s32 $0xFFFFC000  }
0xd8: {  	_ =	swait.ge [sflag:s31], $0x80  }
0xd9: {  	[sflag:s31] =	ssyncset.done $0x0  }
0xda: {  	[sflag:s31] =	ssyncadd.s32 $0xFFFFFF80  }
0xdb: {  	_ =	swait.ge [sflag:s31], $0x80  }
0xdc: {  	[sflag:s31] =	ssyncset.done $0x0  }
0xdd: {  	[sflag:s31] =	ssyncadd.s32 $0xFFFFFF80  }
0xde: {  	[tilespmem:s0], [sflag:$0x1] =	stream.indirect.gather [hbm4b:s1+s29], $0x80, s7, s29, $0xb8;
	[tilespmem:$0x1C400] =	vst v63  }
0xdf: {  	s19 =	sadd.s32 $0xE00, s17  }
0xe0: {  	[tilespmem:s10], [sflag:$0x6] =	stream.linear.gather [hbm4b:s19+s4], $0x80, $0x38;
	[tilespmem:$0x1C400] =	vst v63  }
0xe1: {  	s19 =	sadd.s32 $0xE00, s18  }
0xe2: {  	[tilespmem:s11], [sflag:$0x6] =	stream.linear.gather [hbm4b:s19+s4], $0x80, $0x38;
	[tilespmem:$0x1C400] =	vst v63  }
0xe3: {  	_ =	swait.ge [sflag:s12], $0x4000  }
0xe4: {  	[sflag:s12] =	ssyncset.done $0x0  }
0xe5: {  	[sflag:s12] =	ssyncadd.s32 $0xFFFFC000  }
0xe6: {  	[spmem:s2] =	stream.indirect.scatter.add.f32 [tilespmem:s6], [sflag:$0x4], $0x80, s30, s29, $0xb8;
	[tilespmem:$0x1C400] =	vst v63  }
0xe7: {  	_ =	swait.ge [sflag:s3], $0x4000  }
0xe8: {  	[sflag:s3] =	ssyncset.done $0x0  }
0xe9: {  	[sflag:s3] =	ssyncadd.s32 $0xFFFFC000  }
0xea: {  	_ =	swait.ge [sflag:s5], $0x80  }
0xeb: {  	[sflag:s5] =	ssyncset.done $0x0  }
0xec: {  	[sflag:s5] =	ssyncadd.s32 $0xFFFFFF80  }
0xed: {  	_ =	swait.ge [sflag:s5], $0x80  }
0xee: {  	[sflag:s5] =	ssyncset.done $0x0  }
0xef: {  	[sflag:s5] =	ssyncadd.s32 $0xFFFFFF80  }
0xf0: {  	[tilespmem:s6], [sflag:$0x2] =	stream.indirect.gather [hbm4b:s1+s29], $0x80, s10, s29, $0xb8;
	[tilespmem:$0x1C400] =	vst v63  }
0xf1: {  	s17 =	sadd.s32 $0x1000, s17  }
0xf2: {  	[tilespmem:s4], [sflag:$0x5] =	stream.linear.gather [hbm4b:s17+s4], $0x80, $0x38;
	[tilespmem:$0x1C400] =	vst v63  }
.Ltmp0:
0xf3: {  	s17 =	sadd.s32 $0x1000, s18;
	(pc) =	sbr.rel @p0 .LBB2_2-.Ltmp0, $4  }
0xf4: {  	[tilespmem:s28], [sflag:$0x5] =	stream.linear.gather [hbm4b:s17+s4], $0x80, $0x38;
	[tilespmem:$0x1C400] =	vst v63  }
0xf5: {  	_ =	swait.ge [sflag:s13], $0x4000  }
0xf6: {  	[sflag:s13] =	ssyncset.done $0x0  }
0xf7: {  	[sflag:s13] =	ssyncadd.s32 $0xFFFFC000  }
0xf8: {  	[spmem:s2] =	stream.indirect.scatter.add.f32 [tilespmem:s0], [sflag:$0x3], $0x80, s8, s29, $0xb8;
	[tilespmem:$0x1C400] =	vst v63  }
0xf9: {  	_ =	swait.ge [sflag:s9], $0x4000  }
0xfa: {  	[sflag:s9] =	ssyncset.done $0x0  }
0xfb: {  	[sflag:s9] =	ssyncadd.s32 $0xFFFFC000  }
0xfc: {  	_ =	swait.ge [sflag:s31], $0x80  }
0xfd: {  	[sflag:s31] =	ssyncset.done $0x0  }
0xfe: {  	[sflag:s31] =	ssyncadd.s32 $0xFFFFFF80  }
0xff: {  	_ =	swait.ge [sflag:s31], $0x80  }
0x100: {  	[sflag:s31] =	ssyncset.done $0x0  }
0x101: {  	[sflag:s31] =	ssyncadd.s32 $0xFFFFFF80  }
0x102: {  	[tilespmem:s0], [sflag:$0x1] =	stream.indirect.gather [hbm4b:s1+s29], $0x80, s4, s29, $0xb8;
	[tilespmem:$0x1C400] =	vst v63  }
0x103: {  	s16 =	rddreg [dreg:$0xe]  }
0x104: {  	[tilespmem:s29], [sflag:$0x6] =	stream.linear.gather [hbm4b:s16+s4], $0x80, $0x38;
	[tilespmem:$0x1C400] =	vst v63  }
0x105: {  	s17 =	rddreg [dreg:$0xf]  }
0x106: {  	[tilespmem:s30], [sflag:$0x6] =	stream.linear.gather [hbm4b:s17+s4], $0x80, $0x38;
	[tilespmem:$0x1C400] =	vst v63  }
0x107: {  	_ =	swait.ge [sflag:s12], $0x4000  }
0x108: {  	[sflag:s12] =	ssyncset.done $0x0  }
0x109: {  	[sflag:s12] =	ssyncadd.s32 $0xFFFFC000  }
0x10a: {  	[spmem:s2] =	stream.indirect.scatter.add.f32 [tilespmem:s6], [sflag:$0x4], $0x80, s11, s29, $0xb8;
	[tilespmem:$0x1C400] =	vst v63  }
0x10b: {  	_ =	swait.ge [sflag:s3], $0x4000  }
0x10c: {  	[sflag:s3] =	ssyncset.done $0x0  }
0x10d: {  	[sflag:s3] =	ssyncadd.s32 $0xFFFFC000  }
0x10e: {  	_ =	swait.ge [sflag:s5], $0x80  }
0x10f: {  	[sflag:s5] =	ssyncset.done $0x0  }
0x110: {  	[sflag:s5] =	ssyncadd.s32 $0xFFFFFF80  }
0x111: {  	_ =	swait.ge [sflag:s5], $0x80  }
0x112: {  	[sflag:s5] =	ssyncset.done $0x0  }
0x113: {  	[sflag:s5] =	ssyncadd.s32 $0xFFFFFF80  }
0x114: {  	[tilespmem:s6], [sflag:$0x2] =	stream.indirect.gather [hbm4b:s1+s29], $0x80, s29, s29, $0xb8;
	[tilespmem:$0x1C400] =	vst v63  }
0x115: {  	s18 =	rddreg [dreg:$0x10]  }
0x116: {  	[tilespmem:s7], [sflag:$0x5] =	stream.linear.gather [hbm4b:s18+s4], $0x80, $0x38;
	[tilespmem:$0x1C400] =	vst v63  }
0x117: {  	s19 =	rddreg [dreg:$0x11]  }
0x118: {  	[tilespmem:s8], [sflag:$0x5] =	stream.linear.gather [hbm4b:s19+s4], $0x80, $0x38;
	[tilespmem:$0x1C400] =	vst v63  }
0x119: {  	_ =	swait.ge [sflag:s13], $0x4000  }
0x11a: {  	[sflag:s13] =	ssyncset.done $0x0  }
0x11b: {  	[sflag:s13] =	ssyncadd.s32 $0xFFFFC000  }
0x11c: {  	[spmem:s2] =	stream.indirect.scatter.add.f32 [tilespmem:s0], [sflag:$0x3], $0x80, s28, s29, $0xb8;
	[tilespmem:$0x1C400] =	vst v63  }
0x11d: {  	_ =	swait.ge [sflag:s9], $0x4000  }
0x11e: {  	[sflag:s9] =	ssyncset.done $0x0  }
0x11f: {  	[sflag:s9] =	ssyncadd.s32 $0xFFFFC000  }
0x120: {  	_ =	swait.ge [sflag:s31], $0x80  }
0x121: {  	[sflag:s31] =	ssyncset.done $0x0  }
0x122: {  	[sflag:s31] =	ssyncadd.s32 $0xFFFFFF80  }
0x123: {  	_ =	swait.ge [sflag:s31], $0x80  }
0x124: {  	[sflag:s31] =	ssyncset.done $0x0  }
0x125: {  	[sflag:s31] =	ssyncadd.s32 $0xFFFFFF80  }
0x126: {  	[tilespmem:s0], [sflag:$0x1] =	stream.indirect.gather [hbm4b:s1+s29], $0x80, s7, s29, $0xb8;
	[tilespmem:$0x1C400] =	vst v63  }
0x127: {  	_ =	swait.ge [sflag:s12], $0x4000  }
0x128: {  	[sflag:s12] =	ssyncset.done $0x0  }
0x129: {  	[sflag:s12] =	ssyncadd.s32 $0xFFFFC000  }
0x12a: {  	[spmem:s2] =	stream.indirect.scatter.add.f32 [tilespmem:s6], [sflag:$0x4], $0x80, s30, s29, $0xb8;
	[tilespmem:$0x1C400] =	vst v63  }
0x12b: {  	_ =	swait.ge [sflag:s3], $0x4000  }
0x12c: {  	[sflag:s3] =	ssyncset.done $0x0  }
0x12d: {  	[sflag:s3] =	ssyncadd.s32 $0xFFFFC000  }
0x12e: {  	_ =	swait.ge [sflag:s13], $0x4000  }
0x12f: {  	[sflag:s13] =	ssyncset.done $0x0  }
0x130: {  	[sflag:s13] =	ssyncadd.s32 $0xFFFFC000  }
0x131: {  	[spmem:s2] =	stream.indirect.scatter.add.f32 [tilespmem:s0], [sflag:$0x3], $0x80, s8, s29, $0xb8;
	[tilespmem:$0x1C400] =	vst v63  }
0x132: {  	_ =	swait.ge [sflag:s12], $0x4000  }
0x133: {  	s14 =	sadd.s32 $0x1, s14;
	[sflag:s12] =	ssyncset.done $0x0  }
0x134: {  	p0 =	sne.s32 s14, s25;
	[sflag:s12] =	ssyncadd.s32 $0xFFFFC000  }
.Ltmp1:
0x135: {  	[bflag:$0x0] =	sbarrier.arrive $0xFFFF;
	(pc) =	sbr.rel @p0 .LBB2_1-.Ltmp1, $4  }
0x136: {  	[hbm:s24], [sflag:s23] =	dma.local [spmem:s15], $0x2800  }
0x137: {  	_ =	swait.ge [sflag:s26], $0x2800  }
0x138: {  	[sflag:s26] =	ssyncset.done $0x0  }
0x139: {  	[sflag:s26] =	ssyncadd.s32 $0xFFFFD800  }
0x13a: {  	_ =	sfence.sel $0x180000  }
0x13b: {  	[bflag:$0x0] =	sbarrier.arrive $0xFFFF  }
0x13c: {  	_ =	strace $0x9000004A  }
0x13d: {  	s0 =	stileid.u32;
	[bflag:$0x2] =	sbarrier.arrive $0xFFFF  }
0x13e: {  	p0 =	sne.s32 s0, $0x0;
	s0 =	rddreg [dreg:$0x3]  }
0x13f: {  	s0 =	sadd.s32 @!p0 $0x100000, s0  }
0x140: {  	[sflag:s0] =	ssyncadd.tile.s32 @!p0 $0x1;
	_ =	shalt  }
.Lfunc_end2:
_tile_overlayer_lowered:
.L_overlay_start_2:
0x141: {  	(tag) =	ssettag $0x2  }
0x142: {  	s0 =	rddreg [dreg:$0x0];
	s2 =	stileid.u32  }
0x143: {  	s1 =	rddreg [dreg:$0x1];
	p0 =	sne.s32 s2, $0x0  }
0x144: {  	s3 =	rddreg [dreg:$0x2];
	[bflag:$0x3] =	sbarrier.arrive $0xFFFF;
	s2 =	simm.s32 @!p0 $0x1C07  }
0x145: {  	[timem:s3], [sflag:s2] =	dma.local @!p0 [hbm:s0], s1  }
0x146: {  	s0 =	simm.s32 @!p0 $0x7  }
0x147: {  	_ =	swait.ge @!p0 [sflag:s0], s1  }
0x148: {  	s1 =	ssub.s32 @!p0 $0x0, s1;
	[sflag:s0] =	ssyncset.done @!p0 $0x0  }
0x149: {  	[sflag:s0] =	ssyncadd.s32 @!p0 s1  }
0x14a: {  	[bflag:$0x3] =	sbarrier.arrive $0xFFFF  }
0x14b: {  	_ =	shalt  }

</sc_bundles>
